<compile_context>
chip_gen: v7x
topology: tpu7x:2x2x1
jax: 0.10.2.dev20260603
libtpu: 0.0.44.dev20260713+nightly
codegen_flags: <defaults>
</compile_context>

<pallas_src>
import functools

import jax
import jax.numpy as jnp
from jax import lax
from jax.experimental import pallas as pl
from jax.experimental.pallas import tpu as pltpu
from jax.experimental.pallas import tpu_sc as plsc

N_EDGES = 320000
D = 128
NC, NS, L = 2, 16, 16
NW = NC * NS
EPW = N_EDGES // NW
E = 80
NCHUNK = EPW // E

_mesh = plsc.VectorSubcoreMesh(
    core_axis_name="c", subcore_axis_name="s", num_cores=NC, num_subcores=NS)


@functools.partial(
    pl.kernel,
    mesh=_mesh,
    compiler_params=pltpu.CompilerParams(use_tc_tiling_on_sc=False,
                                         needs_layout_passes=False),
    out_type=jax.ShapeDtypeStruct((N_EDGES,), jnp.float32),
    scratch_types=[
        pltpu.VMEM((2, 3, E), jnp.int32),
        pltpu.VMEM((2, E, 2 * D), jnp.float32),
        pltpu.VMEM((2, E, 2 * D), jnp.float32),
        pltpu.VMEM((2, E, 2 * D), jnp.float32),
        pltpu.VMEM((2, E), jnp.float32),
        pltpu.SemaphoreType.DMA,
        pltpu.SemaphoreType.DMA,
        pltpu.SemaphoreType.DMA,
        pltpu.SemaphoreType.DMA,
        pltpu.SemaphoreType.DMA,
        pltpu.SemaphoreType.DMA,
    ],
)
def _sc_score(xf, rf, idx_all, out,
              idx_v, s_v, o_v, r_v, out_v,
              sr0, sr1, si0, si1, so0, so1):
    wid = lax.axis_index("s") * NC + lax.axis_index("c")
    base0 = wid * EPW
    lanes = lax.iota(jnp.int32, L)
    mask0 = lanes < 1
    sem_rows = (sr0, sr1)
    sem_idx = (si0, si1)
    sem_out = (so0, so1)

    def stage_idx(b, ci, sync=False):
        @pl.when(ci < NCHUNK)
        def _():
            base = base0 + ci * E
            if sync:
                pltpu.sync_copy(idx_all.at[:, pl.ds(base, E)], idx_v.at[b])
            else:
                pltpu.async_copy(idx_all.at[:, pl.ds(base, E)], idx_v.at[b],
                                 sem_idx[b])

    def wait_idx(b, ci):
        @pl.when(ci < NCHUNK)
        def _():
            pltpu.make_async_copy(idx_all.at[:, pl.ds(base0, E)], idx_v.at[b],
                                  sem_idx[b]).wait()

    def stage_rows(b, ci):
        @pl.when(ci < NCHUNK)
        def _():
            pltpu.async_copy(xf.at[idx_v.at[b, 0]], s_v.at[b], sem_rows[b])
            pltpu.async_copy(xf.at[idx_v.at[b, 1]], o_v.at[b], sem_rows[b])
            pltpu.async_copy(rf.at[idx_v.at[b, 2]], r_v.at[b], sem_rows[b])

    def wait_rows(b):
        pltpu.make_async_copy(xf.at[idx_v.at[b, 0]], s_v.at[b],
                              sem_rows[b]).wait()
        pltpu.make_async_copy(xf.at[idx_v.at[b, 1]], o_v.at[b],
                              sem_rows[b]).wait()
        pltpu.make_async_copy(rf.at[idx_v.at[b, 2]], r_v.at[b],
                              sem_rows[b]).wait()

    def wait_out(b, ci_prev):
        @pl.when(ci_prev >= 0)
        def _():
            pltpu.make_async_copy(out_v.at[b], out.at[pl.ds(base0, E)],
                                  sem_out[b]).wait()

    def compute(b, ci):
        sb, ob, rb, outb = s_v.at[b], o_v.at[b], r_v.at[b], out_v.at[b]
        wait_out(b, ci - 2)

        @plsc.parallel_loop(0, E, step=1, unroll=4)
        def edge_body(e):
            accs = [jnp.zeros((L,), jnp.float32) for _ in range(4)]
            for j in range(D // L):
                a = sb[e, pl.ds(j * L, L)]
                b_ = sb[e, pl.ds(D + j * L, L)]
                c = rb[e, pl.ds(j * L, L)]
                d_ = rb[e, pl.ds(D + j * L, L)]
                e_ = ob[e, pl.ds(j * L, L)]
                f_ = ob[e, pl.ds(D + j * L, L)]
                accs[j % 4] = accs[j % 4] + (
                    e_ * (a * c - b_ * d_) - f_ * (a * d_ + b_ * c))
            acc = (accs[0] + accs[1]) + (accs[2] + accs[3])
            tot = jnp.full((L,), jnp.sum(acc), jnp.float32)
            plsc.store_scatter(outb, [jnp.full((L,), e, jnp.int32)], tot,
                               mask=mask0)
        pltpu.async_copy(outb, out.at[pl.ds(base0 + ci * E, E)], sem_out[b])

    stage_idx(0, 0, sync=True)
    stage_rows(0, 0)
    stage_idx(1, 1)

    def pair_body(p, carry):
        c0 = p * 2
        wait_rows(0)
        stage_idx(0, c0 + 2)
        wait_idx(1, c0 + 1)
        stage_rows(1, c0 + 1)
        compute(0, c0)
        wait_rows(1)
        stage_idx(1, c0 + 3)
        wait_idx(0, c0 + 2)
        stage_rows(0, c0 + 2)
        compute(1, c0 + 1)
        return carry

    lax.fori_loop(0, NCHUNK // 2, pair_body, 0)
    wait_rows(0)
    compute(0, NCHUNK - 1)
    wait_out(0, NCHUNK - 1)
    wait_out(1, NCHUNK - 2)


def kernel(x, edge_index, edge_type, R_diagonal):
    xf = jnp.concatenate([jnp.real(x), jnp.imag(x)], axis=1)
    rf = jnp.concatenate([jnp.real(R_diagonal), jnp.imag(R_diagonal)], axis=1)
    idx_all = jnp.concatenate([edge_index, edge_type[None, :]], axis=0)
    return _sc_score(xf, rf, idx_all)

# --- scband reference (transcript-rebuilt; emitter-appended) ---
"""Pipeline reference for scband-compl-ex-decoder-15040975470742 (READ-ONLY COPY).

The authoritative reference and input builder live on the scoring server;
editing this copy changes nothing except your own understanding.
"""

import jax, jax.numpy as jnp
import numpy as np

N_NODES = 10000
D_FEAT = 128
N_REL = 1000
N_EDGES = 320000


def setup_inputs(seed: int = 0) -> dict:
    key = jax.random.key(seed)
    k1, k2, k3, k4, k5, k6 = jax.random.split(key, 6)
    # Entity features are complex64: build from two real normals.
    x = (jax.random.normal(k1, (N_NODES, D_FEAT), dtype=jnp.float32)
         + 1j * jax.random.normal(k2, (N_NODES, D_FEAT), dtype=jnp.float32)).astype(jnp.complex64)
    # Learned parameter: R_diagonal[n_relations, d] (complex64), per init_kwargs
    # (the ctor arg is named n_entities but is used as the feature dim).
    R_diagonal = (jax.random.normal(k3, (N_REL, D_FEAT), dtype=jnp.float32)
                  + 1j * jax.random.normal(k4, (N_REL, D_FEAT), dtype=jnp.float32)).astype(jnp.complex64)
    edge_index = jax.random.randint(k5, (2, N_EDGES), 0, N_NODES, dtype=jnp.int32)
    edge_type = jax.random.randint(k6, (N_EDGES,), 0, N_REL, dtype=jnp.int32)
    return {"x": x, "edge_index": edge_index, "edge_type": edge_type, "R_diagonal": R_diagonal}


def reference(x, edge_index, edge_type, R_diagonal):
    # ComplEx triple scoring: Re( sum_d s_d * r_d * o_d )
    s = jnp.take(x, edge_index[0, :], axis=0)
    r = jnp.take(R_diagonal, edge_type, axis=0)
    o = jnp.take(x, edge_index[1, :], axis=0)
    score = jnp.sum(s * r * o, axis=1)
    return jnp.real(score)

if __name__ == "__main__":
    import jax
    _d = setup_inputs()
    print(jax.jit(kernel)(*tuple(_d.values())))

</pallas_src>

<mosaic_0001>
#map = affine_map<(d0, d1) -> (0, 0)>
#map1 = affine_map<(d0, d1) -> (0)>
module attributes {stable_mosaic.version = 14 : i64} {
  func.func @_sc_score(%arg0: i32, %arg1: i32, %arg2: memref<10000x256xf32, #tpu.memory_space<hbm>>, %arg3: memref<1000x256xf32, #tpu.memory_space<hbm>>, %arg4: memref<3x320000xi32, #tpu.memory_space<hbm>>, %arg5: memref<320000xf32, #tpu.memory_space<hbm>>, %arg6: memref<2x3x80xi32, #tpu.memory_space<vmem>>, %arg7: memref<2x80x256xf32, #tpu.memory_space<vmem>>, %arg8: memref<2x80x256xf32, #tpu.memory_space<vmem>>, %arg9: memref<2x80x256xf32, #tpu.memory_space<vmem>>, %arg10: memref<2x80xf32, #tpu.memory_space<vmem>>, %arg11: memref<!tpu.dma_semaphore, #tpu.memory_space<semaphore_mem>>, %arg12: memref<!tpu.dma_semaphore, #tpu.memory_space<semaphore_mem>>, %arg13: memref<!tpu.dma_semaphore, #tpu.memory_space<semaphore_mem>>, %arg14: memref<!tpu.dma_semaphore, #tpu.memory_space<semaphore_mem>>, %arg15: memref<!tpu.dma_semaphore, #tpu.memory_space<semaphore_mem>>, %arg16: memref<!tpu.dma_semaphore, #tpu.memory_space<semaphore_mem>>) attributes {dimension_semantics = [#tpu.dimension_semantics<core_parallel>, #tpu.dimension_semantics<subcore_parallel>], iteration_bounds = array<i64: 2, 16>, scalar_prefetch = 0 : i64, scratch_operands = 11 : i64, tpu.core_type = #tpu.core_type<sc_vector_subcore>, window_params = [{transform_indices = #map}, {transform_indices = #map}, {transform_indices = #map}, {transform_indices = #map1}]} {
    %mul3A = arith.constant 2 : i32
    %mul3A_0 = arith.muli %arg1, %mul3A : i32
    %add3A = arith.addi %mul3A_0, %arg0 : i32
    %mul3A_1 = arith.constant 10000 : i32
    %mul3A_2 = arith.muli %add3A, %mul3A_1 : i32
    %iota3A = tpu.iota {dimensions = array<i32: 0>} : vector<16xi32>
    %lt3A = arith.constant 1 : i32
    %lt3A_3 = vector.broadcast %lt3A : i32 to vector<16xi32>
    %lt3A_4 = arith.cmpi slt, %iota3A, %lt3A_3 : vector<16xi32>
    %add3A_5 = arith.constant 0 : i32
    %add3A_6 = arith.addi %mul3A_2, %add3A_5 : i32
    %run_scoped3A = arith.constant 0 : i32
    "tpu.region"() ({
      %run_scoped3A_147 = tpu.sem_alloc : memref<!tpu.dma_semaphore, #tpu.memory_space<semaphore_mem>>
      %dma_start3A_148 = arith.constant 0 : i32
      %dma_start3A_149 = arith.constant 0 : i32
      %dma_start3A_150 = tpu.memref_slice %arg6[%run_scoped3A, %dma_start3A_148, %dma_start3A_149] : memref<2x3x80xi32, #tpu.memory_space<vmem>> -> memref<1x3x80xi32, #tpu.memory_space<vmem>>
      %dma_start3A_151 = tpu.memref_squeeze %dma_start3A_150 : memref<1x3x80xi32, #tpu.memory_space<vmem>> -> memref<3x80xi32, #tpu.memory_space<vmem>>
      %dma_start3A_152 = arith.constant 0 : i32
      %dma_start3A_153 = tpu.memref_slice %arg4[%dma_start3A_152, %add3A_6] : memref<3x320000xi32, #tpu.memory_space<hbm>> -> memref<3x80xi32, #tpu.memory_space<hbm>>
      %dma_start3A_154 = arith.constant 0 : i32
      %dma_start3A_155 = arith.constant 0 : i32
      %dma_start3A_156 = tpu.memref_slice %arg6[%run_scoped3A, %dma_start3A_154, %dma_start3A_155] : memref<2x3x80xi32, #tpu.memory_space<vmem>> -> memref<1x3x80xi32, #tpu.memory_space<vmem>>
      %dma_start3A_157 = tpu.memref_squeeze %dma_start3A_156 : memref<1x3x80xi32, #tpu.memory_space<vmem>> -> memref<3x80xi32, #tpu.memory_space<vmem>>
      %dma_start3A_158 = arith.constant 0 : i32
      %dma_start3A_159 = tpu.memref_slice %arg4[%dma_start3A_158, %add3A_6] : memref<3x320000xi32, #tpu.memory_space<hbm>> -> memref<3x80xi32, #tpu.memory_space<hbm>>
      tpu.enqueue_dma source(%dma_start3A_159 : memref<3x80xi32, #tpu.memory_space<hbm>>) target(%dma_start3A_157 : memref<3x80xi32, #tpu.memory_space<vmem>>) target_semaphore(%run_scoped3A_147 : memref<!tpu.dma_semaphore, #tpu.memory_space<semaphore_mem>>)
      %dma_wait3A_160 = arith.constant 0 : i32
      %dma_wait3A_161 = arith.constant 0 : i32
      %dma_wait3A_162 = tpu.memref_slice %arg6[%run_scoped3A, %dma_wait3A_160, %dma_wait3A_161] : memref<2x3x80xi32, #tpu.memory_space<vmem>> -> memref<1x3x80xi32, #tpu.memory_space<vmem>>
      %dma_wait3A_163 = tpu.memref_squeeze %dma_wait3A_162 : memref<1x3x80xi32, #tpu.memory_space<vmem>> -> memref<3x80xi32, #tpu.memory_space<vmem>>
      %dma_wait3A_164 = arith.constant 0 : i32
      %dma_wait3A_165 = tpu.memref_slice %arg4[%dma_wait3A_164, %add3A_6] : memref<3x320000xi32, #tpu.memory_space<hbm>> -> memref<3x80xi32, #tpu.memory_space<hbm>>
      %dma_wait3A_166 = arith.constant 0 : i32
      %dma_wait3A_167 = arith.constant 0 : i32
      %dma_wait3A_168 = tpu.memref_slice %arg6[%run_scoped3A, %dma_wait3A_166, %dma_wait3A_167] : memref<2x3x80xi32, #tpu.memory_space<vmem>> -> memref<1x3x80xi32, #tpu.memory_space<vmem>>
      %dma_wait3A_169 = tpu.memref_squeeze %dma_wait3A_168 : memref<1x3x80xi32, #tpu.memory_space<vmem>> -> memref<3x80xi32, #tpu.memory_space<vmem>>
      %dma_wait3A_170 = arith.constant 0 : i32
      %dma_wait3A_171 = tpu.memref_slice %arg4[%dma_wait3A_170, %add3A_6] : memref<3x320000xi32, #tpu.memory_space<hbm>> -> memref<3x80xi32, #tpu.memory_space<hbm>>
      tpu.wait_dma2 semaphore(%run_scoped3A_147 : memref<!tpu.dma_semaphore, #tpu.memory_space<semaphore_mem>>) src(%dma_wait3A_171 : memref<3x80xi32, #tpu.memory_space<hbm>>) dst(%dma_wait3A_169 : memref<3x80xi32, #tpu.memory_space<vmem>>)
      tpu.yield
    }) : () -> ()
    %dma_start3A = arith.constant 0 : i32
    %dma_start3A_7 = arith.constant 0 : i32
    %dma_start3A_8 = arith.constant 0 : i32
    %dma_start3A_9 = arith.constant 0 : i32
    %dma_start3A_10 = arith.constant 0 : i32
    %dma_start3A_11 = tpu.memref_slice %arg7[%dma_start3A_8, %dma_start3A_9, %dma_start3A_10] : memref<2x80x256xf32, #tpu.memory_space<vmem>> -> memref<1x80x256xf32, #tpu.memory_space<vmem>>
    %dma_start3A_12 = tpu.memref_squeeze %dma_start3A_11 : memref<1x80x256xf32, #tpu.memory_space<vmem>> -> memref<80x256xf32, #tpu.memory_space<vmem>>
    %dma_start3A_13 = arith.constant 0 : i32
    %dma_start3A_14 = tpu.memref_slice %arg6[%dma_start3A, %dma_start3A_7, %dma_start3A_13] : memref<2x3x80xi32, #tpu.memory_space<vmem>> -> memref<1x1x80xi32, #tpu.memory_space<vmem>>
    %dma_start3A_15 = tpu.memref_squeeze %dma_start3A_14 : memref<1x1x80xi32, #tpu.memory_space<vmem>> -> memref<80xi32, #tpu.memory_space<vmem>>
    %dma_start3A_16 = arith.constant 0 : i32
    %dma_start3A_17 = arith.constant 0 : i32
    %dma_start3A_18 = tpu.memref_slice %arg2[%dma_start3A_16, %dma_start3A_17] : memref<10000x256xf32, #tpu.memory_space<hbm>> -> memref<10000x256xf32, #tpu.memory_space<hbm>>
    tpu.enqueue_indirect_dma source(%dma_start3A_18 : memref<10000x256xf32, #tpu.memory_space<hbm>>) target(%dma_start3A_12 : memref<80x256xf32, #tpu.memory_space<vmem>>) offsets(%dma_start3A_15 : memref<80xi32, #tpu.memory_space<vmem>>) semaphore(%arg11 : memref<!tpu.dma_semaphore, #tpu.memory_space<semaphore_mem>>)
    %dma_start3A_19 = arith.constant 0 : i32
    %dma_start3A_20 = arith.constant 1 : i32
    %dma_start3A_21 = arith.constant 0 : i32
    %dma_start3A_22 = arith.constant 0 : i32
    %dma_start3A_23 = arith.constant 0 : i32
    %dma_start3A_24 = tpu.memref_slice %arg8[%dma_start3A_21, %dma_start3A_22, %dma_start3A_23] : memref<2x80x256xf32, #tpu.memory_space<vmem>> -> memref<1x80x256xf32, #tpu.memory_space<vmem>>
    %dma_start3A_25 = tpu.memref_squeeze %dma_start3A_24 : memref<1x80x256xf32, #tpu.memory_space<vmem>> -> memref<80x256xf32, #tpu.memory_space<vmem>>
    %dma_start3A_26 = arith.constant 0 : i32
    %dma_start3A_27 = tpu.memref_slice %arg6[%dma_start3A_19, %dma_start3A_20, %dma_start3A_26] : memref<2x3x80xi32, #tpu.memory_space<vmem>> -> memref<1x1x80xi32, #tpu.memory_space<vmem>>
    %dma_start3A_28 = tpu.memref_squeeze %dma_start3A_27 : memref<1x1x80xi32, #tpu.memory_space<vmem>> -> memref<80xi32, #tpu.memory_space<vmem>>
    %dma_start3A_29 = arith.constant 0 : i32
    %dma_start3A_30 = arith.constant 0 : i32
    %dma_start3A_31 = tpu.memref_slice %arg2[%dma_start3A_29, %dma_start3A_30] : memref<10000x256xf32, #tpu.memory_space<hbm>> -> memref<10000x256xf32, #tpu.memory_space<hbm>>
    tpu.enqueue_indirect_dma source(%dma_start3A_31 : memref<10000x256xf32, #tpu.memory_space<hbm>>) target(%dma_start3A_25 : memref<80x256xf32, #tpu.memory_space<vmem>>) offsets(%dma_start3A_28 : memref<80xi32, #tpu.memory_space<vmem>>) semaphore(%arg11 : memref<!tpu.dma_semaphore, #tpu.memory_space<semaphore_mem>>)
    %dma_start3A_32 = arith.constant 0 : i32
    %dma_start3A_33 = arith.constant 2 : i32
    %dma_start3A_34 = arith.constant 0 : i32
    %dma_start3A_35 = arith.constant 0 : i32
    %dma_start3A_36 = arith.constant 0 : i32
    %dma_start3A_37 = tpu.memref_slice %arg9[%dma_start3A_34, %dma_start3A_35, %dma_start3A_36] : memref<2x80x256xf32, #tpu.memory_space<vmem>> -> memref<1x80x256xf32, #tpu.memory_space<vmem>>
    %dma_start3A_38 = tpu.memref_squeeze %dma_start3A_37 : memref<1x80x256xf32, #tpu.memory_space<vmem>> -> memref<80x256xf32, #tpu.memory_space<vmem>>
    %dma_start3A_39 = arith.constant 0 : i32
    %dma_start3A_40 = tpu.memref_slice %arg6[%dma_start3A_32, %dma_start3A_33, %dma_start3A_39] : memref<2x3x80xi32, #tpu.memory_space<vmem>> -> memref<1x1x80xi32, #tpu.memory_space<vmem>>
    %dma_start3A_41 = tpu.memref_squeeze %dma_start3A_40 : memref<1x1x80xi32, #tpu.memory_space<vmem>> -> memref<80xi32, #tpu.memory_space<vmem>>
    %dma_start3A_42 = arith.constant 0 : i32
    %dma_start3A_43 = arith.constant 0 : i32
    %dma_start3A_44 = tpu.memref_slice %arg3[%dma_start3A_42, %dma_start3A_43] : memref<1000x256xf32, #tpu.memory_space<hbm>> -> memref<1000x256xf32, #tpu.memory_space<hbm>>
    tpu.enqueue_indirect_dma source(%dma_start3A_44 : memref<1000x256xf32, #tpu.memory_space<hbm>>) target(%dma_start3A_38 : memref<80x256xf32, #tpu.memory_space<vmem>>) offsets(%dma_start3A_41 : memref<80xi32, #tpu.memory_space<vmem>>) semaphore(%arg11 : memref<!tpu.dma_semaphore, #tpu.memory_space<semaphore_mem>>)
    %add3A_45 = arith.constant 80 : i32
    %add3A_46 = arith.addi %mul3A_2, %add3A_45 : i32
    %dma_start3A_47 = arith.constant 1 : i32
    %dma_start3A_48 = arith.constant 0 : i32
    %dma_start3A_49 = arith.constant 0 : i32
    %dma_start3A_50 = tpu.memref_slice %arg6[%dma_start3A_47, %dma_start3A_48, %dma_start3A_49] : memref<2x3x80xi32, #tpu.memory_space<vmem>> -> memref<1x3x80xi32, #tpu.memory_space<vmem>>
    %dma_start3A_51 = tpu.memref_squeeze %dma_start3A_50 : memref<1x3x80xi32, #tpu.memory_space<vmem>> -> memref<3x80xi32, #tpu.memory_space<vmem>>
    %dma_start3A_52 = arith.constant 0 : i32
    %dma_start3A_53 = tpu.memref_slice %arg4[%dma_start3A_52, %add3A_46] : memref<3x320000xi32, #tpu.memory_space<hbm>> -> memref<3x80xi32, #tpu.memory_space<hbm>>
    %dma_start3A_54 = arith.constant 0 : i32
    %dma_start3A_55 = arith.constant 0 : i32
    %dma_start3A_56 = tpu.memref_slice %arg6[%dma_start3A_47, %dma_start3A_54, %dma_start3A_55] : memref<2x3x80xi32, #tpu.memory_space<vmem>> -> memref<1x3x80xi32, #tpu.memory_space<vmem>>
    %dma_start3A_57 = tpu.memref_squeeze %dma_start3A_56 : memref<1x3x80xi32, #tpu.memory_space<vmem>> -> memref<3x80xi32, #tpu.memory_space<vmem>>
    %dma_start3A_58 = arith.constant 0 : i32
    %dma_start3A_59 = tpu.memref_slice %arg4[%dma_start3A_58, %add3A_46] : memref<3x320000xi32, #tpu.memory_space<hbm>> -> memref<3x80xi32, #tpu.memory_space<hbm>>
    tpu.enqueue_dma source(%dma_start3A_59 : memref<3x80xi32, #tpu.memory_space<hbm>>) target(%dma_start3A_57 : memref<3x80xi32, #tpu.memory_space<vmem>>) target_semaphore(%arg14 : memref<!tpu.dma_semaphore, #tpu.memory_space<semaphore_mem>>)
    %scan3A = arith.constant 0 : i32
    %scan3A_60 = arith.constant 0 : i32
    %scan3A_61 = arith.constant 62 : i32
    %scan3A_62 = arith.addi %scan3A_60, %scan3A_61 : i32
    %scan3A_63 = arith.constant 1 : i32
    scf.for %scan3A_147 = %scan3A_60 to %scan3A_62 step %scan3A_63  : i32 {
      %mul3A_148 = arith.constant 2 : i32
      %mul3A_149 = arith.muli %scan3A_147, %mul3A_148 : i32
      %dma_wait3A_150 = arith.constant 0 : i32
      %dma_wait3A_151 = arith.constant 0 : i32
      %dma_wait3A_152 = arith.constant 0 : i32
      %dma_wait3A_153 = arith.constant 0 : i32
      %dma_wait3A_154 = arith.constant 0 : i32
      %dma_wait3A_155 = tpu.memref_slice %arg7[%dma_wait3A_152, %dma_wait3A_153, %dma_wait3A_154] : memref<2x80x256xf32, #tpu.memory_space<vmem>> -> memref<1x80x256xf32, #tpu.memory_space<vmem>>
      %dma_wait3A_156 = tpu.memref_squeeze %dma_wait3A_155 : memref<1x80x256xf32, #tpu.memory_space<vmem>> -> memref<80x256xf32, #tpu.memory_space<vmem>>
      %dma_wait3A_157 = arith.constant 0 : i32
      %dma_wait3A_158 = tpu.memref_slice %arg6[%dma_wait3A_150, %dma_wait3A_151, %dma_wait3A_157] : memref<2x3x80xi32, #tpu.memory_space<vmem>> -> memref<1x1x80xi32, #tpu.memory_space<vmem>>
      %dma_wait3A_159 = tpu.memref_squeeze %dma_wait3A_158 : memref<1x1x80xi32, #tpu.memory_space<vmem>> -> memref<80xi32, #tpu.memory_space<vmem>>
      %dma_wait3A_160 = arith.constant 0 : i32
      %dma_wait3A_161 = arith.constant 0 : i32
      %dma_wait3A_162 = tpu.memref_slice %arg2[%dma_wait3A_160, %dma_wait3A_161] : memref<10000x256xf32, #tpu.memory_space<hbm>> -> memref<10000x256xf32, #tpu.memory_space<hbm>>
      tpu.wait_indirect_dma semaphore(%arg11 : memref<!tpu.dma_semaphore, #tpu.memory_space<semaphore_mem>>) src(%dma_wait3A_162 : memref<10000x256xf32, #tpu.memory_space<hbm>>) dst(%dma_wait3A_156 : memref<80x256xf32, #tpu.memory_space<vmem>>)
      %dma_wait3A_163 = arith.constant 0 : i32
      %dma_wait3A_164 = arith.constant 1 : i32
      %dma_wait3A_165 = arith.constant 0 : i32
      %dma_wait3A_166 = arith.constant 0 : i32
      %dma_wait3A_167 = arith.constant 0 : i32
      %dma_wait3A_168 = tpu.memref_slice %arg8[%dma_wait3A_165, %dma_wait3A_166, %dma_wait3A_167] : memref<2x80x256xf32, #tpu.memory_space<vmem>> -> memref<1x80x256xf32, #tpu.memory_space<vmem>>
      %dma_wait3A_169 = tpu.memref_squeeze %dma_wait3A_168 : memref<1x80x256xf32, #tpu.memory_space<vmem>> -> memref<80x256xf32, #tpu.memory_space<vmem>>
      %dma_wait3A_170 = arith.constant 0 : i32
      %dma_wait3A_171 = tpu.memref_slice %arg6[%dma_wait3A_163, %dma_wait3A_164, %dma_wait3A_170] : memref<2x3x80xi32, #tpu.memory_space<vmem>> -> memref<1x1x80xi32, #tpu.memory_space<vmem>>
      %dma_wait3A_172 = tpu.memref_squeeze %dma_wait3A_171 : memref<1x1x80xi32, #tpu.memory_space<vmem>> -> memref<80xi32, #tpu.memory_space<vmem>>
      %dma_wait3A_173 = arith.constant 0 : i32
      %dma_wait3A_174 = arith.constant 0 : i32
      %dma_wait3A_175 = tpu.memref_slice %arg2[%dma_wait3A_173, %dma_wait3A_174] : memref<10000x256xf32, #tpu.memory_space<hbm>> -> memref<10000x256xf32, #tpu.memory_space<hbm>>
      tpu.wait_indirect_dma semaphore(%arg11 : memref<!tpu.dma_semaphore, #tpu.memory_space<semaphore_mem>>) src(%dma_wait3A_175 : memref<10000x256xf32, #tpu.memory_space<hbm>>) dst(%dma_wait3A_169 : memref<80x256xf32, #tpu.memory_space<vmem>>)
      %dma_wait3A_176 = arith.constant 0 : i32
      %dma_wait3A_177 = arith.constant 2 : i32
      %dma_wait3A_178 = arith.constant 0 : i32
      %dma_wait3A_179 = arith.constant 0 : i32
      %dma_wait3A_180 = arith.constant 0 : i32
      %dma_wait3A_181 = tpu.memref_slice %arg9[%dma_wait3A_178, %dma_wait3A_179, %dma_wait3A_180] : memref<2x80x256xf32, #tpu.memory_space<vmem>> -> memref<1x80x256xf32, #tpu.memory_space<vmem>>
      %dma_wait3A_182 = tpu.memref_squeeze %dma_wait3A_181 : memref<1x80x256xf32, #tpu.memory_space<vmem>> -> memref<80x256xf32, #tpu.memory_space<vmem>>
      %dma_wait3A_183 = arith.constant 0 : i32
      %dma_wait3A_184 = tpu.memref_slice %arg6[%dma_wait3A_176, %dma_wait3A_177, %dma_wait3A_183] : memref<2x3x80xi32, #tpu.memory_space<vmem>> -> memref<1x1x80xi32, #tpu.memory_space<vmem>>
      %dma_wait3A_185 = tpu.memref_squeeze %dma_wait3A_184 : memref<1x1x80xi32, #tpu.memory_space<vmem>> -> memref<80xi32, #tpu.memory_space<vmem>>
      %dma_wait3A_186 = arith.constant 0 : i32
      %dma_wait3A_187 = arith.constant 0 : i32
      %dma_wait3A_188 = tpu.memref_slice %arg3[%dma_wait3A_186, %dma_wait3A_187] : memref<1000x256xf32, #tpu.memory_space<hbm>> -> memref<1000x256xf32, #tpu.memory_space<hbm>>
      tpu.wait_indirect_dma semaphore(%arg11 : memref<!tpu.dma_semaphore, #tpu.memory_space<semaphore_mem>>) src(%dma_wait3A_188 : memref<1000x256xf32, #tpu.memory_space<hbm>>) dst(%dma_wait3A_182 : memref<80x256xf32, #tpu.memory_space<vmem>>)
      %add3A_189 = arith.constant 2 : i32
      %add3A_190 = arith.addi %mul3A_149, %add3A_189 : i32
      %lt3A_191 = arith.constant 125 : i32
      %lt3A_192 = arith.cmpi slt, %add3A_190, %lt3A_191 : i32
      %convert_element_type3A = arith.extui %lt3A_192 : i1 to i32
      %cond3A = arith.constant 0 : i32
      %cond3A_193 = arith.cmpi ne, %convert_element_type3A, %cond3A : i32
      scf.if %cond3A_193 {
        %mul3A_320 = arith.constant 80 : i32
        %mul3A_321 = arith.muli %add3A_190, %mul3A_320 : i32
        %add3A_322 = arith.addi %mul3A_2, %mul3A_321 : i32
        %dma_start3A_323 = arith.constant 0 : i32
        %dma_start3A_324 = arith.constant 0 : i32
        %dma_start3A_325 = arith.constant 0 : i32
        %dma_start3A_326 = tpu.memref_slice %arg6[%dma_start3A_323, %dma_start3A_324, %dma_start3A_325] : memref<2x3x80xi32, #tpu.memory_space<vmem>> -> memref<1x3x80xi32, #tpu.memory_space<vmem>>
        %dma_start3A_327 = tpu.memref_squeeze %dma_start3A_326 : memref<1x3x80xi32, #tpu.memory_space<vmem>> -> memref<3x80xi32, #tpu.memory_space<vmem>>
        %dma_start3A_328 = arith.constant 0 : i32
        %dma_start3A_329 = tpu.memref_slice %arg4[%dma_start3A_328, %add3A_322] : memref<3x320000xi32, #tpu.memory_space<hbm>> -> memref<3x80xi32, #tpu.memory_space<hbm>>
        %dma_start3A_330 = arith.constant 0 : i32
        %dma_start3A_331 = arith.constant 0 : i32
        %dma_start3A_332 = tpu.memref_slice %arg6[%dma_start3A_323, %dma_start3A_330, %dma_start3A_331] : memref<2x3x80xi32, #tpu.memory_space<vmem>> -> memref<1x3x80xi32, #tpu.memory_space<vmem>>
        %dma_start3A_333 = tpu.memref_squeeze %dma_start3A_332 : memref<1x3x80xi32, #tpu.memory_space<vmem>> -> memref<3x80xi32, #tpu.memory_space<vmem>>
        %dma_start3A_334 = arith.constant 0 : i32
        %dma_start3A_335 = tpu.memref_slice %arg4[%dma_start3A_334, %add3A_322] : memref<3x320000xi32, #tpu.memory_space<hbm>> -> memref<3x80xi32, #tpu.memory_space<hbm>>
        tpu.enqueue_dma source(%dma_start3A_335 : memref<3x80xi32, #tpu.memory_space<hbm>>) target(%dma_start3A_333 : memref<3x80xi32, #tpu.memory_space<vmem>>) target_semaphore(%arg13 : memref<!tpu.dma_semaphore, #tpu.memory_space<semaphore_mem>>)
      } else {
      }
      %add3A_194 = arith.constant 1 : i32
      %add3A_195 = arith.addi %mul3A_149, %add3A_194 : i32
      %lt3A_196 = arith.constant 125 : i32
      %lt3A_197 = arith.cmpi slt, %add3A_195, %lt3A_196 : i32
      %convert_element_type3A_198 = arith.extui %lt3A_197 : i1 to i32
      %cond3A_199 = arith.constant 0 : i32
      %cond3A_200 = arith.cmpi ne, %convert_element_type3A_198, %cond3A_199 : i32
      scf.if %cond3A_200 {
        %dma_wait3A_320 = arith.constant 1 : i32
        %dma_wait3A_321 = arith.constant 0 : i32
        %dma_wait3A_322 = arith.constant 0 : i32
        %dma_wait3A_323 = tpu.memref_slice %arg6[%dma_wait3A_320, %dma_wait3A_321, %dma_wait3A_322] : memref<2x3x80xi32, #tpu.memory_space<vmem>> -> memref<1x3x80xi32, #tpu.memory_space<vmem>>
        %dma_wait3A_324 = tpu.memref_squeeze %dma_wait3A_323 : memref<1x3x80xi32, #tpu.memory_space<vmem>> -> memref<3x80xi32, #tpu.memory_space<vmem>>
        %dma_wait3A_325 = arith.constant 0 : i32
        %dma_wait3A_326 = tpu.memref_slice %arg4[%dma_wait3A_325, %mul3A_2] : memref<3x320000xi32, #tpu.memory_space<hbm>> -> memref<3x80xi32, #tpu.memory_space<hbm>>
        %dma_wait3A_327 = arith.constant 0 : i32
        %dma_wait3A_328 = arith.constant 0 : i32
        %dma_wait3A_329 = tpu.memref_slice %arg6[%dma_wait3A_320, %dma_wait3A_327, %dma_wait3A_328] : memref<2x3x80xi32, #tpu.memory_space<vmem>> -> memref<1x3x80xi32, #tpu.memory_space<vmem>>
        %dma_wait3A_330 = tpu.memref_squeeze %dma_wait3A_329 : memref<1x3x80xi32, #tpu.memory_space<vmem>> -> memref<3x80xi32, #tpu.memory_space<vmem>>
        %dma_wait3A_331 = arith.constant 0 : i32
        %dma_wait3A_332 = tpu.memref_slice %arg4[%dma_wait3A_331, %mul3A_2] : memref<3x320000xi32, #tpu.memory_space<hbm>> -> memref<3x80xi32, #tpu.memory_space<hbm>>
        tpu.wait_dma2 semaphore(%arg14 : memref<!tpu.dma_semaphore, #tpu.memory_space<semaphore_mem>>) src(%dma_wait3A_332 : memref<3x80xi32, #tpu.memory_space<hbm>>) dst(%dma_wait3A_330 : memref<3x80xi32, #tpu.memory_space<vmem>>)
      } else {
      }
      %add3A_201 = arith.constant 1 : i32
      %add3A_202 = arith.addi %mul3A_149, %add3A_201 : i32
      %lt3A_203 = arith.constant 125 : i32
      %lt3A_204 = arith.cmpi slt, %add3A_202, %lt3A_203 : i32
      %convert_element_type3A_205 = arith.extui %lt3A_204 : i1 to i32
      %cond3A_206 = arith.constant 0 : i32
      %cond3A_207 = arith.cmpi ne, %convert_element_type3A_205, %cond3A_206 : i32
      scf.if %cond3A_207 {
        %dma_start3A_320 = arith.constant 1 : i32
        %dma_start3A_321 = arith.constant 0 : i32
        %dma_start3A_322 = arith.constant 1 : i32
        %dma_start3A_323 = arith.constant 0 : i32
        %dma_start3A_324 = arith.constant 0 : i32
        %dma_start3A_325 = tpu.memref_slice %arg7[%dma_start3A_322, %dma_start3A_323, %dma_start3A_324] : memref<2x80x256xf32, #tpu.memory_space<vmem>> -> memref<1x80x256xf32, #tpu.memory_space<vmem>>
        %dma_start3A_326 = tpu.memref_squeeze %dma_start3A_325 : memref<1x80x256xf32, #tpu.memory_space<vmem>> -> memref<80x256xf32, #tpu.memory_space<vmem>>
        %dma_start3A_327 = arith.constant 0 : i32
        %dma_start3A_328 = tpu.memref_slice %arg6[%dma_start3A_320, %dma_start3A_321, %dma_start3A_327] : memref<2x3x80xi32, #tpu.memory_space<vmem>> -> memref<1x1x80xi32, #tpu.memory_space<vmem>>
        %dma_start3A_329 = tpu.memref_squeeze %dma_start3A_328 : memref<1x1x80xi32, #tpu.memory_space<vmem>> -> memref<80xi32, #tpu.memory_space<vmem>>
        %dma_start3A_330 = arith.constant 0 : i32
        %dma_start3A_331 = arith.constant 0 : i32
        %dma_start3A_332 = tpu.memref_slice %arg2[%dma_start3A_330, %dma_start3A_331] : memref<10000x256xf32, #tpu.memory_space<hbm>> -> memref<10000x256xf32, #tpu.memory_space<hbm>>
        tpu.enqueue_indirect_dma source(%dma_start3A_332 : memref<10000x256xf32, #tpu.memory_space<hbm>>) target(%dma_start3A_326 : memref<80x256xf32, #tpu.memory_space<vmem>>) offsets(%dma_start3A_329 : memref<80xi32, #tpu.memory_space<vmem>>) semaphore(%arg12 : memref<!tpu.dma_semaphore, #tpu.memory_space<semaphore_mem>>)
        %dma_start3A_333 = arith.constant 1 : i32
        %dma_start3A_334 = arith.constant 1 : i32
        %dma_start3A_335 = arith.constant 1 : i32
        %dma_start3A_336 = arith.constant 0 : i32
        %dma_start3A_337 = arith.constant 0 : i32
        %dma_start3A_338 = tpu.memref_slice %arg8[%dma_start3A_335, %dma_start3A_336, %dma_start3A_337] : memref<2x80x256xf32, #tpu.memory_space<vmem>> -> memref<1x80x256xf32, #tpu.memory_space<vmem>>
        %dma_start3A_339 = tpu.memref_squeeze %dma_start3A_338 : memref<1x80x256xf32, #tpu.memory_space<vmem>> -> memref<80x256xf32, #tpu.memory_space<vmem>>
        %dma_start3A_340 = arith.constant 0 : i32
        %dma_start3A_341 = tpu.memref_slice %arg6[%dma_start3A_333, %dma_start3A_334, %dma_start3A_340] : memref<2x3x80xi32, #tpu.memory_space<vmem>> -> memref<1x1x80xi32, #tpu.memory_space<vmem>>
        %dma_start3A_342 = tpu.memref_squeeze %dma_start3A_341 : memref<1x1x80xi32, #tpu.memory_space<vmem>> -> memref<80xi32, #tpu.memory_space<vmem>>
        %dma_start3A_343 = arith.constant 0 : i32
        %dma_start3A_344 = arith.constant 0 : i32
        %dma_start3A_345 = tpu.memref_slice %arg2[%dma_start3A_343, %dma_start3A_344] : memref<10000x256xf32, #tpu.memory_space<hbm>> -> memref<10000x256xf32, #tpu.memory_space<hbm>>
        tpu.enqueue_indirect_dma source(%dma_start3A_345 : memref<10000x256xf32, #tpu.memory_space<hbm>>) target(%dma_start3A_339 : memref<80x256xf32, #tpu.memory_space<vmem>>) offsets(%dma_start3A_342 : memref<80xi32, #tpu.memory_space<vmem>>) semaphore(%arg12 : memref<!tpu.dma_semaphore, #tpu.memory_space<semaphore_mem>>)
        %dma_start3A_346 = arith.constant 1 : i32
        %dma_start3A_347 = arith.constant 2 : i32
        %dma_start3A_348 = arith.constant 1 : i32
        %dma_start3A_349 = arith.constant 0 : i32
        %dma_start3A_350 = arith.constant 0 : i32
        %dma_start3A_351 = tpu.memref_slice %arg9[%dma_start3A_348, %dma_start3A_349, %dma_start3A_350] : memref<2x80x256xf32, #tpu.memory_space<vmem>> -> memref<1x80x256xf32, #tpu.memory_space<vmem>>
        %dma_start3A_352 = tpu.memref_squeeze %dma_start3A_351 : memref<1x80x256xf32, #tpu.memory_space<vmem>> -> memref<80x256xf32, #tpu.memory_space<vmem>>
        %dma_start3A_353 = arith.constant 0 : i32
        %dma_start3A_354 = tpu.memref_slice %arg6[%dma_start3A_346, %dma_start3A_347, %dma_start3A_353] : memref<2x3x80xi32, #tpu.memory_space<vmem>> -> memref<1x1x80xi32, #tpu.memory_space<vmem>>
        %dma_start3A_355 = tpu.memref_squeeze %dma_start3A_354 : memref<1x1x80xi32, #tpu.memory_space<vmem>> -> memref<80xi32, #tpu.memory_space<vmem>>
        %dma_start3A_356 = arith.constant 0 : i32
        %dma_start3A_357 = arith.constant 0 : i32
        %dma_start3A_358 = tpu.memref_slice %arg3[%dma_start3A_356, %dma_start3A_357] : memref<1000x256xf32, #tpu.memory_space<hbm>> -> memref<1000x256xf32, #tpu.memory_space<hbm>>
        tpu.enqueue_indirect_dma source(%dma_start3A_358 : memref<1000x256xf32, #tpu.memory_space<hbm>>) target(%dma_start3A_352 : memref<80x256xf32, #tpu.memory_space<vmem>>) offsets(%dma_start3A_355 : memref<80xi32, #tpu.memory_space<vmem>>) semaphore(%arg12 : memref<!tpu.dma_semaphore, #tpu.memory_space<semaphore_mem>>)
      } else {
      }
      %sub3A = arith.constant 2 : i32
      %sub3A_208 = arith.subi %mul3A_149, %sub3A : i32
      %ge3A = arith.constant 0 : i32
      %ge3A_209 = arith.cmpi sge, %sub3A_208, %ge3A : i32
      %convert_element_type3A_210 = arith.extui %ge3A_209 : i1 to i32
      %cond3A_211 = arith.constant 0 : i32
      %cond3A_212 = arith.cmpi ne, %convert_element_type3A_210, %cond3A_211 : i32
      scf.if %cond3A_212 {
        %dma_wait3A_320 = arith.constant 0 : i32
        %dma_wait3A_321 = arith.constant 0 : i32
        %dma_wait3A_322 = tpu.memref_slice %arg10[%dma_wait3A_320, %dma_wait3A_321] : memref<2x80xf32, #tpu.memory_space<vmem>> -> memref<1x80xf32, #tpu.memory_space<vmem>>
        %dma_wait3A_323 = tpu.memref_squeeze %dma_wait3A_322 : memref<1x80xf32, #tpu.memory_space<vmem>> -> memref<80xf32, #tpu.memory_space<vmem>>
        %dma_wait3A_324 = tpu.memref_slice %arg5[%mul3A_2] : memref<320000xf32, #tpu.memory_space<hbm>> -> memref<80xf32, #tpu.memory_space<hbm>>
        %dma_wait3A_325 = tpu.memref_slice %arg5[%mul3A_2] : memref<320000xf32, #tpu.memory_space<hbm>> -> memref<80xf32, #tpu.memory_space<hbm>>
        %dma_wait3A_326 = arith.constant 0 : i32
        %dma_wait3A_327 = tpu.memref_slice %arg10[%dma_wait3A_320, %dma_wait3A_326] : memref<2x80xf32, #tpu.memory_space<vmem>> -> memref<1x80xf32, #tpu.memory_space<vmem>>
        %dma_wait3A_328 = tpu.memref_squeeze %dma_wait3A_327 : memref<1x80xf32, #tpu.memory_space<vmem>> -> memref<80xf32, #tpu.memory_space<vmem>>
        tpu.wait_dma2 semaphore(%arg15 : memref<!tpu.dma_semaphore, #tpu.memory_space<semaphore_mem>>) src(%dma_wait3A_328 : memref<80xf32, #tpu.memory_space<vmem>>) dst(%dma_wait3A_325 : memref<80xf32, #tpu.memory_space<hbm>>)
      } else {
      }
      %parallel_loop3A_213 = arith.constant 0 : i32
      %parallel_loop3A_214 = arith.constant 80 : i32
      %parallel_loop3A_215 = arith.constant 1 : i32
      %parallel_loop3A_216 = arith.constant 0 : i32
      %parallel_loop3A_217 = arith.constant 0 : i32
      %parallel_loop3A_218 = arith.constant 0 : i32
      %parallel_loop3A_219 = arith.constant 0 : i32
      scf.for %parallel_loop3A_320 = %parallel_loop3A_213 to %parallel_loop3A_214 step %parallel_loop3A_215  : i32 {
        %parallel_loop3A_321 = arith.constant 0.000000e+00 : f32
        %parallel_loop3A_322 = vector.broadcast %parallel_loop3A_321 : f32 to vector<16xf32>
        %parallel_loop3A_323 = arith.constant 0.000000e+00 : f32
        %parallel_loop3A_324 = vector.broadcast %parallel_loop3A_323 : f32 to vector<16xf32>
        %parallel_loop3A_325 = arith.constant 0.000000e+00 : f32
        %parallel_loop3A_326 = vector.broadcast %parallel_loop3A_325 : f32 to vector<16xf32>
        %parallel_loop3A_327 = arith.constant 0.000000e+00 : f32
        %parallel_loop3A_328 = vector.broadcast %parallel_loop3A_327 : f32 to vector<16xf32>
        %parallel_loop3A_329 = arith.constant 0 : i32
        %parallel_loop3A_330 = arith.constant 0 : i32
        %parallel_loop3A_331 = tpu.memref_slice %arg7[%parallel_loop3A_216, %parallel_loop3A_329, %parallel_loop3A_330] : memref<2x80x256xf32, #tpu.memory_space<vmem>> -> memref<1x80x256xf32, #tpu.memory_space<vmem>>
        %parallel_loop3A_332 = tpu.memref_squeeze %parallel_loop3A_331 : memref<1x80x256xf32, #tpu.memory_space<vmem>> -> memref<80x256xf32, #tpu.memory_space<vmem>>
        %parallel_loop3A_333 = arith.index_cast %parallel_loop3A_320 : i32 to index
        %parallel_loop3A_334 = arith.constant 0 : index
        %parallel_loop3A_335 = tpu.vector_load %parallel_loop3A_332[%parallel_loop3A_333, %parallel_loop3A_334] {strides = array<i32>} : memref<80x256xf32, #tpu.memory_space<vmem>>, vector<16xf32>,
        %parallel_loop3A_336 = arith.constant 0 : i32
        %parallel_loop3A_337 = arith.constant 0 : i32
        %parallel_loop3A_338 = tpu.memref_slice %arg7[%parallel_loop3A_216, %parallel_loop3A_336, %parallel_loop3A_337] : memref<2x80x256xf32, #tpu.memory_space<vmem>> -> memref<1x80x256xf32, #tpu.memory_space<vmem>>
        %parallel_loop3A_339 = tpu.memref_squeeze %parallel_loop3A_338 : memref<1x80x256xf32, #tpu.memory_space<vmem>> -> memref<80x256xf32, #tpu.memory_space<vmem>>
        %parallel_loop3A_340 = arith.index_cast %parallel_loop3A_320 : i32 to index
        %parallel_loop3A_341 = arith.constant 128 : index
        %parallel_loop3A_342 = tpu.vector_load %parallel_loop3A_339[%parallel_loop3A_340, %parallel_loop3A_341] {strides = array<i32>} : memref<80x256xf32, #tpu.memory_space<vmem>>, vector<16xf32>,
        %parallel_loop3A_343 = arith.constant 0 : i32
        %parallel_loop3A_344 = arith.constant 0 : i32
        %parallel_loop3A_345 = tpu.memref_slice %arg9[%parallel_loop3A_217, %parallel_loop3A_343, %parallel_loop3A_344] : memref<2x80x256xf32, #tpu.memory_space<vmem>> -> memref<1x80x256xf32, #tpu.memory_space<vmem>>
        %parallel_loop3A_346 = tpu.memref_squeeze %parallel_loop3A_345 : memref<1x80x256xf32, #tpu.memory_space<vmem>> -> memref<80x256xf32, #tpu.memory_space<vmem>>
        %parallel_loop3A_347 = arith.index_cast %parallel_loop3A_320 : i32 to index
        %parallel_loop3A_348 = arith.constant 0 : index
        %parallel_loop3A_349 = tpu.vector_load %parallel_loop3A_346[%parallel_loop3A_347, %parallel_loop3A_348] {strides = array<i32>} : memref<80x256xf32, #tpu.memory_space<vmem>>, vector<16xf32>,
        %parallel_loop3A_350 = arith.constant 0 : i32
        %parallel_loop3A_351 = arith.constant 0 : i32
        %parallel_loop3A_352 = tpu.memref_slice %arg9[%parallel_loop3A_217, %parallel_loop3A_350, %parallel_loop3A_351] : memref<2x80x256xf32, #tpu.memory_space<vmem>> -> memref<1x80x256xf32, #tpu.memory_space<vmem>>
        %parallel_loop3A_353 = tpu.memref_squeeze %parallel_loop3A_352 : memref<1x80x256xf32, #tpu.memory_space<vmem>> -> memref<80x256xf32, #tpu.memory_space<vmem>>
        %parallel_loop3A_354 = arith.index_cast %parallel_loop3A_320 : i32 to index
        %parallel_loop3A_355 = arith.constant 128 : index
        %parallel_loop3A_356 = tpu.vector_load %parallel_loop3A_353[%parallel_loop3A_354, %parallel_loop3A_355] {strides = array<i32>} : memref<80x256xf32, #tpu.memory_space<vmem>>, vector<16xf32>,
        %parallel_loop3A_357 = arith.constant 0 : i32
        %parallel_loop3A_358 = arith.constant 0 : i32
        %parallel_loop3A_359 = tpu.memref_slice %arg8[%parallel_loop3A_218, %parallel_loop3A_357, %parallel_loop3A_358] : memref<2x80x256xf32, #tpu.memory_space<vmem>> -> memref<1x80x256xf32, #tpu.memory_space<vmem>>
        %parallel_loop3A_360 = tpu.memref_squeeze %parallel_loop3A_359 : memref<1x80x256xf32, #tpu.memory_space<vmem>> -> memref<80x256xf32, #tpu.memory_space<vmem>>
        %parallel_loop3A_361 = arith.index_cast %parallel_loop3A_320 : i32 to index
        %parallel_loop3A_362 = arith.constant 0 : index
        %parallel_loop3A_363 = tpu.vector_load %parallel_loop3A_360[%parallel_loop3A_361, %parallel_loop3A_362] {strides = array<i32>} : memref<80x256xf32, #tpu.memory_space<vmem>>, vector<16xf32>,
        %parallel_loop3A_364 = arith.constant 0 : i32
        %parallel_loop3A_365 = arith.constant 0 : i32
        %parallel_loop3A_366 = tpu.memref_slice %arg8[%parallel_loop3A_218, %parallel_loop3A_364, %parallel_loop3A_365] : memref<2x80x256xf32, #tpu.memory_space<vmem>> -> memref<1x80x256xf32, #tpu.memory_space<vmem>>
        %parallel_loop3A_367 = tpu.memref_squeeze %parallel_loop3A_366 : memref<1x80x256xf32, #tpu.memory_space<vmem>> -> memref<80x256xf32, #tpu.memory_space<vmem>>
        %parallel_loop3A_368 = arith.index_cast %parallel_loop3A_320 : i32 to index
        %parallel_loop3A_369 = arith.constant 128 : index
        %parallel_loop3A_370 = tpu.vector_load %parallel_loop3A_367[%parallel_loop3A_368, %parallel_loop3A_369] {strides = array<i32>} : memref<80x256xf32, #tpu.memory_space<vmem>>, vector<16xf32>,
        %parallel_loop3A_371 = arith.mulf %parallel_loop3A_335, %parallel_loop3A_349 : vector<16xf32>
        %parallel_loop3A_372 = arith.mulf %parallel_loop3A_342, %parallel_loop3A_356 : vector<16xf32>
        %parallel_loop3A_373 = arith.subf %parallel_loop3A_371, %parallel_loop3A_372 : vector<16xf32>
        %parallel_loop3A_374 = arith.mulf %parallel_loop3A_363, %parallel_loop3A_373 : vector<16xf32>
        %parallel_loop3A_375 = arith.mulf %parallel_loop3A_335, %parallel_loop3A_356 : vector<16xf32>
        %parallel_loop3A_376 = arith.mulf %parallel_loop3A_342, %parallel_loop3A_349 : vector<16xf32>
        %parallel_loop3A_377 = arith.addf %parallel_loop3A_375, %parallel_loop3A_376 : vector<16xf32>
        %parallel_loop3A_378 = arith.mulf %parallel_loop3A_370, %parallel_loop3A_377 : vector<16xf32>
        %parallel_loop3A_379 = arith.subf %parallel_loop3A_374, %parallel_loop3A_378 : vector<16xf32>
        %parallel_loop3A_380 = arith.addf %parallel_loop3A_322, %parallel_loop3A_379 : vector<16xf32>
        %parallel_loop3A_381 = arith.constant 0 : i32
        %parallel_loop3A_382 = arith.constant 0 : i32
        %parallel_loop3A_383 = tpu.memref_slice %arg7[%parallel_loop3A_216, %parallel_loop3A_381, %parallel_loop3A_382] : memref<2x80x256xf32, #tpu.memory_space<vmem>> -> memref<1x80x256xf32, #tpu.memory_space<vmem>>
        %parallel_loop3A_384 = tpu.memref_squeeze %parallel_loop3A_383 : memref<1x80x256xf32, #tpu.memory_space<vmem>> -> memref<80x256xf32, #tpu.memory_space<vmem>>
        %parallel_loop3A_385 = arith.index_cast %parallel_loop3A_320 : i32 to index
        %parallel_loop3A_386 = arith.constant 16 : index
        %parallel_loop3A_387 = tpu.vector_load %parallel_loop3A_384[%parallel_loop3A_385, %parallel_loop3A_386] {strides = array<i32>} : memref<80x256xf32, #tpu.memory_space<vmem>>, vector<16xf32>,
        %parallel_loop3A_388 = arith.constant 0 : i32
        %parallel_loop3A_389 = arith.constant 0 : i32
        %parallel_loop3A_390 = tpu.memref_slice %arg7[%parallel_loop3A_216, %parallel_loop3A_388, %parallel_loop3A_389] : memref<2x80x256xf32, #tpu.memory_space<vmem>> -> memref<1x80x256xf32, #tpu.memory_space<vmem>>
        %parallel_loop3A_391 = tpu.memref_squeeze %parallel_loop3A_390 : memref<1x80x256xf32, #tpu.memory_space<vmem>> -> memref<80x256xf32, #tpu.memory_space<vmem>>
        %parallel_loop3A_392 = arith.index_cast %parallel_loop3A_320 : i32 to index
        %parallel_loop3A_393 = arith.constant 144 : index
        %parallel_loop3A_394 = tpu.vector_load %parallel_loop3A_391[%parallel_loop3A_392, %parallel_loop3A_393] {strides = array<i32>} : memref<80x256xf32, #tpu.memory_space<vmem>>, vector<16xf32>,
        %parallel_loop3A_395 = arith.constant 0 : i32
        %parallel_loop3A_396 = arith.constant 0 : i32
        %parallel_loop3A_397 = tpu.memref_slice %arg9[%parallel_loop3A_217, %parallel_loop3A_395, %parallel_loop3A_396] : memref<2x80x256xf32, #tpu.memory_space<vmem>> -> memref<1x80x256xf32, #tpu.memory_space<vmem>>
        %parallel_loop3A_398 = tpu.memref_squeeze %parallel_loop3A_397 : memref<1x80x256xf32, #tpu.memory_space<vmem>> -> memref<80x256xf32, #tpu.memory_space<vmem>>
        %parallel_loop3A_399 = arith.index_cast %parallel_loop3A_320 : i32 to index
        %parallel_loop3A_400 = arith.constant 16 : index
        %parallel_loop3A_401 = tpu.vector_load %parallel_loop3A_398[%parallel_loop3A_399, %parallel_loop3A_400] {strides = array<i32>} : memref<80x256xf32, #tpu.memory_space<vmem>>, vector<16xf32>,
        %parallel_loop3A_402 = arith.constant 0 : i32
        %parallel_loop3A_403 = arith.constant 0 : i32
        %parallel_loop3A_404 = tpu.memref_slice %arg9[%parallel_loop3A_217, %parallel_loop3A_402, %parallel_loop3A_403] : memref<2x80x256xf32, #tpu.memory_space<vmem>> -> memref<1x80x256xf32, #tpu.memory_space<vmem>>
        %parallel_loop3A_405 = tpu.memref_squeeze %parallel_loop3A_404 : memref<1x80x256xf32, #tpu.memory_space<vmem>> -> memref<80x256xf32, #tpu.memory_space<vmem>>
        %parallel_loop3A_406 = arith.index_cast %parallel_loop3A_320 : i32 to index
        %parallel_loop3A_407 = arith.constant 144 : index
        %parallel_loop3A_408 = tpu.vector_load %parallel_loop3A_405[%parallel_loop3A_406, %parallel_loop3A_407] {strides = array<i32>} : memref<80x256xf32, #tpu.memory_space<vmem>>, vector<16xf32>,
        %parallel_loop3A_409 = arith.constant 0 : i32
        %parallel_loop3A_410 = arith.constant 0 : i32
        %parallel_loop3A_411 = tpu.memref_slice %arg8[%parallel_loop3A_218, %parallel_loop3A_409, %parallel_loop3A_410] : memref<2x80x256xf32, #tpu.memory_space<vmem>> -> memref<1x80x256xf32, #tpu.memory_space<vmem>>
        %parallel_loop3A_412 = tpu.memref_squeeze %parallel_loop3A_411 : memref<1x80x256xf32, #tpu.memory_space<vmem>> -> memref<80x256xf32, #tpu.memory_space<vmem>>
        %parallel_loop3A_413 = arith.index_cast %parallel_loop3A_320 : i32 to index
        %parallel_loop3A_414 = arith.constant 16 : index
        %parallel_loop3A_415 = tpu.vector_load %parallel_loop3A_412[%parallel_loop3A_413, %parallel_loop3A_414] {strides = array<i32>} : memref<80x256xf32, #tpu.memory_space<vmem>>, vector<16xf32>,
        %parallel_loop3A_416 = arith.constant 0 : i32
        %parallel_loop3A_417 = arith.constant 0 : i32
        %parallel_loop3A_418 = tpu.memref_slice %arg8[%parallel_loop3A_218, %parallel_loop3A_416, %parallel_loop3A_417] : memref<2x80x256xf32, #tpu.memory_space<vmem>> -> memref<1x80x256xf32, #tpu.memory_space<vmem>>
        %parallel_loop3A_419 = tpu.memref_squeeze %parallel_loop3A_418 : memref<1x80x256xf32, #tpu.memory_space<vmem>> -> memref<80x256xf32, #tpu.memory_space<vmem>>
        %parallel_loop3A_420 = arith.index_cast %parallel_loop3A_320 : i32 to index
        %parallel_loop3A_421 = arith.constant 144 : index
        %parallel_loop3A_422 = tpu.vector_load %parallel_loop3A_419[%parallel_loop3A_420, %parallel_loop3A_421] {strides = array<i32>} : memref<80x256xf32, #tpu.memory_space<vmem>>, vector<16xf32>,
        %parallel_loop3A_423 = arith.mulf %parallel_loop3A_387, %parallel_loop3A_401 : vector<16xf32>
        %parallel_loop3A_424 = arith.mulf %parallel_loop3A_394, %parallel_loop3A_408 : vector<16xf32>
        %parallel_loop3A_425 = arith.subf %parallel_loop3A_423, %parallel_loop3A_424 : vector<16xf32>
        %parallel_loop3A_426 = arith.mulf %parallel_loop3A_415, %parallel_loop3A_425 : vector<16xf32>
        %parallel_loop3A_427 = arith.mulf %parallel_loop3A_387, %parallel_loop3A_408 : vector<16xf32>
        %parallel_loop3A_428 = arith.mulf %parallel_loop3A_394, %parallel_loop3A_401 : vector<16xf32>
        %parallel_loop3A_429 = arith.addf %parallel_loop3A_427, %parallel_loop3A_428 : vector<16xf32>
        %parallel_loop3A_430 = arith.mulf %parallel_loop3A_422, %parallel_loop3A_429 : vector<16xf32>
        %parallel_loop3A_431 = arith.subf %parallel_loop3A_426, %parallel_loop3A_430 : vector<16xf32>
        %parallel_loop3A_432 = arith.addf %parallel_loop3A_324, %parallel_loop3A_431 : vector<16xf32>
        %parallel_loop3A_433 = arith.constant 0 : i32
        %parallel_loop3A_434 = arith.constant 0 : i32
        %parallel_loop3A_435 = tpu.memref_slice %arg7[%parallel_loop3A_216, %parallel_loop3A_433, %parallel_loop3A_434] : memref<2x80x256xf32, #tpu.memory_space<vmem>> -> memref<1x80x256xf32, #tpu.memory_space<vmem>>
        %parallel_loop3A_436 = tpu.memref_squeeze %parallel_loop3A_435 : memref<1x80x256xf32, #tpu.memory_space<vmem>> -> memref<80x256xf32, #tpu.memory_space<vmem>>
        %parallel_loop3A_437 = arith.index_cast %parallel_loop3A_320 : i32 to index
        %parallel_loop3A_438 = arith.constant 32 : index
        %parallel_loop3A_439 = tpu.vector_load %parallel_loop3A_436[%parallel_loop3A_437, %parallel_loop3A_438] {strides = array<i32>} : memref<80x256xf32, #tpu.memory_space<vmem>>, vector<16xf32>,
        %parallel_loop3A_440 = arith.constant 0 : i32
        %parallel_loop3A_441 = arith.constant 0 : i32
        %parallel_loop3A_442 = tpu.memref_slice %arg7[%parallel_loop3A_216, %parallel_loop3A_440, %parallel_loop3A_441] : memref<2x80x256xf32, #tpu.memory_space<vmem>> -> memref<1x80x256xf32, #tpu.memory_space<vmem>>
        %parallel_loop3A_443 = tpu.memref_squeeze %parallel_loop3A_442 : memref<1x80x256xf32, #tpu.memory_space<vmem>> -> memref<80x256xf32, #tpu.memory_space<vmem>>
        %parallel_loop3A_444 = arith.index_cast %parallel_loop3A_320 : i32 to index
        %parallel_loop3A_445 = arith.constant 160 : index
        %parallel_loop3A_446 = tpu.vector_load %parallel_loop3A_443[%parallel_loop3A_444, %parallel_loop3A_445] {strides = array<i32>} : memref<80x256xf32, #tpu.memory_space<vmem>>, vector<16xf32>,
        %parallel_loop3A_447 = arith.constant 0 : i32
        %parallel_loop3A_448 = arith.constant 0 : i32
        %parallel_loop3A_449 = tpu.memref_slice %arg9[%parallel_loop3A_217, %parallel_loop3A_447, %parallel_loop3A_448] : memref<2x80x256xf32, #tpu.memory_space<vmem>> -> memref<1x80x256xf32, #tpu.memory_space<vmem>>
        %parallel_loop3A_450 = tpu.memref_squeeze %parallel_loop3A_449 : memref<1x80x256xf32, #tpu.memory_space<vmem>> -> memref<80x256xf32, #tpu.memory_space<vmem>>
        %parallel_loop3A_451 = arith.index_cast %parallel_loop3A_320 : i32 to index
        %parallel_loop3A_452 = arith.constant 32 : index
        %parallel_loop3A_453 = tpu.vector_load %parallel_loop3A_450[%parallel_loop3A_451, %parallel_loop3A_452] {strides = array<i32>} : memref<80x256xf32, #tpu.memory_space<vmem>>, vector<16xf32>,
        %parallel_loop3A_454 = arith.constant 0 : i32
        %parallel_loop3A_455 = arith.constant 0 : i32
        %parallel_loop3A_456 = tpu.memref_slice %arg9[%parallel_loop3A_217, %parallel_loop3A_454, %parallel_loop3A_455] : memref<2x80x256xf32, #tpu.memory_space<vmem>> -> memref<1x80x256xf32, #tpu.memory_space<vmem>>
        %parallel_loop3A_457 = tpu.memref_squeeze %parallel_loop3A_456 : memref<1x80x256xf32, #tpu.memory_space<vmem>> -> memref<80x256xf32, #tpu.memory_space<vmem>>
        %parallel_loop3A_458 = arith.index_cast %parallel_loop3A_320 : i32 to index
        %parallel_loop3A_459 = arith.constant 160 : index
        %parallel_loop3A_460 = tpu.vector_load %parallel_loop3A_457[%parallel_loop3A_458, %parallel_loop3A_459] {strides = array<i32>} : memref<80x256xf32, #tpu.memory_space<vmem>>, vector<16xf32>,
        %parallel_loop3A_461 = arith.constant 0 : i32
        %parallel_loop3A_462 = arith.constant 0 : i32
        %parallel_loop3A_463 = tpu.memref_slice %arg8[%parallel_loop3A_218, %parallel_loop3A_461, %parallel_loop3A_462] : memref<2x80x256xf32, #tpu.memory_space<vmem>> -> memref<1x80x256xf32, #tpu.memory_space<vmem>>
        %parallel_loop3A_464 = tpu.memref_squeeze %parallel_loop3A_463 : memref<1x80x256xf32, #tpu.memory_space<vmem>> -> memref<80x256xf32, #tpu.memory_space<vmem>>
        %parallel_loop3A_465 = arith.index_cast %parallel_loop3A_320 : i32 to index
        %parallel_loop3A_466 = arith.constant 32 : index
        %parallel_loop3A_467 = tpu.vector_load %parallel_loop3A_464[%parallel_loop3A_465, %parallel_loop3A_466] {strides = array<i32>} : memref<80x256xf32, #tpu.memory_space<vmem>>, vector<16xf32>,
        %parallel_loop3A_468 = arith.constant 0 : i32
        %parallel_loop3A_469 = arith.constant 0 : i32
        %parallel_loop3A_470 = tpu.memref_slice %arg8[%parallel_loop3A_218, %parallel_loop3A_468, %parallel_loop3A_469] : memref<2x80x256xf32, #tpu.memory_space<vmem>> -> memref<1x80x256xf32, #tpu.memory_space<vmem>>
        %parallel_loop3A_471 = tpu.memref_squeeze %parallel_loop3A_470 : memref<1x80x256xf32, #tpu.memory_space<vmem>> -> memref<80x256xf32, #tpu.memory_space<vmem>>
        %parallel_loop3A_472 = arith.index_cast %parallel_loop3A_320 : i32 to index
        %parallel_loop3A_473 = arith.constant 160 : index
        %parallel_loop3A_474 = tpu.vector_load %parallel_loop3A_471[%parallel_loop3A_472, %parallel_loop3A_473] {strides = array<i32>} : memref<80x256xf32, #tpu.memory_space<vmem>>, vector<16xf32>,
        %parallel_loop3A_475 = arith.mulf %parallel_loop3A_439, %parallel_loop3A_453 : vector<16xf32>
        %parallel_loop3A_476 = arith.mulf %parallel_loop3A_446, %parallel_loop3A_460 : vector<16xf32>
        %parallel_loop3A_477 = arith.subf %parallel_loop3A_475, %parallel_loop3A_476 : vector<16xf32>
        %parallel_loop3A_478 = arith.mulf %parallel_loop3A_467, %parallel_loop3A_477 : vector<16xf32>
        %parallel_loop3A_479 = arith.mulf %parallel_loop3A_439, %parallel_loop3A_460 : vector<16xf32>
        %parallel_loop3A_480 = arith.mulf %parallel_loop3A_446, %parallel_loop3A_453 : vector<16xf32>
        %parallel_loop3A_481 = arith.addf %parallel_loop3A_479, %parallel_loop3A_480 : vector<16xf32>
        %parallel_loop3A_482 = arith.mulf %parallel_loop3A_474, %parallel_loop3A_481 : vector<16xf32>
        %parallel_loop3A_483 = arith.subf %parallel_loop3A_478, %parallel_loop3A_482 : vector<16xf32>
        %parallel_loop3A_484 = arith.addf %parallel_loop3A_326, %parallel_loop3A_483 : vector<16xf32>
        %parallel_loop3A_485 = arith.constant 0 : i32
        %parallel_loop3A_486 = arith.constant 0 : i32
        %parallel_loop3A_487 = tpu.memref_slice %arg7[%parallel_loop3A_216, %parallel_loop3A_485, %parallel_loop3A_486] : memref<2x80x256xf32, #tpu.memory_space<vmem>> -> memref<1x80x256xf32, #tpu.memory_space<vmem>>
        %parallel_loop3A_488 = tpu.memref_squeeze %parallel_loop3A_487 : memref<1x80x256xf32, #tpu.memory_space<vmem>> -> memref<80x256xf32, #tpu.memory_space<vmem>>
        %parallel_loop3A_489 = arith.index_cast %parallel_loop3A_320 : i32 to index
        %parallel_loop3A_490 = arith.constant 48 : index
        %parallel_loop3A_491 = tpu.vector_load %parallel_loop3A_488[%parallel_loop3A_489, %parallel_loop3A_490] {strides = array<i32>} : memref<80x256xf32, #tpu.memory_space<vmem>>, vector<16xf32>,
        %parallel_loop3A_492 = arith.constant 0 : i32
        %parallel_loop3A_493 = arith.constant 0 : i32
        %parallel_loop3A_494 = tpu.memref_slice %arg7[%parallel_loop3A_216, %parallel_loop3A_492, %parallel_loop3A_493] : memref<2x80x256xf32, #tpu.memory_space<vmem>> -> memref<1x80x256xf32, #tpu.memory_space<vmem>>
        %parallel_loop3A_495 = tpu.memref_squeeze %parallel_loop3A_494 : memref<1x80x256xf32, #tpu.memory_space<vmem>> -> memref<80x256xf32, #tpu.memory_space<vmem>>
        %parallel_loop3A_496 = arith.index_cast %parallel_loop3A_320 : i32 to index
        %parallel_loop3A_497 = arith.constant 176 : index
        %parallel_loop3A_498 = tpu.vector_load %parallel_loop3A_495[%parallel_loop3A_496, %parallel_loop3A_497] {strides = array<i32>} : memref<80x256xf32, #tpu.memory_space<vmem>>, vector<16xf32>,
        %parallel_loop3A_499 = arith.constant 0 : i32
        %parallel_loop3A_500 = arith.constant 0 : i32
        %parallel_loop3A_501 = tpu.memref_slice %arg9[%parallel_loop3A_217, %parallel_loop3A_499, %parallel_loop3A_500] : memref<2x80x256xf32, #tpu.memory_space<vmem>> -> memref<1x80x256xf32, #tpu.memory_space<vmem>>
        %parallel_loop3A_502 = tpu.memref_squeeze %parallel_loop3A_501 : memref<1x80x256xf32, #tpu.memory_space<vmem>> -> memref<80x256xf32, #tpu.memory_space<vmem>>
        %parallel_loop3A_503 = arith.index_cast %parallel_loop3A_320 : i32 to index
        %parallel_loop3A_504 = arith.constant 48 : index
        %parallel_loop3A_505 = tpu.vector_load %parallel_loop3A_502[%parallel_loop3A_503, %parallel_loop3A_504] {strides = array<i32>} : memref<80x256xf32, #tpu.memory_space<vmem>>, vector<16xf32>,
        %parallel_loop3A_506 = arith.constant 0 : i32
        %parallel_loop3A_507 = arith.constant 0 : i32
        %parallel_loop3A_508 = tpu.memref_slice %arg9[%parallel_loop3A_217, %parallel_loop3A_506, %parallel_loop3A_507] : memref<2x80x256xf32, #tpu.memory_space<vmem>> -> memref<1x80x256xf32, #tpu.memory_space<vmem>>
        %parallel_loop3A_509 = tpu.memref_squeeze %parallel_loop3A_508 : memref<1x80x256xf32, #tpu.memory_space<vmem>> -> memref<80x256xf32, #tpu.memory_space<vmem>>
        %parallel_loop3A_510 = arith.index_cast %parallel_loop3A_320 : i32 to index
        %parallel_loop3A_511 = arith.constant 176 : index
        %parallel_loop3A_512 = tpu.vector_load %parallel_loop3A_509[%parallel_loop3A_510, %parallel_loop3A_511] {strides = array<i32>} : memref<80x256xf32, #tpu.memory_space<vmem>>, vector<16xf32>,
        %parallel_loop3A_513 = arith.constant 0 : i32
        %parallel_loop3A_514 = arith.constant 0 : i32
        %parallel_loop3A_515 = tpu.memref_slice %arg8[%parallel_loop3A_218, %parallel_loop3A_513, %parallel_loop3A_514] : memref<2x80x256xf32, #tpu.memory_space<vmem>> -> memref<1x80x256xf32, #tpu.memory_space<vmem>>
        %parallel_loop3A_516 = tpu.memref_squeeze %parallel_loop3A_515 : memref<1x80x256xf32, #tpu.memory_space<vmem>> -> memref<80x256xf32, #tpu.memory_space<vmem>>
        %parallel_loop3A_517 = arith.index_cast %parallel_loop3A_320 : i32 to index
        %parallel_loop3A_518 = arith.constant 48 : index
        %parallel_loop3A_519 = tpu.vector_load %parallel_loop3A_516[%parallel_loop3A_517, %parallel_loop3A_518] {strides = array<i32>} : memref<80x256xf32, #tpu.memory_space<vmem>>, vector<16xf32>,
        %parallel_loop3A_520 = arith.constant 0 : i32
        %parallel_loop3A_521 = arith.constant 0 : i32
        %parallel_loop3A_522 = tpu.memref_slice %arg8[%parallel_loop3A_218, %parallel_loop3A_520, %parallel_loop3A_521] : memref<2x80x256xf32, #tpu.memory_space<vmem>> -> memref<1x80x256xf32, #tpu.memory_space<vmem>>
        %parallel_loop3A_523 = tpu.memref_squeeze %parallel_loop3A_522 : memref<1x80x256xf32, #tpu.memory_space<vmem>> -> memref<80x256xf32, #tpu.memory_space<vmem>>
        %parallel_loop3A_524 = arith.index_cast %parallel_loop3A_320 : i32 to index
        %parallel_loop3A_525 = arith.constant 176 : index
        %parallel_loop3A_526 = tpu.vector_load %parallel_loop3A_523[%parallel_loop3A_524, %parallel_loop3A_525] {strides = array<i32>} : memref<80x256xf32, #tpu.memory_space<vmem>>, vector<16xf32>,
        %parallel_loop3A_527 = arith.mulf %parallel_loop3A_491, %parallel_loop3A_505 : vector<16xf32>
        %parallel_loop3A_528 = arith.mulf %parallel_loop3A_498, %parallel_loop3A_512 : vector<16xf32>
        %parallel_loop3A_529 = arith.subf %parallel_loop3A_527, %parallel_loop3A_528 : vector<16xf32>
        %parallel_loop3A_530 = arith.mulf %parallel_loop3A_519, %parallel_loop3A_529 : vector<16xf32>
        %parallel_loop3A_531 = arith.mulf %parallel_loop3A_491, %parallel_loop3A_512 : vector<16xf32>
        %parallel_loop3A_532 = arith.mulf %parallel_loop3A_498, %parallel_loop3A_505 : vector<16xf32>
        %parallel_loop3A_533 = arith.addf %parallel_loop3A_531, %parallel_loop3A_532 : vector<16xf32>
        %parallel_loop3A_534 = arith.mulf %parallel_loop3A_526, %parallel_loop3A_533 : vector<16xf32>
        %parallel_loop3A_535 = arith.subf %parallel_loop3A_530, %parallel_loop3A_534 : vector<16xf32>
        %parallel_loop3A_536 = arith.addf %parallel_loop3A_328, %parallel_loop3A_535 : vector<16xf32>
        %parallel_loop3A_537 = arith.constant 0 : i32
        %parallel_loop3A_538 = arith.constant 0 : i32
        %parallel_loop3A_539 = tpu.memref_slice %arg7[%parallel_loop3A_216, %parallel_loop3A_537, %parallel_loop3A_538] : memref<2x80x256xf32, #tpu.memory_space<vmem>> -> memref<1x80x256xf32, #tpu.memory_space<vmem>>
        %parallel_loop3A_540 = tpu.memref_squeeze %parallel_loop3A_539 : memref<1x80x256xf32, #tpu.memory_space<vmem>> -> memref<80x256xf32, #tpu.memory_space<vmem>>
        %parallel_loop3A_541 = arith.index_cast %parallel_loop3A_320 : i32 to index
        %parallel_loop3A_542 = arith.constant 64 : index
        %parallel_loop3A_543 = tpu.vector_load %parallel_loop3A_540[%parallel_loop3A_541, %parallel_loop3A_542] {strides = array<i32>} : memref<80x256xf32, #tpu.memory_space<vmem>>, vector<16xf32>,
        %parallel_loop3A_544 = arith.constant 0 : i32
        %parallel_loop3A_545 = arith.constant 0 : i32
        %parallel_loop3A_546 = tpu.memref_slice %arg7[%parallel_loop3A_216, %parallel_loop3A_544, %parallel_loop3A_545] : memref<2x80x256xf32, #tpu.memory_space<vmem>> -> memref<1x80x256xf32, #tpu.memory_space<vmem>>
        %parallel_loop3A_547 = tpu.memref_squeeze %parallel_loop3A_546 : memref<1x80x256xf32, #tpu.memory_space<vmem>> -> memref<80x256xf32, #tpu.memory_space<vmem>>
        %parallel_loop3A_548 = arith.index_cast %parallel_loop3A_320 : i32 to index
        %parallel_loop3A_549 = arith.constant 192 : index
        %parallel_loop3A_550 = tpu.vector_load %parallel_loop3A_547[%parallel_loop3A_548, %parallel_loop3A_549] {strides = array<i32>} : memref<80x256xf32, #tpu.memory_space<vmem>>, vector<16xf32>,
        %parallel_loop3A_551 = arith.constant 0 : i32
        %parallel_loop3A_552 = arith.constant 0 : i32
        %parallel_loop3A_553 = tpu.memref_slice %arg9[%parallel_loop3A_217, %parallel_loop3A_551, %parallel_loop3A_552] : memref<2x80x256xf32, #tpu.memory_space<vmem>> -> memref<1x80x256xf32, #tpu.memory_space<vmem>>
        %parallel_loop3A_554 = tpu.memref_squeeze %parallel_loop3A_553 : memref<1x80x256xf32, #tpu.memory_space<vmem>> -> memref<80x256xf32, #tpu.memory_space<vmem>>
        %parallel_loop3A_555 = arith.index_cast %parallel_loop3A_320 : i32 to index
        %parallel_loop3A_556 = arith.constant 64 : index
        %parallel_loop3A_557 = tpu.vector_load %parallel_loop3A_554[%parallel_loop3A_555, %parallel_loop3A_556] {strides = array<i32>} : memref<80x256xf32, #tpu.memory_space<vmem>>, vector<16xf32>,
        %parallel_loop3A_558 = arith.constant 0 : i32
        %parallel_loop3A_559 = arith.constant 0 : i32
        %parallel_loop3A_560 = tpu.memref_slice %arg9[%parallel_loop3A_217, %parallel_loop3A_558, %parallel_loop3A_559] : memref<2x80x256xf32, #tpu.memory_space<vmem>> -> memref<1x80x256xf32, #tpu.memory_space<vmem>>
        %parallel_loop3A_561 = tpu.memref_squeeze %parallel_loop3A_560 : memref<1x80x256xf32, #tpu.memory_space<vmem>> -> memref<80x256xf32, #tpu.memory_space<vmem>>
        %parallel_loop3A_562 = arith.index_cast %parallel_loop3A_320 : i32 to index
        %parallel_loop3A_563 = arith.constant 192 : index
        %parallel_loop3A_564 = tpu.vector_load %parallel_loop3A_561[%parallel_loop3A_562, %parallel_loop3A_563] {strides = array<i32>} : memref<80x256xf32, #tpu.memory_space<vmem>>, vector<16xf32>,
        %parallel_loop3A_565 = arith.constant 0 : i32
        %parallel_loop3A_566 = arith.constant 0 : i32
        %parallel_loop3A_567 = tpu.memref_slice %arg8[%parallel_loop3A_218, %parallel_loop3A_565, %parallel_loop3A_566] : memref<2x80x256xf32, #tpu.memory_space<vmem>> -> memref<1x80x256xf32, #tpu.memory_space<vmem>>
        %parallel_loop3A_568 = tpu.memref_squeeze %parallel_loop3A_567 : memref<1x80x256xf32, #tpu.memory_space<vmem>> -> memref<80x256xf32, #tpu.memory_space<vmem>>
        %parallel_loop3A_569 = arith.index_cast %parallel_loop3A_320 : i32 to index
        %parallel_loop3A_570 = arith.constant 64 : index
        %parallel_loop3A_571 = tpu.vector_load %parallel_loop3A_568[%parallel_loop3A_569, %parallel_loop3A_570] {strides = array<i32>} : memref<80x256xf32, #tpu.memory_space<vmem>>, vector<16xf32>,
        %parallel_loop3A_572 = arith.constant 0 : i32
        %parallel_loop3A_573 = arith.constant 0 : i32
        %parallel_loop3A_574 = tpu.memref_slice %arg8[%parallel_loop3A_218, %parallel_loop3A_572, %parallel_loop3A_573] : memref<2x80x256xf32, #tpu.memory_space<vmem>> -> memref<1x80x256xf32, #tpu.memory_space<vmem>>
        %parallel_loop3A_575 = tpu.memref_squeeze %parallel_loop3A_574 : memref<1x80x256xf32, #tpu.memory_space<vmem>> -> memref<80x256xf32, #tpu.memory_space<vmem>>
        %parallel_loop3A_576 = arith.index_cast %parallel_loop3A_320 : i32 to index
        %parallel_loop3A_577 = arith.constant 192 : index
        %parallel_loop3A_578 = tpu.vector_load %parallel_loop3A_575[%parallel_loop3A_576, %parallel_loop3A_577] {strides = array<i32>} : memref<80x256xf32, #tpu.memory_space<vmem>>, vector<16xf32>,
        %parallel_loop3A_579 = arith.mulf %parallel_loop3A_543, %parallel_loop3A_557 : vector<16xf32>
        %parallel_loop3A_580 = arith.mulf %parallel_loop3A_550, %parallel_loop3A_564 : vector<16xf32>
        %parallel_loop3A_581 = arith.subf %parallel_loop3A_579, %parallel_loop3A_580 : vector<16xf32>
        %parallel_loop3A_582 = arith.mulf %parallel_loop3A_571, %parallel_loop3A_581 : vector<16xf32>
        %parallel_loop3A_583 = arith.mulf %parallel_loop3A_543, %parallel_loop3A_564 : vector<16xf32>
        %parallel_loop3A_584 = arith.mulf %parallel_loop3A_550, %parallel_loop3A_557 : vector<16xf32>
        %parallel_loop3A_585 = arith.addf %parallel_loop3A_583, %parallel_loop3A_584 : vector<16xf32>
        %parallel_loop3A_586 = arith.mulf %parallel_loop3A_578, %parallel_loop3A_585 : vector<16xf32>
        %parallel_loop3A_587 = arith.subf %parallel_loop3A_582, %parallel_loop3A_586 : vector<16xf32>
        %parallel_loop3A_588 = arith.addf %parallel_loop3A_380, %parallel_loop3A_587 : vector<16xf32>
        %parallel_loop3A_589 = arith.constant 0 : i32
        %parallel_loop3A_590 = arith.constant 0 : i32
        %parallel_loop3A_591 = tpu.memref_slice %arg7[%parallel_loop3A_216, %parallel_loop3A_589, %parallel_loop3A_590] : memref<2x80x256xf32, #tpu.memory_space<vmem>> -> memref<1x80x256xf32, #tpu.memory_space<vmem>>
        %parallel_loop3A_592 = tpu.memref_squeeze %parallel_loop3A_591 : memref<1x80x256xf32, #tpu.memory_space<vmem>> -> memref<80x256xf32, #tpu.memory_space<vmem>>
        %parallel_loop3A_593 = arith.index_cast %parallel_loop3A_320 : i32 to index
        %parallel_loop3A_594 = arith.constant 80 : index
        %parallel_loop3A_595 = tpu.vector_load %parallel_loop3A_592[%parallel_loop3A_593, %parallel_loop3A_594] {strides = array<i32>} : memref<80x256xf32, #tpu.memory_space<vmem>>, vector<16xf32>,
        %parallel_loop3A_596 = arith.constant 0 : i32
        %parallel_loop3A_597 = arith.constant 0 : i32
        %parallel_loop3A_598 = tpu.memref_slice %arg7[%parallel_loop3A_216, %parallel_loop3A_596, %parallel_loop3A_597] : memref<2x80x256xf32, #tpu.memory_space<vmem>> -> memref<1x80x256xf32, #tpu.memory_space<vmem>>
        %parallel_loop3A_599 = tpu.memref_squeeze %parallel_loop3A_598 : memref<1x80x256xf32, #tpu.memory_space<vmem>> -> memref<80x256xf32, #tpu.memory_space<vmem>>
        %parallel_loop3A_600 = arith.index_cast %parallel_loop3A_320 : i32 to index
        %parallel_loop3A_601 = arith.constant 208 : index
        %parallel_loop3A_602 = tpu.vector_load %parallel_loop3A_599[%parallel_loop3A_600, %parallel_loop3A_601] {strides = array<i32>} : memref<80x256xf32, #tpu.memory_space<vmem>>, vector<16xf32>,
        %parallel_loop3A_603 = arith.constant 0 : i32
        %parallel_loop3A_604 = arith.constant 0 : i32
        %parallel_loop3A_605 = tpu.memref_slice %arg9[%parallel_loop3A_217, %parallel_loop3A_603, %parallel_loop3A_604] : memref<2x80x256xf32, #tpu.memory_space<vmem>> -> memref<1x80x256xf32, #tpu.memory_space<vmem>>
        %parallel_loop3A_606 = tpu.memref_squeeze %parallel_loop3A_605 : memref<1x80x256xf32, #tpu.memory_space<vmem>> -> memref<80x256xf32, #tpu.memory_space<vmem>>
        %parallel_loop3A_607 = arith.index_cast %parallel_loop3A_320 : i32 to index
        %parallel_loop3A_608 = arith.constant 80 : index
        %parallel_loop3A_609 = tpu.vector_load %parallel_loop3A_606[%parallel_loop3A_607, %parallel_loop3A_608] {strides = array<i32>} : memref<80x256xf32, #tpu.memory_space<vmem>>, vector<16xf32>,
        %parallel_loop3A_610 = arith.constant 0 : i32
        %parallel_loop3A_611 = arith.constant 0 : i32
        %parallel_loop3A_612 = tpu.memref_slice %arg9[%parallel_loop3A_217, %parallel_loop3A_610, %parallel_loop3A_611] : memref<2x80x256xf32, #tpu.memory_space<vmem>> -> memref<1x80x256xf32, #tpu.memory_space<vmem>>
        %parallel_loop3A_613 = tpu.memref_squeeze %parallel_loop3A_612 : memref<1x80x256xf32, #tpu.memory_space<vmem>> -> memref<80x256xf32, #tpu.memory_space<vmem>>
        %parallel_loop3A_614 = arith.index_cast %parallel_loop3A_320 : i32 to index
        %parallel_loop3A_615 = arith.constant 208 : index
        %parallel_loop3A_616 = tpu.vector_load %parallel_loop3A_613[%parallel_loop3A_614, %parallel_loop3A_615] {strides = array<i32>} : memref<80x256xf32, #tpu.memory_space<vmem>>, vector<16xf32>,
        %parallel_loop3A_617 = arith.constant 0 : i32
        %parallel_loop3A_618 = arith.constant 0 : i32
        %parallel_loop3A_619 = tpu.memref_slice %arg8[%parallel_loop3A_218, %parallel_loop3A_617, %parallel_loop3A_618] : memref<2x80x256xf32, #tpu.memory_space<vmem>> -> memref<1x80x256xf32, #tpu.memory_space<vmem>>
        %parallel_loop3A_620 = tpu.memref_squeeze %parallel_loop3A_619 : memref<1x80x256xf32, #tpu.memory_space<vmem>> -> memref<80x256xf32, #tpu.memory_space<vmem>>
        %parallel_loop3A_621 = arith.index_cast %parallel_loop3A_320 : i32 to index
        %parallel_loop3A_622 = arith.constant 80 : index
        %parallel_loop3A_623 = tpu.vector_load %parallel_loop3A_620[%parallel_loop3A_621, %parallel_loop3A_622] {strides = array<i32>} : memref<80x256xf32, #tpu.memory_space<vmem>>, vector<16xf32>,
        %parallel_loop3A_624 = arith.constant 0 : i32
        %parallel_loop3A_625 = arith.constant 0 : i32
        %parallel_loop3A_626 = tpu.memref_slice %arg8[%parallel_loop3A_218, %parallel_loop3A_624, %parallel_loop3A_625] : memref<2x80x256xf32, #tpu.memory_space<vmem>> -> memref<1x80x256xf32, #tpu.memory_space<vmem>>
        %parallel_loop3A_627 = tpu.memref_squeeze %parallel_loop3A_626 : memref<1x80x256xf32, #tpu.memory_space<vmem>> -> memref<80x256xf32, #tpu.memory_space<vmem>>
        %parallel_loop3A_628 = arith.index_cast %parallel_loop3A_320 : i32 to index
        %parallel_loop3A_629 = arith.constant 208 : index
        %parallel_loop3A_630 = tpu.vector_load %parallel_loop3A_627[%parallel_loop3A_628, %parallel_loop3A_629] {strides = array<i32>} : memref<80x256xf32, #tpu.memory_space<vmem>>, vector<16xf32>,
        %parallel_loop3A_631 = arith.mulf %parallel_loop3A_595, %parallel_loop3A_609 : vector<16xf32>
        %parallel_loop3A_632 = arith.mulf %parallel_loop3A_602, %parallel_loop3A_616 : vector<16xf32>
        %parallel_loop3A_633 = arith.subf %parallel_loop3A_631, %parallel_loop3A_632 : vector<16xf32>
        %parallel_loop3A_634 = arith.mulf %parallel_loop3A_623, %parallel_loop3A_633 : vector<16xf32>
        %parallel_loop3A_635 = arith.mulf %parallel_loop3A_595, %parallel_loop3A_616 : vector<16xf32>
        %parallel_loop3A_636 = arith.mulf %parallel_loop3A_602, %parallel_loop3A_609 : vector<16xf32>
        %parallel_loop3A_637 = arith.addf %parallel_loop3A_635, %parallel_loop3A_636 : vector<16xf32>
        %parallel_loop3A_638 = arith.mulf %parallel_loop3A_630, %parallel_loop3A_637 : vector<16xf32>
        %parallel_loop3A_639 = arith.subf %parallel_loop3A_634, %parallel_loop3A_638 : vector<16xf32>
        %parallel_loop3A_640 = arith.addf %parallel_loop3A_432, %parallel_loop3A_639 : vector<16xf32>
        %parallel_loop3A_641 = arith.constant 0 : i32
        %parallel_loop3A_642 = arith.constant 0 : i32
        %parallel_loop3A_643 = tpu.memref_slice %arg7[%parallel_loop3A_216, %parallel_loop3A_641, %parallel_loop3A_642] : memref<2x80x256xf32, #tpu.memory_space<vmem>> -> memref<1x80x256xf32, #tpu.memory_space<vmem>>
        %parallel_loop3A_644 = tpu.memref_squeeze %parallel_loop3A_643 : memref<1x80x256xf32, #tpu.memory_space<vmem>> -> memref<80x256xf32, #tpu.memory_space<vmem>>
        %parallel_loop3A_645 = arith.index_cast %parallel_loop3A_320 : i32 to index
        %parallel_loop3A_646 = arith.constant 96 : index
        %parallel_loop3A_647 = tpu.vector_load %parallel_loop3A_644[%parallel_loop3A_645, %parallel_loop3A_646] {strides = array<i32>} : memref<80x256xf32, #tpu.memory_space<vmem>>, vector<16xf32>,
        %parallel_loop3A_648 = arith.constant 0 : i32
        %parallel_loop3A_649 = arith.constant 0 : i32
        %parallel_loop3A_650 = tpu.memref_slice %arg7[%parallel_loop3A_216, %parallel_loop3A_648, %parallel_loop3A_649] : memref<2x80x256xf32, #tpu.memory_space<vmem>> -> memref<1x80x256xf32, #tpu.memory_space<vmem>>
        %parallel_loop3A_651 = tpu.memref_squeeze %parallel_loop3A_650 : memref<1x80x256xf32, #tpu.memory_space<vmem>> -> memref<80x256xf32, #tpu.memory_space<vmem>>
        %parallel_loop3A_652 = arith.index_cast %parallel_loop3A_320 : i32 to index
        %parallel_loop3A_653 = arith.constant 224 : index
        %parallel_loop3A_654 = tpu.vector_load %parallel_loop3A_651[%parallel_loop3A_652, %parallel_loop3A_653] {strides = array<i32>} : memref<80x256xf32, #tpu.memory_space<vmem>>, vector<16xf32>,
        %parallel_loop3A_655 = arith.constant 0 : i32
        %parallel_loop3A_656 = arith.constant 0 : i32
        %parallel_loop3A_657 = tpu.memref_slice %arg9[%parallel_loop3A_217, %parallel_loop3A_655, %parallel_loop3A_656] : memref<2x80x256xf32, #tpu.memory_space<vmem>> -> memref<1x80x256xf32, #tpu.memory_space<vmem>>
        %parallel_loop3A_658 = tpu.memref_squeeze %parallel_loop3A_657 : memref<1x80x256xf32, #tpu.memory_space<vmem>> -> memref<80x256xf32, #tpu.memory_space<vmem>>
        %parallel_loop3A_659 = arith.index_cast %parallel_loop3A_320 : i32 to index
        %parallel_loop3A_660 = arith.constant 96 : index
        %parallel_loop3A_661 = tpu.vector_load %parallel_loop3A_658[%parallel_loop3A_659, %parallel_loop3A_660] {strides = array<i32>} : memref<80x256xf32, #tpu.memory_space<vmem>>, vector<16xf32>,
        %parallel_loop3A_662 = arith.constant 0 : i32
        %parallel_loop3A_663 = arith.constant 0 : i32
        %parallel_loop3A_664 = tpu.memref_slice %arg9[%parallel_loop3A_217, %parallel_loop3A_662, %parallel_loop3A_663] : memref<2x80x256xf32, #tpu.memory_space<vmem>> -> memref<1x80x256xf32, #tpu.memory_space<vmem>>
        %parallel_loop3A_665 = tpu.memref_squeeze %parallel_loop3A_664 : memref<1x80x256xf32, #tpu.memory_space<vmem>> -> memref<80x256xf32, #tpu.memory_space<vmem>>
        %parallel_loop3A_666 = arith.index_cast %parallel_loop3A_320 : i32 to index
        %parallel_loop3A_667 = arith.constant 224 : index
        %parallel_loop3A_668 = tpu.vector_load %parallel_loop3A_665[%parallel_loop3A_666, %parallel_loop3A_667] {strides = array<i32>} : memref<80x256xf32, #tpu.memory_space<vmem>>, vector<16xf32>,
        %parallel_loop3A_669 = arith.constant 0 : i32
        %parallel_loop3A_670 = arith.constant 0 : i32
        %parallel_loop3A_671 = tpu.memref_slice %arg8[%parallel_loop3A_218, %parallel_loop3A_669, %parallel_loop3A_670] : memref<2x80x256xf32, #tpu.memory_space<vmem>> -> memref<1x80x256xf32, #tpu.memory_space<vmem>>
        %parallel_loop3A_672 = tpu.memref_squeeze %parallel_loop3A_671 : memref<1x80x256xf32, #tpu.memory_space<vmem>> -> memref<80x256xf32, #tpu.memory_space<vmem>>
        %parallel_loop3A_673 = arith.index_cast %parallel_loop3A_320 : i32 to index
        %parallel_loop3A_674 = arith.constant 96 : index
        %parallel_loop3A_675 = tpu.vector_load %parallel_loop3A_672[%parallel_loop3A_673, %parallel_loop3A_674] {strides = array<i32>} : memref<80x256xf32, #tpu.memory_space<vmem>>, vector<16xf32>,
        %parallel_loop3A_676 = arith.constant 0 : i32
        %parallel_loop3A_677 = arith.constant 0 : i32
        %parallel_loop3A_678 = tpu.memref_slice %arg8[%parallel_loop3A_218, %parallel_loop3A_676, %parallel_loop3A_677] : memref<2x80x256xf32, #tpu.memory_space<vmem>> -> memref<1x80x256xf32, #tpu.memory_space<vmem>>
        %parallel_loop3A_679 = tpu.memref_squeeze %parallel_loop3A_678 : memref<1x80x256xf32, #tpu.memory_space<vmem>> -> memref<80x256xf32, #tpu.memory_space<vmem>>
        %parallel_loop3A_680 = arith.index_cast %parallel_loop3A_320 : i32 to index
        %parallel_loop3A_681 = arith.constant 224 : index
        %parallel_loop3A_682 = tpu.vector_load %parallel_loop3A_679[%parallel_loop3A_680, %parallel_loop3A_681] {strides = array<i32>} : memref<80x256xf32, #tpu.memory_space<vmem>>, vector<16xf32>,
        %parallel_loop3A_683 = arith.mulf %parallel_loop3A_647, %parallel_loop3A_661 : vector<16xf32>
        %parallel_loop3A_684 = arith.mulf %parallel_loop3A_654, %parallel_loop3A_668 : vector<16xf32>
        %parallel_loop3A_685 = arith.subf %parallel_loop3A_683, %parallel_loop3A_684 : vector<16xf32>
        %parallel_loop3A_686 = arith.mulf %parallel_loop3A_675, %parallel_loop3A_685 : vector<16xf32>
        %parallel_loop3A_687 = arith.mulf %parallel_loop3A_647, %parallel_loop3A_668 : vector<16xf32>
        %parallel_loop3A_688 = arith.mulf %parallel_loop3A_654, %parallel_loop3A_661 : vector<16xf32>
        %parallel_loop3A_689 = arith.addf %parallel_loop3A_687, %parallel_loop3A_688 : vector<16xf32>
        %parallel_loop3A_690 = arith.mulf %parallel_loop3A_682, %parallel_loop3A_689 : vector<16xf32>
        %parallel_loop3A_691 = arith.subf %parallel_loop3A_686, %parallel_loop3A_690 : vector<16xf32>
        %parallel_loop3A_692 = arith.addf %parallel_loop3A_484, %parallel_loop3A_691 : vector<16xf32>
        %parallel_loop3A_693 = arith.constant 0 : i32
        %parallel_loop3A_694 = arith.constant 0 : i32
        %parallel_loop3A_695 = tpu.memref_slice %arg7[%parallel_loop3A_216, %parallel_loop3A_693, %parallel_loop3A_694] : memref<2x80x256xf32, #tpu.memory_space<vmem>> -> memref<1x80x256xf32, #tpu.memory_space<vmem>>
        %parallel_loop3A_696 = tpu.memref_squeeze %parallel_loop3A_695 : memref<1x80x256xf32, #tpu.memory_space<vmem>> -> memref<80x256xf32, #tpu.memory_space<vmem>>
        %parallel_loop3A_697 = arith.index_cast %parallel_loop3A_320 : i32 to index
        %parallel_loop3A_698 = arith.constant 112 : index
        %parallel_loop3A_699 = tpu.vector_load %parallel_loop3A_696[%parallel_loop3A_697, %parallel_loop3A_698] {strides = array<i32>} : memref<80x256xf32, #tpu.memory_space<vmem>>, vector<16xf32>,
        %parallel_loop3A_700 = arith.constant 0 : i32
        %parallel_loop3A_701 = arith.constant 0 : i32
        %parallel_loop3A_702 = tpu.memref_slice %arg7[%parallel_loop3A_216, %parallel_loop3A_700, %parallel_loop3A_701] : memref<2x80x256xf32, #tpu.memory_space<vmem>> -> memref<1x80x256xf32, #tpu.memory_space<vmem>>
        %parallel_loop3A_703 = tpu.memref_squeeze %parallel_loop3A_702 : memref<1x80x256xf32, #tpu.memory_space<vmem>> -> memref<80x256xf32, #tpu.memory_space<vmem>>
        %parallel_loop3A_704 = arith.index_cast %parallel_loop3A_320 : i32 to index
        %parallel_loop3A_705 = arith.constant 240 : index
        %parallel_loop3A_706 = tpu.vector_load %parallel_loop3A_703[%parallel_loop3A_704, %parallel_loop3A_705] {strides = array<i32>} : memref<80x256xf32, #tpu.memory_space<vmem>>, vector<16xf32>,
        %parallel_loop3A_707 = arith.constant 0 : i32
        %parallel_loop3A_708 = arith.constant 0 : i32
        %parallel_loop3A_709 = tpu.memref_slice %arg9[%parallel_loop3A_217, %parallel_loop3A_707, %parallel_loop3A_708] : memref<2x80x256xf32, #tpu.memory_space<vmem>> -> memref<1x80x256xf32, #tpu.memory_space<vmem>>
        %parallel_loop3A_710 = tpu.memref_squeeze %parallel_loop3A_709 : memref<1x80x256xf32, #tpu.memory_space<vmem>> -> memref<80x256xf32, #tpu.memory_space<vmem>>
        %parallel_loop3A_711 = arith.index_cast %parallel_loop3A_320 : i32 to index
        %parallel_loop3A_712 = arith.constant 112 : index
        %parallel_loop3A_713 = tpu.vector_load %parallel_loop3A_710[%parallel_loop3A_711, %parallel_loop3A_712] {strides = array<i32>} : memref<80x256xf32, #tpu.memory_space<vmem>>, vector<16xf32>,
        %parallel_loop3A_714 = arith.constant 0 : i32
        %parallel_loop3A_715 = arith.constant 0 : i32
        %parallel_loop3A_716 = tpu.memref_slice %arg9[%parallel_loop3A_217, %parallel_loop3A_714, %parallel_loop3A_715] : memref<2x80x256xf32, #tpu.memory_space<vmem>> -> memref<1x80x256xf32, #tpu.memory_space<vmem>>
        %parallel_loop3A_717 = tpu.memref_squeeze %parallel_loop3A_716 : memref<1x80x256xf32, #tpu.memory_space<vmem>> -> memref<80x256xf32, #tpu.memory_space<vmem>>
        %parallel_loop3A_718 = arith.index_cast %parallel_loop3A_320 : i32 to index
        %parallel_loop3A_719 = arith.constant 240 : index
        %parallel_loop3A_720 = tpu.vector_load %parallel_loop3A_717[%parallel_loop3A_718, %parallel_loop3A_719] {strides = array<i32>} : memref<80x256xf32, #tpu.memory_space<vmem>>, vector<16xf32>,
        %parallel_loop3A_721 = arith.constant 0 : i32
        %parallel_loop3A_722 = arith.constant 0 : i32
        %parallel_loop3A_723 = tpu.memref_slice %arg8[%parallel_loop3A_218, %parallel_loop3A_721, %parallel_loop3A_722] : memref<2x80x256xf32, #tpu.memory_space<vmem>> -> memref<1x80x256xf32, #tpu.memory_space<vmem>>
        %parallel_loop3A_724 = tpu.memref_squeeze %parallel_loop3A_723 : memref<1x80x256xf32, #tpu.memory_space<vmem>> -> memref<80x256xf32, #tpu.memory_space<vmem>>
        %parallel_loop3A_725 = arith.index_cast %parallel_loop3A_320 : i32 to index
        %parallel_loop3A_726 = arith.constant 112 : index
        %parallel_loop3A_727 = tpu.vector_load %parallel_loop3A_724[%parallel_loop3A_725, %parallel_loop3A_726] {strides = array<i32>} : memref<80x256xf32, #tpu.memory_space<vmem>>, vector<16xf32>,
        %parallel_loop3A_728 = arith.constant 0 : i32
        %parallel_loop3A_729 = arith.constant 0 : i32
        %parallel_loop3A_730 = tpu.memref_slice %arg8[%parallel_loop3A_218, %parallel_loop3A_728, %parallel_loop3A_729] : memref<2x80x256xf32, #tpu.memory_space<vmem>> -> memref<1x80x256xf32, #tpu.memory_space<vmem>>
        %parallel_loop3A_731 = tpu.memref_squeeze %parallel_loop3A_730 : memref<1x80x256xf32, #tpu.memory_space<vmem>> -> memref<80x256xf32, #tpu.memory_space<vmem>>
        %parallel_loop3A_732 = arith.index_cast %parallel_loop3A_320 : i32 to index
        %parallel_loop3A_733 = arith.constant 240 : index
        %parallel_loop3A_734 = tpu.vector_load %parallel_loop3A_731[%parallel_loop3A_732, %parallel_loop3A_733] {strides = array<i32>} : memref<80x256xf32, #tpu.memory_space<vmem>>, vector<16xf32>,
        %parallel_loop3A_735 = arith.mulf %parallel_loop3A_699, %parallel_loop3A_713 : vector<16xf32>
        %parallel_loop3A_736 = arith.mulf %parallel_loop3A_706, %parallel_loop3A_720 : vector<16xf32>
        %parallel_loop3A_737 = arith.subf %parallel_loop3A_735, %parallel_loop3A_736 : vector<16xf32>
        %parallel_loop3A_738 = arith.mulf %parallel_loop3A_727, %parallel_loop3A_737 : vector<16xf32>
        %parallel_loop3A_739 = arith.mulf %parallel_loop3A_699, %parallel_loop3A_720 : vector<16xf32>
        %parallel_loop3A_740 = arith.mulf %parallel_loop3A_706, %parallel_loop3A_713 : vector<16xf32>
        %parallel_loop3A_741 = arith.addf %parallel_loop3A_739, %parallel_loop3A_740 : vector<16xf32>
        %parallel_loop3A_742 = arith.mulf %parallel_loop3A_734, %parallel_loop3A_741 : vector<16xf32>
        %parallel_loop3A_743 = arith.subf %parallel_loop3A_738, %parallel_loop3A_742 : vector<16xf32>
        %parallel_loop3A_744 = arith.addf %parallel_loop3A_536, %parallel_loop3A_743 : vector<16xf32>
        %parallel_loop3A_745 = arith.addf %parallel_loop3A_588, %parallel_loop3A_640 : vector<16xf32>
        %parallel_loop3A_746 = arith.addf %parallel_loop3A_692, %parallel_loop3A_744 : vector<16xf32>
        %parallel_loop3A_747 = arith.addf %parallel_loop3A_745, %parallel_loop3A_746 : vector<16xf32>
        %parallel_loop3A_748 = arith.constant true
        %parallel_loop3A_749 = vector.broadcast %parallel_loop3A_748 : i1 to vector<16xi1>
        %parallel_loop3A_750 = tpu.scan <sum>, %parallel_loop3A_747 masked %parallel_loop3A_749 : vector<16xf32>, vector<16xi1> -> vector<16xf32>
        %parallel_loop3A_751 = vector.extract %parallel_loop3A_750[15] : f32 from vector<16xf32>
        %parallel_loop3A_752 = vector.broadcast %parallel_loop3A_751 : f32 to vector<16xf32>
        %parallel_loop3A_753 = vector.broadcast %parallel_loop3A_320 : i32 to vector<16xi32>
        %parallel_loop3A_754 = arith.constant 0 : i32
        %parallel_loop3A_755 = tpu.memref_slice %arg10[%parallel_loop3A_219, %parallel_loop3A_754] : memref<2x80xf32, #tpu.memory_space<vmem>> -> memref<1x80xf32, #tpu.memory_space<vmem>>
        %parallel_loop3A_756 = tpu.memref_squeeze %parallel_loop3A_755 : memref<1x80xf32, #tpu.memory_space<vmem>> -> memref<80xf32, #tpu.memory_space<vmem>>
        tpu.vector_store_idx %parallel_loop3A_756[%parallel_loop3A_753], %parallel_loop3A_752 masked %lt3A_4 : memref<80xf32, #tpu.memory_space<vmem>>[vector<16xi32>], vector<16xf32>, vector<16xi1>
      } {sc.loop_unroll_factor = 4 : i64, sc.parallel_access}
      %mul3A_220 = arith.constant 80 : i32
      %mul3A_221 = arith.muli %mul3A_149, %mul3A_220 : i32
      %add3A_222 = arith.addi %mul3A_2, %mul3A_221 : i32
      %dma_start3A_223 = arith.constant 0 : i32
      %dma_start3A_224 = arith.constant 0 : i32
      %dma_start3A_225 = tpu.memref_slice %arg10[%dma_start3A_223, %dma_start3A_224] : memref<2x80xf32, #tpu.memory_space<vmem>> -> memref<1x80xf32, #tpu.memory_space<vmem>>
      %dma_start3A_226 = tpu.memref_squeeze %dma_start3A_225 : memref<1x80xf32, #tpu.memory_space<vmem>> -> memref<80xf32, #tpu.memory_space<vmem>>
      %dma_start3A_227 = tpu.memref_slice %arg5[%add3A_222] : memref<320000xf32, #tpu.memory_space<hbm>> -> memref<80xf32, #tpu.memory_space<hbm>>
      %dma_start3A_228 = tpu.memref_slice %arg5[%add3A_222] : memref<320000xf32, #tpu.memory_space<hbm>> -> memref<80xf32, #tpu.memory_space<hbm>>
      %dma_start3A_229 = arith.constant 0 : i32
      %dma_start3A_230 = tpu.memref_slice %arg10[%dma_start3A_223, %dma_start3A_229] : memref<2x80xf32, #tpu.memory_space<vmem>> -> memref<1x80xf32, #tpu.memory_space<vmem>>
      %dma_start3A_231 = tpu.memref_squeeze %dma_start3A_230 : memref<1x80xf32, #tpu.memory_space<vmem>> -> memref<80xf32, #tpu.memory_space<vmem>>
      tpu.enqueue_dma source(%dma_start3A_231 : memref<80xf32, #tpu.memory_space<vmem>>) target(%dma_start3A_228 : memref<80xf32, #tpu.memory_space<hbm>>) target_semaphore(%arg15 : memref<!tpu.dma_semaphore, #tpu.memory_space<semaphore_mem>>)
      %dma_wait3A_232 = arith.constant 1 : i32
      %dma_wait3A_233 = arith.constant 0 : i32
      %dma_wait3A_234 = arith.constant 1 : i32
      %dma_wait3A_235 = arith.constant 0 : i32
      %dma_wait3A_236 = arith.constant 0 : i32
      %dma_wait3A_237 = tpu.memref_slice %arg7[%dma_wait3A_234, %dma_wait3A_235, %dma_wait3A_236] : memref<2x80x256xf32, #tpu.memory_space<vmem>> -> memref<1x80x256xf32, #tpu.memory_space<vmem>>
      %dma_wait3A_238 = tpu.memref_squeeze %dma_wait3A_237 : memref<1x80x256xf32, #tpu.memory_space<vmem>> -> memref<80x256xf32, #tpu.memory_space<vmem>>
      %dma_wait3A_239 = arith.constant 0 : i32
      %dma_wait3A_240 = tpu.memref_slice %arg6[%dma_wait3A_232, %dma_wait3A_233, %dma_wait3A_239] : memref<2x3x80xi32, #tpu.memory_space<vmem>> -> memref<1x1x80xi32, #tpu.memory_space<vmem>>
      %dma_wait3A_241 = tpu.memref_squeeze %dma_wait3A_240 : memref<1x1x80xi32, #tpu.memory_space<vmem>> -> memref<80xi32, #tpu.memory_space<vmem>>
      %dma_wait3A_242 = arith.constant 0 : i32
      %dma_wait3A_243 = arith.constant 0 : i32
      %dma_wait3A_244 = tpu.memref_slice %arg2[%dma_wait3A_242, %dma_wait3A_243] : memref<10000x256xf32, #tpu.memory_space<hbm>> -> memref<10000x256xf32, #tpu.memory_space<hbm>>
      tpu.wait_indirect_dma semaphore(%arg12 : memref<!tpu.dma_semaphore, #tpu.memory_space<semaphore_mem>>) src(%dma_wait3A_244 : memref<10000x256xf32, #tpu.memory_space<hbm>>) dst(%dma_wait3A_238 : memref<80x256xf32, #tpu.memory_space<vmem>>)
      %dma_wait3A_245 = arith.constant 1 : i32
      %dma_wait3A_246 = arith.constant 1 : i32
      %dma_wait3A_247 = arith.constant 1 : i32
      %dma_wait3A_248 = arith.constant 0 : i32
      %dma_wait3A_249 = arith.constant 0 : i32
      %dma_wait3A_250 = tpu.memref_slice %arg8[%dma_wait3A_247, %dma_wait3A_248, %dma_wait3A_249] : memref<2x80x256xf32, #tpu.memory_space<vmem>> -> memref<1x80x256xf32, #tpu.memory_space<vmem>>
      %dma_wait3A_251 = tpu.memref_squeeze %dma_wait3A_250 : memref<1x80x256xf32, #tpu.memory_space<vmem>> -> memref<80x256xf32, #tpu.memory_space<vmem>>
      %dma_wait3A_252 = arith.constant 0 : i32
      %dma_wait3A_253 = tpu.memref_slice %arg6[%dma_wait3A_245, %dma_wait3A_246, %dma_wait3A_252] : memref<2x3x80xi32, #tpu.memory_space<vmem>> -> memref<1x1x80xi32, #tpu.memory_space<vmem>>
      %dma_wait3A_254 = tpu.memref_squeeze %dma_wait3A_253 : memref<1x1x80xi32, #tpu.memory_space<vmem>> -> memref<80xi32, #tpu.memory_space<vmem>>
      %dma_wait3A_255 = arith.constant 0 : i32
      %dma_wait3A_256 = arith.constant 0 : i32
      %dma_wait3A_257 = tpu.memref_slice %arg2[%dma_wait3A_255, %dma_wait3A_256] : memref<10000x256xf32, #tpu.memory_space<hbm>> -> memref<10000x256xf32, #tpu.memory_space<hbm>>
      tpu.wait_indirect_dma semaphore(%arg12 : memref<!tpu.dma_semaphore, #tpu.memory_space<semaphore_mem>>) src(%dma_wait3A_257 : memref<10000x256xf32, #tpu.memory_space<hbm>>) dst(%dma_wait3A_251 : memref<80x256xf32, #tpu.memory_space<vmem>>)
      %dma_wait3A_258 = arith.constant 1 : i32
      %dma_wait3A_259 = arith.constant 2 : i32
      %dma_wait3A_260 = arith.constant 1 : i32
      %dma_wait3A_261 = arith.constant 0 : i32
      %dma_wait3A_262 = arith.constant 0 : i32
      %dma_wait3A_263 = tpu.memref_slice %arg9[%dma_wait3A_260, %dma_wait3A_261, %dma_wait3A_262] : memref<2x80x256xf32, #tpu.memory_space<vmem>> -> memref<1x80x256xf32, #tpu.memory_space<vmem>>
      %dma_wait3A_264 = tpu.memref_squeeze %dma_wait3A_263 : memref<1x80x256xf32, #tpu.memory_space<vmem>> -> memref<80x256xf32, #tpu.memory_space<vmem>>
      %dma_wait3A_265 = arith.constant 0 : i32
      %dma_wait3A_266 = tpu.memref_slice %arg6[%dma_wait3A_258, %dma_wait3A_259, %dma_wait3A_265] : memref<2x3x80xi32, #tpu.memory_space<vmem>> -> memref<1x1x80xi32, #tpu.memory_space<vmem>>
      %dma_wait3A_267 = tpu.memref_squeeze %dma_wait3A_266 : memref<1x1x80xi32, #tpu.memory_space<vmem>> -> memref<80xi32, #tpu.memory_space<vmem>>
      %dma_wait3A_268 = arith.constant 0 : i32
      %dma_wait3A_269 = arith.constant 0 : i32
      %dma_wait3A_270 = tpu.memref_slice %arg3[%dma_wait3A_268, %dma_wait3A_269] : memref<1000x256xf32, #tpu.memory_space<hbm>> -> memref<1000x256xf32, #tpu.memory_space<hbm>>
      tpu.wait_indirect_dma semaphore(%arg12 : memref<!tpu.dma_semaphore, #tpu.memory_space<semaphore_mem>>) src(%dma_wait3A_270 : memref<1000x256xf32, #tpu.memory_space<hbm>>) dst(%dma_wait3A_264 : memref<80x256xf32, #tpu.memory_space<vmem>>)
      %add3A_271 = arith.constant 3 : i32
      %add3A_272 = arith.addi %mul3A_149, %add3A_271 : i32
      %lt3A_273 = arith.constant 125 : i32
      %lt3A_274 = arith.cmpi slt, %add3A_272, %lt3A_273 : i32
      %convert_element_type3A_275 = arith.extui %lt3A_274 : i1 to i32
      %cond3A_276 = arith.constant 0 : i32
      %cond3A_277 = arith.cmpi ne, %convert_element_type3A_275, %cond3A_276 : i32
      scf.if %cond3A_277 {
        %mul3A_320 = arith.constant 80 : i32
        %mul3A_321 = arith.muli %add3A_272, %mul3A_320 : i32
        %add3A_322 = arith.addi %mul3A_2, %mul3A_321 : i32
        %dma_start3A_323 = arith.constant 1 : i32
        %dma_start3A_324 = arith.constant 0 : i32
        %dma_start3A_325 = arith.constant 0 : i32
        %dma_start3A_326 = tpu.memref_slice %arg6[%dma_start3A_323, %dma_start3A_324, %dma_start3A_325] : memref<2x3x80xi32, #tpu.memory_space<vmem>> -> memref<1x3x80xi32, #tpu.memory_space<vmem>>
        %dma_start3A_327 = tpu.memref_squeeze %dma_start3A_326 : memref<1x3x80xi32, #tpu.memory_space<vmem>> -> memref<3x80xi32, #tpu.memory_space<vmem>>
        %dma_start3A_328 = arith.constant 0 : i32
        %dma_start3A_329 = tpu.memref_slice %arg4[%dma_start3A_328, %add3A_322] : memref<3x320000xi32, #tpu.memory_space<hbm>> -> memref<3x80xi32, #tpu.memory_space<hbm>>
        %dma_start3A_330 = arith.constant 0 : i32
        %dma_start3A_331 = arith.constant 0 : i32
        %dma_start3A_332 = tpu.memref_slice %arg6[%dma_start3A_323, %dma_start3A_330, %dma_start3A_331] : memref<2x3x80xi32, #tpu.memory_space<vmem>> -> memref<1x3x80xi32, #tpu.memory_space<vmem>>
        %dma_start3A_333 = tpu.memref_squeeze %dma_start3A_332 : memref<1x3x80xi32, #tpu.memory_space<vmem>> -> memref<3x80xi32, #tpu.memory_space<vmem>>
        %dma_start3A_334 = arith.constant 0 : i32
        %dma_start3A_335 = tpu.memref_slice %arg4[%dma_start3A_334, %add3A_322] : memref<3x320000xi32, #tpu.memory_space<hbm>> -> memref<3x80xi32, #tpu.memory_space<hbm>>
        tpu.enqueue_dma source(%dma_start3A_335 : memref<3x80xi32, #tpu.memory_space<hbm>>) target(%dma_start3A_333 : memref<3x80xi32, #tpu.memory_space<vmem>>) target_semaphore(%arg14 : memref<!tpu.dma_semaphore, #tpu.memory_space<semaphore_mem>>)
      } else {
      }
      %add3A_278 = arith.constant 2 : i32
      %add3A_279 = arith.addi %mul3A_149, %add3A_278 : i32
      %lt3A_280 = arith.constant 125 : i32
      %lt3A_281 = arith.cmpi slt, %add3A_279, %lt3A_280 : i32
      %convert_element_type3A_282 = arith.extui %lt3A_281 : i1 to i32
      %cond3A_283 = arith.constant 0 : i32
      %cond3A_284 = arith.cmpi ne, %convert_element_type3A_282, %cond3A_283 : i32
      scf.if %cond3A_284 {
        %dma_wait3A_320 = arith.constant 0 : i32
        %dma_wait3A_321 = arith.constant 0 : i32
        %dma_wait3A_322 = arith.constant 0 : i32
        %dma_wait3A_323 = tpu.memref_slice %arg6[%dma_wait3A_320, %dma_wait3A_321, %dma_wait3A_322] : memref<2x3x80xi32, #tpu.memory_space<vmem>> -> memref<1x3x80xi32, #tpu.memory_space<vmem>>
        %dma_wait3A_324 = tpu.memref_squeeze %dma_wait3A_323 : memref<1x3x80xi32, #tpu.memory_space<vmem>> -> memref<3x80xi32, #tpu.memory_space<vmem>>
        %dma_wait3A_325 = arith.constant 0 : i32
        %dma_wait3A_326 = tpu.memref_slice %arg4[%dma_wait3A_325, %mul3A_2] : memref<3x320000xi32, #tpu.memory_space<hbm>> -> memref<3x80xi32, #tpu.memory_space<hbm>>
        %dma_wait3A_327 = arith.constant 0 : i32
        %dma_wait3A_328 = arith.constant 0 : i32
        %dma_wait3A_329 = tpu.memref_slice %arg6[%dma_wait3A_320, %dma_wait3A_327, %dma_wait3A_328] : memref<2x3x80xi32, #tpu.memory_space<vmem>> -> memref<1x3x80xi32, #tpu.memory_space<vmem>>
        %dma_wait3A_330 = tpu.memref_squeeze %dma_wait3A_329 : memref<1x3x80xi32, #tpu.memory_space<vmem>> -> memref<3x80xi32, #tpu.memory_space<vmem>>
        %dma_wait3A_331 = arith.constant 0 : i32
        %dma_wait3A_332 = tpu.memref_slice %arg4[%dma_wait3A_331, %mul3A_2] : memref<3x320000xi32, #tpu.memory_space<hbm>> -> memref<3x80xi32, #tpu.memory_space<hbm>>
        tpu.wait_dma2 semaphore(%arg13 : memref<!tpu.dma_semaphore, #tpu.memory_space<semaphore_mem>>) src(%dma_wait3A_332 : memref<3x80xi32, #tpu.memory_space<hbm>>) dst(%dma_wait3A_330 : memref<3x80xi32, #tpu.memory_space<vmem>>)
      } else {
      }
      %add3A_285 = arith.constant 2 : i32
      %add3A_286 = arith.addi %mul3A_149, %add3A_285 : i32
      %lt3A_287 = arith.constant 125 : i32
      %lt3A_288 = arith.cmpi slt, %add3A_286, %lt3A_287 : i32
      %convert_element_type3A_289 = arith.extui %lt3A_288 : i1 to i32
      %cond3A_290 = arith.constant 0 : i32
      %cond3A_291 = arith.cmpi ne, %convert_element_type3A_289, %cond3A_290 : i32
      scf.if %cond3A_291 {
        %dma_start3A_320 = arith.constant 0 : i32
        %dma_start3A_321 = arith.constant 0 : i32
        %dma_start3A_322 = arith.constant 0 : i32
        %dma_start3A_323 = arith.constant 0 : i32
        %dma_start3A_324 = arith.constant 0 : i32
        %dma_start3A_325 = tpu.memref_slice %arg7[%dma_start3A_322, %dma_start3A_323, %dma_start3A_324] : memref<2x80x256xf32, #tpu.memory_space<vmem>> -> memref<1x80x256xf32, #tpu.memory_space<vmem>>
        %dma_start3A_326 = tpu.memref_squeeze %dma_start3A_325 : memref<1x80x256xf32, #tpu.memory_space<vmem>> -> memref<80x256xf32, #tpu.memory_space<vmem>>
        %dma_start3A_327 = arith.constant 0 : i32
        %dma_start3A_328 = tpu.memref_slice %arg6[%dma_start3A_320, %dma_start3A_321, %dma_start3A_327] : memref<2x3x80xi32, #tpu.memory_space<vmem>> -> memref<1x1x80xi32, #tpu.memory_space<vmem>>
        %dma_start3A_329 = tpu.memref_squeeze %dma_start3A_328 : memref<1x1x80xi32, #tpu.memory_space<vmem>> -> memref<80xi32, #tpu.memory_space<vmem>>
        %dma_start3A_330 = arith.constant 0 : i32
        %dma_start3A_331 = arith.constant 0 : i32
        %dma_start3A_332 = tpu.memref_slice %arg2[%dma_start3A_330, %dma_start3A_331] : memref<10000x256xf32, #tpu.memory_space<hbm>> -> memref<10000x256xf32, #tpu.memory_space<hbm>>
        tpu.enqueue_indirect_dma source(%dma_start3A_332 : memref<10000x256xf32, #tpu.memory_space<hbm>>) target(%dma_start3A_326 : memref<80x256xf32, #tpu.memory_space<vmem>>) offsets(%dma_start3A_329 : memref<80xi32, #tpu.memory_space<vmem>>) semaphore(%arg11 : memref<!tpu.dma_semaphore, #tpu.memory_space<semaphore_mem>>)
        %dma_start3A_333 = arith.constant 0 : i32
        %dma_start3A_334 = arith.constant 1 : i32
        %dma_start3A_335 = arith.constant 0 : i32
        %dma_start3A_336 = arith.constant 0 : i32
        %dma_start3A_337 = arith.constant 0 : i32
        %dma_start3A_338 = tpu.memref_slice %arg8[%dma_start3A_335, %dma_start3A_336, %dma_start3A_337] : memref<2x80x256xf32, #tpu.memory_space<vmem>> -> memref<1x80x256xf32, #tpu.memory_space<vmem>>
        %dma_start3A_339 = tpu.memref_squeeze %dma_start3A_338 : memref<1x80x256xf32, #tpu.memory_space<vmem>> -> memref<80x256xf32, #tpu.memory_space<vmem>>
        %dma_start3A_340 = arith.constant 0 : i32
        %dma_start3A_341 = tpu.memref_slice %arg6[%dma_start3A_333, %dma_start3A_334, %dma_start3A_340] : memref<2x3x80xi32, #tpu.memory_space<vmem>> -> memref<1x1x80xi32, #tpu.memory_space<vmem>>
        %dma_start3A_342 = tpu.memref_squeeze %dma_start3A_341 : memref<1x1x80xi32, #tpu.memory_space<vmem>> -> memref<80xi32, #tpu.memory_space<vmem>>
        %dma_start3A_343 = arith.constant 0 : i32
        %dma_start3A_344 = arith.constant 0 : i32
        %dma_start3A_345 = tpu.memref_slice %arg2[%dma_start3A_343, %dma_start3A_344] : memref<10000x256xf32, #tpu.memory_space<hbm>> -> memref<10000x256xf32, #tpu.memory_space<hbm>>
        tpu.enqueue_indirect_dma source(%dma_start3A_345 : memref<10000x256xf32, #tpu.memory_space<hbm>>) target(%dma_start3A_339 : memref<80x256xf32, #tpu.memory_space<vmem>>) offsets(%dma_start3A_342 : memref<80xi32, #tpu.memory_space<vmem>>) semaphore(%arg11 : memref<!tpu.dma_semaphore, #tpu.memory_space<semaphore_mem>>)
        %dma_start3A_346 = arith.constant 0 : i32
        %dma_start3A_347 = arith.constant 2 : i32
        %dma_start3A_348 = arith.constant 0 : i32
        %dma_start3A_349 = arith.constant 0 : i32
        %dma_start3A_350 = arith.constant 0 : i32
        %dma_start3A_351 = tpu.memref_slice %arg9[%dma_start3A_348, %dma_start3A_349, %dma_start3A_350] : memref<2x80x256xf32, #tpu.memory_space<vmem>> -> memref<1x80x256xf32, #tpu.memory_space<vmem>>
        %dma_start3A_352 = tpu.memref_squeeze %dma_start3A_351 : memref<1x80x256xf32, #tpu.memory_space<vmem>> -> memref<80x256xf32, #tpu.memory_space<vmem>>
        %dma_start3A_353 = arith.constant 0 : i32
        %dma_start3A_354 = tpu.memref_slice %arg6[%dma_start3A_346, %dma_start3A_347, %dma_start3A_353] : memref<2x3x80xi32, #tpu.memory_space<vmem>> -> memref<1x1x80xi32, #tpu.memory_space<vmem>>
        %dma_start3A_355 = tpu.memref_squeeze %dma_start3A_354 : memref<1x1x80xi32, #tpu.memory_space<vmem>> -> memref<80xi32, #tpu.memory_space<vmem>>
        %dma_start3A_356 = arith.constant 0 : i32
        %dma_start3A_357 = arith.constant 0 : i32
        %dma_start3A_358 = tpu.memref_slice %arg3[%dma_start3A_356, %dma_start3A_357] : memref<1000x256xf32, #tpu.memory_space<hbm>> -> memref<1000x256xf32, #tpu.memory_space<hbm>>
        tpu.enqueue_indirect_dma source(%dma_start3A_358 : memref<1000x256xf32, #tpu.memory_space<hbm>>) target(%dma_start3A_352 : memref<80x256xf32, #tpu.memory_space<vmem>>) offsets(%dma_start3A_355 : memref<80xi32, #tpu.memory_space<vmem>>) semaphore(%arg11 : memref<!tpu.dma_semaphore, #tpu.memory_space<semaphore_mem>>)
      } else {
      }
      %add3A_292 = arith.constant 1 : i32
      %add3A_293 = arith.addi %mul3A_149, %add3A_292 : i32
      %sub3A_294 = arith.constant 2 : i32
      %sub3A_295 = arith.subi %add3A_293, %sub3A_294 : i32
      %ge3A_296 = arith.constant 0 : i32
      %ge3A_297 = arith.cmpi sge, %sub3A_295, %ge3A_296 : i32
      %convert_element_type3A_298 = arith.extui %ge3A_297 : i1 to i32
      %cond3A_299 = arith.constant 0 : i32
      %cond3A_300 = arith.cmpi ne, %convert_element_type3A_298, %cond3A_299 : i32
      scf.if %cond3A_300 {
        %dma_wait3A_320 = arith.constant 1 : i32
        %dma_wait3A_321 = arith.constant 0 : i32
        %dma_wait3A_322 = tpu.memref_slice %arg10[%dma_wait3A_320, %dma_wait3A_321] : memref<2x80xf32, #tpu.memory_space<vmem>> -> memref<1x80xf32, #tpu.memory_space<vmem>>
        %dma_wait3A_323 = tpu.memref_squeeze %dma_wait3A_322 : memref<1x80xf32, #tpu.memory_space<vmem>> -> memref<80xf32, #tpu.memory_space<vmem>>
        %dma_wait3A_324 = tpu.memref_slice %arg5[%mul3A_2] : memref<320000xf32, #tpu.memory_space<hbm>> -> memref<80xf32, #tpu.memory_space<hbm>>
        %dma_wait3A_325 = tpu.memref_slice %arg5[%mul3A_2] : memref<320000xf32, #tpu.memory_space<hbm>> -> memref<80xf32, #tpu.memory_space<hbm>>
        %dma_wait3A_326 = arith.constant 0 : i32
        %dma_wait3A_327 = tpu.memref_slice %arg10[%dma_wait3A_320, %dma_wait3A_326] : memref<2x80xf32, #tpu.memory_space<vmem>> -> memref<1x80xf32, #tpu.memory_space<vmem>>
        %dma_wait3A_328 = tpu.memref_squeeze %dma_wait3A_327 : memref<1x80xf32, #tpu.memory_space<vmem>> -> memref<80xf32, #tpu.memory_space<vmem>>
        tpu.wait_dma2 semaphore(%arg16 : memref<!tpu.dma_semaphore, #tpu.memory_space<semaphore_mem>>) src(%dma_wait3A_328 : memref<80xf32, #tpu.memory_space<vmem>>) dst(%dma_wait3A_325 : memref<80xf32, #tpu.memory_space<hbm>>)
      } else {
      }
      %parallel_loop3A_301 = arith.constant 0 : i32
      %parallel_loop3A_302 = arith.constant 80 : i32
      %parallel_loop3A_303 = arith.constant 1 : i32
      %parallel_loop3A_304 = arith.constant 1 : i32
      %parallel_loop3A_305 = arith.constant 1 : i32
      %parallel_loop3A_306 = arith.constant 1 : i32
      %parallel_loop3A_307 = arith.constant 1 : i32
      scf.for %parallel_loop3A_320 = %parallel_loop3A_301 to %parallel_loop3A_302 step %parallel_loop3A_303  : i32 {
        %parallel_loop3A_321 = arith.constant 0.000000e+00 : f32
        %parallel_loop3A_322 = vector.broadcast %parallel_loop3A_321 : f32 to vector<16xf32>
        %parallel_loop3A_323 = arith.constant 0.000000e+00 : f32
        %parallel_loop3A_324 = vector.broadcast %parallel_loop3A_323 : f32 to vector<16xf32>
        %parallel_loop3A_325 = arith.constant 0.000000e+00 : f32
        %parallel_loop3A_326 = vector.broadcast %parallel_loop3A_325 : f32 to vector<16xf32>
        %parallel_loop3A_327 = arith.constant 0.000000e+00 : f32
        %parallel_loop3A_328 = vector.broadcast %parallel_loop3A_327 : f32 to vector<16xf32>
        %parallel_loop3A_329 = arith.constant 0 : i32
        %parallel_loop3A_330 = arith.constant 0 : i32
        %parallel_loop3A_331 = tpu.memref_slice %arg7[%parallel_loop3A_304, %parallel_loop3A_329, %parallel_loop3A_330] : memref<2x80x256xf32, #tpu.memory_space<vmem>> -> memref<1x80x256xf32, #tpu.memory_space<vmem>>
        %parallel_loop3A_332 = tpu.memref_squeeze %parallel_loop3A_331 : memref<1x80x256xf32, #tpu.memory_space<vmem>> -> memref<80x256xf32, #tpu.memory_space<vmem>>
        %parallel_loop3A_333 = arith.index_cast %parallel_loop3A_320 : i32 to index
        %parallel_loop3A_334 = arith.constant 0 : index
        %parallel_loop3A_335 = tpu.vector_load %parallel_loop3A_332[%parallel_loop3A_333, %parallel_loop3A_334] {strides = array<i32>} : memref<80x256xf32, #tpu.memory_space<vmem>>, vector<16xf32>,
        %parallel_loop3A_336 = arith.constant 0 : i32
        %parallel_loop3A_337 = arith.constant 0 : i32
        %parallel_loop3A_338 = tpu.memref_slice %arg7[%parallel_loop3A_304, %parallel_loop3A_336, %parallel_loop3A_337] : memref<2x80x256xf32, #tpu.memory_space<vmem>> -> memref<1x80x256xf32, #tpu.memory_space<vmem>>
        %parallel_loop3A_339 = tpu.memref_squeeze %parallel_loop3A_338 : memref<1x80x256xf32, #tpu.memory_space<vmem>> -> memref<80x256xf32, #tpu.memory_space<vmem>>
        %parallel_loop3A_340 = arith.index_cast %parallel_loop3A_320 : i32 to index
        %parallel_loop3A_341 = arith.constant 128 : index
        %parallel_loop3A_342 = tpu.vector_load %parallel_loop3A_339[%parallel_loop3A_340, %parallel_loop3A_341] {strides = array<i32>} : memref<80x256xf32, #tpu.memory_space<vmem>>, vector<16xf32>,
        %parallel_loop3A_343 = arith.constant 0 : i32
        %parallel_loop3A_344 = arith.constant 0 : i32
        %parallel_loop3A_345 = tpu.memref_slice %arg9[%parallel_loop3A_305, %parallel_loop3A_343, %parallel_loop3A_344] : memref<2x80x256xf32, #tpu.memory_space<vmem>> -> memref<1x80x256xf32, #tpu.memory_space<vmem>>
        %parallel_loop3A_346 = tpu.memref_squeeze %parallel_loop3A_345 : memref<1x80x256xf32, #tpu.memory_space<vmem>> -> memref<80x256xf32, #tpu.memory_space<vmem>>
        %parallel_loop3A_347 = arith.index_cast %parallel_loop3A_320 : i32 to index
        %parallel_loop3A_348 = arith.constant 0 : index
        %parallel_loop3A_349 = tpu.vector_load %parallel_loop3A_346[%parallel_loop3A_347, %parallel_loop3A_348] {strides = array<i32>} : memref<80x256xf32, #tpu.memory_space<vmem>>, vector<16xf32>,
        %parallel_loop3A_350 = arith.constant 0 : i32
        %parallel_loop3A_351 = arith.constant 0 : i32
        %parallel_loop3A_352 = tpu.memref_slice %arg9[%parallel_loop3A_305, %parallel_loop3A_350, %parallel_loop3A_351] : memref<2x80x256xf32, #tpu.memory_space<vmem>> -> memref<1x80x256xf32, #tpu.memory_space<vmem>>
        %parallel_loop3A_353 = tpu.memref_squeeze %parallel_loop3A_352 : memref<1x80x256xf32, #tpu.memory_space<vmem>> -> memref<80x256xf32, #tpu.memory_space<vmem>>
        %parallel_loop3A_354 = arith.index_cast %parallel_loop3A_320 : i32 to index
        %parallel_loop3A_355 = arith.constant 128 : index
        %parallel_loop3A_356 = tpu.vector_load %parallel_loop3A_353[%parallel_loop3A_354, %parallel_loop3A_355] {strides = array<i32>} : memref<80x256xf32, #tpu.memory_space<vmem>>, vector<16xf32>,
        %parallel_loop3A_357 = arith.constant 0 : i32
        %parallel_loop3A_358 = arith.constant 0 : i32
        %parallel_loop3A_359 = tpu.memref_slice %arg8[%parallel_loop3A_306, %parallel_loop3A_357, %parallel_loop3A_358] : memref<2x80x256xf32, #tpu.memory_space<vmem>> -> memref<1x80x256xf32, #tpu.memory_space<vmem>>
        %parallel_loop3A_360 = tpu.memref_squeeze %parallel_loop3A_359 : memref<1x80x256xf32, #tpu.memory_space<vmem>> -> memref<80x256xf32, #tpu.memory_space<vmem>>
        %parallel_loop3A_361 = arith.index_cast %parallel_loop3A_320 : i32 to index
        %parallel_loop3A_362 = arith.constant 0 : index
        %parallel_loop3A_363 = tpu.vector_load %parallel_loop3A_360[%parallel_loop3A_361, %parallel_loop3A_362] {strides = array<i32>} : memref<80x256xf32, #tpu.memory_space<vmem>>, vector<16xf32>,
        %parallel_loop3A_364 = arith.constant 0 : i32
        %parallel_loop3A_365 = arith.constant 0 : i32
        %parallel_loop3A_366 = tpu.memref_slice %arg8[%parallel_loop3A_306, %parallel_loop3A_364, %parallel_loop3A_365] : memref<2x80x256xf32, #tpu.memory_space<vmem>> -> memref<1x80x256xf32, #tpu.memory_space<vmem>>
        %parallel_loop3A_367 = tpu.memref_squeeze %parallel_loop3A_366 : memref<1x80x256xf32, #tpu.memory_space<vmem>> -> memref<80x256xf32, #tpu.memory_space<vmem>>
        %parallel_loop3A_368 = arith.index_cast %parallel_loop3A_320 : i32 to index
        %parallel_loop3A_369 = arith.constant 128 : index
        %parallel_loop3A_370 = tpu.vector_load %parallel_loop3A_367[%parallel_loop3A_368, %parallel_loop3A_369] {strides = array<i32>} : memref<80x256xf32, #tpu.memory_space<vmem>>, vector<16xf32>,
        %parallel_loop3A_371 = arith.mulf %parallel_loop3A_335, %parallel_loop3A_349 : vector<16xf32>
        %parallel_loop3A_372 = arith.mulf %parallel_loop3A_342, %parallel_loop3A_356 : vector<16xf32>
        %parallel_loop3A_373 = arith.subf %parallel_loop3A_371, %parallel_loop3A_372 : vector<16xf32>
        %parallel_loop3A_374 = arith.mulf %parallel_loop3A_363, %parallel_loop3A_373 : vector<16xf32>
        %parallel_loop3A_375 = arith.mulf %parallel_loop3A_335, %parallel_loop3A_356 : vector<16xf32>
        %parallel_loop3A_376 = arith.mulf %parallel_loop3A_342, %parallel_loop3A_349 : vector<16xf32>
        %parallel_loop3A_377 = arith.addf %parallel_loop3A_375, %parallel_loop3A_376 : vector<16xf32>
        %parallel_loop3A_378 = arith.mulf %parallel_loop3A_370, %parallel_loop3A_377 : vector<16xf32>
        %parallel_loop3A_379 = arith.subf %parallel_loop3A_374, %parallel_loop3A_378 : vector<16xf32>
        %parallel_loop3A_380 = arith.addf %parallel_loop3A_322, %parallel_loop3A_379 : vector<16xf32>
        %parallel_loop3A_381 = arith.constant 0 : i32
        %parallel_loop3A_382 = arith.constant 0 : i32
        %parallel_loop3A_383 = tpu.memref_slice %arg7[%parallel_loop3A_304, %parallel_loop3A_381, %parallel_loop3A_382] : memref<2x80x256xf32, #tpu.memory_space<vmem>> -> memref<1x80x256xf32, #tpu.memory_space<vmem>>
        %parallel_loop3A_384 = tpu.memref_squeeze %parallel_loop3A_383 : memref<1x80x256xf32, #tpu.memory_space<vmem>> -> memref<80x256xf32, #tpu.memory_space<vmem>>
        %parallel_loop3A_385 = arith.index_cast %parallel_loop3A_320 : i32 to index
        %parallel_loop3A_386 = arith.constant 16 : index
        %parallel_loop3A_387 = tpu.vector_load %parallel_loop3A_384[%parallel_loop3A_385, %parallel_loop3A_386] {strides = array<i32>} : memref<80x256xf32, #tpu.memory_space<vmem>>, vector<16xf32>,
        %parallel_loop3A_388 = arith.constant 0 : i32
        %parallel_loop3A_389 = arith.constant 0 : i32
        %parallel_loop3A_390 = tpu.memref_slice %arg7[%parallel_loop3A_304, %parallel_loop3A_388, %parallel_loop3A_389] : memref<2x80x256xf32, #tpu.memory_space<vmem>> -> memref<1x80x256xf32, #tpu.memory_space<vmem>>
        %parallel_loop3A_391 = tpu.memref_squeeze %parallel_loop3A_390 : memref<1x80x256xf32, #tpu.memory_space<vmem>> -> memref<80x256xf32, #tpu.memory_space<vmem>>
        %parallel_loop3A_392 = arith.index_cast %parallel_loop3A_320 : i32 to index
        %parallel_loop3A_393 = arith.constant 144 : index
        %parallel_loop3A_394 = tpu.vector_load %parallel_loop3A_391[%parallel_loop3A_392, %parallel_loop3A_393] {strides = array<i32>} : memref<80x256xf32, #tpu.memory_space<vmem>>, vector<16xf32>,
        %parallel_loop3A_395 = arith.constant 0 : i32
        %parallel_loop3A_396 = arith.constant 0 : i32
        %parallel_loop3A_397 = tpu.memref_slice %arg9[%parallel_loop3A_305, %parallel_loop3A_395, %parallel_loop3A_396] : memref<2x80x256xf32, #tpu.memory_space<vmem>> -> memref<1x80x256xf32, #tpu.memory_space<vmem>>
        %parallel_loop3A_398 = tpu.memref_squeeze %parallel_loop3A_397 : memref<1x80x256xf32, #tpu.memory_space<vmem>> -> memref<80x256xf32, #tpu.memory_space<vmem>>
        %parallel_loop3A_399 = arith.index_cast %parallel_loop3A_320 : i32 to index
        %parallel_loop3A_400 = arith.constant 16 : index
        %parallel_loop3A_401 = tpu.vector_load %parallel_loop3A_398[%parallel_loop3A_399, %parallel_loop3A_400] {strides = array<i32>} : memref<80x256xf32, #tpu.memory_space<vmem>>, vector<16xf32>,
        %parallel_loop3A_402 = arith.constant 0 : i32
        %parallel_loop3A_403 = arith.constant 0 : i32
        %parallel_loop3A_404 = tpu.memref_slice %arg9[%parallel_loop3A_305, %parallel_loop3A_402, %parallel_loop3A_403] : memref<2x80x256xf32, #tpu.memory_space<vmem>> -> memref<1x80x256xf32, #tpu.memory_space<vmem>>
        %parallel_loop3A_405 = tpu.memref_squeeze %parallel_loop3A_404 : memref<1x80x256xf32, #tpu.memory_space<vmem>> -> memref<80x256xf32, #tpu.memory_space<vmem>>
        %parallel_loop3A_406 = arith.index_cast %parallel_loop3A_320 : i32 to index
        %parallel_loop3A_407 = arith.constant 144 : index
        %parallel_loop3A_408 = tpu.vector_load %parallel_loop3A_405[%parallel_loop3A_406, %parallel_loop3A_407] {strides = array<i32>} : memref<80x256xf32, #tpu.memory_space<vmem>>, vector<16xf32>,
        %parallel_loop3A_409 = arith.constant 0 : i32
        %parallel_loop3A_410 = arith.constant 0 : i32
        %parallel_loop3A_411 = tpu.memref_slice %arg8[%parallel_loop3A_306, %parallel_loop3A_409, %parallel_loop3A_410] : memref<2x80x256xf32, #tpu.memory_space<vmem>> -> memref<1x80x256xf32, #tpu.memory_space<vmem>>
        %parallel_loop3A_412 = tpu.memref_squeeze %parallel_loop3A_411 : memref<1x80x256xf32, #tpu.memory_space<vmem>> -> memref<80x256xf32, #tpu.memory_space<vmem>>
        %parallel_loop3A_413 = arith.index_cast %parallel_loop3A_320 : i32 to index
        %parallel_loop3A_414 = arith.constant 16 : index
        %parallel_loop3A_415 = tpu.vector_load %parallel_loop3A_412[%parallel_loop3A_413, %parallel_loop3A_414] {strides = array<i32>} : memref<80x256xf32, #tpu.memory_space<vmem>>, vector<16xf32>,
        %parallel_loop3A_416 = arith.constant 0 : i32
        %parallel_loop3A_417 = arith.constant 0 : i32
        %parallel_loop3A_418 = tpu.memref_slice %arg8[%parallel_loop3A_306, %parallel_loop3A_416, %parallel_loop3A_417] : memref<2x80x256xf32, #tpu.memory_space<vmem>> -> memref<1x80x256xf32, #tpu.memory_space<vmem>>
        %parallel_loop3A_419 = tpu.memref_squeeze %parallel_loop3A_418 : memref<1x80x256xf32, #tpu.memory_space<vmem>> -> memref<80x256xf32, #tpu.memory_space<vmem>>
        %parallel_loop3A_420 = arith.index_cast %parallel_loop3A_320 : i32 to index
        %parallel_loop3A_421 = arith.constant 144 : index
        %parallel_loop3A_422 = tpu.vector_load %parallel_loop3A_419[%parallel_loop3A_420, %parallel_loop3A_421] {strides = array<i32>} : memref<80x256xf32, #tpu.memory_space<vmem>>, vector<16xf32>,
        %parallel_loop3A_423 = arith.mulf %parallel_loop3A_387, %parallel_loop3A_401 : vector<16xf32>
        %parallel_loop3A_424 = arith.mulf %parallel_loop3A_394, %parallel_loop3A_408 : vector<16xf32>
        %parallel_loop3A_425 = arith.subf %parallel_loop3A_423, %parallel_loop3A_424 : vector<16xf32>
        %parallel_loop3A_426 = arith.mulf %parallel_loop3A_415, %parallel_loop3A_425 : vector<16xf32>
        %parallel_loop3A_427 = arith.mulf %parallel_loop3A_387, %parallel_loop3A_408 : vector<16xf32>
        %parallel_loop3A_428 = arith.mulf %parallel_loop3A_394, %parallel_loop3A_401 : vector<16xf32>
        %parallel_loop3A_429 = arith.addf %parallel_loop3A_427, %parallel_loop3A_428 : vector<16xf32>
        %parallel_loop3A_430 = arith.mulf %parallel_loop3A_422, %parallel_loop3A_429 : vector<16xf32>
        %parallel_loop3A_431 = arith.subf %parallel_loop3A_426, %parallel_loop3A_430 : vector<16xf32>
        %parallel_loop3A_432 = arith.addf %parallel_loop3A_324, %parallel_loop3A_431 : vector<16xf32>
        %parallel_loop3A_433 = arith.constant 0 : i32
        %parallel_loop3A_434 = arith.constant 0 : i32
        %parallel_loop3A_435 = tpu.memref_slice %arg7[%parallel_loop3A_304, %parallel_loop3A_433, %parallel_loop3A_434] : memref<2x80x256xf32, #tpu.memory_space<vmem>> -> memref<1x80x256xf32, #tpu.memory_space<vmem>>
        %parallel_loop3A_436 = tpu.memref_squeeze %parallel_loop3A_435 : memref<1x80x256xf32, #tpu.memory_space<vmem>> -> memref<80x256xf32, #tpu.memory_space<vmem>>
        %parallel_loop3A_437 = arith.index_cast %parallel_loop3A_320 : i32 to index
        %parallel_loop3A_438 = arith.constant 32 : index
        %parallel_loop3A_439 = tpu.vector_load %parallel_loop3A_436[%parallel_loop3A_437, %parallel_loop3A_438] {strides = array<i32>} : memref<80x256xf32, #tpu.memory_space<vmem>>, vector<16xf32>,
        %parallel_loop3A_440 = arith.constant 0 : i32
        %parallel_loop3A_441 = arith.constant 0 : i32
        %parallel_loop3A_442 = tpu.memref_slice %arg7[%parallel_loop3A_304, %parallel_loop3A_440, %parallel_loop3A_441] : memref<2x80x256xf32, #tpu.memory_space<vmem>> -> memref<1x80x256xf32, #tpu.memory_space<vmem>>
        %parallel_loop3A_443 = tpu.memref_squeeze %parallel_loop3A_442 : memref<1x80x256xf32, #tpu.memory_space<vmem>> -> memref<80x256xf32, #tpu.memory_space<vmem>>
        %parallel_loop3A_444 = arith.index_cast %parallel_loop3A_320 : i32 to index
        %parallel_loop3A_445 = arith.constant 160 : index
        %parallel_loop3A_446 = tpu.vector_load %parallel_loop3A_443[%parallel_loop3A_444, %parallel_loop3A_445] {strides = array<i32>} : memref<80x256xf32, #tpu.memory_space<vmem>>, vector<16xf32>,
        %parallel_loop3A_447 = arith.constant 0 : i32
        %parallel_loop3A_448 = arith.constant 0 : i32
        %parallel_loop3A_449 = tpu.memref_slice %arg9[%parallel_loop3A_305, %parallel_loop3A_447, %parallel_loop3A_448] : memref<2x80x256xf32, #tpu.memory_space<vmem>> -> memref<1x80x256xf32, #tpu.memory_space<vmem>>
        %parallel_loop3A_450 = tpu.memref_squeeze %parallel_loop3A_449 : memref<1x80x256xf32, #tpu.memory_space<vmem>> -> memref<80x256xf32, #tpu.memory_space<vmem>>
        %parallel_loop3A_451 = arith.index_cast %parallel_loop3A_320 : i32 to index
        %parallel_loop3A_452 = arith.constant 32 : index
        %parallel_loop3A_453 = tpu.vector_load %parallel_loop3A_450[%parallel_loop3A_451, %parallel_loop3A_452] {strides = array<i32>} : memref<80x256xf32, #tpu.memory_space<vmem>>, vector<16xf32>,
        %parallel_loop3A_454 = arith.constant 0 : i32
        %parallel_loop3A_455 = arith.constant 0 : i32
        %parallel_loop3A_456 = tpu.memref_slice %arg9[%parallel_loop3A_305, %parallel_loop3A_454, %parallel_loop3A_455] : memref<2x80x256xf32, #tpu.memory_space<vmem>> -> memref<1x80x256xf32, #tpu.memory_space<vmem>>
        %parallel_loop3A_457 = tpu.memref_squeeze %parallel_loop3A_456 : memref<1x80x256xf32, #tpu.memory_space<vmem>> -> memref<80x256xf32, #tpu.memory_space<vmem>>
        %parallel_loop3A_458 = arith.index_cast %parallel_loop3A_320 : i32 to index
        %parallel_loop3A_459 = arith.constant 160 : index
        %parallel_loop3A_460 = tpu.vector_load %parallel_loop3A_457[%parallel_loop3A_458, %parallel_loop3A_459] {strides = array<i32>} : memref<80x256xf32, #tpu.memory_space<vmem>>, vector<16xf32>,
        %parallel_loop3A_461 = arith.constant 0 : i32
        %parallel_loop3A_462 = arith.constant 0 : i32
        %parallel_loop3A_463 = tpu.memref_slice %arg8[%parallel_loop3A_306, %parallel_loop3A_461, %parallel_loop3A_462] : memref<2x80x256xf32, #tpu.memory_space<vmem>> -> memref<1x80x256xf32, #tpu.memory_space<vmem>>
        %parallel_loop3A_464 = tpu.memref_squeeze %parallel_loop3A_463 : memref<1x80x256xf32, #tpu.memory_space<vmem>> -> memref<80x256xf32, #tpu.memory_space<vmem>>
        %parallel_loop3A_465 = arith.index_cast %parallel_loop3A_320 : i32 to index
        %parallel_loop3A_466 = arith.constant 32 : index
        %parallel_loop3A_467 = tpu.vector_load %parallel_loop3A_464[%parallel_loop3A_465, %parallel_loop3A_466] {strides = array<i32>} : memref<80x256xf32, #tpu.memory_space<vmem>>, vector<16xf32>,
        %parallel_loop3A_468 = arith.constant 0 : i32
        %parallel_loop3A_469 = arith.constant 0 : i32
        %parallel_loop3A_470 = tpu.memref_slice %arg8[%parallel_loop3A_306, %parallel_loop3A_468, %parallel_loop3A_469] : memref<2x80x256xf32, #tpu.memory_space<vmem>> -> memref<1x80x256xf32, #tpu.memory_space<vmem>>
        %parallel_loop3A_471 = tpu.memref_squeeze %parallel_loop3A_470 : memref<1x80x256xf32, #tpu.memory_space<vmem>> -> memref<80x256xf32, #tpu.memory_space<vmem>>
        %parallel_loop3A_472 = arith.index_cast %parallel_loop3A_320 : i32 to index
        %parallel_loop3A_473 = arith.constant 160 : index
        %parallel_loop3A_474 = tpu.vector_load %parallel_loop3A_471[%parallel_loop3A_472, %parallel_loop3A_473] {strides = array<i32>} : memref<80x256xf32, #tpu.memory_space<vmem>>, vector<16xf32>,
        %parallel_loop3A_475 = arith.mulf %parallel_loop3A_439, %parallel_loop3A_453 : vector<16xf32>
        %parallel_loop3A_476 = arith.mulf %parallel_loop3A_446, %parallel_loop3A_460 : vector<16xf32>
        %parallel_loop3A_477 = arith.subf %parallel_loop3A_475, %parallel_loop3A_476 : vector<16xf32>
        %parallel_loop3A_478 = arith.mulf %parallel_loop3A_467, %parallel_loop3A_477 : vector<16xf32>
        %parallel_loop3A_479 = arith.mulf %parallel_loop3A_439, %parallel_loop3A_460 : vector<16xf32>
        %parallel_loop3A_480 = arith.mulf %parallel_loop3A_446, %parallel_loop3A_453 : vector<16xf32>
        %parallel_loop3A_481 = arith.addf %parallel_loop3A_479, %parallel_loop3A_480 : vector<16xf32>
        %parallel_loop3A_482 = arith.mulf %parallel_loop3A_474, %parallel_loop3A_481 : vector<16xf32>
        %parallel_loop3A_483 = arith.subf %parallel_loop3A_478, %parallel_loop3A_482 : vector<16xf32>
        %parallel_loop3A_484 = arith.addf %parallel_loop3A_326, %parallel_loop3A_483 : vector<16xf32>
        %parallel_loop3A_485 = arith.constant 0 : i32
        %parallel_loop3A_486 = arith.constant 0 : i32
        %parallel_loop3A_487 = tpu.memref_slice %arg7[%parallel_loop3A_304, %parallel_loop3A_485, %parallel_loop3A_486] : memref<2x80x256xf32, #tpu.memory_space<vmem>> -> memref<1x80x256xf32, #tpu.memory_space<vmem>>
        %parallel_loop3A_488 = tpu.memref_squeeze %parallel_loop3A_487 : memref<1x80x256xf32, #tpu.memory_space<vmem>> -> memref<80x256xf32, #tpu.memory_space<vmem>>
        %parallel_loop3A_489 = arith.index_cast %parallel_loop3A_320 : i32 to index
        %parallel_loop3A_490 = arith.constant 48 : index
        %parallel_loop3A_491 = tpu.vector_load %parallel_loop3A_488[%parallel_loop3A_489, %parallel_loop3A_490] {strides = array<i32>} : memref<80x256xf32, #tpu.memory_space<vmem>>, vector<16xf32>,
        %parallel_loop3A_492 = arith.constant 0 : i32
        %parallel_loop3A_493 = arith.constant 0 : i32
        %parallel_loop3A_494 = tpu.memref_slice %arg7[%parallel_loop3A_304, %parallel_loop3A_492, %parallel_loop3A_493] : memref<2x80x256xf32, #tpu.memory_space<vmem>> -> memref<1x80x256xf32, #tpu.memory_space<vmem>>
        %parallel_loop3A_495 = tpu.memref_squeeze %parallel_loop3A_494 : memref<1x80x256xf32, #tpu.memory_space<vmem>> -> memref<80x256xf32, #tpu.memory_space<vmem>>
        %parallel_loop3A_496 = arith.index_cast %parallel_loop3A_320 : i32 to index
        %parallel_loop3A_497 = arith.constant 176 : index
        %parallel_loop3A_498 = tpu.vector_load %parallel_loop3A_495[%parallel_loop3A_496, %parallel_loop3A_497] {strides = array<i32>} : memref<80x256xf32, #tpu.memory_space<vmem>>, vector<16xf32>,
        %parallel_loop3A_499 = arith.constant 0 : i32
        %parallel_loop3A_500 = arith.constant 0 : i32
        %parallel_loop3A_501 = tpu.memref_slice %arg9[%parallel_loop3A_305, %parallel_loop3A_499, %parallel_loop3A_500] : memref<2x80x256xf32, #tpu.memory_space<vmem>> -> memref<1x80x256xf32, #tpu.memory_space<vmem>>
        %parallel_loop3A_502 = tpu.memref_squeeze %parallel_loop3A_501 : memref<1x80x256xf32, #tpu.memory_space<vmem>> -> memref<80x256xf32, #tpu.memory_space<vmem>>
        %parallel_loop3A_503 = arith.index_cast %parallel_loop3A_320 : i32 to index
        %parallel_loop3A_504 = arith.constant 48 : index
        %parallel_loop3A_505 = tpu.vector_load %parallel_loop3A_502[%parallel_loop3A_503, %parallel_loop3A_504] {strides = array<i32>} : memref<80x256xf32, #tpu.memory_space<vmem>>, vector<16xf32>,
        %parallel_loop3A_506 = arith.constant 0 : i32
        %parallel_loop3A_507 = arith.constant 0 : i32
        %parallel_loop3A_508 = tpu.memref_slice %arg9[%parallel_loop3A_305, %parallel_loop3A_506, %parallel_loop3A_507] : memref<2x80x256xf32, #tpu.memory_space<vmem>> -> memref<1x80x256xf32, #tpu.memory_space<vmem>>
        %parallel_loop3A_509 = tpu.memref_squeeze %parallel_loop3A_508 : memref<1x80x256xf32, #tpu.memory_space<vmem>> -> memref<80x256xf32, #tpu.memory_space<vmem>>
        %parallel_loop3A_510 = arith.index_cast %parallel_loop3A_320 : i32 to index
        %parallel_loop3A_511 = arith.constant 176 : index
        %parallel_loop3A_512 = tpu.vector_load %parallel_loop3A_509[%parallel_loop3A_510, %parallel_loop3A_511] {strides = array<i32>} : memref<80x256xf32, #tpu.memory_space<vmem>>, vector<16xf32>,
        %parallel_loop3A_513 = arith.constant 0 : i32
        %parallel_loop3A_514 = arith.constant 0 : i32
        %parallel_loop3A_515 = tpu.memref_slice %arg8[%parallel_loop3A_306, %parallel_loop3A_513, %parallel_loop3A_514] : memref<2x80x256xf32, #tpu.memory_space<vmem>> -> memref<1x80x256xf32, #tpu.memory_space<vmem>>
        %parallel_loop3A_516 = tpu.memref_squeeze %parallel_loop3A_515 : memref<1x80x256xf32, #tpu.memory_space<vmem>> -> memref<80x256xf32, #tpu.memory_space<vmem>>
        %parallel_loop3A_517 = arith.index_cast %parallel_loop3A_320 : i32 to index
        %parallel_loop3A_518 = arith.constant 48 : index
        %parallel_loop3A_519 = tpu.vector_load %parallel_loop3A_516[%parallel_loop3A_517, %parallel_loop3A_518] {strides = array<i32>} : memref<80x256xf32, #tpu.memory_space<vmem>>, vector<16xf32>,
        %parallel_loop3A_520 = arith.constant 0 : i32
        %parallel_loop3A_521 = arith.constant 0 : i32
        %parallel_loop3A_522 = tpu.memref_slice %arg8[%parallel_loop3A_306, %parallel_loop3A_520, %parallel_loop3A_521] : memref<2x80x256xf32, #tpu.memory_space<vmem>> -> memref<1x80x256xf32, #tpu.memory_space<vmem>>
        %parallel_loop3A_523 = tpu.memref_squeeze %parallel_loop3A_522 : memref<1x80x256xf32, #tpu.memory_space<vmem>> -> memref<80x256xf32, #tpu.memory_space<vmem>>
        %parallel_loop3A_524 = arith.index_cast %parallel_loop3A_320 : i32 to index
        %parallel_loop3A_525 = arith.constant 176 : index
        %parallel_loop3A_526 = tpu.vector_load %parallel_loop3A_523[%parallel_loop3A_524, %parallel_loop3A_525] {strides = array<i32>} : memref<80x256xf32, #tpu.memory_space<vmem>>, vector<16xf32>,
        %parallel_loop3A_527 = arith.mulf %parallel_loop3A_491, %parallel_loop3A_505 : vector<16xf32>
        %parallel_loop3A_528 = arith.mulf %parallel_loop3A_498, %parallel_loop3A_512 : vector<16xf32>
        %parallel_loop3A_529 = arith.subf %parallel_loop3A_527, %parallel_loop3A_528 : vector<16xf32>
        %parallel_loop3A_530 = arith.mulf %parallel_loop3A_519, %parallel_loop3A_529 : vector<16xf32>
        %parallel_loop3A_531 = arith.mulf %parallel_loop3A_491, %parallel_loop3A_512 : vector<16xf32>
        %parallel_loop3A_532 = arith.mulf %parallel_loop3A_498, %parallel_loop3A_505 : vector<16xf32>
        %parallel_loop3A_533 = arith.addf %parallel_loop3A_531, %parallel_loop3A_532 : vector<16xf32>
        %parallel_loop3A_534 = arith.mulf %parallel_loop3A_526, %parallel_loop3A_533 : vector<16xf32>
        %parallel_loop3A_535 = arith.subf %parallel_loop3A_530, %parallel_loop3A_534 : vector<16xf32>
        %parallel_loop3A_536 = arith.addf %parallel_loop3A_328, %parallel_loop3A_535 : vector<16xf32>
        %parallel_loop3A_537 = arith.constant 0 : i32
        %parallel_loop3A_538 = arith.constant 0 : i32
        %parallel_loop3A_539 = tpu.memref_slice %arg7[%parallel_loop3A_304, %parallel_loop3A_537, %parallel_loop3A_538] : memref<2x80x256xf32, #tpu.memory_space<vmem>> -> memref<1x80x256xf32, #tpu.memory_space<vmem>>
        %parallel_loop3A_540 = tpu.memref_squeeze %parallel_loop3A_539 : memref<1x80x256xf32, #tpu.memory_space<vmem>> -> memref<80x256xf32, #tpu.memory_space<vmem>>
        %parallel_loop3A_541 = arith.index_cast %parallel_loop3A_320 : i32 to index
        %parallel_loop3A_542 = arith.constant 64 : index
        %parallel_loop3A_543 = tpu.vector_load %parallel_loop3A_540[%parallel_loop3A_541, %parallel_loop3A_542] {strides = array<i32>} : memref<80x256xf32, #tpu.memory_space<vmem>>, vector<16xf32>,
        %parallel_loop3A_544 = arith.constant 0 : i32
        %parallel_loop3A_545 = arith.constant 0 : i32
        %parallel_loop3A_546 = tpu.memref_slice %arg7[%parallel_loop3A_304, %parallel_loop3A_544, %parallel_loop3A_545] : memref<2x80x256xf32, #tpu.memory_space<vmem>> -> memref<1x80x256xf32, #tpu.memory_space<vmem>>
        %parallel_loop3A_547 = tpu.memref_squeeze %parallel_loop3A_546 : memref<1x80x256xf32, #tpu.memory_space<vmem>> -> memref<80x256xf32, #tpu.memory_space<vmem>>
        %parallel_loop3A_548 = arith.index_cast %parallel_loop3A_320 : i32 to index
        %parallel_loop3A_549 = arith.constant 192 : index
        %parallel_loop3A_550 = tpu.vector_load %parallel_loop3A_547[%parallel_loop3A_548, %parallel_loop3A_549] {strides = array<i32>} : memref<80x256xf32, #tpu.memory_space<vmem>>, vector<16xf32>,
        %parallel_loop3A_551 = arith.constant 0 : i32
        %parallel_loop3A_552 = arith.constant 0 : i32
        %parallel_loop3A_553 = tpu.memref_slice %arg9[%parallel_loop3A_305, %parallel_loop3A_551, %parallel_loop3A_552] : memref<2x80x256xf32, #tpu.memory_space<vmem>> -> memref<1x80x256xf32, #tpu.memory_space<vmem>>
        %parallel_loop3A_554 = tpu.memref_squeeze %parallel_loop3A_553 : memref<1x80x256xf32, #tpu.memory_space<vmem>> -> memref<80x256xf32, #tpu.memory_space<vmem>>
        %parallel_loop3A_555 = arith.index_cast %parallel_loop3A_320 : i32 to index
        %parallel_loop3A_556 = arith.constant 64 : index
        %parallel_loop3A_557 = tpu.vector_load %parallel_loop3A_554[%parallel_loop3A_555, %parallel_loop3A_556] {strides = array<i32>} : memref<80x256xf32, #tpu.memory_space<vmem>>, vector<16xf32>,
        %parallel_loop3A_558 = arith.constant 0 : i32
        %parallel_loop3A_559 = arith.constant 0 : i32
        %parallel_loop3A_560 = tpu.memref_slice %arg9[%parallel_loop3A_305, %parallel_loop3A_558, %parallel_loop3A_559] : memref<2x80x256xf32, #tpu.memory_space<vmem>> -> memref<1x80x256xf32, #tpu.memory_space<vmem>>
        %parallel_loop3A_561 = tpu.memref_squeeze %parallel_loop3A_560 : memref<1x80x256xf32, #tpu.memory_space<vmem>> -> memref<80x256xf32, #tpu.memory_space<vmem>>
        %parallel_loop3A_562 = arith.index_cast %parallel_loop3A_320 : i32 to index
        %parallel_loop3A_563 = arith.constant 192 : index
        %parallel_loop3A_564 = tpu.vector_load %parallel_loop3A_561[%parallel_loop3A_562, %parallel_loop3A_563] {strides = array<i32>} : memref<80x256xf32, #tpu.memory_space<vmem>>, vector<16xf32>,
        %parallel_loop3A_565 = arith.constant 0 : i32
        %parallel_loop3A_566 = arith.constant 0 : i32
        %parallel_loop3A_567 = tpu.memref_slice %arg8[%parallel_loop3A_306, %parallel_loop3A_565, %parallel_loop3A_566] : memref<2x80x256xf32, #tpu.memory_space<vmem>> -> memref<1x80x256xf32, #tpu.memory_space<vmem>>
        %parallel_loop3A_568 = tpu.memref_squeeze %parallel_loop3A_567 : memref<1x80x256xf32, #tpu.memory_space<vmem>> -> memref<80x256xf32, #tpu.memory_space<vmem>>
        %parallel_loop3A_569 = arith.index_cast %parallel_loop3A_320 : i32 to index
        %parallel_loop3A_570 = arith.constant 64 : index
        %parallel_loop3A_571 = tpu.vector_load %parallel_loop3A_568[%parallel_loop3A_569, %parallel_loop3A_570] {strides = array<i32>} : memref<80x256xf32, #tpu.memory_space<vmem>>, vector<16xf32>,
        %parallel_loop3A_572 = arith.constant 0 : i32
        %parallel_loop3A_573 = arith.constant 0 : i32
        %parallel_loop3A_574 = tpu.memref_slice %arg8[%parallel_loop3A_306, %parallel_loop3A_572, %parallel_loop3A_573] : memref<2x80x256xf32, #tpu.memory_space<vmem>> -> memref<1x80x256xf32, #tpu.memory_space<vmem>>
        %parallel_loop3A_575 = tpu.memref_squeeze %parallel_loop3A_574 : memref<1x80x256xf32, #tpu.memory_space<vmem>> -> memref<80x256xf32, #tpu.memory_space<vmem>>
        %parallel_loop3A_576 = arith.index_cast %parallel_loop3A_320 : i32 to index
        %parallel_loop3A_577 = arith.constant 192 : index
        %parallel_loop3A_578 = tpu.vector_load %parallel_loop3A_575[%parallel_loop3A_576, %parallel_loop3A_577] {strides = array<i32>} : memref<80x256xf32, #tpu.memory_space<vmem>>, vector<16xf32>,
        %parallel_loop3A_579 = arith.mulf %parallel_loop3A_543, %parallel_loop3A_557 : vector<16xf32>
        %parallel_loop3A_580 = arith.mulf %parallel_loop3A_550, %parallel_loop3A_564 : vector<16xf32>
        %parallel_loop3A_581 = arith.subf %parallel_loop3A_579, %parallel_loop3A_580 : vector<16xf32>
        %parallel_loop3A_582 = arith.mulf %parallel_loop3A_571, %parallel_loop3A_581 : vector<16xf32>
        %parallel_loop3A_583 = arith.mulf %parallel_loop3A_543, %parallel_loop3A_564 : vector<16xf32>
        %parallel_loop3A_584 = arith.mulf %parallel_loop3A_550, %parallel_loop3A_557 : vector<16xf32>
        %parallel_loop3A_585 = arith.addf %parallel_loop3A_583, %parallel_loop3A_584 : vector<16xf32>
        %parallel_loop3A_586 = arith.mulf %parallel_loop3A_578, %parallel_loop3A_585 : vector<16xf32>
        %parallel_loop3A_587 = arith.subf %parallel_loop3A_582, %parallel_loop3A_586 : vector<16xf32>
        %parallel_loop3A_588 = arith.addf %parallel_loop3A_380, %parallel_loop3A_587 : vector<16xf32>
        %parallel_loop3A_589 = arith.constant 0 : i32
        %parallel_loop3A_590 = arith.constant 0 : i32
        %parallel_loop3A_591 = tpu.memref_slice %arg7[%parallel_loop3A_304, %parallel_loop3A_589, %parallel_loop3A_590] : memref<2x80x256xf32, #tpu.memory_space<vmem>> -> memref<1x80x256xf32, #tpu.memory_space<vmem>>
        %parallel_loop3A_592 = tpu.memref_squeeze %parallel_loop3A_591 : memref<1x80x256xf32, #tpu.memory_space<vmem>> -> memref<80x256xf32, #tpu.memory_space<vmem>>
        %parallel_loop3A_593 = arith.index_cast %parallel_loop3A_320 : i32 to index
        %parallel_loop3A_594 = arith.constant 80 : index
        %parallel_loop3A_595 = tpu.vector_load %parallel_loop3A_592[%parallel_loop3A_593, %parallel_loop3A_594] {strides = array<i32>} : memref<80x256xf32, #tpu.memory_space<vmem>>, vector<16xf32>,
        %parallel_loop3A_596 = arith.constant 0 : i32
        %parallel_loop3A_597 = arith.constant 0 : i32
        %parallel_loop3A_598 = tpu.memref_slice %arg7[%parallel_loop3A_304, %parallel_loop3A_596, %parallel_loop3A_597] : memref<2x80x256xf32, #tpu.memory_space<vmem>> -> memref<1x80x256xf32, #tpu.memory_space<vmem>>
        %parallel_loop3A_599 = tpu.memref_squeeze %parallel_loop3A_598 : memref<1x80x256xf32, #tpu.memory_space<vmem>> -> memref<80x256xf32, #tpu.memory_space<vmem>>
        %parallel_loop3A_600 = arith.index_cast %parallel_loop3A_320 : i32 to index
        %parallel_loop3A_601 = arith.constant 208 : index
        %parallel_loop3A_602 = tpu.vector_load %parallel_loop3A_599[%parallel_loop3A_600, %parallel_loop3A_601] {strides = array<i32>} : memref<80x256xf32, #tpu.memory_space<vmem>>, vector<16xf32>,
        %parallel_loop3A_603 = arith.constant 0 : i32
        %parallel_loop3A_604 = arith.constant 0 : i32
        %parallel_loop3A_605 = tpu.memref_slice %arg9[%parallel_loop3A_305, %parallel_loop3A_603, %parallel_loop3A_604] : memref<2x80x256xf32, #tpu.memory_space<vmem>> -> memref<1x80x256xf32, #tpu.memory_space<vmem>>
        %parallel_loop3A_606 = tpu.memref_squeeze %parallel_loop3A_605 : memref<1x80x256xf32, #tpu.memory_space<vmem>> -> memref<80x256xf32, #tpu.memory_space<vmem>>
        %parallel_loop3A_607 = arith.index_cast %parallel_loop3A_320 : i32 to index
        %parallel_loop3A_608 = arith.constant 80 : index
        %parallel_loop3A_609 = tpu.vector_load %parallel_loop3A_606[%parallel_loop3A_607, %parallel_loop3A_608] {strides = array<i32>} : memref<80x256xf32, #tpu.memory_space<vmem>>, vector<16xf32>,
        %parallel_loop3A_610 = arith.constant 0 : i32
        %parallel_loop3A_611 = arith.constant 0 : i32
        %parallel_loop3A_612 = tpu.memref_slice %arg9[%parallel_loop3A_305, %parallel_loop3A_610, %parallel_loop3A_611] : memref<2x80x256xf32, #tpu.memory_space<vmem>> -> memref<1x80x256xf32, #tpu.memory_space<vmem>>
        %parallel_loop3A_613 = tpu.memref_squeeze %parallel_loop3A_612 : memref<1x80x256xf32, #tpu.memory_space<vmem>> -> memref<80x256xf32, #tpu.memory_space<vmem>>
        %parallel_loop3A_614 = arith.index_cast %parallel_loop3A_320 : i32 to index
        %parallel_loop3A_615 = arith.constant 208 : index
        %parallel_loop3A_616 = tpu.vector_load %parallel_loop3A_613[%parallel_loop3A_614, %parallel_loop3A_615] {strides = array<i32>} : memref<80x256xf32, #tpu.memory_space<vmem>>, vector<16xf32>,
        %parallel_loop3A_617 = arith.constant 0 : i32
        %parallel_loop3A_618 = arith.constant 0 : i32
        %parallel_loop3A_619 = tpu.memref_slice %arg8[%parallel_loop3A_306, %parallel_loop3A_617, %parallel_loop3A_618] : memref<2x80x256xf32, #tpu.memory_space<vmem>> -> memref<1x80x256xf32, #tpu.memory_space<vmem>>
        %parallel_loop3A_620 = tpu.memref_squeeze %parallel_loop3A_619 : memref<1x80x256xf32, #tpu.memory_space<vmem>> -> memref<80x256xf32, #tpu.memory_space<vmem>>
        %parallel_loop3A_621 = arith.index_cast %parallel_loop3A_320 : i32 to index
        %parallel_loop3A_622 = arith.constant 80 : index
        %parallel_loop3A_623 = tpu.vector_load %parallel_loop3A_620[%parallel_loop3A_621, %parallel_loop3A_622] {strides = array<i32>} : memref<80x256xf32, #tpu.memory_space<vmem>>, vector<16xf32>,
        %parallel_loop3A_624 = arith.constant 0 : i32
        %parallel_loop3A_625 = arith.constant 0 : i32
        %parallel_loop3A_626 = tpu.memref_slice %arg8[%parallel_loop3A_306, %parallel_loop3A_624, %parallel_loop3A_625] : memref<2x80x256xf32, #tpu.memory_space<vmem>> -> memref<1x80x256xf32, #tpu.memory_space<vmem>>
        %parallel_loop3A_627 = tpu.memref_squeeze %parallel_loop3A_626 : memref<1x80x256xf32, #tpu.memory_space<vmem>> -> memref<80x256xf32, #tpu.memory_space<vmem>>
        %parallel_loop3A_628 = arith.index_cast %parallel_loop3A_320 : i32 to index
        %parallel_loop3A_629 = arith.constant 208 : index
        %parallel_loop3A_630 = tpu.vector_load %parallel_loop3A_627[%parallel_loop3A_628, %parallel_loop3A_629] {strides = array<i32>} : memref<80x256xf32, #tpu.memory_space<vmem>>, vector<16xf32>,
        %parallel_loop3A_631 = arith.mulf %parallel_loop3A_595, %parallel_loop3A_609 : vector<16xf32>
        %parallel_loop3A_632 = arith.mulf %parallel_loop3A_602, %parallel_loop3A_616 : vector<16xf32>
        %parallel_loop3A_633 = arith.subf %parallel_loop3A_631, %parallel_loop3A_632 : vector<16xf32>
        %parallel_loop3A_634 = arith.mulf %parallel_loop3A_623, %parallel_loop3A_633 : vector<16xf32>
        %parallel_loop3A_635 = arith.mulf %parallel_loop3A_595, %parallel_loop3A_616 : vector<16xf32>
        %parallel_loop3A_636 = arith.mulf %parallel_loop3A_602, %parallel_loop3A_609 : vector<16xf32>
        %parallel_loop3A_637 = arith.addf %parallel_loop3A_635, %parallel_loop3A_636 : vector<16xf32>
        %parallel_loop3A_638 = arith.mulf %parallel_loop3A_630, %parallel_loop3A_637 : vector<16xf32>
        %parallel_loop3A_639 = arith.subf %parallel_loop3A_634, %parallel_loop3A_638 : vector<16xf32>
        %parallel_loop3A_640 = arith.addf %parallel_loop3A_432, %parallel_loop3A_639 : vector<16xf32>
        %parallel_loop3A_641 = arith.constant 0 : i32
        %parallel_loop3A_642 = arith.constant 0 : i32
        %parallel_loop3A_643 = tpu.memref_slice %arg7[%parallel_loop3A_304, %parallel_loop3A_641, %parallel_loop3A_642] : memref<2x80x256xf32, #tpu.memory_space<vmem>> -> memref<1x80x256xf32, #tpu.memory_space<vmem>>
        %parallel_loop3A_644 = tpu.memref_squeeze %parallel_loop3A_643 : memref<1x80x256xf32, #tpu.memory_space<vmem>> -> memref<80x256xf32, #tpu.memory_space<vmem>>
        %parallel_loop3A_645 = arith.index_cast %parallel_loop3A_320 : i32 to index
        %parallel_loop3A_646 = arith.constant 96 : index
        %parallel_loop3A_647 = tpu.vector_load %parallel_loop3A_644[%parallel_loop3A_645, %parallel_loop3A_646] {strides = array<i32>} : memref<80x256xf32, #tpu.memory_space<vmem>>, vector<16xf32>,
        %parallel_loop3A_648 = arith.constant 0 : i32
        %parallel_loop3A_649 = arith.constant 0 : i32
        %parallel_loop3A_650 = tpu.memref_slice %arg7[%parallel_loop3A_304, %parallel_loop3A_648, %parallel_loop3A_649] : memref<2x80x256xf32, #tpu.memory_space<vmem>> -> memref<1x80x256xf32, #tpu.memory_space<vmem>>
        %parallel_loop3A_651 = tpu.memref_squeeze %parallel_loop3A_650 : memref<1x80x256xf32, #tpu.memory_space<vmem>> -> memref<80x256xf32, #tpu.memory_space<vmem>>
        %parallel_loop3A_652 = arith.index_cast %parallel_loop3A_320 : i32 to index
        %parallel_loop3A_653 = arith.constant 224 : index
        %parallel_loop3A_654 = tpu.vector_load %parallel_loop3A_651[%parallel_loop3A_652, %parallel_loop3A_653] {strides = array<i32>} : memref<80x256xf32, #tpu.memory_space<vmem>>, vector<16xf32>,
        %parallel_loop3A_655 = arith.constant 0 : i32
        %parallel_loop3A_656 = arith.constant 0 : i32
        %parallel_loop3A_657 = tpu.memref_slice %arg9[%parallel_loop3A_305, %parallel_loop3A_655, %parallel_loop3A_656] : memref<2x80x256xf32, #tpu.memory_space<vmem>> -> memref<1x80x256xf32, #tpu.memory_space<vmem>>
        %parallel_loop3A_658 = tpu.memref_squeeze %parallel_loop3A_657 : memref<1x80x256xf32, #tpu.memory_space<vmem>> -> memref<80x256xf32, #tpu.memory_space<vmem>>
        %parallel_loop3A_659 = arith.index_cast %parallel_loop3A_320 : i32 to index
        %parallel_loop3A_660 = arith.constant 96 : index
        %parallel_loop3A_661 = tpu.vector_load %parallel_loop3A_658[%parallel_loop3A_659, %parallel_loop3A_660] {strides = array<i32>} : memref<80x256xf32, #tpu.memory_space<vmem>>, vector<16xf32>,
        %parallel_loop3A_662 = arith.constant 0 : i32
        %parallel_loop3A_663 = arith.constant 0 : i32
        %parallel_loop3A_664 = tpu.memref_slice %arg9[%parallel_loop3A_305, %parallel_loop3A_662, %parallel_loop3A_663] : memref<2x80x256xf32, #tpu.memory_space<vmem>> -> memref<1x80x256xf32, #tpu.memory_space<vmem>>
        %parallel_loop3A_665 = tpu.memref_squeeze %parallel_loop3A_664 : memref<1x80x256xf32, #tpu.memory_space<vmem>> -> memref<80x256xf32, #tpu.memory_space<vmem>>
        %parallel_loop3A_666 = arith.index_cast %parallel_loop3A_320 : i32 to index
        %parallel_loop3A_667 = arith.constant 224 : index
        %parallel_loop3A_668 = tpu.vector_load %parallel_loop3A_665[%parallel_loop3A_666, %parallel_loop3A_667] {strides = array<i32>} : memref<80x256xf32, #tpu.memory_space<vmem>>, vector<16xf32>,
        %parallel_loop3A_669 = arith.constant 0 : i32
        %parallel_loop3A_670 = arith.constant 0 : i32
        %parallel_loop3A_671 = tpu.memref_slice %arg8[%parallel_loop3A_306, %parallel_loop3A_669, %parallel_loop3A_670] : memref<2x80x256xf32, #tpu.memory_space<vmem>> -> memref<1x80x256xf32, #tpu.memory_space<vmem>>
        %parallel_loop3A_672 = tpu.memref_squeeze %parallel_loop3A_671 : memref<1x80x256xf32, #tpu.memory_space<vmem>> -> memref<80x256xf32, #tpu.memory_space<vmem>>
        %parallel_loop3A_673 = arith.index_cast %parallel_loop3A_320 : i32 to index
        %parallel_loop3A_674 = arith.constant 96 : index
        %parallel_loop3A_675 = tpu.vector_load %parallel_loop3A_672[%parallel_loop3A_673, %parallel_loop3A_674] {strides = array<i32>} : memref<80x256xf32, #tpu.memory_space<vmem>>, vector<16xf32>,
        %parallel_loop3A_676 = arith.constant 0 : i32
        %parallel_loop3A_677 = arith.constant 0 : i32
        %parallel_loop3A_678 = tpu.memref_slice %arg8[%parallel_loop3A_306, %parallel_loop3A_676, %parallel_loop3A_677] : memref<2x80x256xf32, #tpu.memory_space<vmem>> -> memref<1x80x256xf32, #tpu.memory_space<vmem>>
        %parallel_loop3A_679 = tpu.memref_squeeze %parallel_loop3A_678 : memref<1x80x256xf32, #tpu.memory_space<vmem>> -> memref<80x256xf32, #tpu.memory_space<vmem>>
        %parallel_loop3A_680 = arith.index_cast %parallel_loop3A_320 : i32 to index
        %parallel_loop3A_681 = arith.constant 224 : index
        %parallel_loop3A_682 = tpu.vector_load %parallel_loop3A_679[%parallel_loop3A_680, %parallel_loop3A_681] {strides = array<i32>} : memref<80x256xf32, #tpu.memory_space<vmem>>, vector<16xf32>,
        %parallel_loop3A_683 = arith.mulf %parallel_loop3A_647, %parallel_loop3A_661 : vector<16xf32>
        %parallel_loop3A_684 = arith.mulf %parallel_loop3A_654, %parallel_loop3A_668 : vector<16xf32>
        %parallel_loop3A_685 = arith.subf %parallel_loop3A_683, %parallel_loop3A_684 : vector<16xf32>
        %parallel_loop3A_686 = arith.mulf %parallel_loop3A_675, %parallel_loop3A_685 : vector<16xf32>
        %parallel_loop3A_687 = arith.mulf %parallel_loop3A_647, %parallel_loop3A_668 : vector<16xf32>
        %parallel_loop3A_688 = arith.mulf %parallel_loop3A_654, %parallel_loop3A_661 : vector<16xf32>
        %parallel_loop3A_689 = arith.addf %parallel_loop3A_687, %parallel_loop3A_688 : vector<16xf32>
        %parallel_loop3A_690 = arith.mulf %parallel_loop3A_682, %parallel_loop3A_689 : vector<16xf32>
        %parallel_loop3A_691 = arith.subf %parallel_loop3A_686, %parallel_loop3A_690 : vector<16xf32>
        %parallel_loop3A_692 = arith.addf %parallel_loop3A_484, %parallel_loop3A_691 : vector<16xf32>
        %parallel_loop3A_693 = arith.constant 0 : i32
        %parallel_loop3A_694 = arith.constant 0 : i32
        %parallel_loop3A_695 = tpu.memref_slice %arg7[%parallel_loop3A_304, %parallel_loop3A_693, %parallel_loop3A_694] : memref<2x80x256xf32, #tpu.memory_space<vmem>> -> memref<1x80x256xf32, #tpu.memory_space<vmem>>
        %parallel_loop3A_696 = tpu.memref_squeeze %parallel_loop3A_695 : memref<1x80x256xf32, #tpu.memory_space<vmem>> -> memref<80x256xf32, #tpu.memory_space<vmem>>
        %parallel_loop3A_697 = arith.index_cast %parallel_loop3A_320 : i32 to index
        %parallel_loop3A_698 = arith.constant 112 : index
        %parallel_loop3A_699 = tpu.vector_load %parallel_loop3A_696[%parallel_loop3A_697, %parallel_loop3A_698] {strides = array<i32>} : memref<80x256xf32, #tpu.memory_space<vmem>>, vector<16xf32>,
        %parallel_loop3A_700 = arith.constant 0 : i32
        %parallel_loop3A_701 = arith.constant 0 : i32
        %parallel_loop3A_702 = tpu.memref_slice %arg7[%parallel_loop3A_304, %parallel_loop3A_700, %parallel_loop3A_701] : memref<2x80x256xf32, #tpu.memory_space<vmem>> -> memref<1x80x256xf32, #tpu.memory_space<vmem>>
        %parallel_loop3A_703 = tpu.memref_squeeze %parallel_loop3A_702 : memref<1x80x256xf32, #tpu.memory_space<vmem>> -> memref<80x256xf32, #tpu.memory_space<vmem>>
        %parallel_loop3A_704 = arith.index_cast %parallel_loop3A_320 : i32 to index
        %parallel_loop3A_705 = arith.constant 240 : index
        %parallel_loop3A_706 = tpu.vector_load %parallel_loop3A_703[%parallel_loop3A_704, %parallel_loop3A_705] {strides = array<i32>} : memref<80x256xf32, #tpu.memory_space<vmem>>, vector<16xf32>,
        %parallel_loop3A_707 = arith.constant 0 : i32
        %parallel_loop3A_708 = arith.constant 0 : i32
        %parallel_loop3A_709 = tpu.memref_slice %arg9[%parallel_loop3A_305, %parallel_loop3A_707, %parallel_loop3A_708] : memref<2x80x256xf32, #tpu.memory_space<vmem>> -> memref<1x80x256xf32, #tpu.memory_space<vmem>>
        %parallel_loop3A_710 = tpu.memref_squeeze %parallel_loop3A_709 : memref<1x80x256xf32, #tpu.memory_space<vmem>> -> memref<80x256xf32, #tpu.memory_space<vmem>>
        %parallel_loop3A_711 = arith.index_cast %parallel_loop3A_320 : i32 to index
        %parallel_loop3A_712 = arith.constant 112 : index
        %parallel_loop3A_713 = tpu.vector_load %parallel_loop3A_710[%parallel_loop3A_711, %parallel_loop3A_712] {strides = array<i32>} : memref<80x256xf32, #tpu.memory_space<vmem>>, vector<16xf32>,
        %parallel_loop3A_714 = arith.constant 0 : i32
        %parallel_loop3A_715 = arith.constant 0 : i32
        %parallel_loop3A_716 = tpu.memref_slice %arg9[%parallel_loop3A_305, %parallel_loop3A_714, %parallel_loop3A_715] : memref<2x80x256xf32, #tpu.memory_space<vmem>> -> memref<1x80x256xf32, #tpu.memory_space<vmem>>
        %parallel_loop3A_717 = tpu.memref_squeeze %parallel_loop3A_716 : memref<1x80x256xf32, #tpu.memory_space<vmem>> -> memref<80x256xf32, #tpu.memory_space<vmem>>
        %parallel_loop3A_718 = arith.index_cast %parallel_loop3A_320 : i32 to index
        %parallel_loop3A_719 = arith.constant 240 : index
        %parallel_loop3A_720 = tpu.vector_load %parallel_loop3A_717[%parallel_loop3A_718, %parallel_loop3A_719] {strides = array<i32>} : memref<80x256xf32, #tpu.memory_space<vmem>>, vector<16xf32>,
        %parallel_loop3A_721 = arith.constant 0 : i32
        %parallel_loop3A_722 = arith.constant 0 : i32
        %parallel_loop3A_723 = tpu.memref_slice %arg8[%parallel_loop3A_306, %parallel_loop3A_721, %parallel_loop3A_722] : memref<2x80x256xf32, #tpu.memory_space<vmem>> -> memref<1x80x256xf32, #tpu.memory_space<vmem>>
        %parallel_loop3A_724 = tpu.memref_squeeze %parallel_loop3A_723 : memref<1x80x256xf32, #tpu.memory_space<vmem>> -> memref<80x256xf32, #tpu.memory_space<vmem>>
        %parallel_loop3A_725 = arith.index_cast %parallel_loop3A_320 : i32 to index
        %parallel_loop3A_726 = arith.constant 112 : index
        %parallel_loop3A_727 = tpu.vector_load %parallel_loop3A_724[%parallel_loop3A_725, %parallel_loop3A_726] {strides = array<i32>} : memref<80x256xf32, #tpu.memory_space<vmem>>, vector<16xf32>,
        %parallel_loop3A_728 = arith.constant 0 : i32
        %parallel_loop3A_729 = arith.constant 0 : i32
        %parallel_loop3A_730 = tpu.memref_slice %arg8[%parallel_loop3A_306, %parallel_loop3A_728, %parallel_loop3A_729] : memref<2x80x256xf32, #tpu.memory_space<vmem>> -> memref<1x80x256xf32, #tpu.memory_space<vmem>>
        %parallel_loop3A_731 = tpu.memref_squeeze %parallel_loop3A_730 : memref<1x80x256xf32, #tpu.memory_space<vmem>> -> memref<80x256xf32, #tpu.memory_space<vmem>>
        %parallel_loop3A_732 = arith.index_cast %parallel_loop3A_320 : i32 to index
        %parallel_loop3A_733 = arith.constant 240 : index
        %parallel_loop3A_734 = tpu.vector_load %parallel_loop3A_731[%parallel_loop3A_732, %parallel_loop3A_733] {strides = array<i32>} : memref<80x256xf32, #tpu.memory_space<vmem>>, vector<16xf32>,
        %parallel_loop3A_735 = arith.mulf %parallel_loop3A_699, %parallel_loop3A_713 : vector<16xf32>
        %parallel_loop3A_736 = arith.mulf %parallel_loop3A_706, %parallel_loop3A_720 : vector<16xf32>
        %parallel_loop3A_737 = arith.subf %parallel_loop3A_735, %parallel_loop3A_736 : vector<16xf32>
        %parallel_loop3A_738 = arith.mulf %parallel_loop3A_727, %parallel_loop3A_737 : vector<16xf32>
        %parallel_loop3A_739 = arith.mulf %parallel_loop3A_699, %parallel_loop3A_720 : vector<16xf32>
        %parallel_loop3A_740 = arith.mulf %parallel_loop3A_706, %parallel_loop3A_713 : vector<16xf32>
        %parallel_loop3A_741 = arith.addf %parallel_loop3A_739, %parallel_loop3A_740 : vector<16xf32>
        %parallel_loop3A_742 = arith.mulf %parallel_loop3A_734, %parallel_loop3A_741 : vector<16xf32>
        %parallel_loop3A_743 = arith.subf %parallel_loop3A_738, %parallel_loop3A_742 : vector<16xf32>
        %parallel_loop3A_744 = arith.addf %parallel_loop3A_536, %parallel_loop3A_743 : vector<16xf32>
        %parallel_loop3A_745 = arith.addf %parallel_loop3A_588, %parallel_loop3A_640 : vector<16xf32>
        %parallel_loop3A_746 = arith.addf %parallel_loop3A_692, %parallel_loop3A_744 : vector<16xf32>
        %parallel_loop3A_747 = arith.addf %parallel_loop3A_745, %parallel_loop3A_746 : vector<16xf32>
        %parallel_loop3A_748 = arith.constant true
        %parallel_loop3A_749 = vector.broadcast %parallel_loop3A_748 : i1 to vector<16xi1>
        %parallel_loop3A_750 = tpu.scan <sum>, %parallel_loop3A_747 masked %parallel_loop3A_749 : vector<16xf32>, vector<16xi1> -> vector<16xf32>
        %parallel_loop3A_751 = vector.extract %parallel_loop3A_750[15] : f32 from vector<16xf32>
        %parallel_loop3A_752 = vector.broadcast %parallel_loop3A_751 : f32 to vector<16xf32>
        %parallel_loop3A_753 = vector.broadcast %parallel_loop3A_320 : i32 to vector<16xi32>
        %parallel_loop3A_754 = arith.constant 0 : i32
        %parallel_loop3A_755 = tpu.memref_slice %arg10[%parallel_loop3A_307, %parallel_loop3A_754] : memref<2x80xf32, #tpu.memory_space<vmem>> -> memref<1x80xf32, #tpu.memory_space<vmem>>
        %parallel_loop3A_756 = tpu.memref_squeeze %parallel_loop3A_755 : memref<1x80xf32, #tpu.memory_space<vmem>> -> memref<80xf32, #tpu.memory_space<vmem>>
        tpu.vector_store_idx %parallel_loop3A_756[%parallel_loop3A_753], %parallel_loop3A_752 masked %lt3A_4 : memref<80xf32, #tpu.memory_space<vmem>>[vector<16xi32>], vector<16xf32>, vector<16xi1>
      } {sc.loop_unroll_factor = 4 : i64, sc.parallel_access}
      %mul3A_308 = arith.constant 80 : i32
      %mul3A_309 = arith.muli %add3A_293, %mul3A_308 : i32
      %add3A_310 = arith.addi %mul3A_2, %mul3A_309 : i32
      %dma_start3A_311 = arith.constant 1 : i32
      %dma_start3A_312 = arith.constant 0 : i32
      %dma_start3A_313 = tpu.memref_slice %arg10[%dma_start3A_311, %dma_start3A_312] : memref<2x80xf32, #tpu.memory_space<vmem>> -> memref<1x80xf32, #tpu.memory_space<vmem>>
      %dma_start3A_314 = tpu.memref_squeeze %dma_start3A_313 : memref<1x80xf32, #tpu.memory_space<vmem>> -> memref<80xf32, #tpu.memory_space<vmem>>
      %dma_start3A_315 = tpu.memref_slice %arg5[%add3A_310] : memref<320000xf32, #tpu.memory_space<hbm>> -> memref<80xf32, #tpu.memory_space<hbm>>
      %dma_start3A_316 = tpu.memref_slice %arg5[%add3A_310] : memref<320000xf32, #tpu.memory_space<hbm>> -> memref<80xf32, #tpu.memory_space<hbm>>
      %dma_start3A_317 = arith.constant 0 : i32
      %dma_start3A_318 = tpu.memref_slice %arg10[%dma_start3A_311, %dma_start3A_317] : memref<2x80xf32, #tpu.memory_space<vmem>> -> memref<1x80xf32, #tpu.memory_space<vmem>>
      %dma_start3A_319 = tpu.memref_squeeze %dma_start3A_318 : memref<1x80xf32, #tpu.memory_space<vmem>> -> memref<80xf32, #tpu.memory_space<vmem>>
      tpu.enqueue_dma source(%dma_start3A_319 : memref<80xf32, #tpu.memory_space<vmem>>) target(%dma_start3A_316 : memref<80xf32, #tpu.memory_space<hbm>>) target_semaphore(%arg16 : memref<!tpu.dma_semaphore, #tpu.memory_space<semaphore_mem>>)
    }
    %scan3A_64 = arith.constant 62 : i32
    %dma_wait3A = arith.constant 0 : i32
    %dma_wait3A_65 = arith.constant 0 : i32
    %dma_wait3A_66 = arith.constant 0 : i32
    %dma_wait3A_67 = arith.constant 0 : i32
    %dma_wait3A_68 = arith.constant 0 : i32
    %dma_wait3A_69 = tpu.memref_slice %arg7[%dma_wait3A_66, %dma_wait3A_67, %dma_wait3A_68] : memref<2x80x256xf32, #tpu.memory_space<vmem>> -> memref<1x80x256xf32, #tpu.memory_space<vmem>>
    %dma_wait3A_70 = tpu.memref_squeeze %dma_wait3A_69 : memref<1x80x256xf32, #tpu.memory_space<vmem>> -> memref<80x256xf32, #tpu.memory_space<vmem>>
    %dma_wait3A_71 = arith.constant 0 : i32
    %dma_wait3A_72 = tpu.memref_slice %arg6[%dma_wait3A, %dma_wait3A_65, %dma_wait3A_71] : memref<2x3x80xi32, #tpu.memory_space<vmem>> -> memref<1x1x80xi32, #tpu.memory_space<vmem>>
    %dma_wait3A_73 = tpu.memref_squeeze %dma_wait3A_72 : memref<1x1x80xi32, #tpu.memory_space<vmem>> -> memref<80xi32, #tpu.memory_space<vmem>>
    %dma_wait3A_74 = arith.constant 0 : i32
    %dma_wait3A_75 = arith.constant 0 : i32
    %dma_wait3A_76 = tpu.memref_slice %arg2[%dma_wait3A_74, %dma_wait3A_75] : memref<10000x256xf32, #tpu.memory_space<hbm>> -> memref<10000x256xf32, #tpu.memory_space<hbm>>
    tpu.wait_indirect_dma semaphore(%arg11 : memref<!tpu.dma_semaphore, #tpu.memory_space<semaphore_mem>>) src(%dma_wait3A_76 : memref<10000x256xf32, #tpu.memory_space<hbm>>) dst(%dma_wait3A_70 : memref<80x256xf32, #tpu.memory_space<vmem>>)
    %dma_wait3A_77 = arith.constant 0 : i32
    %dma_wait3A_78 = arith.constant 1 : i32
    %dma_wait3A_79 = arith.constant 0 : i32
    %dma_wait3A_80 = arith.constant 0 : i32
    %dma_wait3A_81 = arith.constant 0 : i32
    %dma_wait3A_82 = tpu.memref_slice %arg8[%dma_wait3A_79, %dma_wait3A_80, %dma_wait3A_81] : memref<2x80x256xf32, #tpu.memory_space<vmem>> -> memref<1x80x256xf32, #tpu.memory_space<vmem>>
    %dma_wait3A_83 = tpu.memref_squeeze %dma_wait3A_82 : memref<1x80x256xf32, #tpu.memory_space<vmem>> -> memref<80x256xf32, #tpu.memory_space<vmem>>
    %dma_wait3A_84 = arith.constant 0 : i32
    %dma_wait3A_85 = tpu.memref_slice %arg6[%dma_wait3A_77, %dma_wait3A_78, %dma_wait3A_84] : memref<2x3x80xi32, #tpu.memory_space<vmem>> -> memref<1x1x80xi32, #tpu.memory_space<vmem>>
    %dma_wait3A_86 = tpu.memref_squeeze %dma_wait3A_85 : memref<1x1x80xi32, #tpu.memory_space<vmem>> -> memref<80xi32, #tpu.memory_space<vmem>>
    %dma_wait3A_87 = arith.constant 0 : i32
    %dma_wait3A_88 = arith.constant 0 : i32
    %dma_wait3A_89 = tpu.memref_slice %arg2[%dma_wait3A_87, %dma_wait3A_88] : memref<10000x256xf32, #tpu.memory_space<hbm>> -> memref<10000x256xf32, #tpu.memory_space<hbm>>
    tpu.wait_indirect_dma semaphore(%arg11 : memref<!tpu.dma_semaphore, #tpu.memory_space<semaphore_mem>>) src(%dma_wait3A_89 : memref<10000x256xf32, #tpu.memory_space<hbm>>) dst(%dma_wait3A_83 : memref<80x256xf32, #tpu.memory_space<vmem>>)
    %dma_wait3A_90 = arith.constant 0 : i32
    %dma_wait3A_91 = arith.constant 2 : i32
    %dma_wait3A_92 = arith.constant 0 : i32
    %dma_wait3A_93 = arith.constant 0 : i32
    %dma_wait3A_94 = arith.constant 0 : i32
    %dma_wait3A_95 = tpu.memref_slice %arg9[%dma_wait3A_92, %dma_wait3A_93, %dma_wait3A_94] : memref<2x80x256xf32, #tpu.memory_space<vmem>> -> memref<1x80x256xf32, #tpu.memory_space<vmem>>
    %dma_wait3A_96 = tpu.memref_squeeze %dma_wait3A_95 : memref<1x80x256xf32, #tpu.memory_space<vmem>> -> memref<80x256xf32, #tpu.memory_space<vmem>>
    %dma_wait3A_97 = arith.constant 0 : i32
    %dma_wait3A_98 = tpu.memref_slice %arg6[%dma_wait3A_90, %dma_wait3A_91, %dma_wait3A_97] : memref<2x3x80xi32, #tpu.memory_space<vmem>> -> memref<1x1x80xi32, #tpu.memory_space<vmem>>
    %dma_wait3A_99 = tpu.memref_squeeze %dma_wait3A_98 : memref<1x1x80xi32, #tpu.memory_space<vmem>> -> memref<80xi32, #tpu.memory_space<vmem>>
    %dma_wait3A_100 = arith.constant 0 : i32
    %dma_wait3A_101 = arith.constant 0 : i32
    %dma_wait3A_102 = tpu.memref_slice %arg3[%dma_wait3A_100, %dma_wait3A_101] : memref<1000x256xf32, #tpu.memory_space<hbm>> -> memref<1000x256xf32, #tpu.memory_space<hbm>>
    tpu.wait_indirect_dma semaphore(%arg11 : memref<!tpu.dma_semaphore, #tpu.memory_space<semaphore_mem>>) src(%dma_wait3A_102 : memref<1000x256xf32, #tpu.memory_space<hbm>>) dst(%dma_wait3A_96 : memref<80x256xf32, #tpu.memory_space<vmem>>)
    %dma_wait3A_103 = arith.constant 0 : i32
    %dma_wait3A_104 = arith.constant 0 : i32
    %dma_wait3A_105 = tpu.memref_slice %arg10[%dma_wait3A_103, %dma_wait3A_104] : memref<2x80xf32, #tpu.memory_space<vmem>> -> memref<1x80xf32, #tpu.memory_space<vmem>>
    %dma_wait3A_106 = tpu.memref_squeeze %dma_wait3A_105 : memref<1x80xf32, #tpu.memory_space<vmem>> -> memref<80xf32, #tpu.memory_space<vmem>>
    %dma_wait3A_107 = tpu.memref_slice %arg5[%mul3A_2] : memref<320000xf32, #tpu.memory_space<hbm>> -> memref<80xf32, #tpu.memory_space<hbm>>
    %dma_wait3A_108 = tpu.memref_slice %arg5[%mul3A_2] : memref<320000xf32, #tpu.memory_space<hbm>> -> memref<80xf32, #tpu.memory_space<hbm>>
    %dma_wait3A_109 = arith.constant 0 : i32
    %dma_wait3A_110 = tpu.memref_slice %arg10[%dma_wait3A_103, %dma_wait3A_109] : memref<2x80xf32, #tpu.memory_space<vmem>> -> memref<1x80xf32, #tpu.memory_space<vmem>>
    %dma_wait3A_111 = tpu.memref_squeeze %dma_wait3A_110 : memref<1x80xf32, #tpu.memory_space<vmem>> -> memref<80xf32, #tpu.memory_space<vmem>>
    tpu.wait_dma2 semaphore(%arg15 : memref<!tpu.dma_semaphore, #tpu.memory_space<semaphore_mem>>) src(%dma_wait3A_111 : memref<80xf32, #tpu.memory_space<vmem>>) dst(%dma_wait3A_108 : memref<80xf32, #tpu.memory_space<hbm>>)
    %parallel_loop3A = arith.constant 0 : i32
    %parallel_loop3A_112 = arith.constant 80 : i32
    %parallel_loop3A_113 = arith.constant 1 : i32
    %parallel_loop3A_114 = arith.constant 0 : i32
    %parallel_loop3A_115 = arith.constant 0 : i32
    %parallel_loop3A_116 = arith.constant 0 : i32
    %parallel_loop3A_117 = arith.constant 0 : i32
    scf.for %parallel_loop3A_147 = %parallel_loop3A to %parallel_loop3A_112 step %parallel_loop3A_113  : i32 {
      %parallel_loop3A_148 = arith.constant 0.000000e+00 : f32
      %parallel_loop3A_149 = vector.broadcast %parallel_loop3A_148 : f32 to vector<16xf32>
      %parallel_loop3A_150 = arith.constant 0.000000e+00 : f32
      %parallel_loop3A_151 = vector.broadcast %parallel_loop3A_150 : f32 to vector<16xf32>
      %parallel_loop3A_152 = arith.constant 0.000000e+00 : f32
      %parallel_loop3A_153 = vector.broadcast %parallel_loop3A_152 : f32 to vector<16xf32>
      %parallel_loop3A_154 = arith.constant 0.000000e+00 : f32
      %parallel_loop3A_155 = vector.broadcast %parallel_loop3A_154 : f32 to vector<16xf32>
      %parallel_loop3A_156 = arith.constant 0 : i32
      %parallel_loop3A_157 = arith.constant 0 : i32
      %parallel_loop3A_158 = tpu.memref_slice %arg7[%parallel_loop3A_114, %parallel_loop3A_156, %parallel_loop3A_157] : memref<2x80x256xf32, #tpu.memory_space<vmem>> -> memref<1x80x256xf32, #tpu.memory_space<vmem>>
      %parallel_loop3A_159 = tpu.memref_squeeze %parallel_loop3A_158 : memref<1x80x256xf32, #tpu.memory_space<vmem>> -> memref<80x256xf32, #tpu.memory_space<vmem>>
      %parallel_loop3A_160 = arith.index_cast %parallel_loop3A_147 : i32 to index
      %parallel_loop3A_161 = arith.constant 0 : index
      %parallel_loop3A_162 = tpu.vector_load %parallel_loop3A_159[%parallel_loop3A_160, %parallel_loop3A_161] {strides = array<i32>} : memref<80x256xf32, #tpu.memory_space<vmem>>, vector<16xf32>,
      %parallel_loop3A_163 = arith.constant 0 : i32
      %parallel_loop3A_164 = arith.constant 0 : i32
      %parallel_loop3A_165 = tpu.memref_slice %arg7[%parallel_loop3A_114, %parallel_loop3A_163, %parallel_loop3A_164] : memref<2x80x256xf32, #tpu.memory_space<vmem>> -> memref<1x80x256xf32, #tpu.memory_space<vmem>>
      %parallel_loop3A_166 = tpu.memref_squeeze %parallel_loop3A_165 : memref<1x80x256xf32, #tpu.memory_space<vmem>> -> memref<80x256xf32, #tpu.memory_space<vmem>>
      %parallel_loop3A_167 = arith.index_cast %parallel_loop3A_147 : i32 to index
      %parallel_loop3A_168 = arith.constant 128 : index
      %parallel_loop3A_169 = tpu.vector_load %parallel_loop3A_166[%parallel_loop3A_167, %parallel_loop3A_168] {strides = array<i32>} : memref<80x256xf32, #tpu.memory_space<vmem>>, vector<16xf32>,
      %parallel_loop3A_170 = arith.constant 0 : i32
      %parallel_loop3A_171 = arith.constant 0 : i32
      %parallel_loop3A_172 = tpu.memref_slice %arg9[%parallel_loop3A_115, %parallel_loop3A_170, %parallel_loop3A_171] : memref<2x80x256xf32, #tpu.memory_space<vmem>> -> memref<1x80x256xf32, #tpu.memory_space<vmem>>
      %parallel_loop3A_173 = tpu.memref_squeeze %parallel_loop3A_172 : memref<1x80x256xf32, #tpu.memory_space<vmem>> -> memref<80x256xf32, #tpu.memory_space<vmem>>
      %parallel_loop3A_174 = arith.index_cast %parallel_loop3A_147 : i32 to index
      %parallel_loop3A_175 = arith.constant 0 : index
      %parallel_loop3A_176 = tpu.vector_load %parallel_loop3A_173[%parallel_loop3A_174, %parallel_loop3A_175] {strides = array<i32>} : memref<80x256xf32, #tpu.memory_space<vmem>>, vector<16xf32>,
      %parallel_loop3A_177 = arith.constant 0 : i32
      %parallel_loop3A_178 = arith.constant 0 : i32
      %parallel_loop3A_179 = tpu.memref_slice %arg9[%parallel_loop3A_115, %parallel_loop3A_177, %parallel_loop3A_178] : memref<2x80x256xf32, #tpu.memory_space<vmem>> -> memref<1x80x256xf32, #tpu.memory_space<vmem>>
      %parallel_loop3A_180 = tpu.memref_squeeze %parallel_loop3A_179 : memref<1x80x256xf32, #tpu.memory_space<vmem>> -> memref<80x256xf32, #tpu.memory_space<vmem>>
      %parallel_loop3A_181 = arith.index_cast %parallel_loop3A_147 : i32 to index
      %parallel_loop3A_182 = arith.constant 128 : index
      %parallel_loop3A_183 = tpu.vector_load %parallel_loop3A_180[%parallel_loop3A_181, %parallel_loop3A_182] {strides = array<i32>} : memref<80x256xf32, #tpu.memory_space<vmem>>, vector<16xf32>,
      %parallel_loop3A_184 = arith.constant 0 : i32
      %parallel_loop3A_185 = arith.constant 0 : i32
      %parallel_loop3A_186 = tpu.memref_slice %arg8[%parallel_loop3A_116, %parallel_loop3A_184, %parallel_loop3A_185] : memref<2x80x256xf32, #tpu.memory_space<vmem>> -> memref<1x80x256xf32, #tpu.memory_space<vmem>>
      %parallel_loop3A_187 = tpu.memref_squeeze %parallel_loop3A_186 : memref<1x80x256xf32, #tpu.memory_space<vmem>> -> memref<80x256xf32, #tpu.memory_space<vmem>>
      %parallel_loop3A_188 = arith.index_cast %parallel_loop3A_147 : i32 to index
      %parallel_loop3A_189 = arith.constant 0 : index
      %parallel_loop3A_190 = tpu.vector_load %parallel_loop3A_187[%parallel_loop3A_188, %parallel_loop3A_189] {strides = array<i32>} : memref<80x256xf32, #tpu.memory_space<vmem>>, vector<16xf32>,
      %parallel_loop3A_191 = arith.constant 0 : i32
      %parallel_loop3A_192 = arith.constant 0 : i32
      %parallel_loop3A_193 = tpu.memref_slice %arg8[%parallel_loop3A_116, %parallel_loop3A_191, %parallel_loop3A_192] : memref<2x80x256xf32, #tpu.memory_space<vmem>> -> memref<1x80x256xf32, #tpu.memory_space<vmem>>
      %parallel_loop3A_194 = tpu.memref_squeeze %parallel_loop3A_193 : memref<1x80x256xf32, #tpu.memory_space<vmem>> -> memref<80x256xf32, #tpu.memory_space<vmem>>
      %parallel_loop3A_195 = arith.index_cast %parallel_loop3A_147 : i32 to index
      %parallel_loop3A_196 = arith.constant 128 : index
      %parallel_loop3A_197 = tpu.vector_load %parallel_loop3A_194[%parallel_loop3A_195, %parallel_loop3A_196] {strides = array<i32>} : memref<80x256xf32, #tpu.memory_space<vmem>>, vector<16xf32>,
      %parallel_loop3A_198 = arith.mulf %parallel_loop3A_162, %parallel_loop3A_176 : vector<16xf32>
      %parallel_loop3A_199 = arith.mulf %parallel_loop3A_169, %parallel_loop3A_183 : vector<16xf32>
      %parallel_loop3A_200 = arith.subf %parallel_loop3A_198, %parallel_loop3A_199 : vector<16xf32>
      %parallel_loop3A_201 = arith.mulf %parallel_loop3A_190, %parallel_loop3A_200 : vector<16xf32>
      %parallel_loop3A_202 = arith.mulf %parallel_loop3A_162, %parallel_loop3A_183 : vector<16xf32>
      %parallel_loop3A_203 = arith.mulf %parallel_loop3A_169, %parallel_loop3A_176 : vector<16xf32>
      %parallel_loop3A_204 = arith.addf %parallel_loop3A_202, %parallel_loop3A_203 : vector<16xf32>
      %parallel_loop3A_205 = arith.mulf %parallel_loop3A_197, %parallel_loop3A_204 : vector<16xf32>
      %parallel_loop3A_206 = arith.subf %parallel_loop3A_201, %parallel_loop3A_205 : vector<16xf32>
      %parallel_loop3A_207 = arith.addf %parallel_loop3A_149, %parallel_loop3A_206 : vector<16xf32>
      %parallel_loop3A_208 = arith.constant 0 : i32
      %parallel_loop3A_209 = arith.constant 0 : i32
      %parallel_loop3A_210 = tpu.memref_slice %arg7[%parallel_loop3A_114, %parallel_loop3A_208, %parallel_loop3A_209] : memref<2x80x256xf32, #tpu.memory_space<vmem>> -> memref<1x80x256xf32, #tpu.memory_space<vmem>>
      %parallel_loop3A_211 = tpu.memref_squeeze %parallel_loop3A_210 : memref<1x80x256xf32, #tpu.memory_space<vmem>> -> memref<80x256xf32, #tpu.memory_space<vmem>>
      %parallel_loop3A_212 = arith.index_cast %parallel_loop3A_147 : i32 to index
      %parallel_loop3A_213 = arith.constant 16 : index
      %parallel_loop3A_214 = tpu.vector_load %parallel_loop3A_211[%parallel_loop3A_212, %parallel_loop3A_213] {strides = array<i32>} : memref<80x256xf32, #tpu.memory_space<vmem>>, vector<16xf32>,
      %parallel_loop3A_215 = arith.constant 0 : i32
      %parallel_loop3A_216 = arith.constant 0 : i32
      %parallel_loop3A_217 = tpu.memref_slice %arg7[%parallel_loop3A_114, %parallel_loop3A_215, %parallel_loop3A_216] : memref<2x80x256xf32, #tpu.memory_space<vmem>> -> memref<1x80x256xf32, #tpu.memory_space<vmem>>
      %parallel_loop3A_218 = tpu.memref_squeeze %parallel_loop3A_217 : memref<1x80x256xf32, #tpu.memory_space<vmem>> -> memref<80x256xf32, #tpu.memory_space<vmem>>
      %parallel_loop3A_219 = arith.index_cast %parallel_loop3A_147 : i32 to index
      %parallel_loop3A_220 = arith.constant 144 : index
      %parallel_loop3A_221 = tpu.vector_load %parallel_loop3A_218[%parallel_loop3A_219, %parallel_loop3A_220] {strides = array<i32>} : memref<80x256xf32, #tpu.memory_space<vmem>>, vector<16xf32>,
      %parallel_loop3A_222 = arith.constant 0 : i32
      %parallel_loop3A_223 = arith.constant 0 : i32
      %parallel_loop3A_224 = tpu.memref_slice %arg9[%parallel_loop3A_115, %parallel_loop3A_222, %parallel_loop3A_223] : memref<2x80x256xf32, #tpu.memory_space<vmem>> -> memref<1x80x256xf32, #tpu.memory_space<vmem>>
      %parallel_loop3A_225 = tpu.memref_squeeze %parallel_loop3A_224 : memref<1x80x256xf32, #tpu.memory_space<vmem>> -> memref<80x256xf32, #tpu.memory_space<vmem>>
      %parallel_loop3A_226 = arith.index_cast %parallel_loop3A_147 : i32 to index
      %parallel_loop3A_227 = arith.constant 16 : index
      %parallel_loop3A_228 = tpu.vector_load %parallel_loop3A_225[%parallel_loop3A_226, %parallel_loop3A_227] {strides = array<i32>} : memref<80x256xf32, #tpu.memory_space<vmem>>, vector<16xf32>,
      %parallel_loop3A_229 = arith.constant 0 : i32
      %parallel_loop3A_230 = arith.constant 0 : i32
      %parallel_loop3A_231 = tpu.memref_slice %arg9[%parallel_loop3A_115, %parallel_loop3A_229, %parallel_loop3A_230] : memref<2x80x256xf32, #tpu.memory_space<vmem>> -> memref<1x80x256xf32, #tpu.memory_space<vmem>>
      %parallel_loop3A_232 = tpu.memref_squeeze %parallel_loop3A_231 : memref<1x80x256xf32, #tpu.memory_space<vmem>> -> memref<80x256xf32, #tpu.memory_space<vmem>>
      %parallel_loop3A_233 = arith.index_cast %parallel_loop3A_147 : i32 to index
      %parallel_loop3A_234 = arith.constant 144 : index
      %parallel_loop3A_235 = tpu.vector_load %parallel_loop3A_232[%parallel_loop3A_233, %parallel_loop3A_234] {strides = array<i32>} : memref<80x256xf32, #tpu.memory_space<vmem>>, vector<16xf32>,
      %parallel_loop3A_236 = arith.constant 0 : i32
      %parallel_loop3A_237 = arith.constant 0 : i32
      %parallel_loop3A_238 = tpu.memref_slice %arg8[%parallel_loop3A_116, %parallel_loop3A_236, %parallel_loop3A_237] : memref<2x80x256xf32, #tpu.memory_space<vmem>> -> memref<1x80x256xf32, #tpu.memory_space<vmem>>
      %parallel_loop3A_239 = tpu.memref_squeeze %parallel_loop3A_238 : memref<1x80x256xf32, #tpu.memory_space<vmem>> -> memref<80x256xf32, #tpu.memory_space<vmem>>
      %parallel_loop3A_240 = arith.index_cast %parallel_loop3A_147 : i32 to index
      %parallel_loop3A_241 = arith.constant 16 : index
      %parallel_loop3A_242 = tpu.vector_load %parallel_loop3A_239[%parallel_loop3A_240, %parallel_loop3A_241] {strides = array<i32>} : memref<80x256xf32, #tpu.memory_space<vmem>>, vector<16xf32>,
      %parallel_loop3A_243 = arith.constant 0 : i32
      %parallel_loop3A_244 = arith.constant 0 : i32
      %parallel_loop3A_245 = tpu.memref_slice %arg8[%parallel_loop3A_116, %parallel_loop3A_243, %parallel_loop3A_244] : memref<2x80x256xf32, #tpu.memory_space<vmem>> -> memref<1x80x256xf32, #tpu.memory_space<vmem>>
      %parallel_loop3A_246 = tpu.memref_squeeze %parallel_loop3A_245 : memref<1x80x256xf32, #tpu.memory_space<vmem>> -> memref<80x256xf32, #tpu.memory_space<vmem>>
      %parallel_loop3A_247 = arith.index_cast %parallel_loop3A_147 : i32 to index
      %parallel_loop3A_248 = arith.constant 144 : index
      %parallel_loop3A_249 = tpu.vector_load %parallel_loop3A_246[%parallel_loop3A_247, %parallel_loop3A_248] {strides = array<i32>} : memref<80x256xf32, #tpu.memory_space<vmem>>, vector<16xf32>,
      %parallel_loop3A_250 = arith.mulf %parallel_loop3A_214, %parallel_loop3A_228 : vector<16xf32>
      %parallel_loop3A_251 = arith.mulf %parallel_loop3A_221, %parallel_loop3A_235 : vector<16xf32>
      %parallel_loop3A_252 = arith.subf %parallel_loop3A_250, %parallel_loop3A_251 : vector<16xf32>
      %parallel_loop3A_253 = arith.mulf %parallel_loop3A_242, %parallel_loop3A_252 : vector<16xf32>
      %parallel_loop3A_254 = arith.mulf %parallel_loop3A_214, %parallel_loop3A_235 : vector<16xf32>
      %parallel_loop3A_255 = arith.mulf %parallel_loop3A_221, %parallel_loop3A_228 : vector<16xf32>
      %parallel_loop3A_256 = arith.addf %parallel_loop3A_254, %parallel_loop3A_255 : vector<16xf32>
      %parallel_loop3A_257 = arith.mulf %parallel_loop3A_249, %parallel_loop3A_256 : vector<16xf32>
      %parallel_loop3A_258 = arith.subf %parallel_loop3A_253, %parallel_loop3A_257 : vector<16xf32>
      %parallel_loop3A_259 = arith.addf %parallel_loop3A_151, %parallel_loop3A_258 : vector<16xf32>
      %parallel_loop3A_260 = arith.constant 0 : i32
      %parallel_loop3A_261 = arith.constant 0 : i32
      %parallel_loop3A_262 = tpu.memref_slice %arg7[%parallel_loop3A_114, %parallel_loop3A_260, %parallel_loop3A_261] : memref<2x80x256xf32, #tpu.memory_space<vmem>> -> memref<1x80x256xf32, #tpu.memory_space<vmem>>
      %parallel_loop3A_263 = tpu.memref_squeeze %parallel_loop3A_262 : memref<1x80x256xf32, #tpu.memory_space<vmem>> -> memref<80x256xf32, #tpu.memory_space<vmem>>
      %parallel_loop3A_264 = arith.index_cast %parallel_loop3A_147 : i32 to index
      %parallel_loop3A_265 = arith.constant 32 : index
      %parallel_loop3A_266 = tpu.vector_load %parallel_loop3A_263[%parallel_loop3A_264, %parallel_loop3A_265] {strides = array<i32>} : memref<80x256xf32, #tpu.memory_space<vmem>>, vector<16xf32>,
      %parallel_loop3A_267 = arith.constant 0 : i32
      %parallel_loop3A_268 = arith.constant 0 : i32
      %parallel_loop3A_269 = tpu.memref_slice %arg7[%parallel_loop3A_114, %parallel_loop3A_267, %parallel_loop3A_268] : memref<2x80x256xf32, #tpu.memory_space<vmem>> -> memref<1x80x256xf32, #tpu.memory_space<vmem>>
      %parallel_loop3A_270 = tpu.memref_squeeze %parallel_loop3A_269 : memref<1x80x256xf32, #tpu.memory_space<vmem>> -> memref<80x256xf32, #tpu.memory_space<vmem>>
      %parallel_loop3A_271 = arith.index_cast %parallel_loop3A_147 : i32 to index
      %parallel_loop3A_272 = arith.constant 160 : index
      %parallel_loop3A_273 = tpu.vector_load %parallel_loop3A_270[%parallel_loop3A_271, %parallel_loop3A_272] {strides = array<i32>} : memref<80x256xf32, #tpu.memory_space<vmem>>, vector<16xf32>,
      %parallel_loop3A_274 = arith.constant 0 : i32
      %parallel_loop3A_275 = arith.constant 0 : i32
      %parallel_loop3A_276 = tpu.memref_slice %arg9[%parallel_loop3A_115, %parallel_loop3A_274, %parallel_loop3A_275] : memref<2x80x256xf32, #tpu.memory_space<vmem>> -> memref<1x80x256xf32, #tpu.memory_space<vmem>>
      %parallel_loop3A_277 = tpu.memref_squeeze %parallel_loop3A_276 : memref<1x80x256xf32, #tpu.memory_space<vmem>> -> memref<80x256xf32, #tpu.memory_space<vmem>>
      %parallel_loop3A_278 = arith.index_cast %parallel_loop3A_147 : i32 to index
      %parallel_loop3A_279 = arith.constant 32 : index
      %parallel_loop3A_280 = tpu.vector_load %parallel_loop3A_277[%parallel_loop3A_278, %parallel_loop3A_279] {strides = array<i32>} : memref<80x256xf32, #tpu.memory_space<vmem>>, vector<16xf32>,
      %parallel_loop3A_281 = arith.constant 0 : i32
      %parallel_loop3A_282 = arith.constant 0 : i32
      %parallel_loop3A_283 = tpu.memref_slice %arg9[%parallel_loop3A_115, %parallel_loop3A_281, %parallel_loop3A_282] : memref<2x80x256xf32, #tpu.memory_space<vmem>> -> memref<1x80x256xf32, #tpu.memory_space<vmem>>
      %parallel_loop3A_284 = tpu.memref_squeeze %parallel_loop3A_283 : memref<1x80x256xf32, #tpu.memory_space<vmem>> -> memref<80x256xf32, #tpu.memory_space<vmem>>
      %parallel_loop3A_285 = arith.index_cast %parallel_loop3A_147 : i32 to index
      %parallel_loop3A_286 = arith.constant 160 : index
      %parallel_loop3A_287 = tpu.vector_load %parallel_loop3A_284[%parallel_loop3A_285, %parallel_loop3A_286] {strides = array<i32>} : memref<80x256xf32, #tpu.memory_space<vmem>>, vector<16xf32>,
      %parallel_loop3A_288 = arith.constant 0 : i32
      %parallel_loop3A_289 = arith.constant 0 : i32
      %parallel_loop3A_290 = tpu.memref_slice %arg8[%parallel_loop3A_116, %parallel_loop3A_288, %parallel_loop3A_289] : memref<2x80x256xf32, #tpu.memory_space<vmem>> -> memref<1x80x256xf32, #tpu.memory_space<vmem>>
      %parallel_loop3A_291 = tpu.memref_squeeze %parallel_loop3A_290 : memref<1x80x256xf32, #tpu.memory_space<vmem>> -> memref<80x256xf32, #tpu.memory_space<vmem>>
      %parallel_loop3A_292 = arith.index_cast %parallel_loop3A_147 : i32 to index
      %parallel_loop3A_293 = arith.constant 32 : index
      %parallel_loop3A_294 = tpu.vector_load %parallel_loop3A_291[%parallel_loop3A_292, %parallel_loop3A_293] {strides = array<i32>} : memref<80x256xf32, #tpu.memory_space<vmem>>, vector<16xf32>,
      %parallel_loop3A_295 = arith.constant 0 : i32
      %parallel_loop3A_296 = arith.constant 0 : i32
      %parallel_loop3A_297 = tpu.memref_slice %arg8[%parallel_loop3A_116, %parallel_loop3A_295, %parallel_loop3A_296] : memref<2x80x256xf32, #tpu.memory_space<vmem>> -> memref<1x80x256xf32, #tpu.memory_space<vmem>>
      %parallel_loop3A_298 = tpu.memref_squeeze %parallel_loop3A_297 : memref<1x80x256xf32, #tpu.memory_space<vmem>> -> memref<80x256xf32, #tpu.memory_space<vmem>>
      %parallel_loop3A_299 = arith.index_cast %parallel_loop3A_147 : i32 to index
      %parallel_loop3A_300 = arith.constant 160 : index
      %parallel_loop3A_301 = tpu.vector_load %parallel_loop3A_298[%parallel_loop3A_299, %parallel_loop3A_300] {strides = array<i32>} : memref<80x256xf32, #tpu.memory_space<vmem>>, vector<16xf32>,
      %parallel_loop3A_302 = arith.mulf %parallel_loop3A_266, %parallel_loop3A_280 : vector<16xf32>
      %parallel_loop3A_303 = arith.mulf %parallel_loop3A_273, %parallel_loop3A_287 : vector<16xf32>
      %parallel_loop3A_304 = arith.subf %parallel_loop3A_302, %parallel_loop3A_303 : vector<16xf32>
      %parallel_loop3A_305 = arith.mulf %parallel_loop3A_294, %parallel_loop3A_304 : vector<16xf32>
      %parallel_loop3A_306 = arith.mulf %parallel_loop3A_266, %parallel_loop3A_287 : vector<16xf32>
      %parallel_loop3A_307 = arith.mulf %parallel_loop3A_273, %parallel_loop3A_280 : vector<16xf32>
      %parallel_loop3A_308 = arith.addf %parallel_loop3A_306, %parallel_loop3A_307 : vector<16xf32>
      %parallel_loop3A_309 = arith.mulf %parallel_loop3A_301, %parallel_loop3A_308 : vector<16xf32>
      %parallel_loop3A_310 = arith.subf %parallel_loop3A_305, %parallel_loop3A_309 : vector<16xf32>
      %parallel_loop3A_311 = arith.addf %parallel_loop3A_153, %parallel_loop3A_310 : vector<16xf32>
      %parallel_loop3A_312 = arith.constant 0 : i32
      %parallel_loop3A_313 = arith.constant 0 : i32
      %parallel_loop3A_314 = tpu.memref_slice %arg7[%parallel_loop3A_114, %parallel_loop3A_312, %parallel_loop3A_313] : memref<2x80x256xf32, #tpu.memory_space<vmem>> -> memref<1x80x256xf32, #tpu.memory_space<vmem>>
      %parallel_loop3A_315 = tpu.memref_squeeze %parallel_loop3A_314 : memref<1x80x256xf32, #tpu.memory_space<vmem>> -> memref<80x256xf32, #tpu.memory_space<vmem>>
      %parallel_loop3A_316 = arith.index_cast %parallel_loop3A_147 : i32 to index
      %parallel_loop3A_317 = arith.constant 48 : index
      %parallel_loop3A_318 = tpu.vector_load %parallel_loop3A_315[%parallel_loop3A_316, %parallel_loop3A_317] {strides = array<i32>} : memref<80x256xf32, #tpu.memory_space<vmem>>, vector<16xf32>,
      %parallel_loop3A_319 = arith.constant 0 : i32
      %parallel_loop3A_320 = arith.constant 0 : i32
      %parallel_loop3A_321 = tpu.memref_slice %arg7[%parallel_loop3A_114, %parallel_loop3A_319, %parallel_loop3A_320] : memref<2x80x256xf32, #tpu.memory_space<vmem>> -> memref<1x80x256xf32, #tpu.memory_space<vmem>>
      %parallel_loop3A_322 = tpu.memref_squeeze %parallel_loop3A_321 : memref<1x80x256xf32, #tpu.memory_space<vmem>> -> memref<80x256xf32, #tpu.memory_space<vmem>>
      %parallel_loop3A_323 = arith.index_cast %parallel_loop3A_147 : i32 to index
      %parallel_loop3A_324 = arith.constant 176 : index
      %parallel_loop3A_325 = tpu.vector_load %parallel_loop3A_322[%parallel_loop3A_323, %parallel_loop3A_324] {strides = array<i32>} : memref<80x256xf32, #tpu.memory_space<vmem>>, vector<16xf32>,
      %parallel_loop3A_326 = arith.constant 0 : i32
      %parallel_loop3A_327 = arith.constant 0 : i32
      %parallel_loop3A_328 = tpu.memref_slice %arg9[%parallel_loop3A_115, %parallel_loop3A_326, %parallel_loop3A_327] : memref<2x80x256xf32, #tpu.memory_space<vmem>> -> memref<1x80x256xf32, #tpu.memory_space<vmem>>
      %parallel_loop3A_329 = tpu.memref_squeeze %parallel_loop3A_328 : memref<1x80x256xf32, #tpu.memory_space<vmem>> -> memref<80x256xf32, #tpu.memory_space<vmem>>
      %parallel_loop3A_330 = arith.index_cast %parallel_loop3A_147 : i32 to index
      %parallel_loop3A_331 = arith.constant 48 : index
      %parallel_loop3A_332 = tpu.vector_load %parallel_loop3A_329[%parallel_loop3A_330, %parallel_loop3A_331] {strides = array<i32>} : memref<80x256xf32, #tpu.memory_space<vmem>>, vector<16xf32>,
      %parallel_loop3A_333 = arith.constant 0 : i32
      %parallel_loop3A_334 = arith.constant 0 : i32
      %parallel_loop3A_335 = tpu.memref_slice %arg9[%parallel_loop3A_115, %parallel_loop3A_333, %parallel_loop3A_334] : memref<2x80x256xf32, #tpu.memory_space<vmem>> -> memref<1x80x256xf32, #tpu.memory_space<vmem>>
      %parallel_loop3A_336 = tpu.memref_squeeze %parallel_loop3A_335 : memref<1x80x256xf32, #tpu.memory_space<vmem>> -> memref<80x256xf32, #tpu.memory_space<vmem>>
      %parallel_loop3A_337 = arith.index_cast %parallel_loop3A_147 : i32 to index
      %parallel_loop3A_338 = arith.constant 176 : index
      %parallel_loop3A_339 = tpu.vector_load %parallel_loop3A_336[%parallel_loop3A_337, %parallel_loop3A_338] {strides = array<i32>} : memref<80x256xf32, #tpu.memory_space<vmem>>, vector<16xf32>,
      %parallel_loop3A_340 = arith.constant 0 : i32
      %parallel_loop3A_341 = arith.constant 0 : i32
      %parallel_loop3A_342 = tpu.memref_slice %arg8[%parallel_loop3A_116, %parallel_loop3A_340, %parallel_loop3A_341] : memref<2x80x256xf32, #tpu.memory_space<vmem>> -> memref<1x80x256xf32, #tpu.memory_space<vmem>>
      %parallel_loop3A_343 = tpu.memref_squeeze %parallel_loop3A_342 : memref<1x80x256xf32, #tpu.memory_space<vmem>> -> memref<80x256xf32, #tpu.memory_space<vmem>>
      %parallel_loop3A_344 = arith.index_cast %parallel_loop3A_147 : i32 to index
      %parallel_loop3A_345 = arith.constant 48 : index
      %parallel_loop3A_346 = tpu.vector_load %parallel_loop3A_343[%parallel_loop3A_344, %parallel_loop3A_345] {strides = array<i32>} : memref<80x256xf32, #tpu.memory_space<vmem>>, vector<16xf32>,
      %parallel_loop3A_347 = arith.constant 0 : i32
      %parallel_loop3A_348 = arith.constant 0 : i32
      %parallel_loop3A_349 = tpu.memref_slice %arg8[%parallel_loop3A_116, %parallel_loop3A_347, %parallel_loop3A_348] : memref<2x80x256xf32, #tpu.memory_space<vmem>> -> memref<1x80x256xf32, #tpu.memory_space<vmem>>
      %parallel_loop3A_350 = tpu.memref_squeeze %parallel_loop3A_349 : memref<1x80x256xf32, #tpu.memory_space<vmem>> -> memref<80x256xf32, #tpu.memory_space<vmem>>
      %parallel_loop3A_351 = arith.index_cast %parallel_loop3A_147 : i32 to index
      %parallel_loop3A_352 = arith.constant 176 : index
      %parallel_loop3A_353 = tpu.vector_load %parallel_loop3A_350[%parallel_loop3A_351, %parallel_loop3A_352] {strides = array<i32>} : memref<80x256xf32, #tpu.memory_space<vmem>>, vector<16xf32>,
      %parallel_loop3A_354 = arith.mulf %parallel_loop3A_318, %parallel_loop3A_332 : vector<16xf32>
      %parallel_loop3A_355 = arith.mulf %parallel_loop3A_325, %parallel_loop3A_339 : vector<16xf32>
      %parallel_loop3A_356 = arith.subf %parallel_loop3A_354, %parallel_loop3A_355 : vector<16xf32>
      %parallel_loop3A_357 = arith.mulf %parallel_loop3A_346, %parallel_loop3A_356 : vector<16xf32>
      %parallel_loop3A_358 = arith.mulf %parallel_loop3A_318, %parallel_loop3A_339 : vector<16xf32>
      %parallel_loop3A_359 = arith.mulf %parallel_loop3A_325, %parallel_loop3A_332 : vector<16xf32>
      %parallel_loop3A_360 = arith.addf %parallel_loop3A_358, %parallel_loop3A_359 : vector<16xf32>
      %parallel_loop3A_361 = arith.mulf %parallel_loop3A_353, %parallel_loop3A_360 : vector<16xf32>
      %parallel_loop3A_362 = arith.subf %parallel_loop3A_357, %parallel_loop3A_361 : vector<16xf32>
      %parallel_loop3A_363 = arith.addf %parallel_loop3A_155, %parallel_loop3A_362 : vector<16xf32>
      %parallel_loop3A_364 = arith.constant 0 : i32
      %parallel_loop3A_365 = arith.constant 0 : i32
      %parallel_loop3A_366 = tpu.memref_slice %arg7[%parallel_loop3A_114, %parallel_loop3A_364, %parallel_loop3A_365] : memref<2x80x256xf32, #tpu.memory_space<vmem>> -> memref<1x80x256xf32, #tpu.memory_space<vmem>>
      %parallel_loop3A_367 = tpu.memref_squeeze %parallel_loop3A_366 : memref<1x80x256xf32, #tpu.memory_space<vmem>> -> memref<80x256xf32, #tpu.memory_space<vmem>>
      %parallel_loop3A_368 = arith.index_cast %parallel_loop3A_147 : i32 to index
      %parallel_loop3A_369 = arith.constant 64 : index
      %parallel_loop3A_370 = tpu.vector_load %parallel_loop3A_367[%parallel_loop3A_368, %parallel_loop3A_369] {strides = array<i32>} : memref<80x256xf32, #tpu.memory_space<vmem>>, vector<16xf32>,
      %parallel_loop3A_371 = arith.constant 0 : i32
      %parallel_loop3A_372 = arith.constant 0 : i32
      %parallel_loop3A_373 = tpu.memref_slice %arg7[%parallel_loop3A_114, %parallel_loop3A_371, %parallel_loop3A_372] : memref<2x80x256xf32, #tpu.memory_space<vmem>> -> memref<1x80x256xf32, #tpu.memory_space<vmem>>
      %parallel_loop3A_374 = tpu.memref_squeeze %parallel_loop3A_373 : memref<1x80x256xf32, #tpu.memory_space<vmem>> -> memref<80x256xf32, #tpu.memory_space<vmem>>
      %parallel_loop3A_375 = arith.index_cast %parallel_loop3A_147 : i32 to index
      %parallel_loop3A_376 = arith.constant 192 : index
      %parallel_loop3A_377 = tpu.vector_load %parallel_loop3A_374[%parallel_loop3A_375, %parallel_loop3A_376] {strides = array<i32>} : memref<80x256xf32, #tpu.memory_space<vmem>>, vector<16xf32>,
      %parallel_loop3A_378 = arith.constant 0 : i32
      %parallel_loop3A_379 = arith.constant 0 : i32
      %parallel_loop3A_380 = tpu.memref_slice %arg9[%parallel_loop3A_115, %parallel_loop3A_378, %parallel_loop3A_379] : memref<2x80x256xf32, #tpu.memory_space<vmem>> -> memref<1x80x256xf32, #tpu.memory_space<vmem>>
      %parallel_loop3A_381 = tpu.memref_squeeze %parallel_loop3A_380 : memref<1x80x256xf32, #tpu.memory_space<vmem>> -> memref<80x256xf32, #tpu.memory_space<vmem>>
      %parallel_loop3A_382 = arith.index_cast %parallel_loop3A_147 : i32 to index
      %parallel_loop3A_383 = arith.constant 64 : index
      %parallel_loop3A_384 = tpu.vector_load %parallel_loop3A_381[%parallel_loop3A_382, %parallel_loop3A_383] {strides = array<i32>} : memref<80x256xf32, #tpu.memory_space<vmem>>, vector<16xf32>,
      %parallel_loop3A_385 = arith.constant 0 : i32
      %parallel_loop3A_386 = arith.constant 0 : i32
      %parallel_loop3A_387 = tpu.memref_slice %arg9[%parallel_loop3A_115, %parallel_loop3A_385, %parallel_loop3A_386] : memref<2x80x256xf32, #tpu.memory_space<vmem>> -> memref<1x80x256xf32, #tpu.memory_space<vmem>>
      %parallel_loop3A_388 = tpu.memref_squeeze %parallel_loop3A_387 : memref<1x80x256xf32, #tpu.memory_space<vmem>> -> memref<80x256xf32, #tpu.memory_space<vmem>>
      %parallel_loop3A_389 = arith.index_cast %parallel_loop3A_147 : i32 to index
      %parallel_loop3A_390 = arith.constant 192 : index
      %parallel_loop3A_391 = tpu.vector_load %parallel_loop3A_388[%parallel_loop3A_389, %parallel_loop3A_390] {strides = array<i32>} : memref<80x256xf32, #tpu.memory_space<vmem>>, vector<16xf32>,
      %parallel_loop3A_392 = arith.constant 0 : i32
      %parallel_loop3A_393 = arith.constant 0 : i32
      %parallel_loop3A_394 = tpu.memref_slice %arg8[%parallel_loop3A_116, %parallel_loop3A_392, %parallel_loop3A_393] : memref<2x80x256xf32, #tpu.memory_space<vmem>> -> memref<1x80x256xf32, #tpu.memory_space<vmem>>
      %parallel_loop3A_395 = tpu.memref_squeeze %parallel_loop3A_394 : memref<1x80x256xf32, #tpu.memory_space<vmem>> -> memref<80x256xf32, #tpu.memory_space<vmem>>
      %parallel_loop3A_396 = arith.index_cast %parallel_loop3A_147 : i32 to index
      %parallel_loop3A_397 = arith.constant 64 : index
      %parallel_loop3A_398 = tpu.vector_load %parallel_loop3A_395[%parallel_loop3A_396, %parallel_loop3A_397] {strides = array<i32>} : memref<80x256xf32, #tpu.memory_space<vmem>>, vector<16xf32>,
      %parallel_loop3A_399 = arith.constant 0 : i32
      %parallel_loop3A_400 = arith.constant 0 : i32
      %parallel_loop3A_401 = tpu.memref_slice %arg8[%parallel_loop3A_116, %parallel_loop3A_399, %parallel_loop3A_400] : memref<2x80x256xf32, #tpu.memory_space<vmem>> -> memref<1x80x256xf32, #tpu.memory_space<vmem>>
      %parallel_loop3A_402 = tpu.memref_squeeze %parallel_loop3A_401 : memref<1x80x256xf32, #tpu.memory_space<vmem>> -> memref<80x256xf32, #tpu.memory_space<vmem>>
      %parallel_loop3A_403 = arith.index_cast %parallel_loop3A_147 : i32 to index
      %parallel_loop3A_404 = arith.constant 192 : index
      %parallel_loop3A_405 = tpu.vector_load %parallel_loop3A_402[%parallel_loop3A_403, %parallel_loop3A_404] {strides = array<i32>} : memref<80x256xf32, #tpu.memory_space<vmem>>, vector<16xf32>,
      %parallel_loop3A_406 = arith.mulf %parallel_loop3A_370, %parallel_loop3A_384 : vector<16xf32>
      %parallel_loop3A_407 = arith.mulf %parallel_loop3A_377, %parallel_loop3A_391 : vector<16xf32>
      %parallel_loop3A_408 = arith.subf %parallel_loop3A_406, %parallel_loop3A_407 : vector<16xf32>
      %parallel_loop3A_409 = arith.mulf %parallel_loop3A_398, %parallel_loop3A_408 : vector<16xf32>
      %parallel_loop3A_410 = arith.mulf %parallel_loop3A_370, %parallel_loop3A_391 : vector<16xf32>
      %parallel_loop3A_411 = arith.mulf %parallel_loop3A_377, %parallel_loop3A_384 : vector<16xf32>
      %parallel_loop3A_412 = arith.addf %parallel_loop3A_410, %parallel_loop3A_411 : vector<16xf32>
      %parallel_loop3A_413 = arith.mulf %parallel_loop3A_405, %parallel_loop3A_412 : vector<16xf32>
      %parallel_loop3A_414 = arith.subf %parallel_loop3A_409, %parallel_loop3A_413 : vector<16xf32>
      %parallel_loop3A_415 = arith.addf %parallel_loop3A_207, %parallel_loop3A_414 : vector<16xf32>
      %parallel_loop3A_416 = arith.constant 0 : i32
      %parallel_loop3A_417 = arith.constant 0 : i32
      %parallel_loop3A_418 = tpu.memref_slice %arg7[%parallel_loop3A_114, %parallel_loop3A_416, %parallel_loop3A_417] : memref<2x80x256xf32, #tpu.memory_space<vmem>> -> memref<1x80x256xf32, #tpu.memory_space<vmem>>
      %parallel_loop3A_419 = tpu.memref_squeeze %parallel_loop3A_418 : memref<1x80x256xf32, #tpu.memory_space<vmem>> -> memref<80x256xf32, #tpu.memory_space<vmem>>
      %parallel_loop3A_420 = arith.index_cast %parallel_loop3A_147 : i32 to index
      %parallel_loop3A_421 = arith.constant 80 : index
      %parallel_loop3A_422 = tpu.vector_load %parallel_loop3A_419[%parallel_loop3A_420, %parallel_loop3A_421] {strides = array<i32>} : memref<80x256xf32, #tpu.memory_space<vmem>>, vector<16xf32>,
      %parallel_loop3A_423 = arith.constant 0 : i32
      %parallel_loop3A_424 = arith.constant 0 : i32
      %parallel_loop3A_425 = tpu.memref_slice %arg7[%parallel_loop3A_114, %parallel_loop3A_423, %parallel_loop3A_424] : memref<2x80x256xf32, #tpu.memory_space<vmem>> -> memref<1x80x256xf32, #tpu.memory_space<vmem>>
      %parallel_loop3A_426 = tpu.memref_squeeze %parallel_loop3A_425 : memref<1x80x256xf32, #tpu.memory_space<vmem>> -> memref<80x256xf32, #tpu.memory_space<vmem>>
      %parallel_loop3A_427 = arith.index_cast %parallel_loop3A_147 : i32 to index
      %parallel_loop3A_428 = arith.constant 208 : index
      %parallel_loop3A_429 = tpu.vector_load %parallel_loop3A_426[%parallel_loop3A_427, %parallel_loop3A_428] {strides = array<i32>} : memref<80x256xf32, #tpu.memory_space<vmem>>, vector<16xf32>,
      %parallel_loop3A_430 = arith.constant 0 : i32
      %parallel_loop3A_431 = arith.constant 0 : i32
      %parallel_loop3A_432 = tpu.memref_slice %arg9[%parallel_loop3A_115, %parallel_loop3A_430, %parallel_loop3A_431] : memref<2x80x256xf32, #tpu.memory_space<vmem>> -> memref<1x80x256xf32, #tpu.memory_space<vmem>>
      %parallel_loop3A_433 = tpu.memref_squeeze %parallel_loop3A_432 : memref<1x80x256xf32, #tpu.memory_space<vmem>> -> memref<80x256xf32, #tpu.memory_space<vmem>>
      %parallel_loop3A_434 = arith.index_cast %parallel_loop3A_147 : i32 to index
      %parallel_loop3A_435 = arith.constant 80 : index
      %parallel_loop3A_436 = tpu.vector_load %parallel_loop3A_433[%parallel_loop3A_434, %parallel_loop3A_435] {strides = array<i32>} : memref<80x256xf32, #tpu.memory_space<vmem>>, vector<16xf32>,
      %parallel_loop3A_437 = arith.constant 0 : i32
      %parallel_loop3A_438 = arith.constant 0 : i32
      %parallel_loop3A_439 = tpu.memref_slice %arg9[%parallel_loop3A_115, %parallel_loop3A_437, %parallel_loop3A_438] : memref<2x80x256xf32, #tpu.memory_space<vmem>> -> memref<1x80x256xf32, #tpu.memory_space<vmem>>
      %parallel_loop3A_440 = tpu.memref_squeeze %parallel_loop3A_439 : memref<1x80x256xf32, #tpu.memory_space<vmem>> -> memref<80x256xf32, #tpu.memory_space<vmem>>
      %parallel_loop3A_441 = arith.index_cast %parallel_loop3A_147 : i32 to index
      %parallel_loop3A_442 = arith.constant 208 : index
      %parallel_loop3A_443 = tpu.vector_load %parallel_loop3A_440[%parallel_loop3A_441, %parallel_loop3A_442] {strides = array<i32>} : memref<80x256xf32, #tpu.memory_space<vmem>>, vector<16xf32>,
      %parallel_loop3A_444 = arith.constant 0 : i32
      %parallel_loop3A_445 = arith.constant 0 : i32
      %parallel_loop3A_446 = tpu.memref_slice %arg8[%parallel_loop3A_116, %parallel_loop3A_444, %parallel_loop3A_445] : memref<2x80x256xf32, #tpu.memory_space<vmem>> -> memref<1x80x256xf32, #tpu.memory_space<vmem>>
      %parallel_loop3A_447 = tpu.memref_squeeze %parallel_loop3A_446 : memref<1x80x256xf32, #tpu.memory_space<vmem>> -> memref<80x256xf32, #tpu.memory_space<vmem>>
      %parallel_loop3A_448 = arith.index_cast %parallel_loop3A_147 : i32 to index
      %parallel_loop3A_449 = arith.constant 80 : index
      %parallel_loop3A_450 = tpu.vector_load %parallel_loop3A_447[%parallel_loop3A_448, %parallel_loop3A_449] {strides = array<i32>} : memref<80x256xf32, #tpu.memory_space<vmem>>, vector<16xf32>,
      %parallel_loop3A_451 = arith.constant 0 : i32
      %parallel_loop3A_452 = arith.constant 0 : i32
      %parallel_loop3A_453 = tpu.memref_slice %arg8[%parallel_loop3A_116, %parallel_loop3A_451, %parallel_loop3A_452] : memref<2x80x256xf32, #tpu.memory_space<vmem>> -> memref<1x80x256xf32, #tpu.memory_space<vmem>>
      %parallel_loop3A_454 = tpu.memref_squeeze %parallel_loop3A_453 : memref<1x80x256xf32, #tpu.memory_space<vmem>> -> memref<80x256xf32, #tpu.memory_space<vmem>>
      %parallel_loop3A_455 = arith.index_cast %parallel_loop3A_147 : i32 to index
      %parallel_loop3A_456 = arith.constant 208 : index
      %parallel_loop3A_457 = tpu.vector_load %parallel_loop3A_454[%parallel_loop3A_455, %parallel_loop3A_456] {strides = array<i32>} : memref<80x256xf32, #tpu.memory_space<vmem>>, vector<16xf32>,
      %parallel_loop3A_458 = arith.mulf %parallel_loop3A_422, %parallel_loop3A_436 : vector<16xf32>
      %parallel_loop3A_459 = arith.mulf %parallel_loop3A_429, %parallel_loop3A_443 : vector<16xf32>
      %parallel_loop3A_460 = arith.subf %parallel_loop3A_458, %parallel_loop3A_459 : vector<16xf32>
      %parallel_loop3A_461 = arith.mulf %parallel_loop3A_450, %parallel_loop3A_460 : vector<16xf32>
      %parallel_loop3A_462 = arith.mulf %parallel_loop3A_422, %parallel_loop3A_443 : vector<16xf32>
      %parallel_loop3A_463 = arith.mulf %parallel_loop3A_429, %parallel_loop3A_436 : vector<16xf32>
      %parallel_loop3A_464 = arith.addf %parallel_loop3A_462, %parallel_loop3A_463 : vector<16xf32>
      %parallel_loop3A_465 = arith.mulf %parallel_loop3A_457, %parallel_loop3A_464 : vector<16xf32>
      %parallel_loop3A_466 = arith.subf %parallel_loop3A_461, %parallel_loop3A_465 : vector<16xf32>
      %parallel_loop3A_467 = arith.addf %parallel_loop3A_259, %parallel_loop3A_466 : vector<16xf32>
      %parallel_loop3A_468 = arith.constant 0 : i32
      %parallel_loop3A_469 = arith.constant 0 : i32
      %parallel_loop3A_470 = tpu.memref_slice %arg7[%parallel_loop3A_114, %parallel_loop3A_468, %parallel_loop3A_469] : memref<2x80x256xf32, #tpu.memory_space<vmem>> -> memref<1x80x256xf32, #tpu.memory_space<vmem>>
      %parallel_loop3A_471 = tpu.memref_squeeze %parallel_loop3A_470 : memref<1x80x256xf32, #tpu.memory_space<vmem>> -> memref<80x256xf32, #tpu.memory_space<vmem>>
      %parallel_loop3A_472 = arith.index_cast %parallel_loop3A_147 : i32 to index
      %parallel_loop3A_473 = arith.constant 96 : index
      %parallel_loop3A_474 = tpu.vector_load %parallel_loop3A_471[%parallel_loop3A_472, %parallel_loop3A_473] {strides = array<i32>} : memref<80x256xf32, #tpu.memory_space<vmem>>, vector<16xf32>,
      %parallel_loop3A_475 = arith.constant 0 : i32
      %parallel_loop3A_476 = arith.constant 0 : i32
      %parallel_loop3A_477 = tpu.memref_slice %arg7[%parallel_loop3A_114, %parallel_loop3A_475, %parallel_loop3A_476] : memref<2x80x256xf32, #tpu.memory_space<vmem>> -> memref<1x80x256xf32, #tpu.memory_space<vmem>>
      %parallel_loop3A_478 = tpu.memref_squeeze %parallel_loop3A_477 : memref<1x80x256xf32, #tpu.memory_space<vmem>> -> memref<80x256xf32, #tpu.memory_space<vmem>>
      %parallel_loop3A_479 = arith.index_cast %parallel_loop3A_147 : i32 to index
      %parallel_loop3A_480 = arith.constant 224 : index
      %parallel_loop3A_481 = tpu.vector_load %parallel_loop3A_478[%parallel_loop3A_479, %parallel_loop3A_480] {strides = array<i32>} : memref<80x256xf32, #tpu.memory_space<vmem>>, vector<16xf32>,
      %parallel_loop3A_482 = arith.constant 0 : i32
      %parallel_loop3A_483 = arith.constant 0 : i32
      %parallel_loop3A_484 = tpu.memref_slice %arg9[%parallel_loop3A_115, %parallel_loop3A_482, %parallel_loop3A_483] : memref<2x80x256xf32, #tpu.memory_space<vmem>> -> memref<1x80x256xf32, #tpu.memory_space<vmem>>
      %parallel_loop3A_485 = tpu.memref_squeeze %parallel_loop3A_484 : memref<1x80x256xf32, #tpu.memory_space<vmem>> -> memref<80x256xf32, #tpu.memory_space<vmem>>
      %parallel_loop3A_486 = arith.index_cast %parallel_loop3A_147 : i32 to index
      %parallel_loop3A_487 = arith.constant 96 : index
      %parallel_loop3A_488 = tpu.vector_load %parallel_loop3A_485[%parallel_loop3A_486, %parallel_loop3A_487] {strides = array<i32>} : memref<80x256xf32, #tpu.memory_space<vmem>>, vector<16xf32>,
      %parallel_loop3A_489 = arith.constant 0 : i32
      %parallel_loop3A_490 = arith.constant 0 : i32
      %parallel_loop3A_491 = tpu.memref_slice %arg9[%parallel_loop3A_115, %parallel_loop3A_489, %parallel_loop3A_490] : memref<2x80x256xf32, #tpu.memory_space<vmem>> -> memref<1x80x256xf32, #tpu.memory_space<vmem>>
      %parallel_loop3A_492 = tpu.memref_squeeze %parallel_loop3A_491 : memref<1x80x256xf32, #tpu.memory_space<vmem>> -> memref<80x256xf32, #tpu.memory_space<vmem>>
      %parallel_loop3A_493 = arith.index_cast %parallel_loop3A_147 : i32 to index
      %parallel_loop3A_494 = arith.constant 224 : index
      %parallel_loop3A_495 = tpu.vector_load %parallel_loop3A_492[%parallel_loop3A_493, %parallel_loop3A_494] {strides = array<i32>} : memref<80x256xf32, #tpu.memory_space<vmem>>, vector<16xf32>,
      %parallel_loop3A_496 = arith.constant 0 : i32
      %parallel_loop3A_497 = arith.constant 0 : i32
      %parallel_loop3A_498 = tpu.memref_slice %arg8[%parallel_loop3A_116, %parallel_loop3A_496, %parallel_loop3A_497] : memref<2x80x256xf32, #tpu.memory_space<vmem>> -> memref<1x80x256xf32, #tpu.memory_space<vmem>>
      %parallel_loop3A_499 = tpu.memref_squeeze %parallel_loop3A_498 : memref<1x80x256xf32, #tpu.memory_space<vmem>> -> memref<80x256xf32, #tpu.memory_space<vmem>>
      %parallel_loop3A_500 = arith.index_cast %parallel_loop3A_147 : i32 to index
      %parallel_loop3A_501 = arith.constant 96 : index
      %parallel_loop3A_502 = tpu.vector_load %parallel_loop3A_499[%parallel_loop3A_500, %parallel_loop3A_501] {strides = array<i32>} : memref<80x256xf32, #tpu.memory_space<vmem>>, vector<16xf32>,
      %parallel_loop3A_503 = arith.constant 0 : i32
      %parallel_loop3A_504 = arith.constant 0 : i32
      %parallel_loop3A_505 = tpu.memref_slice %arg8[%parallel_loop3A_116, %parallel_loop3A_503, %parallel_loop3A_504] : memref<2x80x256xf32, #tpu.memory_space<vmem>> -> memref<1x80x256xf32, #tpu.memory_space<vmem>>
      %parallel_loop3A_506 = tpu.memref_squeeze %parallel_loop3A_505 : memref<1x80x256xf32, #tpu.memory_space<vmem>> -> memref<80x256xf32, #tpu.memory_space<vmem>>
      %parallel_loop3A_507 = arith.index_cast %parallel_loop3A_147 : i32 to index
      %parallel_loop3A_508 = arith.constant 224 : index
      %parallel_loop3A_509 = tpu.vector_load %parallel_loop3A_506[%parallel_loop3A_507, %parallel_loop3A_508] {strides = array<i32>} : memref<80x256xf32, #tpu.memory_space<vmem>>, vector<16xf32>,
      %parallel_loop3A_510 = arith.mulf %parallel_loop3A_474, %parallel_loop3A_488 : vector<16xf32>
      %parallel_loop3A_511 = arith.mulf %parallel_loop3A_481, %parallel_loop3A_495 : vector<16xf32>
      %parallel_loop3A_512 = arith.subf %parallel_loop3A_510, %parallel_loop3A_511 : vector<16xf32>
      %parallel_loop3A_513 = arith.mulf %parallel_loop3A_502, %parallel_loop3A_512 : vector<16xf32>
      %parallel_loop3A_514 = arith.mulf %parallel_loop3A_474, %parallel_loop3A_495 : vector<16xf32>
      %parallel_loop3A_515 = arith.mulf %parallel_loop3A_481, %parallel_loop3A_488 : vector<16xf32>
      %parallel_loop3A_516 = arith.addf %parallel_loop3A_514, %parallel_loop3A_515 : vector<16xf32>
      %parallel_loop3A_517 = arith.mulf %parallel_loop3A_509, %parallel_loop3A_516 : vector<16xf32>
      %parallel_loop3A_518 = arith.subf %parallel_loop3A_513, %parallel_loop3A_517 : vector<16xf32>
      %parallel_loop3A_519 = arith.addf %parallel_loop3A_311, %parallel_loop3A_518 : vector<16xf32>
      %parallel_loop3A_520 = arith.constant 0 : i32
      %parallel_loop3A_521 = arith.constant 0 : i32
      %parallel_loop3A_522 = tpu.memref_slice %arg7[%parallel_loop3A_114, %parallel_loop3A_520, %parallel_loop3A_521] : memref<2x80x256xf32, #tpu.memory_space<vmem>> -> memref<1x80x256xf32, #tpu.memory_space<vmem>>
      %parallel_loop3A_523 = tpu.memref_squeeze %parallel_loop3A_522 : memref<1x80x256xf32, #tpu.memory_space<vmem>> -> memref<80x256xf32, #tpu.memory_space<vmem>>
      %parallel_loop3A_524 = arith.index_cast %parallel_loop3A_147 : i32 to index
      %parallel_loop3A_525 = arith.constant 112 : index
      %parallel_loop3A_526 = tpu.vector_load %parallel_loop3A_523[%parallel_loop3A_524, %parallel_loop3A_525] {strides = array<i32>} : memref<80x256xf32, #tpu.memory_space<vmem>>, vector<16xf32>,
      %parallel_loop3A_527 = arith.constant 0 : i32
      %parallel_loop3A_528 = arith.constant 0 : i32
      %parallel_loop3A_529 = tpu.memref_slice %arg7[%parallel_loop3A_114, %parallel_loop3A_527, %parallel_loop3A_528] : memref<2x80x256xf32, #tpu.memory_space<vmem>> -> memref<1x80x256xf32, #tpu.memory_space<vmem>>
      %parallel_loop3A_530 = tpu.memref_squeeze %parallel_loop3A_529 : memref<1x80x256xf32, #tpu.memory_space<vmem>> -> memref<80x256xf32, #tpu.memory_space<vmem>>
      %parallel_loop3A_531 = arith.index_cast %parallel_loop3A_147 : i32 to index
      %parallel_loop3A_532 = arith.constant 240 : index
      %parallel_loop3A_533 = tpu.vector_load %parallel_loop3A_530[%parallel_loop3A_531, %parallel_loop3A_532] {strides = array<i32>} : memref<80x256xf32, #tpu.memory_space<vmem>>, vector<16xf32>,
      %parallel_loop3A_534 = arith.constant 0 : i32
      %parallel_loop3A_535 = arith.constant 0 : i32
      %parallel_loop3A_536 = tpu.memref_slice %arg9[%parallel_loop3A_115, %parallel_loop3A_534, %parallel_loop3A_535] : memref<2x80x256xf32, #tpu.memory_space<vmem>> -> memref<1x80x256xf32, #tpu.memory_space<vmem>>
      %parallel_loop3A_537 = tpu.memref_squeeze %parallel_loop3A_536 : memref<1x80x256xf32, #tpu.memory_space<vmem>> -> memref<80x256xf32, #tpu.memory_space<vmem>>
      %parallel_loop3A_538 = arith.index_cast %parallel_loop3A_147 : i32 to index
      %parallel_loop3A_539 = arith.constant 112 : index
      %parallel_loop3A_540 = tpu.vector_load %parallel_loop3A_537[%parallel_loop3A_538, %parallel_loop3A_539] {strides = array<i32>} : memref<80x256xf32, #tpu.memory_space<vmem>>, vector<16xf32>,
      %parallel_loop3A_541 = arith.constant 0 : i32
      %parallel_loop3A_542 = arith.constant 0 : i32
      %parallel_loop3A_543 = tpu.memref_slice %arg9[%parallel_loop3A_115, %parallel_loop3A_541, %parallel_loop3A_542] : memref<2x80x256xf32, #tpu.memory_space<vmem>> -> memref<1x80x256xf32, #tpu.memory_space<vmem>>
      %parallel_loop3A_544 = tpu.memref_squeeze %parallel_loop3A_543 : memref<1x80x256xf32, #tpu.memory_space<vmem>> -> memref<80x256xf32, #tpu.memory_space<vmem>>
      %parallel_loop3A_545 = arith.index_cast %parallel_loop3A_147 : i32 to index
      %parallel_loop3A_546 = arith.constant 240 : index
      %parallel_loop3A_547 = tpu.vector_load %parallel_loop3A_544[%parallel_loop3A_545, %parallel_loop3A_546] {strides = array<i32>} : memref<80x256xf32, #tpu.memory_space<vmem>>, vector<16xf32>,
      %parallel_loop3A_548 = arith.constant 0 : i32
      %parallel_loop3A_549 = arith.constant 0 : i32
      %parallel_loop3A_550 = tpu.memref_slice %arg8[%parallel_loop3A_116, %parallel_loop3A_548, %parallel_loop3A_549] : memref<2x80x256xf32, #tpu.memory_space<vmem>> -> memref<1x80x256xf32, #tpu.memory_space<vmem>>
      %parallel_loop3A_551 = tpu.memref_squeeze %parallel_loop3A_550 : memref<1x80x256xf32, #tpu.memory_space<vmem>> -> memref<80x256xf32, #tpu.memory_space<vmem>>
      %parallel_loop3A_552 = arith.index_cast %parallel_loop3A_147 : i32 to index
      %parallel_loop3A_553 = arith.constant 112 : index
      %parallel_loop3A_554 = tpu.vector_load %parallel_loop3A_551[%parallel_loop3A_552, %parallel_loop3A_553] {strides = array<i32>} : memref<80x256xf32, #tpu.memory_space<vmem>>, vector<16xf32>,
      %parallel_loop3A_555 = arith.constant 0 : i32
      %parallel_loop3A_556 = arith.constant 0 : i32
      %parallel_loop3A_557 = tpu.memref_slice %arg8[%parallel_loop3A_116, %parallel_loop3A_555, %parallel_loop3A_556] : memref<2x80x256xf32, #tpu.memory_space<vmem>> -> memref<1x80x256xf32, #tpu.memory_space<vmem>>
      %parallel_loop3A_558 = tpu.memref_squeeze %parallel_loop3A_557 : memref<1x80x256xf32, #tpu.memory_space<vmem>> -> memref<80x256xf32, #tpu.memory_space<vmem>>
      %parallel_loop3A_559 = arith.index_cast %parallel_loop3A_147 : i32 to index
      %parallel_loop3A_560 = arith.constant 240 : index
      %parallel_loop3A_561 = tpu.vector_load %parallel_loop3A_558[%parallel_loop3A_559, %parallel_loop3A_560] {strides = array<i32>} : memref<80x256xf32, #tpu.memory_space<vmem>>, vector<16xf32>,
      %parallel_loop3A_562 = arith.mulf %parallel_loop3A_526, %parallel_loop3A_540 : vector<16xf32>
      %parallel_loop3A_563 = arith.mulf %parallel_loop3A_533, %parallel_loop3A_547 : vector<16xf32>
      %parallel_loop3A_564 = arith.subf %parallel_loop3A_562, %parallel_loop3A_563 : vector<16xf32>
      %parallel_loop3A_565 = arith.mulf %parallel_loop3A_554, %parallel_loop3A_564 : vector<16xf32>
      %parallel_loop3A_566 = arith.mulf %parallel_loop3A_526, %parallel_loop3A_547 : vector<16xf32>
      %parallel_loop3A_567 = arith.mulf %parallel_loop3A_533, %parallel_loop3A_540 : vector<16xf32>
      %parallel_loop3A_568 = arith.addf %parallel_loop3A_566, %parallel_loop3A_567 : vector<16xf32>
      %parallel_loop3A_569 = arith.mulf %parallel_loop3A_561, %parallel_loop3A_568 : vector<16xf32>
      %parallel_loop3A_570 = arith.subf %parallel_loop3A_565, %parallel_loop3A_569 : vector<16xf32>
      %parallel_loop3A_571 = arith.addf %parallel_loop3A_363, %parallel_loop3A_570 : vector<16xf32>
      %parallel_loop3A_572 = arith.addf %parallel_loop3A_415, %parallel_loop3A_467 : vector<16xf32>
      %parallel_loop3A_573 = arith.addf %parallel_loop3A_519, %parallel_loop3A_571 : vector<16xf32>
      %parallel_loop3A_574 = arith.addf %parallel_loop3A_572, %parallel_loop3A_573 : vector<16xf32>
      %parallel_loop3A_575 = arith.constant true
      %parallel_loop3A_576 = vector.broadcast %parallel_loop3A_575 : i1 to vector<16xi1>
      %parallel_loop3A_577 = tpu.scan <sum>, %parallel_loop3A_574 masked %parallel_loop3A_576 : vector<16xf32>, vector<16xi1> -> vector<16xf32>
      %parallel_loop3A_578 = vector.extract %parallel_loop3A_577[15] : f32 from vector<16xf32>
      %parallel_loop3A_579 = vector.broadcast %parallel_loop3A_578 : f32 to vector<16xf32>
      %parallel_loop3A_580 = vector.broadcast %parallel_loop3A_147 : i32 to vector<16xi32>
      %parallel_loop3A_581 = arith.constant 0 : i32
      %parallel_loop3A_582 = tpu.memref_slice %arg10[%parallel_loop3A_117, %parallel_loop3A_581] : memref<2x80xf32, #tpu.memory_space<vmem>> -> memref<1x80xf32, #tpu.memory_space<vmem>>
      %parallel_loop3A_583 = tpu.memref_squeeze %parallel_loop3A_582 : memref<1x80xf32, #tpu.memory_space<vmem>> -> memref<80xf32, #tpu.memory_space<vmem>>
      tpu.vector_store_idx %parallel_loop3A_583[%parallel_loop3A_580], %parallel_loop3A_579 masked %lt3A_4 : memref<80xf32, #tpu.memory_space<vmem>>[vector<16xi32>], vector<16xf32>, vector<16xi1>
    } {sc.loop_unroll_factor = 4 : i64, sc.parallel_access}
    %add3A_118 = arith.constant 9920 : i32
    %add3A_119 = arith.addi %mul3A_2, %add3A_118 : i32
    %dma_start3A_120 = arith.constant 0 : i32
    %dma_start3A_121 = arith.constant 0 : i32
    %dma_start3A_122 = tpu.memref_slice %arg10[%dma_start3A_120, %dma_start3A_121] : memref<2x80xf32, #tpu.memory_space<vmem>> -> memref<1x80xf32, #tpu.memory_space<vmem>>
    %dma_start3A_123 = tpu.memref_squeeze %dma_start3A_122 : memref<1x80xf32, #tpu.memory_space<vmem>> -> memref<80xf32, #tpu.memory_space<vmem>>
    %dma_start3A_124 = tpu.memref_slice %arg5[%add3A_119] : memref<320000xf32, #tpu.memory_space<hbm>> -> memref<80xf32, #tpu.memory_space<hbm>>
    %dma_start3A_125 = tpu.memref_slice %arg5[%add3A_119] : memref<320000xf32, #tpu.memory_space<hbm>> -> memref<80xf32, #tpu.memory_space<hbm>>
    %dma_start3A_126 = arith.constant 0 : i32
    %dma_start3A_127 = tpu.memref_slice %arg10[%dma_start3A_120, %dma_start3A_126] : memref<2x80xf32, #tpu.memory_space<vmem>> -> memref<1x80xf32, #tpu.memory_space<vmem>>
    %dma_start3A_128 = tpu.memref_squeeze %dma_start3A_127 : memref<1x80xf32, #tpu.memory_space<vmem>> -> memref<80xf32, #tpu.memory_space<vmem>>
    tpu.enqueue_dma source(%dma_start3A_128 : memref<80xf32, #tpu.memory_space<vmem>>) target(%dma_start3A_125 : memref<80xf32, #tpu.memory_space<hbm>>) target_semaphore(%arg15 : memref<!tpu.dma_semaphore, #tpu.memory_space<semaphore_mem>>)
    %dma_wait3A_129 = arith.constant 0 : i32
    %dma_wait3A_130 = arith.constant 0 : i32
    %dma_wait3A_131 = tpu.memref_slice %arg10[%dma_wait3A_129, %dma_wait3A_130] : memref<2x80xf32, #tpu.memory_space<vmem>> -> memref<1x80xf32, #tpu.memory_space<vmem>>
    %dma_wait3A_132 = tpu.memref_squeeze %dma_wait3A_131 : memref<1x80xf32, #tpu.memory_space<vmem>> -> memref<80xf32, #tpu.memory_space<vmem>>
    %dma_wait3A_133 = tpu.memref_slice %arg5[%mul3A_2] : memref<320000xf32, #tpu.memory_space<hbm>> -> memref<80xf32, #tpu.memory_space<hbm>>
    %dma_wait3A_134 = tpu.memref_slice %arg5[%mul3A_2] : memref<320000xf32, #tpu.memory_space<hbm>> -> memref<80xf32, #tpu.memory_space<hbm>>
    %dma_wait3A_135 = arith.constant 0 : i32
    %dma_wait3A_136 = tpu.memref_slice %arg10[%dma_wait3A_129, %dma_wait3A_135] : memref<2x80xf32, #tpu.memory_space<vmem>> -> memref<1x80xf32, #tpu.memory_space<vmem>>
    %dma_wait3A_137 = tpu.memref_squeeze %dma_wait3A_136 : memref<1x80xf32, #tpu.memory_space<vmem>> -> memref<80xf32, #tpu.memory_space<vmem>>
    tpu.wait_dma2 semaphore(%arg15 : memref<!tpu.dma_semaphore, #tpu.memory_space<semaphore_mem>>) src(%dma_wait3A_137 : memref<80xf32, #tpu.memory_space<vmem>>) dst(%dma_wait3A_134 : memref<80xf32, #tpu.memory_space<hbm>>)
    %dma_wait3A_138 = arith.constant 1 : i32
    %dma_wait3A_139 = arith.constant 0 : i32
    %dma_wait3A_140 = tpu.memref_slice %arg10[%dma_wait3A_138, %dma_wait3A_139] : memref<2x80xf32, #tpu.memory_space<vmem>> -> memref<1x80xf32, #tpu.memory_space<vmem>>
    %dma_wait3A_141 = tpu.memref_squeeze %dma_wait3A_140 : memref<1x80xf32, #tpu.memory_space<vmem>> -> memref<80xf32, #tpu.memory_space<vmem>>
    %dma_wait3A_142 = tpu.memref_slice %arg5[%mul3A_2] : memref<320000xf32, #tpu.memory_space<hbm>> -> memref<80xf32, #tpu.memory_space<hbm>>
    %dma_wait3A_143 = tpu.memref_slice %arg5[%mul3A_2] : memref<320000xf32, #tpu.memory_space<hbm>> -> memref<80xf32, #tpu.memory_space<hbm>>
    %dma_wait3A_144 = arith.constant 0 : i32
    %dma_wait3A_145 = tpu.memref_slice %arg10[%dma_wait3A_138, %dma_wait3A_144] : memref<2x80xf32, #tpu.memory_space<vmem>> -> memref<1x80xf32, #tpu.memory_space<vmem>>
    %dma_wait3A_146 = tpu.memref_squeeze %dma_wait3A_145 : memref<1x80xf32, #tpu.memory_space<vmem>> -> memref<80xf32, #tpu.memory_space<vmem>>
    tpu.wait_dma2 semaphore(%arg16 : memref<!tpu.dma_semaphore, #tpu.memory_space<semaphore_mem>>) src(%dma_wait3A_146 : memref<80xf32, #tpu.memory_space<vmem>>) dst(%dma_wait3A_143 : memref<80xf32, #tpu.memory_space<hbm>>)
    return
  }
}

</mosaic_0001>

<sc_bundles>
// kernel: kernel.3.cloned.1.call-start
scs
__scs_entry_jumppad:
0x0: {  	(pc) =	sbr.rel $0x88, $3  }
0x1: {  	(tag) =	ssettag $0x0;
	lr =	simm.s32 $0x1  }
0x2: {  	[smem:$0x3F9D] =	sst lr;
	_ =	strace $0xD0000000  }
0x3: {  	_ = 	snop  }
0x4: {  	_ = 	snop  }
0x5: {  	_ = 	snop  }
0x6: {  	_ = 	snop  }
0x7: {  	_ = 	snop  }
__scs_overlays_trampoline_lowered:
0x8: {  	[smem:$0x3FAC] =	sst s0  }
0x9: {  	[smem:$0x3FAD] =	sst s1  }
0xa: {  	[smem:$0x3FAE] =	sst s2  }
0xb: {  	[smem:$0x3FAF] =	sst s3  }
0xc: {  	[smem:$0x3FB0] =	sst s4  }
0xd: {  	[smem:$0x3FB1] =	sst s5  }
0xe: {  	[smem:$0x3FB2] =	sst s6  }
0xf: {  	[smem:$0x3FB3] =	sst s7  }
0x10: {  	[smem:$0x3FB4] =	sst s8  }
0x11: {  	[smem:$0x3FB5] =	sst s9;
	s0 =	simm.s32 @!p0 $0x0  }
0x12: {  	s1 =	sld [smem:$0x3F9B];
	s0 =	simm.s32 @p0 $0x1  }
0x13: {  	[smem:$0x3FB6] =	sst s0;
	s0 =	simm.s32 @!p1 $0x0  }
0x14: {  	s2 =	sld [smem:$0x3F9A];
	s0 =	simm.s32 @p1 $0x1  }
0x15: {  	[smem:$0x3FB7] =	sst s0;
	s0 =	simm.s32 @!p2 $0x0  }
0x16: {  	s3 =	sld [smem:$0x3FDB];
	s0 =	simm.s32 @p2 $0x1  }
0x17: {  	s4 =	simm.s32 $0x1BF5;
	[smem:$0x3FB9] =	sst s0  }
0x18: {  	s0 =	sld [smem:$0x3F9C];
	_ =	swait.ge [sflag:s4], $0x0  }
0x19: {  	s7 =	sld [smem:$0x3F9D]  }
0x1a: {  	s8 =	sadd.s32 $0xFFFFE003, lr  }
0x1b: {  	s9 =	sadd.s32 $0xFFFFFEF7, lr;
	s5 =	simm.s32 $0xFFFFFFFF;
	p2 =	slt.u32 s8, $0xFFFFF086  }
0x1c: {  	p1 =	slt.u32 s9, $0xF7A;
	s5 =	simm.s32 @!p2 $0x0  }
0x1d: {  	s5 =	simm.s32 @p1 $0x1;
	p0 =	seq.s32 s7, s2  }
0x1e: {  	s7 =	smul.u32 @!p0 $0xF7A, s2;
	p2 =	seq.s32 @!p0 s5, $0x0  }
0x1f: {  	s9 =	smul.u32 $0xF7A, s1;
	s8 =	simm.s32 @!p0 $0x1BF5;
	p2 =	por !p2, p0  }
0x20: {  	[sflag:s8] =	ssyncset.s32 @!p0 $0xFFFFF086;
	s6 =	sadd.s32 @!p0 s3, s7;
	s7 =	simm.s32 @!p0 $0x108  }
0x21: {  	s3 =	sadd.s32 s3, s9;
	s6 =	sadd.s32 @!p0 $0x88, s6;
	s7 =	simm.s32 @p2 $0x1082  }
0x22: {  	[simem:s7], [sflag:s8] =	dma.local @!p0 [hbm:s6], $0xF7A  }
0x23: {  	s9 =	sor.u32 $0xD0000000, s2;
	s6 =	simm.s32 $0x108;
	_ =	swait.ge @!p0 [sflag:s8], $0x0  }
0x24: {  	s3 =	sadd.s32 $0x88, s3;
	s6 =	simm.s32 @!p1 $0x1082;
	[sflag:s4] =	ssyncset.s32 $0xFFFFF086  }
0x25: {  	[simem:s6], [sflag:s4] =	dma.local [hbm:s3], $0xF7A  }
0x26: {  	[smem:$0x3F9D] =	sst s1;
	(tag) =	ssettag s2;
	_ =	strace s9  }
0x27: {  	s1 =	sld [smem:$0x3FAD]  }
0x28: {  	s2 =	sld [smem:$0x3FAE]  }
0x29: {  	s4 =	sld [smem:$0x3FB0]  }
0x2a: {  	p0 =	seq.s32 s5, $0x0;
	s5 =	sld [smem:$0x3FB1]  }
0x2b: {  	s6 =	sld [smem:$0x3FB2]  }
0x2c: {  	s7 =	sld [smem:$0x3FB3]  }
0x2d: {  	s3 =	simm.s32 $0x108;
	s8 =	sld [smem:$0x3FB4]  }
0x2e: {  	s3 =	simm.s32 @!p0 $0x1082;
	s9 =	sld [smem:$0x3FB5]  }
0x2f: {  	lr =	sadd.s32 s0, s3;
	s0 =	sld [smem:$0x3FAC]  }
0x30: {  	s3 =	sld [smem:$0x3FAF]  }
0x31: {  	[smem:$0x3FB8] =	sst s10  }
0x32: {  	s10 =	sld [smem:$0x3FB6];
	_ =	sdelay $0x3  }
0x33: {  	p0 =	seq.s32 s10, $0x1;
	s10 =	sld [smem:$0x3FB8];
	_ =	sdelay $0x3  }
0x34: {  	[smem:$0x3FB8] =	sst s10  }
0x35: {  	s10 =	sld [smem:$0x3FB7];
	_ =	sdelay $0x3  }
0x36: {  	p1 =	seq.s32 s10, $0x1;
	s10 =	sld [smem:$0x3FB8];
	_ =	sdelay $0x3  }
0x37: {  	[smem:$0x3FB8] =	sst s10  }
0x38: {  	s10 =	sld [smem:$0x3FB9]  }
0x39: {  	_ = 	snop;
	(pc) =	sbr.ind lr, $3  }
0x3a: {  	_ = 	snop  }
0x3b: {  	_ = 	snop  }
0x3c: {  	p2 =	seq.s32 s10, $0x1;
	s10 =	sld [smem:$0x3FB8]  }
0x3d: {  	_ =	shalt  }
0x3e: {  	_ =	shalt  }
0x3f: {  	_ =	shalt  }
0x40: {  	_ =	shalt  }
0x41: {  	_ =	shalt  }
0x42: {  	_ =	shalt  }
0x43: {  	_ =	shalt  }
0x44: {  	_ =	shalt  }
0x45: {  	_ =	shalt  }
0x46: {  	_ =	shalt  }
0x47: {  	_ =	shalt  }
0x48: {  	_ =	shalt  }
0x49: {  	_ =	shalt  }
0x4a: {  	_ =	shalt  }
0x4b: {  	_ =	shalt  }
0x4c: {  	_ =	shalt  }
0x4d: {  	_ =	shalt  }
0x4e: {  	_ =	shalt  }
0x4f: {  	_ =	shalt  }
0x50: {  	_ =	shalt  }
0x51: {  	_ =	shalt  }
0x52: {  	_ =	shalt  }
0x53: {  	_ =	shalt  }
0x54: {  	_ =	shalt  }
0x55: {  	_ =	shalt  }
0x56: {  	_ =	shalt  }
0x57: {  	_ =	shalt  }
0x58: {  	_ =	shalt  }
0x59: {  	_ =	shalt  }
0x5a: {  	_ =	shalt  }
0x5b: {  	_ =	shalt  }
0x5c: {  	_ =	shalt  }
0x5d: {  	_ =	shalt  }
0x5e: {  	_ =	shalt  }
0x5f: {  	_ =	shalt  }
0x60: {  	_ =	shalt  }
0x61: {  	_ =	shalt  }
0x62: {  	_ =	shalt  }
0x63: {  	_ =	shalt  }
0x64: {  	_ =	shalt  }
0x65: {  	_ =	shalt  }
0x66: {  	_ =	shalt  }
0x67: {  	_ =	shalt  }
0x68: {  	_ =	shalt  }
0x69: {  	_ =	shalt  }
0x6a: {  	_ =	shalt  }
0x6b: {  	_ =	shalt  }
0x6c: {  	_ =	shalt  }
0x6d: {  	_ =	shalt  }
0x6e: {  	_ =	shalt  }
0x6f: {  	_ =	shalt  }
0x70: {  	_ =	shalt  }
0x71: {  	_ =	shalt  }
0x72: {  	_ =	shalt  }
0x73: {  	_ =	shalt  }
0x74: {  	_ =	shalt  }
0x75: {  	_ =	shalt  }
0x76: {  	_ =	shalt  }
0x77: {  	_ =	shalt  }
0x78: {  	_ =	shalt  }
0x79: {  	_ =	shalt  }
0x7a: {  	_ =	shalt  }
0x7b: {  	_ =	shalt  }
0x7c: {  	_ =	shalt  }
0x7d: {  	_ =	shalt  }
0x7e: {  	_ =	shalt  }
0x7f: {  	_ =	shalt  }
0x80: {  	_ =	shalt  }
0x81: {  	_ =	shalt  }
0x82: {  	_ =	shalt  }
0x83: {  	_ =	shalt  }
0x84: {  	_ =	shalt  }
0x85: {  	_ =	shalt  }
0x86: {  	_ =	shalt  }
0x87: {  	_ =	shalt  }
.Lfunc_end0:
.L_simem_size_0:
called_computation_lowered:
.L_overlay_start_0:
0x88: {  	s2 =	sld [smem:$0x3FD9]  }
0x89: {  	s3 =	sld [smem:$0x3FFE];
	_ =	sdelay $0x1  }
0x8a: {  	s1 =	srdreg.scid  }
0x8b: {  	s0 =	sand.u32 $0x1, s1  }
0x8c: {  	s17 =	sshll.u32 s0, $0xA;
	s2 =	sadd.s32 s3, s2  }
0x8d: {  	s2 =	sadd.s32 s2, s17  }
0x8e: {  	[smem:$0x3FC4] =	sst s2  }
0x8f: {  	_ = 	snop  }
0x90: {  	s2 =	sld [smem:$0x3FD0];
	(tm) =	ssettm $0x1  }
0x91: {  	s18 =	sld [smem:$0x3FFB];
	_ =	sdelay $0x3  }
0x92: {  	_ =	strace s18  }
0x93: {  	s3 =	sld [smem:$0x3FFC];
	_ =	sdelay $0x3  }
0x94: {  	_ =	strace s3  }
0x95: {  	s3 =	sld [smem:$0x3FFD];
	_ =	sdelay $0x3  }
0x96: {  	_ =	strace s3  }
0x97: {  	_ =	strace $0x8FFFFFFF  }
0x98: {  	s19 =	sld [smem:$0x3FDB];
	_ =	sdelay $0x1  }
0x99: {  	s4 =	simm.s32 $_scs_section_size  }
0x9a: {  	s5 =	simm.s32 $_size__tile_overlayer_lowered;
	s6 =	simm.s32 $_tile_overlayer_lowered  }
0x9b: {  	s22 =	simm.s32 $0x1BFF;
	s21 =	sshll.u32 s6, $0x1;
	s3 =	sadd.s32 s4, s19  }
0x9c: {  	s7 =	simm.s32 $0x0;
	s20 =	sshll.u32 s5, $0x1;
	s5 =	sadd.s32 s21, s3  }
0x9d: {  	[timem:s7], [sflag:s22] =	dma.local [hbm:s5], s20  }
0x9e: {  	_ =	swait.ge [sflag:s22], s20  }
0x9f: {  	s4 =	ssub.s32 $0x0, s20;
	[sflag:s22] =	ssyncset.done $0x0  }
0xa0: {  	[sflag:s22] =	ssyncadd.s32 s4;
	_ =	sdelay $0x1  }
0xa1: {  	s23 =	simm.s32 $0x1B8B  }
0xa2: {  	_ =	swait.ge [sflag:s23], $0x1  }
0xa3: {  	[sflag:s23] =	ssyncset.done $0x0  }
0xa4: {  	s25 =	simm.s32 $0x1B8E;
	s24 =	sld [smem:$0x3FFE];
	[sflag:s23] =	ssyncadd.s32 $0xFFFFFFFF  }
0xa5: {  	s26 =	simm.s32 $execute0_lowered;
	[smem:$0x3FD2] =	sst s25  }
0xa6: {  	s5 =	sshll.u32 s26, $0x1;
	_ =	strace $0x80000046;
	[dreg:$0x1] =	wrdreg $0xFFFFFFFF  }
0xa7: {  	s28 =	simm.s32 $_size_execute0_lowered;
	s3 =	sadd.s32 s3, s5;
	[dreg:$0x0] =	wrdreg $0x0  }
0xa8: {  	s5 =	sshll.u32 s28, $0x1;
	[dreg:$0x2] =	wrdreg s3  }
0xa9: {  	[dreg:$0x3] =	wrdreg s5  }
0xaa: {  	[dreg:$0x4] =	wrdreg $0xC0  }
0xab: {  	_ =	task [dreg:s7], $0x5FFFF  }
0xac: {  	[dreg:$0x1] =	wrdreg $0xFFFFFFFF  }
0xad: {  	[dreg:$0x0] =	wrdreg $0x60  }
0xae: {  	[dreg:$0x2] =	wrdreg s24  }
0xaf: {  	[dreg:$0x3] =	wrdreg s2  }
0xb0: {  	[dreg:$0x4] =	wrdreg $0x9  }
0xb1: {  	_ =	task.clear_ibuf [dreg:s7], $0x5FFFF;
	_ =	strace $0x90000046  }
0xb2: {  	s29 =	simm.s32 $0x9;
	_ =	strace $0x80000048  }
0xb3: {  	_ =	swait.ge [sflag:s29], $0x1  }
0xb4: {  	[sflag:s29] =	ssyncadd.s32 $0xFFFFFFFF  }
0xb5: {  	_ =	strace $0x90000048  }
0xb6: {  	_ =	sfence  }
0xb7: {  	s30 =	sld [smem:$0x0];
	_ =	sdelay $0x2  }
0xb8: {  	s31 =	sshll.u32 s1, $0xD;
	s1 =	sshrl.u32 s1, $0x2  }
0xb9: {  	s3 =	sand.u32 $0x4000, s31;
	s1 =	sadd.s32 s1, s30  }
0xba: {  	s0 =	sor.u32 s3, s0;
	s1 =	sshll.u32 s1, $0x11  }
0xbb: {  	s0 =	sor.u32 s1, s0  }
0xbc: {  	s0 =	sadd.s32 $0x8F2B, s0  }
0xbd: {  	[sflag:s0] =	ssyncadd.remote.s32 $0x1  }
0xbe: {  	_ =	sfence.sel $0xFFFF  }
0xbf: {  	[dreg:$0x0] =	wrdreg $0xFFFFFFFF;
	(pc) =	sbr.abs _section_cstart, $3  }
0xc0: {  	[dreg:$0x1] =	wrdreg $0xFFFFFFFF  }
0xc1: {  	_ =	task.clear_ibuf [dreg:s7], $0x2FFFF;
	_ =	strace $0x9FFFFFFF  }
0xc2: {  	(tm) =	ssettm $0x7FFFFFFF  }
0xc3: {  	_ =	shalt  }
tec
execute0_lowered:
.L_overlay_start_1:
0x0: {  	(tag) =	ssettag $0x1  }
0x1: {  	s0 =	rddreg [dreg:$0x0];
	s1 =	srdreg.scid  }
0x2: {  	s3 =	stileid.u32;
	s2 =	rddreg [dreg:$0x1]  }
0x3: {  	s15 =	simm.s32 $0x50;
	s16 =	simm.s32 $0x4E200;
	s18 =	simm.s32 $0x1E0  }
0x4: {  	s19 =	simm.s32 $0xA1E0;
	s20 =	simm.s32 $0xA0;
	s21 =	simm.s32 $0x141E0  }
0x5: {  	s22 =	simm.s32 $0xF0;
	s23 =	simm.s32 $0x1;
	s24 =	simm.s32 $0x4  }
0x6: {  	s30 =	simm.s32 $0x191E0;
	s31 =	simm.s32 $0x1E1E0;
	s14 =	simm.s32 $0x0  }
0x7: {  	s1 =	sand.u32 $0x1, s1;
	s4 =	sshll.u32 s3, $0x1;
	s3 =	simm.s32 $0x0  }
0x8: {  	s5 =	sadd.s32 $0x800, s0;
	s6 =	sadd.s32 $0x6C000, s0;
	s4 =	sor.u32 s1, s4  }
0x9: {  	[smem:$0x7FF] =	sst s3;
	s25 =	ssub.s32 $0x2, s1;
	s4 =	smul.u32 $0x2710, s4  }
0xa: {  	s7 =	sadd.s32 $0x4EA00, s0;
	_ =	strace $0x80000047;
	s1 =	sshrl.u32 s25, $0x1  }
0xb: {  	s0 =	ssub.s32 s25, s1;
	s8 =	sadd.s32 $0x50, s4;
	s9 =	sshrl.u32 s4, $0x3  }
0xc: {  	s11 =	sadd.s32 $0xA0, s4;
	s12 =	sadd.s32 $0xF0, s4;
	s0 =	smax.u32 s0, $0x1  }
0xd: {  	s10 =	sshrl.u32 s8, $0x3;
	s26 =	sadd.s32 s7, s9;
	[dreg:$0x6] =	wrdreg s0  }
0xe: {  	s29 =	sadd.s32 s2, s9;
	[dreg:$0x3] =	wrdreg s26;
	s28 =	sadd.s32 s7, s10  }
0xf: {  	s0 =	simm.s32 $0x3;
	s1 =	sadd.s32 $0x4D8, s29;
	[dreg:$0x4] =	wrdreg s28  }
0x10: {  	s9 =	simm.s32 $0x1E230;
	[dreg:$0x5] =	wrdreg s1;
	s1 =	simm.s32 $0x2  }
.LBB2_1:
0x11: {  	[dreg:$0x7] =	wrdreg s14  }
0x12: {  	s10 =	rddreg [dreg:$0x3];
	s28 =	simm.s32 $0x7  }
0x13: {  	[tilespmem:s3], [sflag:$0x7] =	stream.strided.gather [hbm4b:s10+s15], $0xF0, s16, s15, $0x38;
	[tilespmem:$0x1E280] =	vst v63  }
0x14: {  	_ =	swait.ge [sflag:s28], $0xF0  }
0x15: {  	[sflag:s28] =	ssyncset.done $0x0  }
0x16: {  	[sflag:s28] =	ssyncadd.s32 $0xFFFFFF10  }
0x17: {  	[tilespmem:s18], [sflag:$0x1] =	stream.indirect.gather [hbm4b:s5+s15], $0x100, s3, s15, $0xb8;
	[tilespmem:$0x1E280] =	vst v63  }
0x18: {  	_ = 	snop  }
0x19: {  	[tilespmem:s19], [sflag:$0x1] =	stream.indirect.gather [hbm4b:s5+s15], $0x100, s15, s15, $0xb8;
	[tilespmem:$0x1E280] =	vst v63  }
0x1a: {  	_ = 	snop  }
0x1b: {  	[tilespmem:s21], [sflag:$0x1] =	stream.indirect.gather [hbm4b:s6+s15], $0x100, s20, s15, $0xb8;
	[tilespmem:$0x1E280] =	vst v63  }
0x1c: {  	s17 =	simm.s32 $0x0;
	s29 =	rddreg [dreg:$0x4]  }
0x1d: {  	[tilespmem:s22], [sflag:$0x4] =	stream.strided.gather [hbm4b:s29+s15], $0xF0, s16, s15, $0x38;
	[tilespmem:$0x1E280] =	vst v63  }
.LBB2_2:
0x1e: {  	_ =	swait.ge [sflag:s23], $0x5000  }
0x1f: {  	[sflag:s23] =	ssyncset.done $0x0  }
0x20: {  	[sflag:s23] =	ssyncadd.s32 $0xFFFFB000  }
0x21: {  	_ =	swait.ge [sflag:s23], $0x5000  }
0x22: {  	s13 =	smul.u32 $0xA0, s17;
	[sflag:s23] =	ssyncset.done $0x0  }
0x23: {  	[sflag:s23] =	ssyncadd.s32 $0xFFFFB000  }
0x24: {  	s10 =	sadd.s32 s13, s11;
	_ =	swait.ge [sflag:s23], $0x5000  }
0x25: {  	s10 =	sshrl.u32 s10, $0x3;
	[sflag:s23] =	ssyncset.done $0x0  }
0x26: {  	s10 =	sadd.s32 s7, s10;
	[sflag:s23] =	ssyncadd.s32 $0xFFFFB000  }
0x27: {  	[tilespmem:s3], [sflag:$0x3] =	stream.strided.gather [hbm4b:s10+s15], $0xF0, s16, s15, $0x38;
	[tilespmem:$0x1E280] =	vst v63  }
0x28: {  	_ =	swait.ge [sflag:s24], $0xF0  }
0x29: {  	[sflag:s24] =	ssyncset.done $0x0  }
0x2a: {  	s25 =	simm.s32 $0x51E0;
	[sflag:s24] =	ssyncadd.s32 $0xFFFFFF10  }
0x2b: {  	[tilespmem:s25], [sflag:$0x2] =	stream.indirect.gather [hbm4b:s5+s15], $0x100, s22, s15, $0xb8;
	[tilespmem:$0x1E280] =	vst v63  }
0x2c: {  	s26 =	simm.s32 $0x140;
	s14 =	simm.s32 $0xF1E0;
	p0 =	seq.s32 s17, $0x0  }
0x2d: {  	[tilespmem:s14], [sflag:$0x2] =	stream.indirect.gather [hbm4b:s5+s15], $0x100, s26, s15, $0xb8;
	[tilespmem:$0x1E280] =	vst v63  }
0x2e: {  	s29 =	simm.s32 $0x190;
	s10 =	simm.s32 @!p0 $0x5  }
0x2f: {  	[tilespmem:s30], [sflag:$0x2] =	stream.indirect.gather [hbm4b:s6+s15], $0x100, s29, s15, $0xb8;
	[tilespmem:$0x1E280] =	vst v63  }
0x30: {  	_ =	swait.ge @!p0 [sflag:s10], $0x50  }
0x31: {  	[sflag:s10] =	ssyncset.done @!p0 $0x0  }
0x32: {  	[sflag:s10] =	ssyncadd.s32 @!p0 $0xFFFFFFB0;
	s10 =	simm.s32 $0xA3E0  }
0x33: {  	v0 =	vld [tilespmem:s10+$0x140]  }
0x34: {  	v2 =	vld [tilespmem:s10+$0x1C0]  }
0x35: {  	v1 =	vld [tilespmem:s10+$0x150]  }
0x36: {  	v3 =	vld [tilespmem:s10+$0x1D0]  }
0x37: {  	s26 =	simm.s32 $0x3E0;
	v4 =	vld [tilespmem:s10+$0x160]  }
0x38: {  	v5 =	vld [tilespmem:s26+$0x140]  }
0x39: {  	s25 =	simm.s32 $0x143E0;
	v6 =	vld [tilespmem:s26+$0x1C0]  }
0x3a: {  	v7 =	vld [tilespmem:s25+$0x140]  }
0x3b: {  	v8 =	vld [tilespmem:s25+$0x1C0]  }
0x3c: {  	v9 =	vld [tilespmem:s26+$0x150]  }
0x3d: {  	v10 =	vld [tilespmem:s26+$0x1D0]  }
0x3e: {  	v11 =	vld [tilespmem:s25+$0x150]  }
0x3f: {  	v12 =	vld [tilespmem:s25+$0x1D0]  }
0x40: {  	v13 =	vld [tilespmem:s26+$0x160]  }
0x41: {  	v14 =	vld [tilespmem:s26+$0x1E0]  }
0x42: {  	v15 =	vld [tilespmem:s25+$0x160]  }
0x43: {  	v16 =	vld [tilespmem:s25+$0x1E0]  }
0x44: {  	v17 =	vld [tilespmem:s26+$0x170]  }
0x45: {  	v18 =	vld [tilespmem:s26+$0x1F0]  }
0x46: {  	v19 =	vld [tilespmem:s25+$0x170]  }
0x47: {  	v20 =	vld [tilespmem:s25+$0x1F0]  }
0x48: {  	v21 =	vld [tilespmem:s26+$0x100]  }
0x49: {  	v22 =	vld [tilespmem:s26+$0x180]  }
0x4a: {  	v23 =	vld [tilespmem:s25+$0x100]  }
0x4b: {  	v24 =	vld [tilespmem:s25+$0x180]  }
0x4c: {  	v26 =	vld [tilespmem:s26+$0x110]  }
0x4d: {  	v27 =	vld [tilespmem:s26+$0x190]  }
0x4e: {  	v31 =	vld [tilespmem:s25+$0x110];
	v28 =	vmul.f32 v7, v5;
	v30 =	vmul.f32 v8, v6  }
0x4f: {  	v33 =	vld [tilespmem:s25+$0x1A0];
	v5 =	vmul.f32 v8, v5;
	v6 =	vmul.f32 v7, v6  }
0x50: {  	v47 =	vld [tilespmem:s26+$0x130];
	v35 =	vmul.f32 v11, v9;
	v36 =	vmul.f32 v12, v10  }
0x51: {  	v51 =	vld [tilespmem:s26+$0x1B0];
	v37 =	vmul.f32 v12, v9;
	v40 =	vmul.f32 v11, v10  }
0x52: {  	v38 =	vld [tilespmem:s10+$0x1F0];
	v41 =	vmul.f32 v15, v13;
	v42 =	vmul.f32 v16, v14  }
0x53: {  	v7 =	vld [tilespmem:s25+$0x190];
	v43 =	vmul.f32 v16, v13;
	v44 =	vmul.f32 v15, v14  }
0x54: {  	v8 =	vld [tilespmem:s26+$0x120];
	v45 =	vmul.f32 v19, v17;
	v46 =	vmul.f32 v20, v18  }
0x55: {  	v9 =	vld [tilespmem:s26+$0x1A0];
	v17 =	vmul.f32 v20, v17;
	v18 =	vmul.f32 v19, v18  }
0x56: {  	v10 =	vld [tilespmem:s25+$0x120];
	v19 =	vmul.f32 v23, v21;
	v49 =	vmul.f32 v24, v22  }
0x57: {  	v25 =	vmul.f32 v24, v21;
	v32 =	vmul.f32 v23, v22;
	v22 =	vld [tilespmem:s25+$0x130]  }
0x58: {  	v16 =	vmul.f32 v31, v26;
	v23 =	vld [tilespmem:s25+$0x1B0];
	v56 =	vadd.f32 v5, v6;
	v48 =	vsub.f32 v35, v36  }
0x59: {  	v34 =	vld [tilespmem:s10+$0x100];
	v20 =	vmul.f32 v31, v27;
	v57 =	vadd.f32 v37, v40;
	v50 =	vsub.f32 v41, v42  }
0x5a: {  	v39 =	vld [tilespmem:s10+$0x180];
	v61 =	vadd.f32 v43, v44;
	v29 =	vmul.f32 v7, v27;
	v14 =	vmul.f32 v7, v26  }
0x5b: {  	v12 =	vld [tilespmem:s10+$0x1E0];
	v55 =	vsub.f32 v45, v46;
	v11 =	vmul.f32 v10, v8;
	v15 =	vmul.f32 v33, v9  }
0x5c: {  	v13 =	vld [tilespmem:s10+$0x170];
	v63 =	vadd.f32 v17, v18;
	v8 =	vmul.f32 v33, v8;
	v9 =	vmul.f32 v10, v9  }
0x5d: {  	v41 =	vld [tilespmem:s10+$0x110];
	v33 =	vsub.f32 v28, v30;
	v10 =	vmul.f32 v22, v47;
	v21 =	vmul.f32 v23, v51  }
0x5e: {  	s28 =	simm.s32 $0x4;
	s14 =	simm.s32 $0x0;
	v45 =	vld [tilespmem:s10+$0x190];
	v35 =	vmul.f32 v23, v47;
	v47 =	vsub.f32 v19, v49;
	v42 =	vmul.f32 v22, v51  }
.LBB2_3:
0x5f: {  	p1 =	slt.u32 s28, $0x4C;
	v5 =	vadd.f32 v25, v32;
	v6 =	vld [tilespmem:s10+$0x120];
	v0 =	vmul.f32 v33, v0;
	v2 =	vmul.f32 v56, v2  }
0x60: {  	v7 =	vsub.f32 v16, v29;
	v1 =	vmul.f32 v48, v1;
	v3 =	vmul.f32 v57, v3;
	v16 =	vld [tilespmem:s10+$0x1A0]  }
0x61: {  	v14 =	vadd.f32 v14, v20;
	v4 =	vmul.f32 v50, v4;
	v12 =	vmul.f32 v61, v12;
	v17 =	vld [tilespmem:s10+$0x130]  }
0x62: {  	v11 =	vsub.f32 v11, v15;
	v13 =	vmul.f32 v55, v13;
	v18 =	vmul.f32 v63, v38;
	v15 =	vld [tilespmem:s10+$0x1B0]  }
0x63: {  	v8 =	vadd.f32 v8, v9;
	v22 =	vmul.f32 v47, v34;
	v5 =	vmul.f32 v5, v39;
	v19 =	vld [tilespmem:s26+$0xFFFFFE80]  }
0x64: {  	v10 =	vsub.f32 v10, v21;
	v7 =	vmul.f32 v7, v41;
	v9 =	vmul.f32 v14, v45;
	v20 =	vld [tilespmem:s25+$0xFFFFFE00]  }
0x65: {  	v6 =	vmul.f32 v11, v6;
	v11 =	vadd.f32 v35, v42;
	v21 =	vld [tilespmem:s25+$0xFFFFFE80];
	v8 =	vmul.f32 v8, v16  }
0x66: {  	v0 =	vsub.f32 v0, v2;
	v1 =	vsub.f32 v1, v3;
	v14 =	vld [tilespmem:s26+$0xFFFFFE10];
	v10 =	vmul.f32 v10, v17  }
0x67: {  	v4 =	vsub.f32 v4, v12;
	v2 =	vld [tilespmem:s26+$0xFFFFFE90];
	v3 =	vmul.f32 v11, v15;
	v11 =	vsub.f32 v13, v18  }
0x68: {  	v5 =	vsub.f32 v22, v5;
	v7 =	vsub.f32 v7, v9;
	v12 =	vld [tilespmem:s25+$0xFFFFFE10]  }
0x69: {  	v6 =	vsub.f32 v6, v8;
	v22 =	vmul.f32 v20, v19;
	v9 =	vld [tilespmem:s25+$0xFFFFFE90];
	v3 =	vsub.f32 v10, v3  }
0x6a: {  	v5 =	vadd.f32 $0.0e+00, v5;
	v7 =	vadd.f32 $0.0e+00, v7;
	v23 =	vmul.f32 v21, v19;
	v8 =	vld [tilespmem:s26+$0xFFFFFE20]  }
0x6b: {  	v6 =	vadd.f32 $0.0e+00, v6;
	v10 =	vld [tilespmem:s26+$0xFFFFFEA0];
	v3 =	vadd.f32 $0.0e+00, v3  }
0x6c: {  	v0 =	vadd.f32 v0, v5;
	v1 =	vadd.f32 v1, v7;
	v13 =	vld [tilespmem:s25+$0xFFFFFE20]  }
0x6d: {  	v4 =	vadd.f32 v4, v6;
	v5 =	vmul.f32 v12, v14;
	v7 =	vld [tilespmem:s25+$0xFFFFFEA0];
	v3 =	vadd.f32 v11, v3  }
0x6e: {  	v6 =	vmul.f32 v9, v2;
	v9 =	vmul.f32 v9, v14;
	v11 =	vld [tilespmem:s26+$0xFFFFFE30]  }
0x6f: {  	v1 =	vadd.f32 v1, v0;
	v2 =	vmul.f32 v12, v2;
	v12 =	vld [tilespmem:s26+$0xFFFFFEB0];
	v3 =	vadd.f32 v3, v4  }
0x70: {  	v0 =	vsub.f32 v5, v6;
	v4 =	vld [tilespmem:s25+$0xFFFFFE30]  }
0x71: {  	v5 =	vmul.f32 v13, v8;
	v6 =	vmul.f32 v13, v10;
	v13 =	vld [tilespmem:s25+$0xFFFFFEB0];
	v3 =	vadd.f32 v3, v1  }
0x72: {  	v1 =	vadd.f32 v9, v2;
	v2 =	vmul.f32 v7, v10;
	v7 =	vmul.f32 v7, v8;
	v8 =	vld [tilespmem:s26+$0xFFFFFF00]  }
0x73: {  	v9 =	vld [tilespmem:s26+$0xFFFFFF80];
	(xrf2) =	vadd.scan.msk.f32 $0xffff, v3  }
0x74: {  	v3 =	vsub.f32 v5, v2;
	v2 =	vadd.f32 v7, v6;
	v6 =	vld [tilespmem:s25+$0xFFFFFF00]  }
0x75: {  	v5 =	vmul.f32 v4, v11;
	v4 =	vmul.f32 v4, v12;
	v7 =	vld [tilespmem:s25+$0xFFFFFF80]  }
0x76: {  	v10 =	vmul.f32 v13, v12;
	v11 =	vmul.f32 v13, v11;
	v12 =	vld [tilespmem:s26+$0xFFFFFF10]  }
0x77: {  	v13 =	vld [tilespmem:s26+$0xFFFFFF90]  }
0x78: {  	v5 =	vsub.f32 v5, v10;
	v4 =	vadd.f32 v11, v4;
	v10 =	vld [tilespmem:s25+$0xFFFFFF10]  }
0x79: {  	v11 =	vmul.f32 v6, v8;
	v6 =	vmul.f32 v6, v9;
	v14 =	vld [tilespmem:s25+$0xFFFFFF90]  }
0x7a: {  	s29 =	sadd.s32 $0x3, s14;
	v19 =	vmul.f32 v7, v9;
	v8 =	vmul.f32 v7, v8;
	v15 =	vld [tilespmem:s26+$0xFFFFFF20]  }
0x7b: {  	v17 =	vmov s29;
	v16 =	vld [tilespmem:s26+$0xFFFFFFA0]  }
0x7c: {  	v7 =	vsub.f32 v11, v19;
	v6 =	vadd.f32 v8, v6;
	v11 =	vld [tilespmem:s25+$0xFFFFFF20]  }
0x7d: {  	v8 =	vmul.f32 v10, v12;
	v10 =	vmul.f32 v10, v13;
	v18 =	vld [tilespmem:s25+$0xFFFFFFA0];
	v9, _, _ =	vpop (xrf2)  }
0x7e: {  	v13 =	vmul.f32 v14, v13;
	v19 =	vld [tilespmem:s26+$0xFFFFFF30];
	v24 =	vbroadcast v9, $0xF  }
0x7f: {  	v12 =	vmul.f32 v14, v12;
	v14 =	vld [tilespmem:s26+$0xFFFFFFB0]  }
0x80: {  	v9 =	vsub.f32 v8, v13;
	v13 =	vld [tilespmem:s25+$0xFFFFFF30];
	[tilespmem:v17+s31+$0x0] =	vst.idx.msk $0x1, v24  }
0x81: {  	v8 =	vadd.f32 v12, v10;
	v10 =	vmul.f32 v11, v15;
	v12 =	vmul.f32 v11, v16;
	v17 =	vld [tilespmem:s25+$0xFFFFFFB0]  }
0x82: {  	v11 =	vmul.f32 v18, v16;
	v15 =	vmul.f32 v18, v15;
	v16 =	vld [tilespmem:s26+$0x0]  }
0x83: {  	v18 =	vld [tilespmem:s26+$0x80]  }
0x84: {  	v11 =	vsub.f32 v10, v11;
	v10 =	vadd.f32 v15, v12;
	v15 =	vld [tilespmem:s25+$0x0]  }
0x85: {  	v12 =	vmul.f32 v13, v19;
	v24 =	vmul.f32 v13, v14;
	v25 =	vld [tilespmem:s25+$0x80]  }
0x86: {  	v13 =	vmul.f32 v17, v14;
	v14 =	vmul.f32 v17, v19;
	v17 =	vld [tilespmem:s26+$0x10]  }
0x87: {  	v19 =	vld [tilespmem:s26+$0x90]  }
0x88: {  	v13 =	vsub.f32 v12, v13;
	v12 =	vadd.f32 v14, v24;
	v24 =	vld [tilespmem:s25+$0x10]  }
0x89: {  	v14 =	vmul.f32 v15, v16;
	v26 =	vmul.f32 v15, v18;
	v27 =	vld [tilespmem:s25+$0x90]  }
0x8a: {  	v15 =	vmul.f32 v25, v18;
	v16 =	vmul.f32 v25, v16;
	v18 =	vld [tilespmem:s26+$0x20]  }
0x8b: {  	v25 =	vld [tilespmem:s26+$0xA0]  }
0x8c: {  	v15 =	vsub.f32 v14, v15;
	v14 =	vadd.f32 v16, v26;
	v26 =	vld [tilespmem:s25+$0x20]  }
0x8d: {  	v16 =	vmul.f32 v24, v17;
	v24 =	vmul.f32 v24, v19;
	v28 =	vld [tilespmem:s25+$0xA0]  }
0x8e: {  	v19 =	vmul.f32 v27, v19;
	v27 =	vmul.f32 v27, v17;
	v29 =	vld [tilespmem:s26+$0x30]  }
0x8f: {  	v30 =	vld [tilespmem:s26+$0xB0]  }
0x90: {  	v17 =	vsub.f32 v16, v19;
	v16 =	vadd.f32 v27, v24;
	v24 =	vld [tilespmem:s25+$0x30]  }
0x91: {  	v19 =	vmul.f32 v26, v18;
	v26 =	vmul.f32 v26, v25;
	v27 =	vld [tilespmem:s25+$0xB0]  }
0x92: {  	v31 =	vld [tilespmem:s26+$0xFFFFFE00];
	v25 =	vmul.f32 v28, v25;
	v18 =	vmul.f32 v28, v18  }
0x93: {  	v28 =	vld [tilespmem:s26+$0xFFFFFE40]  }
0x94: {  	v32 =	vld [tilespmem:s26+$0xFFFFFEC0];
	v19 =	vsub.f32 v19, v25;
	v18 =	vadd.f32 v18, v26  }
0x95: {  	v25 =	vld [tilespmem:s25+$0xFFFFFE40];
	v26 =	vmul.f32 v24, v29;
	v24 =	vmul.f32 v24, v30  }
0x96: {  	v33 =	vld [tilespmem:s25+$0xFFFFFEC0];
	v30 =	vmul.f32 v27, v30;
	v27 =	vmul.f32 v27, v29  }
0x97: {  	v29 =	vmul.f32 v20, v31;
	v31 =	vmul.f32 v21, v31;
	v34 =	vld [tilespmem:s26+$0xFFFFFE50]  }
0x98: {  	v35 =	vld [tilespmem:s26+$0xFFFFFED0];
	v21 =	vsub.f32 v26, v30;
	v20 =	vadd.f32 v27, v24  }
0x99: {  	v45 =	vsub.f32 v29, v23;
	v44 =	vadd.f32 v31, v22;
	v24 =	vld [tilespmem:s25+$0xFFFFFE50]  }
0x9a: {  	v22 =	vmul.f32 v25, v28;
	v25 =	vmul.f32 v25, v32;
	v26 =	vld [tilespmem:s25+$0xFFFFFED0]  }
0x9b: {  	v23 =	vmul.f32 v33, v32;
	v27 =	vmul.f32 v33, v28;
	v28 =	vld [tilespmem:s26+$0xFFFFFE60]  }
0x9c: {  	v29 =	vld [tilespmem:s26+$0xFFFFFEE0]  }
0x9d: {  	v23 =	vsub.f32 v22, v23;
	v22 =	vadd.f32 v27, v25;
	v27 =	vld [tilespmem:s25+$0xFFFFFE60]  }
0x9e: {  	v25 =	vmul.f32 v24, v34;
	v24 =	vmul.f32 v24, v35;
	v30 =	vld [tilespmem:s25+$0xFFFFFEE0]  }
0x9f: {  	v31 =	vmul.f32 v26, v35;
	v26 =	vmul.f32 v26, v34;
	v32 =	vld [tilespmem:s26+$0xFFFFFE70]  }
0xa0: {  	v33 =	vld [tilespmem:s26+$0xFFFFFEF0]  }
0xa1: {  	v25 =	vsub.f32 v25, v31;
	v24 =	vadd.f32 v26, v24;
	v31 =	vld [tilespmem:s25+$0xFFFFFE70]  }
0xa2: {  	v26 =	vmul.f32 v27, v28;
	v34 =	vmul.f32 v27, v29;
	v35 =	vld [tilespmem:s25+$0xFFFFFEF0]  }
0xa3: {  	v27 =	vmul.f32 v30, v29;
	v28 =	vmul.f32 v30, v28;
	v30 =	vld [tilespmem:s26+$0xFFFFFF40]  }
0xa4: {  	v36 =	vld [tilespmem:s26+$0xFFFFFFC0]  }
0xa5: {  	v27 =	vsub.f32 v26, v27;
	v26 =	vadd.f32 v28, v34;
	v34 =	vld [tilespmem:s25+$0xFFFFFF40]  }
0xa6: {  	v28 =	vmul.f32 v31, v32;
	v31 =	vmul.f32 v31, v33;
	v37 =	vld [tilespmem:s25+$0xFFFFFFC0]  }
0xa7: {  	v29 =	vmul.f32 v35, v33;
	v32 =	vmul.f32 v35, v32;
	v33 =	vld [tilespmem:s26+$0xFFFFFF50]  }
0xa8: {  	v35 =	vld [tilespmem:s26+$0xFFFFFFD0]  }
0xa9: {  	v29 =	vsub.f32 v28, v29;
	v28 =	vadd.f32 v32, v31;
	v32 =	vld [tilespmem:s25+$0xFFFFFF50]  }
0xaa: {  	v31 =	vmul.f32 v34, v30;
	v34 =	vmul.f32 v34, v36;
	v38 =	vld [tilespmem:s25+$0xFFFFFFD0]  }
0xab: {  	v36 =	vmul.f32 v37, v36;
	v30 =	vmul.f32 v37, v30;
	v37 =	vld [tilespmem:s26+$0xFFFFFF60]  }
0xac: {  	v39 =	vld [tilespmem:s26+$0xFFFFFFE0]  }
0xad: {  	v31 =	vsub.f32 v31, v36;
	v30 =	vadd.f32 v30, v34;
	v34 =	vld [tilespmem:s25+$0xFFFFFF60]  }
0xae: {  	v36 =	vmul.f32 v32, v33;
	v32 =	vmul.f32 v32, v35;
	v40 =	vld [tilespmem:s25+$0xFFFFFFE0]  }
0xaf: {  	v35 =	vmul.f32 v38, v35;
	v38 =	vmul.f32 v38, v33;
	v41 =	vld [tilespmem:s26+$0xFFFFFF70]  }
0xb0: {  	v42 =	vld [tilespmem:s26+$0xFFFFFFF0]  }
0xb1: {  	v33 =	vsub.f32 v36, v35;
	v32 =	vadd.f32 v38, v32;
	v36 =	vld [tilespmem:s25+$0xFFFFFF70]  }
0xb2: {  	v35 =	vmul.f32 v34, v37;
	v34 =	vmul.f32 v34, v39;
	v38 =	vld [tilespmem:s25+$0xFFFFFFF0]  }
0xb3: {  	v39 =	vmul.f32 v40, v39;
	v37 =	vmul.f32 v40, v37;
	v40 =	vld [tilespmem:s26+$0x40]  }
0xb4: {  	v43 =	vld [tilespmem:s26+$0xC0]  }
0xb5: {  	v35 =	vsub.f32 v35, v39;
	v34 =	vadd.f32 v37, v34;
	v39 =	vld [tilespmem:s25+$0x40]  }
0xb6: {  	v37 =	vmul.f32 v36, v41;
	v36 =	vmul.f32 v36, v42;
	v46 =	vld [tilespmem:s25+$0xC0]  }
0xb7: {  	v42 =	vmul.f32 v38, v42;
	v38 =	vmul.f32 v38, v41;
	v41 =	vld [tilespmem:s26+$0x50]  }
0xb8: {  	v47 =	vld [tilespmem:s26+$0xD0]  }
0xb9: {  	v37 =	vsub.f32 v37, v42;
	v36 =	vadd.f32 v38, v36;
	v42 =	vld [tilespmem:s25+$0x50]  }
0xba: {  	v38 =	vmul.f32 v39, v40;
	v39 =	vmul.f32 v39, v43;
	v48 =	vld [tilespmem:s25+$0xD0]  }
0xbb: {  	v43 =	vmul.f32 v46, v43;
	v46 =	vmul.f32 v46, v40;
	v49 =	vld [tilespmem:s26+$0x60]  }
0xbc: {  	v50 =	vld [tilespmem:s26+$0xE0]  }
0xbd: {  	v40 =	vsub.f32 v38, v43;
	v38 =	vadd.f32 v46, v39;
	v43 =	vld [tilespmem:s25+$0x60]  }
0xbe: {  	v39 =	vmul.f32 v42, v41;
	v42 =	vmul.f32 v42, v47;
	v46 =	vld [tilespmem:s25+$0xE0]  }
0xbf: {  	v47 =	vmul.f32 v48, v47;
	v48 =	vmul.f32 v48, v41;
	v51 =	vld [tilespmem:s26+$0x70]  }
0xc0: {  	v52 =	vld [tilespmem:s26+$0xF0]  }
0xc1: {  	v41 =	vsub.f32 v39, v47;
	v39 =	vadd.f32 v48, v42;
	v47 =	vld [tilespmem:s25+$0x70]  }
0xc2: {  	v42 =	vmul.f32 v43, v49;
	v48 =	vmul.f32 v43, v50;
	v53 =	vld [tilespmem:s25+$0xF0]  }
0xc3: {  	v54 =	vld [tilespmem:s10+$0xFFFFFE00];
	v43 =	vmul.f32 v46, v50;
	v46 =	vmul.f32 v46, v49  }
0xc4: {  	v49 =	vld [tilespmem:s10+$0xFFFFFE80]  }
0xc5: {  	v50 =	vld [tilespmem:s10+$0xFFFFFE10];
	v43 =	vsub.f32 v42, v43;
	v42 =	vadd.f32 v46, v48  }
0xc6: {  	v46 =	vld [tilespmem:s10+$0xFFFFFE90];
	v48 =	vmul.f32 v47, v51;
	v47 =	vmul.f32 v47, v52  }
0xc7: {  	v55 =	vld [tilespmem:s10+$0xFFFFFE20];
	v52 =	vmul.f32 v53, v52;
	v51 =	vmul.f32 v53, v51  }
0xc8: {  	v53 =	vmul.f32 v45, v54;
	v54 =	vld [tilespmem:s10+$0xFFFFFEA0]  }
0xc9: {  	v49 =	vmul.f32 v44, v49;
	v56 =	vld [tilespmem:s10+$0xFFFFFE30];
	v45 =	vsub.f32 v48, v52;
	v44 =	vadd.f32 v51, v47  }
0xca: {  	v0 =	vmul.f32 v0, v50;
	v47 =	vld [tilespmem:s10+$0xFFFFFEB0]  }
0xcb: {  	v48 =	vsub.f32 v53, v49;
	v1 =	vmul.f32 v1, v46;
	v46 =	vld [tilespmem:s10+$0xFFFFFF00]  }
0xcc: {  	v3 =	vmul.f32 v3, v55;
	v49 =	vld [tilespmem:s10+$0xFFFFFF80]  }
0xcd: {  	v48 =	vadd.f32 $0.0e+00, v48;
	v0 =	vsub.f32 v0, v1;
	v1 =	vmul.f32 v2, v54;
	v2 =	vld [tilespmem:s10+$0xFFFFFF10]  }
0xce: {  	v5 =	vmul.f32 v5, v56;
	v50 =	vld [tilespmem:s10+$0xFFFFFF90]  }
0xcf: {  	v0 =	vadd.f32 $0.0e+00, v0;
	v1 =	vsub.f32 v3, v1;
	v3 =	vmul.f32 v4, v47;
	v4 =	vld [tilespmem:s10+$0xFFFFFF20]  }
0xd0: {  	v7 =	vmul.f32 v7, v46;
	v46 =	vld [tilespmem:s10+$0xFFFFFFA0]  }
0xd1: {  	v1 =	vadd.f32 $0.0e+00, v1;
	v3 =	vsub.f32 v5, v3;
	v5 =	vmul.f32 v6, v49;
	v6 =	vld [tilespmem:s10+$0xFFFFFF30]  }
0xd2: {  	v2 =	vmul.f32 v9, v2;
	v9 =	vld [tilespmem:s10+$0xFFFFFFB0]  }
0xd3: {  	v3 =	vadd.f32 $0.0e+00, v3;
	v5 =	vsub.f32 v7, v5;
	v7 =	vmul.f32 v8, v50;
	v8 =	vld [tilespmem:s10+$0x0]  }
0xd4: {  	v4 =	vmul.f32 v11, v4;
	v11 =	vld [tilespmem:s10+$0x80]  }
0xd5: {  	v5 =	vadd.f32 $0.0e+00, v5;
	v2 =	vsub.f32 v2, v7;
	v7 =	vmul.f32 v10, v46;
	v10 =	vld [tilespmem:s10+$0x10]  }
0xd6: {  	v6 =	vmul.f32 v13, v6;
	v13 =	vld [tilespmem:s10+$0x90]  }
0xd7: {  	v2 =	vadd.f32 $0.0e+00, v2;
	v4 =	vsub.f32 v4, v7;
	v7 =	vmul.f32 v12, v9;
	v9 =	vld [tilespmem:s10+$0x20]  }
0xd8: {  	v8 =	vmul.f32 v15, v8;
	v12 =	vld [tilespmem:s10+$0xA0]  }
0xd9: {  	v4 =	vadd.f32 $0.0e+00, v4;
	v6 =	vsub.f32 v6, v7;
	v7 =	vmul.f32 v14, v11;
	v11 =	vld [tilespmem:s10+$0x30]  }
0xda: {  	v10 =	vmul.f32 v17, v10;
	v14 =	vld [tilespmem:s10+$0xB0]  }
0xdb: {  	v15 =	vld [tilespmem:s10+$0xFFFFFE40];
	v6 =	vadd.f32 $0.0e+00, v6;
	v7 =	vsub.f32 v8, v7;
	v8 =	vmul.f32 v16, v13  }
0xdc: {  	v13 =	vld [tilespmem:s10+$0xFFFFFEC0];
	v9 =	vmul.f32 v19, v9  }
0xdd: {  	v16 =	vld [tilespmem:s10+$0xFFFFFE50];
	v7 =	vadd.f32 $0.0e+00, v7;
	v8 =	vsub.f32 v10, v8;
	v10 =	vmul.f32 v18, v12  }
0xde: {  	v12 =	vld [tilespmem:s10+$0xFFFFFED0];
	v11 =	vmul.f32 v21, v11  }
0xdf: {  	v17 =	vld [tilespmem:s10+$0xFFFFFE60];
	v8 =	vadd.f32 $0.0e+00, v8;
	v9 =	vsub.f32 v9, v10;
	v10 =	vmul.f32 v20, v14  }
0xe0: {  	v14 =	vmul.f32 v23, v15;
	v15 =	vld [tilespmem:s10+$0xFFFFFEE0]  }
0xe1: {  	v13 =	vmul.f32 v22, v13;
	v18 =	vld [tilespmem:s10+$0xFFFFFE70];
	v9 =	vadd.f32 $0.0e+00, v9;
	v10 =	vsub.f32 v11, v10  }
0xe2: {  	v11 =	vmul.f32 v25, v16;
	v16 =	vld [tilespmem:s10+$0xFFFFFEF0]  }
0xe3: {  	v13 =	vsub.f32 v14, v13;
	v12 =	vmul.f32 v24, v12;
	v14 =	vld [tilespmem:s10+$0xFFFFFF40];
	v10 =	vadd.f32 $0.0e+00, v10  }
0xe4: {  	v17 =	vmul.f32 v27, v17;
	v19 =	vld [tilespmem:s10+$0xFFFFFFC0]  }
0xe5: {  	v13 =	vadd.f32 v13, v48;
	v11 =	vsub.f32 v11, v12;
	v12 =	vmul.f32 v26, v15;
	v15 =	vld [tilespmem:s10+$0xFFFFFF50]  }
0xe6: {  	v18 =	vmul.f32 v29, v18;
	v20 =	vld [tilespmem:s10+$0xFFFFFFD0]  }
0xe7: {  	v0 =	vadd.f32 v11, v0;
	v11 =	vsub.f32 v17, v12;
	v12 =	vmul.f32 v28, v16;
	v16 =	vld [tilespmem:s10+$0xFFFFFF60]  }
0xe8: {  	v14 =	vmul.f32 v31, v14;
	v17 =	vld [tilespmem:s10+$0xFFFFFFE0]  }
0xe9: {  	v1 =	vadd.f32 v11, v1;
	v11 =	vsub.f32 v18, v12;
	v12 =	vmul.f32 v30, v19;
	v18 =	vld [tilespmem:s10+$0xFFFFFF70]  }
0xea: {  	v0 =	vadd.f32 v0, v13;
	v13 =	vmul.f32 v33, v15;
	v15 =	vld [tilespmem:s10+$0xFFFFFFF0]  }
0xeb: {  	v3 =	vadd.f32 v11, v3;
	v11 =	vsub.f32 v14, v12;
	v12 =	vmul.f32 v32, v20;
	v14 =	vld [tilespmem:s10+$0x40]  }
0xec: {  	v16 =	vmul.f32 v35, v16;
	v19 =	vld [tilespmem:s10+$0xC0]  }
0xed: {  	v5 =	vadd.f32 v11, v5;
	v11 =	vsub.f32 v13, v12;
	v12 =	vmul.f32 v34, v17;
	v13 =	vld [tilespmem:s10+$0x50]  }
0xee: {  	v1 =	vadd.f32 v3, v1;
	v3 =	vmul.f32 v37, v18;
	v17 =	vld [tilespmem:s10+$0xD0]  }
0xef: {  	v2 =	vadd.f32 v11, v2;
	v11 =	vsub.f32 v16, v12;
	v12 =	vmul.f32 v36, v15;
	v15 =	vld [tilespmem:s10+$0x60]  }
0xf0: {  	v0 =	vadd.f32 v1, v0;
	v1 =	vmul.f32 v40, v14;
	v14 =	vld [tilespmem:s10+$0xE0]  }
0xf1: {  	v4 =	vadd.f32 v11, v4;
	v3 =	vsub.f32 v3, v12;
	v11 =	vmul.f32 v38, v19;
	v12 =	vld [tilespmem:s10+$0x70]  }
0xf2: {  	v5 =	vadd.f32 v2, v5;
	v13 =	vmul.f32 v41, v13;
	v16 =	vld [tilespmem:s10+$0xF0];
	s10 =	sadd.s32 $0x400, s10;
	(xrf2) =	vadd.scan.msk.f32 $0xffff, v0  }
0xf3: {  	v0 =	vld [tilespmem:s10+$0x140];
	v6 =	vadd.f32 v3, v6;
	v3 =	vsub.f32 v1, v11;
	v11 =	vmul.f32 v39, v17  }
0xf4: {  	v2 =	vld [tilespmem:s10+$0x1C0];
	v15 =	vmul.f32 v43, v15  }
0xf5: {  	v1 =	vld [tilespmem:s10+$0x150];
	v7 =	vadd.f32 v3, v7;
	v11 =	vsub.f32 v13, v11;
	v13 =	vmul.f32 v42, v14  }
0xf6: {  	v14 =	vmov s14;
	v6 =	vadd.f32 v6, v4;
	v3 =	vld [tilespmem:s10+$0x1D0];
	v12 =	vmul.f32 v45, v12  }
0xf7: {  	s26 =	sadd.s32 $0x400, s26;
	v4 =	vld [tilespmem:s10+$0x160];
	v8 =	vadd.f32 v11, v8;
	v11 =	vsub.f32 v15, v13;
	v13 =	vmul.f32 v44, v16  }
0xf8: {  	v14 =	vand.u32 $0xFFFFFFFC, v14;
	v5 =	vadd.f32 v6, v5;
	v15 =	vld [tilespmem:s26+$0x140]  }
0xf9: {  	s25 =	sadd.s32 $0x400, s25;
	v14 =	vbroadcast v14, $0x0;
	v6 =	vld [tilespmem:s26+$0x1C0];
	v9 =	vadd.f32 v11, v9;
	v13 =	vsub.f32 v12, v13  }
0xfa: {  	v7 =	vadd.f32 v8, v7;
	v12 =	vld [tilespmem:s25+$0x140];
	(xrf2) =	vadd.scan.msk.f32 $0xffff, v5  }
0xfb: {  	v5 =	vld [tilespmem:s25+$0x1C0];
	v8 =	vadd.f32 v13, v10  }
0xfc: {  	v10 =	vld [tilespmem:s26+$0x150];
	v11, _, _ =	vpop (xrf2)  }
0xfd: {  	v13 =	vld [tilespmem:s26+$0x1D0];
	v11 =	vbroadcast v11, $0xF;
	v8 =	vadd.f32 v8, v9  }
0xfe: {  	s29 =	sadd.s32 $0x1, s14;
	v9 =	vld [tilespmem:s25+$0x150]  }
0xff: {  	v16 =	vld [tilespmem:s25+$0x1D0];
	[tilespmem:v14+s31+$0x0] =	vst.idx.msk $0x1, v11;
	v11 =	vmov s29;
	v7 =	vadd.f32 v8, v7  }
0x100: {  	v8 =	vld [tilespmem:s26+$0x160];
	v11 =	vand.u32 $0xFFFFFFFD, v11  }
0x101: {  	v14 =	vld [tilespmem:s26+$0x1E0];
	v11 =	vbroadcast v11, $0x0;
	(xrf2) =	vadd.scan.msk.f32 $0xffff, v7  }
0x102: {  	v7 =	vld [tilespmem:s25+$0x160]  }
0x103: {  	v17 =	vld [tilespmem:s25+$0x1E0]  }
0x104: {  	v18 =	vld [tilespmem:s26+$0x170];
	v19, _, _ =	vpop (xrf2)  }
0x105: {  	s29 =	sadd.s32 $0x2, s14;
	s14 =	smov.u32 s28;
	v20 =	vld [tilespmem:s26+$0x1F0];
	v19 =	vbroadcast v19, $0xF  }
0x106: {  	v22 =	vmov s29;
	v21 =	vld [tilespmem:s25+$0x170]  }
0x107: {  	v23 =	vld [tilespmem:s25+$0x1F0];
	[tilespmem:v11+s31+$0x0] =	vst.idx.msk $0x1, v19;
	v11 =	vand.u32 $0xFFFFFFFE, v22  }
0x108: {  	v19 =	vld [tilespmem:s26+$0x100];
	v11 =	vbroadcast v11, $0x0  }
0x109: {  	v22 =	vld [tilespmem:s26+$0x180]  }
0x10a: {  	v24 =	vld [tilespmem:s25+$0x100]  }
0x10b: {  	v25 =	vld [tilespmem:s25+$0x180];
	v26, _, _ =	vpop (xrf2)  }
0x10c: {  	v27 =	vld [tilespmem:s26+$0x110];
	v26 =	vbroadcast v26, $0xF  }
0x10d: {  	v30 =	vmul.f32 v12, v15;
	v31 =	vmul.f32 v5, v6;
	v28 =	vld [tilespmem:s26+$0x190]  }
0x10e: {  	v5 =	vmul.f32 v5, v15;
	v6 =	vmul.f32 v12, v6;
	v33 =	vld [tilespmem:s25+$0x110];
	[tilespmem:v11+s31+$0x0] =	vst.idx.msk $0x1, v26  }
0x10f: {  	v35 =	vmul.f32 v16, v13;
	v26 =	vmul.f32 v9, v10;
	v11 =	vld [tilespmem:s25+$0x190]  }
0x110: {  	v37 =	vmul.f32 v9, v13;
	v36 =	vmul.f32 v16, v10;
	v34 =	vld [tilespmem:s26+$0x120]  }
0x111: {  	v40 =	vmul.f32 v7, v8;
	v41 =	vmul.f32 v17, v14;
	v9 =	vld [tilespmem:s26+$0x1A0]  }
0x112: {  	v7 =	vmul.f32 v7, v14;
	v17 =	vmul.f32 v17, v8;
	v10 =	vld [tilespmem:s25+$0x120]  }
0x113: {  	v42 =	vmul.f32 v21, v18;
	v43 =	vmul.f32 v23, v20;
	v8 =	vld [tilespmem:s25+$0x1A0]  }
0x114: {  	v18 =	vmul.f32 v23, v18;
	v23 =	vmul.f32 v21, v20;
	v44 =	vld [tilespmem:s26+$0x130]  }
0x115: {  	v45 =	vmul.f32 v24, v19;
	v46 =	vmul.f32 v25, v22;
	v49 =	vld [tilespmem:s26+$0x1B0]  }
0x116: {  	v32 =	vmul.f32 v24, v22;
	v25 =	vmul.f32 v25, v19;
	v19 =	vld [tilespmem:s25+$0x130]  }
0x117: {  	v16 =	vmul.f32 v33, v27;
	v29 =	vmul.f32 v11, v28;
	v22 =	vld [tilespmem:s25+$0x1B0]  }
0x118: {  	v20 =	vmul.f32 v33, v28;
	v14 =	vmul.f32 v11, v27;
	v12 =	vld [tilespmem:s10+$0x1E0]  }
0x119: {  	v11 =	vmul.f32 v10, v34;
	v15 =	vmul.f32 v8, v9;
	v13 =	vld [tilespmem:s10+$0x170]  }
.Ltmp0:
0x11a: {  	v33 =	vsub.f32 v30, v31;
	v8 =	vmul.f32 v8, v34;
	v9 =	vmul.f32 v10, v9;
	v38 =	vld [tilespmem:s10+$0x1F0];
	(pc) =	sbr.rel @p1 .LBB2_3-.Ltmp0, $4  }
0x11b: {  	v56 =	vadd.f32 v5, v6;
	v48 =	vsub.f32 v26, v35;
	v34 =	vld [tilespmem:s10+$0x100];
	v10 =	vmul.f32 v19, v44  }
0x11c: {  	v57 =	vadd.f32 v36, v37;
	v50 =	vsub.f32 v40, v41;
	v39 =	vld [tilespmem:s10+$0x180];
	v21 =	vmul.f32 v22, v49  }
0x11d: {  	v61 =	vadd.f32 v17, v7;
	v55 =	vsub.f32 v42, v43;
	v35 =	vmul.f32 v22, v44;
	v41 =	vld [tilespmem:s10+$0x110]  }
0x11e: {  	s28 =	sadd.s32 $0x4, s28;
	v63 =	vadd.f32 v18, v23;
	v47 =	vsub.f32 v45, v46;
	v42 =	vmul.f32 v19, v49;
	v45 =	vld [tilespmem:s10+$0x190]  }
0x11f: {  	v5 =	vld [tilespmem:s10+$0x120];
	_ =	sdelay $0x4  }
0x120: {  	[tilespmem:$0x1FD90] =	vst v5  }
0x121: {  	v5 =	vld [tilespmem:s10+$0x1A0];
	_ =	sdelay $0x4  }
0x122: {  	[tilespmem:$0x1FDA0] =	vst v5  }
0x123: {  	v5 =	vld [tilespmem:s10+$0x130];
	_ =	sdelay $0x4  }
0x124: {  	[tilespmem:$0x1FDB0] =	vst v5  }
0x125: {  	v5 =	vld [tilespmem:s10+$0x1B0];
	_ =	sdelay $0x4  }
0x126: {  	[tilespmem:$0x1FDC0] =	vst v5  }
0x127: {  	v5 =	vld [tilespmem:s26+$0xFFFFFE80];
	_ =	sdelay $0x4  }
0x128: {  	[tilespmem:$0x1FEE0] =	vst v5  }
0x129: {  	v5 =	vld [tilespmem:s25+$0xFFFFFE00];
	_ =	sdelay $0x4  }
0x12a: {  	[tilespmem:$0x1FED0] =	vst v5  }
0x12b: {  	v5 =	vld [tilespmem:s25+$0xFFFFFE80];
	_ =	sdelay $0x4  }
0x12c: {  	[tilespmem:$0x1FEF0] =	vst v5  }
0x12d: {  	v7 =	vld [tilespmem:s26+$0xFFFFFE10]  }
0x12e: {  	v18 =	vld [tilespmem:s26+$0xFFFFFE90]  }
0x12f: {  	v17 =	vld [tilespmem:s25+$0xFFFFFE10]  }
0x130: {  	v6 =	vld [tilespmem:s25+$0xFFFFFE90]  }
0x131: {  	v26 =	vld [tilespmem:s26+$0xFFFFFE20]  }
0x132: {  	v24 =	vld [tilespmem:s26+$0xFFFFFEA0]  }
0x133: {  	v19 =	vld [tilespmem:s25+$0xFFFFFE20]  }
0x134: {  	v22 =	vld [tilespmem:s25+$0xFFFFFEA0]  }
0x135: {  	v31 =	vld [tilespmem:s26+$0xFFFFFE30]  }
0x136: {  	v30 =	vld [tilespmem:s26+$0xFFFFFEB0]  }
0x137: {  	v23 =	vld [tilespmem:s25+$0xFFFFFE30]  }
0x138: {  	v27 =	vld [tilespmem:s25+$0xFFFFFEB0]  }
0x139: {  	v43 =	vld [tilespmem:s26+$0xFFFFFF00]  }
0x13a: {  	v40 =	vld [tilespmem:s26+$0xFFFFFF80]  }
0x13b: {  	v28 =	vld [tilespmem:s25+$0xFFFFFF00]  }
0x13c: {  	v36 =	vld [tilespmem:s25+$0xFFFFFF80]  }
0x13d: {  	v51 =	vld [tilespmem:s26+$0xFFFFFF10]  }
0x13e: {  	v49 =	vld [tilespmem:s26+$0xFFFFFF90]  }
0x13f: {  	v37 =	vld [tilespmem:s25+$0xFFFFFF10]  }
0x140: {  	v5 =	vld [tilespmem:s26+$0xFFFFFF30]  }
0x141: {  	v44 =	vld [tilespmem:s25+$0xFFFFFF90]  }
0x142: {  	v62 =	vld [tilespmem:s26+$0xFFFFFF20]  }
0x143: {  	v54 =	vld [tilespmem:s26+$0xFFFFFFA0]  }
0x144: {  	v46 =	vld [tilespmem:s25+$0xFFFFFF20]  }
0x145: {  	v52 =	vld [tilespmem:s25+$0xFFFFFFA0];
	[tilespmem:$0x1FDD0] =	vst v5  }
0x146: {  	v5 =	vld [tilespmem:s26+$0x0];
	_ =	sdelay $0x2  }
0x147: {  	v58 =	vld [tilespmem:s26+$0xFFFFFFB0]  }
0x148: {  	v53 =	vld [tilespmem:s25+$0xFFFFFF30]  }
0x149: {  	v60 =	vld [tilespmem:s25+$0xFFFFFFB0];
	[tilespmem:$0x1FDE0] =	vst v5  }
0x14a: {  	v5 =	vld [tilespmem:s26+$0x80];
	_ =	sdelay $0x4  }
0x14b: {  	[tilespmem:$0x1FDF0] =	vst v5  }
0x14c: {  	v5 =	vld [tilespmem:s25+$0x80];
	_ =	sdelay $0x4  }
0x14d: {  	v59 =	vld [tilespmem:s25+$0x0];
	[tilespmem:$0x1FE00] =	vst v5  }
0x14e: {  	v5 =	vld [tilespmem:s26+$0x10];
	_ =	sdelay $0x4  }
0x14f: {  	[tilespmem:$0x1FE10] =	vst v5  }
0x150: {  	v5 =	vld [tilespmem:s26+$0x90];
	_ =	sdelay $0x4  }
0x151: {  	[tilespmem:$0x1FE30] =	vst v5  }
0x152: {  	v5 =	vld [tilespmem:s25+$0x10];
	_ =	sdelay $0x4  }
0x153: {  	[tilespmem:$0x1FE20] =	vst v5  }
0x154: {  	v5 =	vld [tilespmem:s25+$0x90];
	_ =	sdelay $0x4  }
0x155: {  	[tilespmem:$0x1FE40] =	vst v5  }
0x156: {  	v5 =	vld [tilespmem:s26+$0x20];
	_ =	sdelay $0x4  }
0x157: {  	[tilespmem:$0x1FE50] =	vst v5  }
0x158: {  	v5 =	vld [tilespmem:s26+$0xA0];
	_ =	sdelay $0x4  }
0x159: {  	[tilespmem:$0x1FE70] =	vst v5  }
0x15a: {  	v5 =	vld [tilespmem:s25+$0x20];
	_ =	sdelay $0x4  }
0x15b: {  	[tilespmem:$0x1FE60] =	vst v5  }
0x15c: {  	v5 =	vld [tilespmem:s25+$0xA0];
	_ =	sdelay $0x4  }
0x15d: {  	[tilespmem:$0x1FE80] =	vst v5  }
0x15e: {  	v5 =	vld [tilespmem:s26+$0x30];
	_ =	sdelay $0x4  }
0x15f: {  	[tilespmem:$0x1FE90] =	vst v5  }
0x160: {  	v5 =	vld [tilespmem:s26+$0xB0];
	_ =	sdelay $0x4  }
0x161: {  	[tilespmem:$0x1FEB0] =	vst v5  }
0x162: {  	v5 =	vld [tilespmem:s25+$0x30];
	_ =	sdelay $0x4  }
0x163: {  	[tilespmem:$0x1FEA0] =	vst v5  }
0x164: {  	v5 =	vld [tilespmem:s25+$0xB0];
	_ =	sdelay $0x4  }
0x165: {  	[tilespmem:$0x1FEC0] =	vst v5  }
0x166: {  	v5 =	vld [tilespmem:s26+$0xFFFFFE00];
	_ =	sdelay $0x4  }
0x167: {  	[tilespmem:$0x1FF00] =	vst v5  }
0x168: {  	v5 =	vld [tilespmem:s26+$0xFFFFFE40];
	_ =	sdelay $0x4  }
0x169: {  	[tilespmem:$0x1FF10] =	vst v5  }
0x16a: {  	v5 =	vld [tilespmem:s26+$0xFFFFFEC0];
	_ =	sdelay $0x4  }
0x16b: {  	[tilespmem:$0x1FF30] =	vst v5  }
0x16c: {  	v5 =	vld [tilespmem:s25+$0xFFFFFE40];
	_ =	sdelay $0x4  }
0x16d: {  	[tilespmem:$0x1FF20] =	vst v5  }
0x16e: {  	v5 =	vld [tilespmem:s25+$0xFFFFFEC0];
	_ =	sdelay $0x1  }
0x16f: {  	v16 =	vsub.f32 v16, v29;
	_ =	sdelay $0x1  }
0x170: {  	v8 =	vadd.f32 v8, v9;
	v9 =	vmul.f32 v16, v41;
	v16 =	vld [tilespmem:$0x1FD90]  }
0x171: {  	[tilespmem:$0x1FF40] =	vst v5  }
0x172: {  	v5 =	vld [tilespmem:s26+$0xFFFFFE50]  }
0x173: {  	v11 =	vsub.f32 v11, v15  }
0x174: {  	v0 =	vmul.f32 v33, v0  }
0x175: {  	v2 =	vmul.f32 v56, v2;
	v11 =	vmul.f32 v11, v16;
	v16 =	vld [tilespmem:$0x1FDA0]  }
0x176: {  	v10 =	vsub.f32 v10, v21;
	v21 =	vld [tilespmem:$0x1FDB0]  }
0x177: {  	v1 =	vmul.f32 v48, v1;
	v0 =	vsub.f32 v0, v2;
	v2 =	vld [tilespmem:$0x1FDC0];
	[tilespmem:$0x1FF50] =	vst v5  }
0x178: {  	v3 =	vmul.f32 v57, v3;
	v4 =	vmul.f32 v50, v4;
	v5 =	vadd.f32 v25, v32;
	v25 =	vld [tilespmem:s26+$0xFFFFFED0]  }
0x179: {  	v12 =	vmul.f32 v61, v12;
	v13 =	vmul.f32 v55, v13;
	v32 =	vld [tilespmem:s25+$0xFFFFFE50]  }
0x17a: {  	v14 =	vadd.f32 v14, v20;
	v15 =	vmul.f32 v63, v38;
	v20 =	vmul.f32 v47, v34;
	v33 =	vld [tilespmem:s25+$0xFFFFFED0]  }
0x17b: {  	v1 =	vsub.f32 v1, v3;
	v8 =	vmul.f32 v8, v16;
	v16 =	vadd.f32 v35, v42;
	v29 =	vld [tilespmem:s26+$0xFFFFFE60]  }
0x17c: {  	v3 =	vsub.f32 v4, v12;
	v14 =	vmul.f32 v14, v45;
	v10 =	vmul.f32 v10, v21;
	v34 =	vld [tilespmem:s26+$0xFFFFFEE0]  }
0x17d: {  	v4 =	vsub.f32 v13, v15;
	v2 =	vmul.f32 v16, v2;
	v38 =	vld [tilespmem:s25+$0xFFFFFE60];
	v5 =	vmul.f32 v5, v39  }
0x17e: {  	v9 =	vsub.f32 v9, v14;
	v8 =	vsub.f32 v11, v8;
	v35 =	vld [tilespmem:s26+$0xFFFFFE70]  }
0x17f: {  	v2 =	vsub.f32 v10, v2;
	v41 =	vld [tilespmem:s26+$0xFFFFFEF0];
	v5 =	vsub.f32 v20, v5  }
0x180: {  	v9 =	vadd.f32 $0.0e+00, v9;
	v8 =	vadd.f32 $0.0e+00, v8;
	v50 =	vld [tilespmem:s25+$0xFFFFFE70]  }
0x181: {  	v2 =	vadd.f32 $0.0e+00, v2;
	v47 =	vld [tilespmem:s25+$0xFFFFFEF0];
	v5 =	vadd.f32 $0.0e+00, v5  }
0x182: {  	v1 =	vadd.f32 v1, v9;
	v3 =	vadd.f32 v3, v8;
	v42 =	vld [tilespmem:s26+$0xFFFFFF40]  }
0x183: {  	v2 =	vadd.f32 v4, v2;
	v4 =	vmul.f32 v17, v7;
	v45 =	vld [tilespmem:s26+$0xFFFFFFC0];
	v0 =	vadd.f32 v0, v5  }
0x184: {  	v55 =	vld [tilespmem:s25+$0xFFFFFF40];
	v5 =	vmul.f32 v6, v7;
	v6 =	vmul.f32 v6, v18  }
0x185: {  	v2 =	vadd.f32 v2, v3;
	v56 =	vld [tilespmem:s25+$0xFFFFFFC0];
	v0 =	vadd.f32 v1, v0  }
0x186: {  	v48 =	vld [tilespmem:s26+$0xFFFFFF50];
	v1 =	vsub.f32 v4, v6  }
0x187: {  	v57 =	vld [tilespmem:s26+$0xFFFFFFD0];
	v7 =	vmul.f32 v17, v18;
	v0 =	vadd.f32 v2, v0  }
0x188: {  	v39 =	vld [tilespmem:s25+$0xFFFFFEE0];
	[tilespmem:$0x1FF60] =	vst v1  }
0x189: {  	v3 =	vmul.f32 v19, v26;
	v6 =	vmul.f32 v22, v24;
	v63 =	vld [tilespmem:s25+$0xFFFFFF50];
	[tilespmem:$0x1FFF0] =	vst v0;
	v0 =	vadd.f32 v5, v7;
	_ =	sdelay $0x1  }
0x18a: {  	v8 =	vmul.f32 v22, v26;
	v4 =	vmul.f32 v19, v24;
	v20 =	vld [tilespmem:s25+$0xFFFFFFD0];
	[tilespmem:$0x1FF70] =	vst v0;
	v0 =	vsub.f32 v3, v6;
	_ =	sdelay $0x1  }
0x18b: {  	v5 =	vmul.f32 v23, v31;
	v6 =	vmul.f32 v27, v30;
	v61 =	vld [tilespmem:s26+$0xFFFFFF60];
	[tilespmem:$0x1FF80] =	vst v0;
	v0 =	vadd.f32 v8, v4;
	_ =	sdelay $0x1  }
0x18c: {  	v9 =	vmul.f32 v27, v31;
	v7 =	vmul.f32 v23, v30;
	v10 =	vld [tilespmem:s26+$0xFFFFFFE0];
	[tilespmem:$0x1FF90] =	vst v0;
	v0 =	vsub.f32 v5, v6;
	_ =	sdelay $0x1  }
0x18d: {  	v11 =	vmul.f32 v28, v43;
	v5 =	vmul.f32 v36, v40;
	v13 =	vld [tilespmem:s25+$0xFFFFFF60];
	[tilespmem:$0x1FFA0] =	vst v0;
	v0 =	vadd.f32 v9, v7;
	_ =	sdelay $0x1  }
0x18e: {  	v12 =	vmul.f32 v28, v40;
	v6 =	vmul.f32 v36, v43;
	v36 =	vld [tilespmem:s25+$0xFFFFFFE0];
	[tilespmem:$0x1FFB0] =	vst v0;
	v0 =	vsub.f32 v11, v5  }
0x18f: {  	v14 =	vmul.f32 v37, v49  }
0x190: {  	v7 =	vmul.f32 v37, v51;
	v5 =	vmul.f32 v44, v49;
	v37 =	vld [tilespmem:s26+$0xFFFFFF70];
	[tilespmem:$0x1FFC0] =	vst v0;
	v0 =	vadd.f32 v6, v12;
	_ =	sdelay $0x1  }
0x191: {  	v15 =	vmul.f32 v44, v51;
	v44 =	vld [tilespmem:s26+$0xFFFFFFF0];
	[tilespmem:$0x1FFD0] =	vst v0;
	v0 =	vsub.f32 v7, v5  }
0x192: {  	v16 =	vmul.f32 v46, v54;
	v6 =	vmul.f32 v46, v62;
	v46 =	vld [tilespmem:s25+$0xFFFFFF70]  }
0x193: {  	[tilespmem:$0x1FFE0] =	vst v0;
	v0 =	vld [tilespmem:$0x1FDD0];
	_ =	sdelay $0x2  }
0x194: {  	v1 =	vld [tilespmem:$0x1FDF0];
	v5 =	vmul.f32 v52, v54  }
0x195: {  	v2 =	vld [tilespmem:$0x1FE00];
	v43 =	vadd.f32 v15, v14  }
0x196: {  	v40 =	vsub.f32 v6, v5;
	v15 =	vmul.f32 v53, v0;
	v6 =	vmul.f32 v60, v0;
	v0 =	vld [tilespmem:$0x1FDE0];
	_ =	sdelay $0x1  }
0x197: {  	v5 =	vmul.f32 v60, v58  }
0x198: {  	v7 =	vmul.f32 v52, v62  }
0x199: {  	v18 =	vmul.f32 v59, v1;
	v14 =	vsub.f32 v15, v5;
	v5 =	vmul.f32 v2, v1;
	v1 =	vld [tilespmem:$0x1FE30]  }
0x19a: {  	v21 =	vadd.f32 v7, v16;
	v7 =	vmul.f32 v59, v0;
	v19 =	vmul.f32 v2, v0;
	v0 =	vld [tilespmem:$0x1FE10]  }
0x19b: {  	v2 =	vld [tilespmem:$0x1FE20];
	_ =	sdelay $0x2  }
0x19c: {  	v17 =	vmul.f32 v53, v58;
	_ =	sdelay $0x1  }
0x19d: {  	v15 =	vadd.f32 v6, v17;
	v6 =	vmul.f32 v2, v0;
	v22 =	vmul.f32 v2, v1;
	v2 =	vld [tilespmem:$0x1FE40];
	_ =	sdelay $0x4  }
0x19e: {  	v16 =	vsub.f32 v7, v5;
	v7 =	vmul.f32 v2, v0;
	v0 =	vld [tilespmem:$0x1FE50]  }
0x19f: {  	v5 =	vmul.f32 v2, v1;
	v2 =	vld [tilespmem:$0x1FE60]  }
0x1a0: {  	v1 =	vld [tilespmem:$0x1FE70];
	_ =	sdelay $0x4  }
0x1a1: {  	v17 =	vadd.f32 v19, v18;
	v18 =	vmul.f32 v2, v0;
	v23 =	vmul.f32 v2, v1;
	v2 =	vld [tilespmem:$0x1FE80];
	_ =	sdelay $0x4  }
0x1a2: {  	v19 =	vsub.f32 v6, v5;
	v6 =	vmul.f32 v2, v0;
	v0 =	vld [tilespmem:$0x1FE90]  }
0x1a3: {  	v5 =	vmul.f32 v2, v1;
	v2 =	vld [tilespmem:$0x1FEA0]  }
0x1a4: {  	v1 =	vld [tilespmem:$0x1FEB0];
	_ =	sdelay $0x4  }
0x1a5: {  	v22 =	vadd.f32 v7, v22;
	v7 =	vmul.f32 v2, v0;
	v26 =	vmul.f32 v2, v1;
	v2 =	vld [tilespmem:$0x1FEC0];
	_ =	sdelay $0x4  }
0x1a6: {  	v24 =	vsub.f32 v18, v5;
	v18 =	vmul.f32 v2, v0;
	v0 =	vld [tilespmem:$0x1FED0]  }
0x1a7: {  	v5 =	vmul.f32 v2, v1;
	v2 =	vld [tilespmem:$0x1FEE0]  }
0x1a8: {  	v1 =	vld [tilespmem:$0x1FEF0]  }
0x1a9: {  	v49 =	vld [tilespmem:s25+$0xFFFFFFF0]  }
0x1aa: {  	v51 =	vld [tilespmem:s26+$0x40]  }
0x1ab: {  	v52 =	vld [tilespmem:s26+$0xC0]  }
0x1ac: {  	v54 =	vld [tilespmem:s25+$0xC0]  }
0x1ad: {  	v28 =	vadd.f32 v6, v23;
	v23 =	vmul.f32 v0, v2;
	v31 =	vmul.f32 v1, v2;
	v2 =	vld [tilespmem:$0x1FF00]  }
0x1ae: {  	v58 =	vld [tilespmem:s26+$0x50]  }
0x1af: {  	v62 =	vld [tilespmem:s25+$0xD0]  }
0x1b0: {  	v27 =	vld [tilespmem:s26+$0x60]  }
0x1b1: {  	v6 =	vld [tilespmem:$0x1FF30]  }
0x1b2: {  	v11 =	vsub.f32 v7, v5;
	v5 =	vld [tilespmem:$0x1FF20];
	v0 =	vmul.f32 v0, v2  }
0x1b3: {  	v1 =	vmul.f32 v1, v2;
	v2 =	vld [tilespmem:$0x1FF10]  }
0x1b4: {  	v9 =	vsub.f32 v0, v31;
	v0 =	vld [tilespmem:$0x1FF40]  }
0x1b5: {  	v8 =	vadd.f32 v1, v23;
	v1 =	vld [tilespmem:$0x1FF50]  }
0x1b6: {  	v30 =	vld [tilespmem:s26+$0xE0]  }
0x1b7: {  	v4 =	vld [tilespmem:s25+$0x60]  }
0x1b8: {  	v3 =	vld [tilespmem:s25+$0xE0];
	v12 =	vadd.f32 v18, v26;
	v18 =	vmul.f32 v5, v6  }
0x1b9: {  	v53 =	vld [tilespmem:s25+$0x40];
	v7 =	vmul.f32 v5, v2;
	v26 =	vmul.f32 v0, v6  }
0x1ba: {  	v60 =	vld [tilespmem:s25+$0x50];
	v31 =	vmul.f32 v0, v2;
	v23 =	vmul.f32 v32, v1  }
0x1bb: {  	v59 =	vld [tilespmem:s26+$0xD0];
	v32 =	vmul.f32 v32, v25;
	v25 =	vmul.f32 v33, v25;
	v7 =	vsub.f32 v7, v26  }
0x1bc: {  	v5 =	vld [tilespmem:s26+$0x70];
	v26 =	vmul.f32 v33, v1;
	v18 =	vadd.f32 v31, v18;
	v31 =	vmul.f32 v38, v29  }
0x1bd: {  	v2 =	vld [tilespmem:s26+$0xF0];
	v38 =	vmul.f32 v38, v34;
	v23 =	vsub.f32 v23, v25;
	v34 =	vmul.f32 v39, v34  }
0x1be: {  	v0 =	vld [tilespmem:s25+$0x70];
	v29 =	vmul.f32 v39, v29;
	v25 =	vadd.f32 v26, v32;
	v32 =	vmul.f32 v50, v35  }
0x1bf: {  	v6 =	vld [tilespmem:s10+$0xFFFFFE00];
	v50 =	vmul.f32 v50, v41;
	v26 =	vsub.f32 v31, v34;
	v31 =	vmul.f32 v47, v41  }
0x1c0: {  	v33 =	vld [tilespmem:s25+$0xF0];
	v34 =	vmul.f32 v47, v35;
	v29 =	vadd.f32 v29, v38;
	v35 =	vmul.f32 v55, v42  }
0x1c1: {  	v39 =	vld [tilespmem:s10+$0xFFFFFE80];
	v38 =	vmul.f32 v55, v45;
	v41 =	vsub.f32 v32, v31;
	v31 =	vmul.f32 v56, v45  }
0x1c2: {  	v1 =	vld [tilespmem:s10+$0xFFFFFE10];
	v32 =	vmul.f32 v56, v42;
	v42 =	vadd.f32 v34, v50;
	v34 =	vmul.f32 v63, v48  }
0x1c3: {  	v47 =	vld [tilespmem:s10+$0xFFFFFE90];
	v50 =	vmul.f32 v63, v57;
	v31 =	vsub.f32 v35, v31;
	v35 =	vmul.f32 v20, v57  }
0x1c4: {  	v55 =	vld [tilespmem:s10+$0xFFFFFE20];
	v20 =	vmul.f32 v20, v48;
	v32 =	vadd.f32 v32, v38;
	v38 =	vmul.f32 v13, v61  }
0x1c5: {  	v45 =	vld [tilespmem:s10+$0xFFFFFEA0];
	v57 =	vmul.f32 v13, v10;
	v10 =	vmul.f32 v36, v10  }
0x1c6: {  	v56 =	vld [tilespmem:s10+$0xFFFFFE30];
	v36 =	vmul.f32 v36, v61;
	v13 =	vsub.f32 v34, v35;
	v35 =	vadd.f32 v20, v50  }
0x1c7: {  	v63 =	vld [tilespmem:s10+$0xFFFFFF00];
	v20 =	vmul.f32 v46, v37;
	v34 =	vsub.f32 v38, v10;
	v10 =	vmul.f32 v49, v44  }
0x1c8: {  	v48 =	vld [tilespmem:s10+$0xFFFFFEB0];
	v38 =	vmul.f32 v49, v37;
	v49 =	vmul.f32 v53, v51  }
0x1c9: {  	v61 =	vld [tilespmem:s10+$0xFFFFFF80];
	v53 =	vmul.f32 v53, v52;
	v37 =	vsub.f32 v20, v10;
	v20 =	vmul.f32 v54, v51  }
0x1ca: {  	v50 =	vld [tilespmem:s10+$0xFFFFFF10];
	v36 =	vadd.f32 v36, v57  }
0x1cb: {  	v57 =	vld [tilespmem:s10+$0xFFFFFF20];
	v20 =	vadd.f32 v20, v53;
	v53 =	vmul.f32 v4, v27;
	v4 =	vmul.f32 v4, v30  }
0x1cc: {  	v51 =	vld [tilespmem:s10+$0xFFFFFFA0];
	v30 =	vmul.f32 v3, v30;
	v3 =	vmul.f32 v3, v27  }
0x1cd: {  	v46 =	vmul.f32 v46, v44;
	v10 =	vmul.f32 v54, v52;
	v54 =	vld [tilespmem:s10+$0xFFFFFF30]  }
0x1ce: {  	v3 =	vadd.f32 v3, v4;
	v4 =	vmul.f32 v9, v6;
	v9 =	vld [tilespmem:$0x1FF60]  }
0x1cf: {  	v38 =	vadd.f32 v38, v46;
	v46 =	vmul.f32 v60, v58;
	v52 =	vmul.f32 v60, v59;
	v60 =	vld [tilespmem:s10+$0x0]  }
0x1d0: {  	v58 =	vmul.f32 v62, v58;
	v10 =	vsub.f32 v49, v10;
	v49 =	vmul.f32 v62, v59;
	v59 =	vld [tilespmem:s10+$0xFFFFFFB0]  }
0x1d1: {  	v27 =	vld [tilespmem:s10+$0x80];
	v62 =	vmul.f32 v0, v5;
	v0 =	vmul.f32 v0, v2  }
0x1d2: {  	v2 =	vmul.f32 v33, v2;
	v5 =	vmul.f32 v33, v5;
	v33 =	vld [tilespmem:s10+$0x90]  }
0x1d3: {  	v1 =	vmul.f32 v9, v1;
	v9 =	vld [tilespmem:$0x1FF70]  }
0x1d4: {  	v40 =	vmul.f32 v40, v57;
	v57 =	vld [tilespmem:s10+$0xFFFFFE70]  }
0x1d5: {  	v46 =	vsub.f32 v46, v49;
	v49 =	vadd.f32 v58, v52;
	v58 =	vld [tilespmem:s10+$0x10]  }
0x1d6: {  	v6 =	vmul.f32 v8, v39;
	v8 =	vld [tilespmem:s10+$0x20]  }
0x1d7: {  	v39 =	vld [tilespmem:s10+$0xA0]  }
0x1d8: {  	v0 =	vadd.f32 v5, v0;
	v5 =	vld [tilespmem:$0x1FF80];
	v9 =	vmul.f32 v9, v47  }
0x1d9: {  	v2 =	vsub.f32 v62, v2;
	v62 =	vld [tilespmem:$0x1FFB0]  }
0x1da: {  	v1 =	vsub.f32 v1, v9;
	v9 =	vld [tilespmem:$0x1FFC0]  }
0x1db: {  	v52 =	vld [tilespmem:s10+$0xB0]  }
0x1dc: {  	v4 =	vsub.f32 v4, v6;
	v6 =	vld [tilespmem:$0x1FFA0]  }
0x1dd: {  	v14 =	vmul.f32 v14, v54;
	v54 =	vld [tilespmem:s10+$0xFFFFFE60]  }
0x1de: {  	v5 =	vmul.f32 v5, v55;
	v55 =	vld [tilespmem:$0x1FF90]  }
0x1df: {  	v9 =	vmul.f32 v9, v63;
	v63 =	vld [tilespmem:$0x1FFD0]  }
0x1e0: {  	v21 =	vmul.f32 v21, v51;
	v48 =	vmul.f32 v62, v48;
	v62 =	vld [tilespmem:s10+$0xFFFFFE50]  }
0x1e1: {  	v15 =	vmul.f32 v15, v59;
	v6 =	vmul.f32 v6, v56;
	v56 =	vld [tilespmem:$0x1FFE0]  }
0x1e2: {  	v16 =	vmul.f32 v16, v60;
	v17 =	vmul.f32 v17, v27;
	v47 =	vld [tilespmem:s10+$0x30]  }
0x1e3: {  	v14 =	vsub.f32 v14, v15;
	v15 =	vmul.f32 v19, v58;
	v45 =	vmul.f32 v55, v45;
	v55 =	vld [tilespmem:s10+$0xFFFFFE40]  }
0x1e4: {  	v30 =	vsub.f32 v53, v30;
	v19 =	vmul.f32 v22, v33;
	v53 =	vmul.f32 v63, v61;
	v61 =	vld [tilespmem:s10+$0xFFFFFEC0]  }
0x1e5: {  	v16 =	vsub.f32 v16, v17;
	v8 =	vmul.f32 v24, v8;
	v17 =	vmul.f32 v28, v39;
	v63 =	vld [tilespmem:s10+$0xFFFFFED0]  }
0x1e6: {  	v6 =	vsub.f32 v6, v48;
	v5 =	vsub.f32 v5, v45;
	v45 =	vmul.f32 v56, v50;
	v56 =	vld [tilespmem:s10+$0xFFFFFEE0]  }
0x1e7: {  	v27 =	vld [tilespmem:s10+$0xFFFFFEF0];
	v4 =	vadd.f32 $0.0e+00, v4;
	v12 =	vmul.f32 v12, v52;
	v15 =	vsub.f32 v15, v19  }
0x1e8: {  	v22 =	vld [tilespmem:s10+$0xFFFFFF40];
	v8 =	vsub.f32 v8, v17;
	v6 =	vadd.f32 $0.0e+00, v6;
	v11 =	vmul.f32 v11, v47  }
0x1e9: {  	v24 =	vld [tilespmem:s10+$0xFFFFFFC0];
	v1 =	vadd.f32 $0.0e+00, v1;
	v7 =	vmul.f32 v7, v55;
	v18 =	vmul.f32 v18, v61  }
0x1ea: {  	v19 =	vld [tilespmem:s10+$0xFFFFFF50];
	v11 =	vsub.f32 v11, v12;
	v12 =	vmul.f32 v23, v62;
	v23 =	vmul.f32 v25, v63  }
0x1eb: {  	v17 =	vld [tilespmem:s10+$0xFFFFFFD0];
	v7 =	vsub.f32 v7, v18;
	v18 =	vmul.f32 v26, v54;
	v26 =	vmul.f32 v29, v56  }
0x1ec: {  	v59 =	vmul.f32 v41, v57;
	v5 =	vadd.f32 $0.0e+00, v5;
	v12 =	vsub.f32 v12, v23  }
0x1ed: {  	v44 =	vld [tilespmem:s10+$0xFFFFFF90];
	v9 =	vsub.f32 v9, v53;
	v18 =	vsub.f32 v18, v26;
	v26 =	vmul.f32 v42, v27  }
0x1ee: {  	v28 =	vld [tilespmem:s10+$0xFFFFFF60];
	v4 =	vadd.f32 v7, v4;
	v1 =	vadd.f32 v12, v1;
	v7 =	vmul.f32 v31, v22  }
0x1ef: {  	v58 =	vld [tilespmem:s10+$0xFFFFFFE0];
	v22 =	vmul.f32 v32, v24;
	v5 =	vadd.f32 v18, v5;
	v18 =	vsub.f32 v59, v26  }
0x1f0: {  	v1 =	vadd.f32 v1, v4;
	v4 =	vmul.f32 v13, v19;
	v13 =	vmul.f32 v35, v17;
	v17 =	vld [tilespmem:s10+$0x60]  }
0x1f1: {  	v9 =	vadd.f32 $0.0e+00, v9;
	v7 =	vsub.f32 v7, v22;
	v22 =	vld [tilespmem:s10+$0x70]  }
0x1f2: {  	v21 =	vsub.f32 v40, v21;
	v6 =	vadd.f32 v18, v6;
	v18 =	vld [tilespmem:s10+$0xE0]  }
0x1f3: {  	v43 =	vmul.f32 v43, v44;
	v7 =	vadd.f32 v7, v9;
	v9 =	vld [tilespmem:s10+$0xF0]  }
0x1f4: {  	v21 =	vadd.f32 $0.0e+00, v21;
	v25 =	vld [tilespmem:s10+$0xFFFFFF70]  }
0x1f5: {  	v14 =	vadd.f32 $0.0e+00, v14;
	v43 =	vsub.f32 v45, v43;
	v12 =	vld [tilespmem:s10+$0x50]  }
0x1f6: {  	v16 =	vadd.f32 $0.0e+00, v16;
	v8 =	vadd.f32 $0.0e+00, v8;
	v29 =	vld [tilespmem:s10+$0xFFFFFFF0]  }
0x1f7: {  	v43 =	vadd.f32 $0.0e+00, v43;
	v23 =	vld [tilespmem:s10+$0x40];
	v17 =	vmul.f32 v30, v17;
	v2 =	vmul.f32 v2, v22  }
0x1f8: {  	v11 =	vadd.f32 $0.0e+00, v11;
	v27 =	vld [tilespmem:s10+$0xC0];
	v3 =	vmul.f32 v3, v18;
	v0 =	vmul.f32 v0, v9  }
0x1f9: {  	v24 =	vld [tilespmem:s10+$0xD0];
	v19 =	vmul.f32 v34, v28;
	v4 =	vsub.f32 v4, v13;
	v13 =	vmul.f32 v36, v58  }
0x1fa: {  	v12 =	vmul.f32 v46, v12;
	v3 =	vsub.f32 v17, v3;
	v0 =	vsub.f32 v2, v0  }
0x1fb: {  	v5 =	vadd.f32 v6, v5;
	v6 =	vmul.f32 v37, v25;
	v13 =	vsub.f32 v19, v13  }
0x1fc: {  	v19 =	vmul.f32 v38, v29;
	v3 =	vadd.f32 v3, v8;
	v0 =	vadd.f32 v0, v11  }
0x1fd: {  	v1 =	vadd.f32 v5, v1;
	v5 =	vmul.f32 v10, v23;
	v10 =	vmul.f32 v20, v27  }
0x1fe: {  	v6 =	vsub.f32 v6, v19;
	v19 =	vmul.f32 v49, v24;
	v0 =	vadd.f32 v0, v3;
	v3 =	vld [tilespmem:$0x1FFF0]  }
0x1ff: {  	v15 =	vadd.f32 $0.0e+00, v15;
	v4 =	vadd.f32 v4, v43  }
0x200: {  	v5 =	vsub.f32 v5, v10;
	v9 =	vsub.f32 v12, v19  }
0x201: {  	v13 =	vadd.f32 v13, v21;
	v6 =	vadd.f32 v6, v14  }
0x202: {  	v2 =	vadd.f32 v5, v16;
	v5 =	vadd.f32 v9, v15  }
0x203: {  	v4 =	vadd.f32 v4, v7;
	v6 =	vadd.f32 v6, v13;
	(xrf2) =	vadd.scan.msk.f32 $0xffff, v3  }
0x204: {  	v2 =	vadd.f32 v5, v2  }
0x205: {  	v3 =	vadd.f32 v6, v4  }
0x206: {  	v0 =	vadd.f32 v0, v2;
	(xrf2) =	vadd.scan.msk.f32 $0xffff, v1  }
0x207: {  	(xrf2) =	vadd.scan.msk.f32 $0xffff, v3  }
0x208: {  	(xrf2) =	vadd.scan.msk.f32 $0xffff, v0;
	_ =	sdelay $0x1  }
0x209: {  	s26 =	sadd.s32 $0x1, s14  }
0x20a: {  	v2 =	vmov s26;
	v0 =	vmov s14  }
0x20b: {  	s28 =	sadd.s32 $0x2, s14;
	s25 =	sadd.s32 $0x3, s14;
	v2 =	vand.u32 $0xFFFFFFFD, v2;
	v0 =	vand.u32 $0xFFFFFFFC, v0  }
0x20c: {  	v1 =	vmov s25;
	v3 =	vmov s28;
	v0 =	vbroadcast v0, $0x0;
	v4, _, _ =	vpop (xrf2)  }
0x20d: {  	v2 =	vbroadcast v2, $0x0;
	v3 =	vand.u32 $0xFFFFFFFE, v3;
	v4 =	vbroadcast v4, $0xF  }
0x20e: {  	v3 =	vbroadcast v3, $0x0  }
0x20f: {  	v5, _, _ =	vpop (xrf2)  }
0x210: {  	v5 =	vbroadcast v5, $0xF;
	v6, _, _ =	vpop (xrf2)  }
0x211: {  	[tilespmem:v1+s31+$0x0] =	vst.idx.msk $0x1, v4;
	v1 =	vbroadcast v6, $0xF;
	v4, _, _ =	vpop (xrf2)  }
0x212: {  	s29 =	sadd.s32 s4, s13;
	[tilespmem:v0+s31+$0x0] =	vst.idx.msk $0x1, v5;
	v0 =	vbroadcast v4, $0xF  }
0x213: {  	s10 =	sshrl.u32 s29, $0x3;
	[tilespmem:v2+s31+$0x0] =	vst.idx.msk $0x1, v1  }
0x214: {  	s10 =	sadd.s32 s2, s10;
	[tilespmem:v3+s31+$0x0] =	vst.idx.msk $0x1, v0  }
0x215: {  	[hbm4b:s10+s3] =	stream.linear.scatter [tilespmem:s31], [sflag:$0x5], $0x50, $0x38;
	[tilespmem:$0x1E280] =	vst v63  }
0x216: {  	_ =	swait.ge [sflag:s1], $0x5000  }
0x217: {  	[sflag:s1] =	ssyncset.done $0x0  }
0x218: {  	[sflag:s1] =	ssyncadd.s32 $0xFFFFB000  }
0x219: {  	_ =	swait.ge [sflag:s1], $0x5000  }
0x21a: {  	[sflag:s1] =	ssyncset.done $0x0  }
0x21b: {  	p1 =	seq.s32 s17, $0x3D;
	[sflag:s1] =	ssyncadd.s32 $0xFFFFB000  }
0x21c: {  	s26 =	simm.s32 @!p1 $0xF0;
	s10 =	sadd.s32 @!p1 s13, s12;
	_ =	swait.ge [sflag:s1], $0x5000  }
0x21d: {  	s25 =	simm.s32 @!p1 $0x4E200;
	s10 =	sshrl.u32 @!p1 s10, $0x3;
	[sflag:s1] =	ssyncset.done $0x0  }
0x21e: {  	s14 =	simm.s32 @!p1 $0x50;
	s10 =	sadd.s32 @!p1 s7, s10;
	[sflag:s1] =	ssyncadd.s32 $0xFFFFB000  }
0x21f: {  	[tilespmem:s26], [sflag:$0x4] =	stream.strided.gather @!p1 [hbm4b:s10+s14], $0xF0, s25, s14, $0x38;
	[tilespmem:$0x1E280] =	vst v63  }
0x220: {  	_ =	swait.ge [sflag:s0], $0xF0  }
0x221: {  	[sflag:s0] =	ssyncset.done $0x0  }
0x222: {  	[sflag:s0] =	ssyncadd.s32 $0xFFFFFF10  }
0x223: {  	[tilespmem:s18], [sflag:$0x1] =	stream.indirect.gather [hbm4b:s5+s15], $0x100, s3, s15, $0xb8;
	[tilespmem:$0x1E280] =	vst v63  }
0x224: {  	_ = 	snop  }
0x225: {  	[tilespmem:s19], [sflag:$0x1] =	stream.indirect.gather [hbm4b:s5+s15], $0x100, s15, s15, $0xb8;
	[tilespmem:$0x1E280] =	vst v63  }
0x226: {  	s10 =	simm.s32 @!p0 $0x6  }
0x227: {  	[tilespmem:s21], [sflag:$0x1] =	stream.indirect.gather [hbm4b:s6+s15], $0x100, s20, s15, $0xb8;
	[tilespmem:$0x1E280] =	vst v63  }
0x228: {  	_ =	swait.ge @!p0 [sflag:s10], $0x50  }
0x229: {  	[sflag:s10] =	ssyncset.done @!p0 $0x0  }
0x22a: {  	[sflag:s10] =	ssyncadd.s32 @!p0 $0xFFFFFFB0;
	s10 =	simm.s32 $0x0  }
0x22b: {  	v0 =	vld [tilespmem:s10+$0xF520]  }
0x22c: {  	v2 =	vld [tilespmem:s10+$0xF5A0]  }
0x22d: {  	v1 =	vld [tilespmem:s10+$0xF530]  }
0x22e: {  	v4 =	vld [tilespmem:s10+$0xF5B0]  }
0x22f: {  	v3 =	vld [tilespmem:s10+$0xF540]  }
0x230: {  	v5 =	vld [tilespmem:s10+$0x5520]  }
0x231: {  	v6 =	vld [tilespmem:s10+$0x55A0]  }
0x232: {  	v7 =	vld [tilespmem:s10+$0x19520]  }
0x233: {  	v8 =	vld [tilespmem:s10+$0x195A0]  }
0x234: {  	v9 =	vld [tilespmem:s10+$0x5530]  }
0x235: {  	v10 =	vld [tilespmem:s10+$0x55B0]  }
0x236: {  	v11 =	vld [tilespmem:s10+$0x19530]  }
0x237: {  	v12 =	vld [tilespmem:s10+$0x195B0]  }
0x238: {  	v13 =	vld [tilespmem:s10+$0x5540]  }
0x239: {  	v14 =	vld [tilespmem:s10+$0x55C0]  }
0x23a: {  	v15 =	vld [tilespmem:s10+$0x19540]  }
0x23b: {  	v16 =	vld [tilespmem:s10+$0x195C0]  }
0x23c: {  	v17 =	vld [tilespmem:s10+$0x5550]  }
0x23d: {  	v18 =	vld [tilespmem:s10+$0x55D0]  }
0x23e: {  	v19 =	vld [tilespmem:s10+$0x19550]  }
0x23f: {  	v20 =	vld [tilespmem:s10+$0x195D0]  }
0x240: {  	v21 =	vld [tilespmem:s10+$0x54E0]  }
0x241: {  	v22 =	vld [tilespmem:s10+$0x5560]  }
0x242: {  	v23 =	vld [tilespmem:s10+$0x194E0]  }
0x243: {  	v24 =	vld [tilespmem:s10+$0x19560]  }
0x244: {  	v25 =	vld [tilespmem:s10+$0x54F0]  }
0x245: {  	v26 =	vld [tilespmem:s10+$0x5570]  }
0x246: {  	v31 =	vld [tilespmem:s10+$0x194F0];
	v29 =	vmul.f32 v7, v5;
	v30 =	vmul.f32 v8, v6  }
0x247: {  	v62 =	vld [tilespmem:s10+$0x19500];
	v8 =	vmul.f32 v8, v5;
	v32 =	vmul.f32 v7, v6  }
0x248: {  	v63 =	vld [tilespmem:s10+$0x19580];
	v60 =	vmul.f32 v11, v9;
	v61 =	vmul.f32 v12, v10  }
0x249: {  	v44 =	vld [tilespmem:s10+$0x5510];
	v36 =	vmul.f32 v12, v9;
	v11 =	vmul.f32 v11, v10  }
0x24a: {  	v27 =	vld [tilespmem:s10+$0x5590];
	v38 =	vmul.f32 v15, v13;
	v39 =	vmul.f32 v16, v14  }
0x24b: {  	v5 =	vld [tilespmem:s10+$0x19570];
	v16 =	vmul.f32 v16, v13;
	v14 =	vmul.f32 v15, v14  }
0x24c: {  	v6 =	vld [tilespmem:s10+$0x5500];
	v43 =	vmul.f32 v19, v17;
	v45 =	vmul.f32 v20, v18  }
0x24d: {  	v7 =	vld [tilespmem:s10+$0x5580];
	v9 =	vmul.f32 v20, v17;
	v13 =	vmul.f32 v19, v18  }
0x24e: {  	v53 =	vld [tilespmem:s10+$0x19510];
	v12 =	vmul.f32 v23, v21;
	v50 =	vmul.f32 v24, v22  }
0x24f: {  	v28 =	vmul.f32 v24, v21;
	v40 =	vmul.f32 v23, v22;
	v20 =	vld [tilespmem:s10+$0x19590]  }
0x250: {  	v33 =	vld [tilespmem:s10+$0xF550];
	v17 =	vmul.f32 v31, v25;
	v22 =	vmul.f32 v31, v26;
	v59 =	vsub.f32 v29, v30  }
0x251: {  	v48 =	vld [tilespmem:s10+$0xF5D0];
	v21 =	vadd.f32 v8, v32;
	v37 =	vmul.f32 v5, v26;
	v15 =	vmul.f32 v5, v25  }
0x252: {  	v41 =	vld [tilespmem:s10+$0xF4E0];
	v18 =	vsub.f32 v38, v39;
	v10 =	vmul.f32 v62, v6;
	v19 =	vmul.f32 v63, v7  }
0x253: {  	v51 =	vld [tilespmem:s10+$0xF560];
	v29 =	vadd.f32 v16, v14;
	v5 =	vmul.f32 v63, v6;
	v6 =	vmul.f32 v62, v7  }
0x254: {  	v31 =	vld [tilespmem:s10+$0xF5C0];
	v7 =	vmul.f32 v53, v44;
	v62 =	vsub.f32 v60, v61;
	v42 =	vmul.f32 v20, v27  }
0x255: {  	s14 =	simm.s32 $0x0;
	s25 =	simm.s32 $0x4;
	s26 =	simm.s32 $0x0;
	v58 =	vld [tilespmem:s10+$0xF4F0];
	v26 =	vadd.f32 v36, v11;
	v44 =	vmul.f32 v20, v44;
	v20 =	vsub.f32 v43, v45  }
.LBB2_5:
0x256: {  	p0 =	slt.u32 s25, $0x4C;
	v8 =	vsub.f32 v12, v50;
	v11 =	vld [tilespmem:s10+$0xF570];
	v12 =	vmul.f32 v53, v27;
	v9 =	vadd.f32 v9, v13  }
0x257: {  	v13 =	vadd.f32 v28, v40;
	v0 =	vmul.f32 v59, v0;
	v2 =	vmul.f32 v21, v2;
	v14 =	vld [tilespmem:s10+$0xF500]  }
0x258: {  	v16 =	vsub.f32 v17, v37;
	v1 =	vmul.f32 v62, v1;
	v4 =	vmul.f32 v26, v4;
	v17 =	vld [tilespmem:s10+$0xF580]  }
0x259: {  	v15 =	vadd.f32 v15, v22;
	v3 =	vmul.f32 v18, v3;
	v18 =	vmul.f32 v29, v31;
	v21 =	vld [tilespmem:s10+$0xF510]  }
0x25a: {  	v10 =	vsub.f32 v10, v19;
	v20 =	vmul.f32 v20, v33;
	v9 =	vmul.f32 v9, v48;
	v19 =	vld [tilespmem:s10+$0xF590]  }
0x25b: {  	v5 =	vadd.f32 v5, v6;
	v8 =	vmul.f32 v8, v41;
	v13 =	vmul.f32 v13, v51;
	v22 =	vld [tilespmem:s10+$0x51E0]  }
0x25c: {  	v7 =	vsub.f32 v7, v42;
	v16 =	vmul.f32 v16, v58;
	v11 =	vmul.f32 v15, v11;
	v6 =	vld [tilespmem:s10+$0x5260]  }
0x25d: {  	v12 =	vadd.f32 v44, v12;
	v10 =	vmul.f32 v10, v14;
	v15 =	vld [tilespmem:s10+$0x191E0];
	v5 =	vmul.f32 v5, v17  }
0x25e: {  	v0 =	vsub.f32 v0, v2;
	v1 =	vsub.f32 v1, v4;
	v14 =	vld [tilespmem:s10+$0x19260];
	v7 =	vmul.f32 v7, v21  }
0x25f: {  	v3 =	vsub.f32 v3, v18;
	v9 =	vsub.f32 v20, v9;
	v2 =	vld [tilespmem:s10+$0x51F0];
	v4 =	vmul.f32 v12, v19  }
0x260: {  	v8 =	vsub.f32 v8, v13;
	v11 =	vsub.f32 v16, v11;
	v12 =	vld [tilespmem:s10+$0x5270]  }
0x261: {  	v5 =	vsub.f32 v10, v5;
	v13 =	vld [tilespmem:s10+$0x191F0];
	v4 =	vsub.f32 v7, v4  }
0x262: {  	v8 =	vadd.f32 $0.0e+00, v8;
	v11 =	vadd.f32 $0.0e+00, v11;
	v7 =	vmul.f32 v15, v22;
	v10 =	vld [tilespmem:s10+$0x19270]  }
0x263: {  	v5 =	vadd.f32 $0.0e+00, v5;
	v16 =	vmul.f32 v14, v6;
	v17 =	vld [tilespmem:s10+$0x5200];
	v4 =	vadd.f32 $0.0e+00, v4  }
0x264: {  	v8 =	vadd.f32 v0, v8;
	v1 =	vadd.f32 v1, v11;
	v14 =	vmul.f32 v14, v22;
	v18 =	vld [tilespmem:s10+$0x5280]  }
0x265: {  	v6 =	vmul.f32 v15, v6;
	v3 =	vadd.f32 v3, v5;
	v11 =	vld [tilespmem:s10+$0x19200];
	v4 =	vadd.f32 v9, v4  }
0x266: {  	v0 =	vsub.f32 v7, v16;
	v5 =	vmul.f32 v13, v2;
	v7 =	vmul.f32 v13, v12;
	v9 =	vld [tilespmem:s10+$0x19280]  }
0x267: {  	v8 =	vadd.f32 v1, v8;
	v12 =	vmul.f32 v10, v12;
	v13 =	vld [tilespmem:s10+$0x5210];
	v4 =	vadd.f32 v4, v3  }
0x268: {  	v3 =	vadd.f32 v14, v6;
	v2 =	vmul.f32 v10, v2;
	v6 =	vld [tilespmem:s10+$0x5290]  }
0x269: {  	v1 =	vsub.f32 v5, v12;
	v10 =	vld [tilespmem:s10+$0x19210];
	v4 =	vadd.f32 v4, v8  }
0x26a: {  	v2 =	vadd.f32 v2, v7;
	v5 =	vmul.f32 v11, v17;
	v7 =	vmul.f32 v11, v18;
	v8 =	vld [tilespmem:s10+$0x19290]  }
0x26b: {  	v11 =	vmul.f32 v9, v18;
	v9 =	vmul.f32 v9, v17;
	v12 =	vld [tilespmem:s10+$0x52E0];
	(xrf2) =	vadd.scan.msk.f32 $0xffff, v4  }
0x26c: {  	v14 =	vld [tilespmem:s10+$0x5360]  }
0x26d: {  	v5 =	vsub.f32 v5, v11;
	v4 =	vadd.f32 v9, v7;
	v9 =	vld [tilespmem:s10+$0x192E0]  }
0x26e: {  	v7 =	vmul.f32 v10, v13;
	v10 =	vmul.f32 v10, v6;
	v11 =	vld [tilespmem:s10+$0x19360]  }
0x26f: {  	v6 =	vmul.f32 v8, v6;
	v8 =	vmul.f32 v8, v13;
	v13 =	vld [tilespmem:s10+$0x52F0]  }
0x270: {  	v15 =	vld [tilespmem:s10+$0x5370]  }
0x271: {  	v7 =	vsub.f32 v7, v6;
	v6 =	vadd.f32 v8, v10;
	v10 =	vld [tilespmem:s10+$0x192F0]  }
0x272: {  	s28 =	sadd.s32 $0x3, s14;
	v8 =	vmul.f32 v9, v12;
	v16 =	vmul.f32 v9, v14;
	v17 =	vld [tilespmem:s10+$0x19370]  }
0x273: {  	v9 =	vmul.f32 v11, v14;
	v19 =	vmul.f32 v11, v12;
	v12 =	vld [tilespmem:s10+$0x5300];
	v14 =	vmov s28  }
0x274: {  	v18 =	vld [tilespmem:s10+$0x5380]  }
0x275: {  	v9 =	vsub.f32 v8, v9;
	v8 =	vadd.f32 v19, v16;
	v16 =	vld [tilespmem:s10+$0x19300];
	v11, _, _ =	vpop (xrf2)  }
0x276: {  	v19 =	vmul.f32 v10, v13;
	v20 =	vld [tilespmem:s10+$0x19380];
	v11 =	vbroadcast v11, $0xF  }
0x277: {  	v21 =	vmul.f32 v17, v15;
	v13 =	vmul.f32 v17, v13;
	v17 =	vld [tilespmem:s10+$0x5310]  }
0x278: {  	v10 =	vmul.f32 v10, v15;
	v15 =	vld [tilespmem:s10+$0x5390];
	[tilespmem:v14+s9+$0x0] =	vst.idx.msk $0x1, v11  }
0x279: {  	v11 =	vsub.f32 v19, v21;
	v14 =	vld [tilespmem:s10+$0x19310]  }
0x27a: {  	v10 =	vadd.f32 v13, v10;
	v13 =	vmul.f32 v16, v12;
	v16 =	vmul.f32 v16, v18;
	v19 =	vld [tilespmem:s10+$0x19390]  }
0x27b: {  	v18 =	vmul.f32 v20, v18;
	v12 =	vmul.f32 v20, v12;
	v20 =	vld [tilespmem:s10+$0x53E0]  }
0x27c: {  	v21 =	vld [tilespmem:s10+$0x5460]  }
0x27d: {  	v13 =	vsub.f32 v13, v18;
	v12 =	vadd.f32 v12, v16;
	v16 =	vld [tilespmem:s10+$0x193E0]  }
0x27e: {  	v18 =	vmul.f32 v14, v17;
	v14 =	vmul.f32 v14, v15;
	v22 =	vld [tilespmem:s10+$0x19460]  }
0x27f: {  	v15 =	vmul.f32 v19, v15;
	v17 =	vmul.f32 v19, v17;
	v19 =	vld [tilespmem:s10+$0x53F0]  }
0x280: {  	v23 =	vld [tilespmem:s10+$0x5470]  }
0x281: {  	v15 =	vsub.f32 v18, v15;
	v14 =	vadd.f32 v17, v14;
	v18 =	vld [tilespmem:s10+$0x193F0]  }
0x282: {  	v17 =	vmul.f32 v16, v20;
	v16 =	vmul.f32 v16, v21;
	v24 =	vld [tilespmem:s10+$0x19470]  }
0x283: {  	v21 =	vmul.f32 v22, v21;
	v20 =	vmul.f32 v22, v20;
	v22 =	vld [tilespmem:s10+$0x5400]  }
0x284: {  	v25 =	vld [tilespmem:s10+$0x5480]  }
0x285: {  	v17 =	vsub.f32 v17, v21;
	v16 =	vadd.f32 v20, v16;
	v20 =	vld [tilespmem:s10+$0x19400]  }
0x286: {  	v21 =	vmul.f32 v18, v19;
	v18 =	vmul.f32 v18, v23;
	v26 =	vld [tilespmem:s10+$0x19480]  }
0x287: {  	v23 =	vmul.f32 v24, v23;
	v24 =	vmul.f32 v24, v19;
	v27 =	vld [tilespmem:s10+$0x5410]  }
0x288: {  	v28 =	vld [tilespmem:s10+$0x5490]  }
0x289: {  	v19 =	vsub.f32 v21, v23;
	v18 =	vadd.f32 v24, v18;
	v23 =	vld [tilespmem:s10+$0x19410]  }
0x28a: {  	v21 =	vmul.f32 v20, v22;
	v20 =	vmul.f32 v20, v25;
	v24 =	vld [tilespmem:s10+$0x19490]  }
0x28b: {  	v29 =	vld [tilespmem:s10+$0x5220];
	v25 =	vmul.f32 v26, v25;
	v22 =	vmul.f32 v26, v22  }
0x28c: {  	v26 =	vld [tilespmem:s10+$0x52A0]  }
0x28d: {  	v30 =	vld [tilespmem:s10+$0x19220];
	v21 =	vsub.f32 v21, v25;
	v20 =	vadd.f32 v22, v20  }
0x28e: {  	v25 =	vld [tilespmem:s10+$0x192A0];
	v22 =	vmul.f32 v23, v27;
	v31 =	vmul.f32 v23, v28  }
0x28f: {  	v32 =	vld [tilespmem:s10+$0x5230];
	v23 =	vmul.f32 v24, v28;
	v24 =	vmul.f32 v24, v27  }
0x290: {  	v27 =	vld [tilespmem:s10+$0x52B0]  }
0x291: {  	v28 =	vld [tilespmem:s10+$0x19230];
	v23 =	vsub.f32 v22, v23;
	v22 =	vadd.f32 v24, v31  }
0x292: {  	v24 =	vmul.f32 v30, v29;
	v30 =	vmul.f32 v30, v26;
	v31 =	vld [tilespmem:s10+$0x192B0]  }
0x293: {  	v26 =	vmul.f32 v25, v26;
	v29 =	vmul.f32 v25, v29;
	v33 =	vld [tilespmem:s10+$0x5240]  }
0x294: {  	v34 =	vld [tilespmem:s10+$0x52C0]  }
0x295: {  	v25 =	vsub.f32 v24, v26;
	v24 =	vadd.f32 v29, v30;
	v29 =	vld [tilespmem:s10+$0x19240]  }
0x296: {  	v26 =	vmul.f32 v28, v32;
	v28 =	vmul.f32 v28, v27;
	v30 =	vld [tilespmem:s10+$0x192C0]  }
0x297: {  	v27 =	vmul.f32 v31, v27;
	v31 =	vmul.f32 v31, v32;
	v32 =	vld [tilespmem:s10+$0x5250]  }
0x298: {  	v35 =	vld [tilespmem:s10+$0x52D0]  }
0x299: {  	v27 =	vsub.f32 v26, v27;
	v26 =	vadd.f32 v31, v28;
	v31 =	vld [tilespmem:s10+$0x19250]  }
0x29a: {  	v28 =	vmul.f32 v29, v33;
	v36 =	vmul.f32 v29, v34;
	v37 =	vld [tilespmem:s10+$0x192D0]  }
0x29b: {  	v29 =	vmul.f32 v30, v34;
	v30 =	vmul.f32 v30, v33;
	v33 =	vld [tilespmem:s10+$0x5320]  }
0x29c: {  	v34 =	vld [tilespmem:s10+$0x53A0]  }
0x29d: {  	v29 =	vsub.f32 v28, v29;
	v28 =	vadd.f32 v30, v36;
	v36 =	vld [tilespmem:s10+$0x19320]  }
0x29e: {  	v30 =	vmul.f32 v31, v32;
	v38 =	vmul.f32 v31, v35;
	v39 =	vld [tilespmem:s10+$0x193A0]  }
0x29f: {  	v31 =	vmul.f32 v37, v35;
	v32 =	vmul.f32 v37, v32;
	v35 =	vld [tilespmem:s10+$0x5330]  }
0x2a0: {  	v37 =	vld [tilespmem:s10+$0x53B0]  }
0x2a1: {  	v31 =	vsub.f32 v30, v31;
	v30 =	vadd.f32 v32, v38;
	v38 =	vld [tilespmem:s10+$0x19330]  }
0x2a2: {  	v32 =	vmul.f32 v36, v33;
	v36 =	vmul.f32 v36, v34;
	v40 =	vld [tilespmem:s10+$0x193B0]  }
0x2a3: {  	v34 =	vmul.f32 v39, v34;
	v39 =	vmul.f32 v39, v33;
	v41 =	vld [tilespmem:s10+$0x5340]  }
0x2a4: {  	v42 =	vld [tilespmem:s10+$0x53C0]  }
0x2a5: {  	v33 =	vsub.f32 v32, v34;
	v32 =	vadd.f32 v39, v36;
	v36 =	vld [tilespmem:s10+$0x19340]  }
0x2a6: {  	v34 =	vmul.f32 v38, v35;
	v38 =	vmul.f32 v38, v37;
	v39 =	vld [tilespmem:s10+$0x193C0]  }
0x2a7: {  	v37 =	vmul.f32 v40, v37;
	v40 =	vmul.f32 v40, v35;
	v43 =	vld [tilespmem:s10+$0x5350]  }
0x2a8: {  	v44 =	vld [tilespmem:s10+$0x53D0]  }
0x2a9: {  	v35 =	vsub.f32 v34, v37;
	v34 =	vadd.f32 v40, v38;
	v38 =	vld [tilespmem:s10+$0x19350]  }
0x2aa: {  	v37 =	vmul.f32 v36, v41;
	v36 =	vmul.f32 v36, v42;
	v40 =	vld [tilespmem:s10+$0x193D0]  }
0x2ab: {  	v42 =	vmul.f32 v39, v42;
	v39 =	vmul.f32 v39, v41;
	v41 =	vld [tilespmem:s10+$0x5420]  }
0x2ac: {  	v45 =	vld [tilespmem:s10+$0x54A0]  }
0x2ad: {  	v37 =	vsub.f32 v37, v42;
	v36 =	vadd.f32 v39, v36;
	v42 =	vld [tilespmem:s10+$0x19420]  }
0x2ae: {  	v39 =	vmul.f32 v38, v43;
	v38 =	vmul.f32 v38, v44;
	v46 =	vld [tilespmem:s10+$0x194A0]  }
0x2af: {  	v44 =	vmul.f32 v40, v44;
	v40 =	vmul.f32 v40, v43;
	v43 =	vld [tilespmem:s10+$0x5430]  }
0x2b0: {  	v47 =	vld [tilespmem:s10+$0x54B0]  }
0x2b1: {  	v39 =	vsub.f32 v39, v44;
	v38 =	vadd.f32 v40, v38;
	v44 =	vld [tilespmem:s10+$0x19430]  }
0x2b2: {  	v40 =	vmul.f32 v42, v41;
	v48 =	vmul.f32 v42, v45;
	v49 =	vld [tilespmem:s10+$0x194B0]  }
0x2b3: {  	v42 =	vmul.f32 v46, v45;
	v41 =	vmul.f32 v46, v41;
	v45 =	vld [tilespmem:s10+$0x5440]  }
0x2b4: {  	v46 =	vld [tilespmem:s10+$0x54C0]  }
0x2b5: {  	v42 =	vsub.f32 v40, v42;
	v40 =	vadd.f32 v41, v48;
	v48 =	vld [tilespmem:s10+$0x19440]  }
0x2b6: {  	v41 =	vmul.f32 v44, v43;
	v44 =	vmul.f32 v44, v47;
	v50 =	vld [tilespmem:s10+$0x194C0]  }
0x2b7: {  	v47 =	vmul.f32 v49, v47;
	v49 =	vmul.f32 v49, v43;
	v51 =	vld [tilespmem:s10+$0x5450]  }
0x2b8: {  	v52 =	vld [tilespmem:s10+$0x54D0]  }
0x2b9: {  	v43 =	vsub.f32 v41, v47;
	v41 =	vadd.f32 v49, v44;
	v47 =	vld [tilespmem:s10+$0x19450]  }
0x2ba: {  	v44 =	vmul.f32 v48, v45;
	v48 =	vmul.f32 v48, v46;
	v49 =	vld [tilespmem:s10+$0x194D0]  }
0x2bb: {  	v53 =	vld [tilespmem:s10+$0xF1E0];
	v46 =	vmul.f32 v50, v46;
	v50 =	vmul.f32 v50, v45  }
0x2bc: {  	v54 =	vld [tilespmem:s10+$0xF260]  }
0x2bd: {  	v55 =	vld [tilespmem:s10+$0xF1F0];
	v45 =	vsub.f32 v44, v46;
	v44 =	vadd.f32 v50, v48  }
0x2be: {  	v48 =	vld [tilespmem:s10+$0xF270];
	v46 =	vmul.f32 v47, v51;
	v47 =	vmul.f32 v47, v52  }
0x2bf: {  	v50 =	vld [tilespmem:s10+$0xF200];
	v52 =	vmul.f32 v49, v52;
	v49 =	vmul.f32 v49, v51  }
0x2c0: {  	v0 =	vmul.f32 v0, v53;
	v51 =	vld [tilespmem:s10+$0xF280]  }
0x2c1: {  	v53 =	vmul.f32 v3, v54;
	v54 =	vld [tilespmem:s10+$0xF210];
	v3 =	vsub.f32 v46, v52;
	v46 =	vadd.f32 v49, v47  }
0x2c2: {  	v1 =	vmul.f32 v1, v55;
	v47 =	vld [tilespmem:s10+$0xF290]  }
0x2c3: {  	v0 =	vsub.f32 v0, v53;
	v2 =	vmul.f32 v2, v48;
	v48 =	vld [tilespmem:s10+$0xF2E0]  }
0x2c4: {  	v5 =	vmul.f32 v5, v50;
	v49 =	vld [tilespmem:s10+$0xF360]  }
0x2c5: {  	v0 =	vadd.f32 $0.0e+00, v0;
	v1 =	vsub.f32 v1, v2;
	v2 =	vmul.f32 v4, v51;
	v4 =	vld [tilespmem:s10+$0xF2F0]  }
0x2c6: {  	v7 =	vmul.f32 v7, v54;
	v50 =	vld [tilespmem:s10+$0xF370]  }
0x2c7: {  	v1 =	vadd.f32 $0.0e+00, v1;
	v2 =	vsub.f32 v5, v2;
	v5 =	vmul.f32 v6, v47;
	v6 =	vld [tilespmem:s10+$0xF300]  }
0x2c8: {  	v9 =	vmul.f32 v9, v48;
	v47 =	vld [tilespmem:s10+$0xF380]  }
0x2c9: {  	v2 =	vadd.f32 $0.0e+00, v2;
	v5 =	vsub.f32 v7, v5;
	v7 =	vmul.f32 v8, v49;
	v8 =	vld [tilespmem:s10+$0xF310]  }
0x2ca: {  	v4 =	vmul.f32 v11, v4;
	v11 =	vld [tilespmem:s10+$0xF390]  }
0x2cb: {  	v5 =	vadd.f32 $0.0e+00, v5;
	v7 =	vsub.f32 v9, v7;
	v9 =	vmul.f32 v10, v50;
	v10 =	vld [tilespmem:s10+$0xF3E0]  }
0x2cc: {  	v6 =	vmul.f32 v13, v6;
	v13 =	vld [tilespmem:s10+$0xF460]  }
0x2cd: {  	v7 =	vadd.f32 $0.0e+00, v7;
	v4 =	vsub.f32 v4, v9;
	v9 =	vmul.f32 v12, v47;
	v12 =	vld [tilespmem:s10+$0xF3F0]  }
0x2ce: {  	v8 =	vmul.f32 v15, v8;
	v15 =	vld [tilespmem:s10+$0xF470]  }
0x2cf: {  	v4 =	vadd.f32 $0.0e+00, v4;
	v6 =	vsub.f32 v6, v9;
	v9 =	vmul.f32 v14, v11;
	v11 =	vld [tilespmem:s10+$0xF400]  }
0x2d0: {  	v10 =	vmul.f32 v17, v10;
	v14 =	vld [tilespmem:s10+$0xF480]  }
0x2d1: {  	v6 =	vadd.f32 $0.0e+00, v6;
	v8 =	vsub.f32 v8, v9;
	v9 =	vmul.f32 v16, v13;
	v13 =	vld [tilespmem:s10+$0xF410]  }
0x2d2: {  	v12 =	vmul.f32 v19, v12;
	v16 =	vld [tilespmem:s10+$0xF490]  }
0x2d3: {  	v17 =	vld [tilespmem:s10+$0xF220];
	v8 =	vadd.f32 $0.0e+00, v8;
	v9 =	vsub.f32 v10, v9;
	v10 =	vmul.f32 v18, v15  }
0x2d4: {  	v15 =	vld [tilespmem:s10+$0xF2A0];
	v11 =	vmul.f32 v21, v11  }
0x2d5: {  	v18 =	vld [tilespmem:s10+$0xF230];
	v9 =	vadd.f32 $0.0e+00, v9;
	v10 =	vsub.f32 v12, v10;
	v12 =	vmul.f32 v20, v14  }
0x2d6: {  	v14 =	vld [tilespmem:s10+$0xF2B0];
	v13 =	vmul.f32 v23, v13  }
0x2d7: {  	v19 =	vld [tilespmem:s10+$0xF240];
	v10 =	vadd.f32 $0.0e+00, v10;
	v11 =	vsub.f32 v11, v12;
	v12 =	vmul.f32 v22, v16  }
0x2d8: {  	v16 =	vmul.f32 v25, v17;
	v17 =	vld [tilespmem:s10+$0xF2C0]  }
0x2d9: {  	v15 =	vmul.f32 v24, v15;
	v20 =	vld [tilespmem:s10+$0xF250];
	v11 =	vadd.f32 $0.0e+00, v11;
	v12 =	vsub.f32 v13, v12  }
0x2da: {  	v13 =	vmul.f32 v27, v18;
	v18 =	vld [tilespmem:s10+$0xF2D0]  }
0x2db: {  	v15 =	vsub.f32 v16, v15;
	v14 =	vmul.f32 v26, v14;
	v16 =	vld [tilespmem:s10+$0xF320];
	v12 =	vadd.f32 $0.0e+00, v12  }
0x2dc: {  	v19 =	vmul.f32 v29, v19;
	v21 =	vld [tilespmem:s10+$0xF3A0]  }
0x2dd: {  	v0 =	vadd.f32 v15, v0;
	v13 =	vsub.f32 v13, v14;
	v14 =	vmul.f32 v28, v17;
	v15 =	vld [tilespmem:s10+$0xF330]  }
0x2de: {  	v17 =	vmul.f32 v31, v20;
	v20 =	vld [tilespmem:s10+$0xF3B0]  }
0x2df: {  	v1 =	vadd.f32 v13, v1;
	v13 =	vsub.f32 v19, v14;
	v14 =	vmul.f32 v30, v18;
	v18 =	vld [tilespmem:s10+$0xF340]  }
0x2e0: {  	v16 =	vmul.f32 v33, v16;
	v19 =	vld [tilespmem:s10+$0xF3C0]  }
0x2e1: {  	v2 =	vadd.f32 v13, v2;
	v13 =	vsub.f32 v17, v14;
	v14 =	vmul.f32 v32, v21;
	v17 =	vld [tilespmem:s10+$0xF350]  }
0x2e2: {  	v0 =	vadd.f32 v1, v0;
	v1 =	vmul.f32 v35, v15;
	v15 =	vld [tilespmem:s10+$0xF3D0]  }
0x2e3: {  	v5 =	vadd.f32 v13, v5;
	v13 =	vsub.f32 v16, v14;
	v14 =	vmul.f32 v34, v20;
	v16 =	vld [tilespmem:s10+$0xF420]  }
0x2e4: {  	v18 =	vmul.f32 v37, v18;
	v20 =	vld [tilespmem:s10+$0xF4A0]  }
0x2e5: {  	v7 =	vadd.f32 v13, v7;
	v1 =	vsub.f32 v1, v14;
	v13 =	vmul.f32 v36, v19;
	v14 =	vld [tilespmem:s10+$0xF430]  }
0x2e6: {  	v2 =	vadd.f32 v5, v2;
	v5 =	vmul.f32 v39, v17;
	v17 =	vld [tilespmem:s10+$0xF4B0]  }
0x2e7: {  	v1 =	vadd.f32 v1, v4;
	v4 =	vsub.f32 v18, v13;
	v13 =	vmul.f32 v38, v15;
	v15 =	vld [tilespmem:s10+$0xF440]  }
0x2e8: {  	v0 =	vadd.f32 v2, v0;
	v2 =	vmul.f32 v42, v16;
	v16 =	vld [tilespmem:s10+$0xF4C0]  }
0x2e9: {  	s26 =	sadd.s32 $0x1000, s26;
	v6 =	vadd.f32 v4, v6;
	v4 =	vsub.f32 v5, v13;
	v5 =	vmul.f32 v40, v20;
	v13 =	vld [tilespmem:s10+$0xF450]  }
0x2ea: {  	v7 =	vadd.f32 v1, v7;
	v14 =	vmul.f32 v43, v14;
	v18 =	vld [tilespmem:s10+$0xF4D0];
	s10 =	sshra.s32 s26, $0x2;
	(xrf2) =	vadd.scan.msk.f32 $0xffff, v0  }
0x2eb: {  	v0 =	vld [tilespmem:s10+$0xF520];
	v8 =	vadd.f32 v4, v8;
	v4 =	vsub.f32 v2, v5;
	v5 =	vmul.f32 v41, v17  }
0x2ec: {  	v2 =	vld [tilespmem:s10+$0xF5A0];
	v15 =	vmul.f32 v45, v15  }
0x2ed: {  	v1 =	vld [tilespmem:s10+$0xF530];
	v9 =	vadd.f32 v4, v9;
	v5 =	vsub.f32 v14, v5;
	v14 =	vmul.f32 v44, v16  }
0x2ee: {  	v16 =	vmov s14;
	v6 =	vadd.f32 v8, v6;
	v4 =	vld [tilespmem:s10+$0xF5B0];
	v8 =	vmul.f32 v3, v13  }
0x2ef: {  	v3 =	vld [tilespmem:s10+$0xF540];
	v5 =	vadd.f32 v5, v10;
	v10 =	vsub.f32 v15, v14;
	v13 =	vmul.f32 v46, v18  }
0x2f0: {  	v15 =	vand.u32 $0xFFFFFFFC, v16;
	v6 =	vadd.f32 v6, v7;
	v14 =	vld [tilespmem:s10+$0x5520]  }
0x2f1: {  	v15 =	vbroadcast v15, $0x0;
	v7 =	vld [tilespmem:s10+$0x55A0];
	v10 =	vadd.f32 v10, v11;
	v8 =	vsub.f32 v8, v13  }
0x2f2: {  	v5 =	vadd.f32 v5, v9;
	v11 =	vld [tilespmem:s10+$0x19520];
	(xrf2) =	vadd.scan.msk.f32 $0xffff, v6  }
0x2f3: {  	v6 =	vld [tilespmem:s10+$0x195A0];
	v8 =	vadd.f32 v8, v12  }
0x2f4: {  	v9 =	vld [tilespmem:s10+$0x5530];
	v12, _, _ =	vpop (xrf2)  }
0x2f5: {  	v13 =	vld [tilespmem:s10+$0x55B0];
	v12 =	vbroadcast v12, $0xF;
	v8 =	vadd.f32 v8, v10  }
0x2f6: {  	s28 =	sadd.s32 $0x1, s14;
	v10 =	vld [tilespmem:s10+$0x19530]  }
0x2f7: {  	v16 =	vld [tilespmem:s10+$0x195B0];
	[tilespmem:v15+s9+$0x0] =	vst.idx.msk $0x1, v12;
	v12 =	vmov s28;
	v5 =	vadd.f32 v8, v5  }
0x2f8: {  	v8 =	vld [tilespmem:s10+$0x5540];
	v12 =	vand.u32 $0xFFFFFFFD, v12  }
0x2f9: {  	v15 =	vld [tilespmem:s10+$0x55C0];
	v12 =	vbroadcast v12, $0x0;
	(xrf2) =	vadd.scan.msk.f32 $0xffff, v5  }
0x2fa: {  	v5 =	vld [tilespmem:s10+$0x19540]  }
0x2fb: {  	v17 =	vld [tilespmem:s10+$0x195C0]  }
0x2fc: {  	v18 =	vld [tilespmem:s10+$0x5550];
	v19, _, _ =	vpop (xrf2)  }
0x2fd: {  	s28 =	sadd.s32 $0x2, s14;
	s14 =	smov.u32 s25;
	v20 =	vld [tilespmem:s10+$0x55D0];
	v19 =	vbroadcast v19, $0xF  }
0x2fe: {  	v22 =	vmov s28;
	v21 =	vld [tilespmem:s10+$0x19550]  }
0x2ff: {  	v23 =	vld [tilespmem:s10+$0x195D0];
	[tilespmem:v12+s9+$0x0] =	vst.idx.msk $0x1, v19;
	v12 =	vand.u32 $0xFFFFFFFE, v22  }
0x300: {  	v19 =	vld [tilespmem:s10+$0x54E0];
	v12 =	vbroadcast v12, $0x0  }
0x301: {  	v22 =	vld [tilespmem:s10+$0x5560]  }
0x302: {  	v24 =	vld [tilespmem:s10+$0x194E0]  }
0x303: {  	v25 =	vld [tilespmem:s10+$0x19560];
	v26, _, _ =	vpop (xrf2)  }
0x304: {  	v29 =	vld [tilespmem:s10+$0x54F0];
	v26 =	vbroadcast v26, $0xF  }
0x305: {  	v32 =	vmul.f32 v11, v14;
	v34 =	vmul.f32 v6, v7;
	v30 =	vld [tilespmem:s10+$0x5570]  }
0x306: {  	v11 =	vmul.f32 v11, v7;
	v14 =	vmul.f32 v6, v14;
	v31 =	vld [tilespmem:s10+$0x194F0];
	[tilespmem:v12+s9+$0x0] =	vst.idx.msk $0x1, v26  }
0x307: {  	v35 =	vmul.f32 v16, v13;
	v26 =	vmul.f32 v10, v9;
	v6 =	vld [tilespmem:s10+$0x19570]  }
0x308: {  	v36 =	vmul.f32 v10, v13;
	v16 =	vmul.f32 v16, v9;
	v7 =	vld [tilespmem:s10+$0x5500]  }
0x309: {  	v39 =	vmul.f32 v5, v8;
	v43 =	vmul.f32 v17, v15;
	v38 =	vld [tilespmem:s10+$0x5580]  }
0x30a: {  	v45 =	vmul.f32 v5, v15;
	v8 =	vmul.f32 v17, v8;
	v41 =	vld [tilespmem:s10+$0x19500]  }
0x30b: {  	v46 =	vmul.f32 v21, v18;
	v47 =	vmul.f32 v23, v20;
	v5 =	vld [tilespmem:s10+$0x19580]  }
0x30c: {  	v13 =	vmul.f32 v21, v20;
	v9 =	vmul.f32 v23, v18;
	v44 =	vld [tilespmem:s10+$0x5510]  }
0x30d: {  	v12 =	vmul.f32 v24, v19;
	v50 =	vmul.f32 v25, v22;
	v27 =	vld [tilespmem:s10+$0x5590]  }
0x30e: {  	v40 =	vmul.f32 v24, v22;
	v28 =	vmul.f32 v25, v19;
	v53 =	vld [tilespmem:s10+$0x19510]  }
0x30f: {  	v17 =	vmul.f32 v31, v29;
	v37 =	vmul.f32 v6, v30;
	v20 =	vld [tilespmem:s10+$0x19590]  }
0x310: {  	v22 =	vmul.f32 v31, v30;
	v15 =	vmul.f32 v6, v29;
	v31 =	vld [tilespmem:s10+$0xF5C0]  }
.Ltmp1:
0x311: {  	v10 =	vmul.f32 v41, v7;
	v19 =	vmul.f32 v5, v38;
	v33 =	vld [tilespmem:s10+$0xF550];
	(pc) =	sbr.rel @p0 .LBB2_5-.Ltmp1, $4  }
0x312: {  	v59 =	vsub.f32 v32, v34;
	v6 =	vmul.f32 v41, v38;
	v5 =	vmul.f32 v5, v7;
	v48 =	vld [tilespmem:s10+$0xF5D0]  }
0x313: {  	v21 =	vadd.f32 v14, v11;
	v62 =	vsub.f32 v26, v35;
	v41 =	vld [tilespmem:s10+$0xF4E0];
	v7 =	vmul.f32 v53, v44  }
0x314: {  	v18 =	vsub.f32 v39, v43;
	v26 =	vadd.f32 v16, v36;
	v51 =	vld [tilespmem:s10+$0xF560];
	v42 =	vmul.f32 v20, v27  }
0x315: {  	s25 =	sadd.s32 $0x4, s25;
	v29 =	vadd.f32 v8, v45;
	v44 =	vmul.f32 v20, v44;
	v20 =	vsub.f32 v46, v47;
	v58 =	vld [tilespmem:s10+$0xF4F0]  }
0x316: {  	v8 =	vld [tilespmem:s10+$0xF570];
	_ =	sdelay $0x4  }
0x317: {  	[tilespmem:$0x1FAE0] =	vst v8  }
0x318: {  	v8 =	vld [tilespmem:s10+$0xF500];
	_ =	sdelay $0x4  }
0x319: {  	[tilespmem:$0x1FAF0] =	vst v8  }
0x31a: {  	v8 =	vld [tilespmem:s10+$0xF580];
	_ =	sdelay $0x4  }
0x31b: {  	[tilespmem:$0x1FB00] =	vst v8  }
0x31c: {  	v8 =	vld [tilespmem:s10+$0xF510];
	_ =	sdelay $0x4  }
0x31d: {  	[tilespmem:$0x1FB10] =	vst v8  }
0x31e: {  	v8 =	vld [tilespmem:s10+$0xF590];
	_ =	sdelay $0x4  }
0x31f: {  	[tilespmem:$0x1FB20] =	vst v8  }
0x320: {  	v11 =	vld [tilespmem:s10+$0x51E0]  }
0x321: {  	v16 =	vld [tilespmem:s10+$0x5260]  }
0x322: {  	v14 =	vld [tilespmem:s10+$0x191E0]  }
0x323: {  	v8 =	vld [tilespmem:s10+$0x19260]  }
0x324: {  	v32 =	vld [tilespmem:s10+$0x51F0]  }
0x325: {  	v24 =	vld [tilespmem:s10+$0x5270]  }
0x326: {  	v23 =	vld [tilespmem:s10+$0x191F0]  }
0x327: {  	v25 =	vld [tilespmem:s10+$0x19270]  }
0x328: {  	v38 =	vld [tilespmem:s10+$0x5200]  }
0x329: {  	v35 =	vld [tilespmem:s10+$0x5280]  }
0x32a: {  	v30 =	vld [tilespmem:s10+$0x19200]  }
0x32b: {  	v34 =	vld [tilespmem:s10+$0x19280]  }
0x32c: {  	v46 =	vld [tilespmem:s10+$0x5210]  }
0x32d: {  	v43 =	vld [tilespmem:s10+$0x5290]  }
0x32e: {  	v36 =	vld [tilespmem:s10+$0x19210]  }
0x32f: {  	v39 =	vld [tilespmem:s10+$0x19290]  }
0x330: {  	v63 =	vld [tilespmem:s10+$0x52E0]  }
0x331: {  	v49 =	vld [tilespmem:s10+$0x5360]  }
0x332: {  	v45 =	vld [tilespmem:s10+$0x192E0]  }
0x333: {  	v55 =	vld [tilespmem:s10+$0x5300]  }
0x334: {  	v47 =	vld [tilespmem:s10+$0x19360]  }
0x335: {  	v54 =	vld [tilespmem:s10+$0x52F0]  }
0x336: {  	v57 =	vld [tilespmem:s10+$0x5370]  }
0x337: {  	v60 =	vld [tilespmem:s10+$0x192F0]  }
0x338: {  	v52 =	vld [tilespmem:s10+$0x19370];
	[tilespmem:$0x1FB30] =	vst v55  }
0x339: {  	v55 =	vld [tilespmem:s10+$0x5380];
	_ =	sdelay $0x4  }
0x33a: {  	[tilespmem:$0x1FB40] =	vst v55  }
0x33b: {  	v55 =	vld [tilespmem:s10+$0x5310];
	_ =	sdelay $0x3  }
0x33c: {  	v61 =	vld [tilespmem:s10+$0x19300]  }
0x33d: {  	v56 =	vld [tilespmem:s10+$0x19380];
	[tilespmem:$0x1FB50] =	vst v55  }
0x33e: {  	v55 =	vld [tilespmem:s10+$0x5390];
	_ =	sdelay $0x4  }
0x33f: {  	[tilespmem:$0x1FB70] =	vst v55  }
0x340: {  	v55 =	vld [tilespmem:s10+$0x19310];
	_ =	sdelay $0x4  }
0x341: {  	[tilespmem:$0x1FB60] =	vst v55  }
0x342: {  	v55 =	vld [tilespmem:s10+$0x19390];
	_ =	sdelay $0x4  }
0x343: {  	[tilespmem:$0x1FB80] =	vst v55  }
0x344: {  	v55 =	vld [tilespmem:s10+$0x53E0];
	_ =	sdelay $0x4  }
0x345: {  	[tilespmem:$0x1FB90] =	vst v55  }
0x346: {  	v55 =	vld [tilespmem:s10+$0x5460];
	_ =	sdelay $0x4  }
0x347: {  	[tilespmem:$0x1FBB0] =	vst v55  }
0x348: {  	v55 =	vld [tilespmem:s10+$0x193E0];
	_ =	sdelay $0x4  }
0x349: {  	[tilespmem:$0x1FBA0] =	vst v55  }
0x34a: {  	v55 =	vld [tilespmem:s10+$0x19460];
	_ =	sdelay $0x4  }
0x34b: {  	[tilespmem:$0x1FBC0] =	vst v55  }
0x34c: {  	v55 =	vld [tilespmem:s10+$0x53F0];
	_ =	sdelay $0x4  }
0x34d: {  	[tilespmem:$0x1FBD0] =	vst v55  }
0x34e: {  	v55 =	vld [tilespmem:s10+$0x5470];
	_ =	sdelay $0x4  }
0x34f: {  	[tilespmem:$0x1FBF0] =	vst v55  }
0x350: {  	v55 =	vld [tilespmem:s10+$0x193F0];
	_ =	sdelay $0x4  }
0x351: {  	[tilespmem:$0x1FBE0] =	vst v55  }
0x352: {  	v55 =	vld [tilespmem:s10+$0x19470];
	_ =	sdelay $0x4  }
0x353: {  	[tilespmem:$0x1FC00] =	vst v55  }
0x354: {  	v55 =	vld [tilespmem:s10+$0x5400];
	_ =	sdelay $0x4  }
0x355: {  	[tilespmem:$0x1FC10] =	vst v55  }
0x356: {  	v55 =	vld [tilespmem:s10+$0x5480];
	_ =	sdelay $0x4  }
0x357: {  	[tilespmem:$0x1FC30] =	vst v55  }
0x358: {  	v55 =	vld [tilespmem:s10+$0x19400];
	_ =	sdelay $0x4  }
0x359: {  	[tilespmem:$0x1FC20] =	vst v55  }
0x35a: {  	v55 =	vld [tilespmem:s10+$0x19480];
	_ =	sdelay $0x4  }
0x35b: {  	[tilespmem:$0x1FC40] =	vst v55  }
0x35c: {  	v55 =	vld [tilespmem:s10+$0x5410];
	_ =	sdelay $0x4  }
0x35d: {  	[tilespmem:$0x1FC50] =	vst v55  }
0x35e: {  	v55 =	vld [tilespmem:s10+$0x5490];
	_ =	sdelay $0x4  }
0x35f: {  	[tilespmem:$0x1FC70] =	vst v55  }
0x360: {  	v55 =	vld [tilespmem:s10+$0x19410];
	_ =	sdelay $0x4  }
0x361: {  	[tilespmem:$0x1FC60] =	vst v55  }
0x362: {  	v55 =	vld [tilespmem:s10+$0x19490];
	_ =	sdelay $0x4  }
0x363: {  	[tilespmem:$0x1FC80] =	vst v55  }
0x364: {  	v55 =	vld [tilespmem:s10+$0x5220];
	_ =	sdelay $0x4  }
0x365: {  	[tilespmem:$0x1FC90] =	vst v55  }
0x366: {  	v55 =	vld [tilespmem:s10+$0x52A0];
	_ =	sdelay $0x4  }
0x367: {  	[tilespmem:$0x1FCB0] =	vst v55  }
0x368: {  	v55 =	vld [tilespmem:s10+$0x19220];
	_ =	sdelay $0x4  }
0x369: {  	[tilespmem:$0x1FCA0] =	vst v55  }
0x36a: {  	v55 =	vld [tilespmem:s10+$0x192A0];
	_ =	sdelay $0x2  }
0x36b: {  	v50 =	vsub.f32 v12, v50;
	_ =	sdelay $0x1  }
0x36c: {  	v4 =	vmul.f32 v26, v4;
	v26 =	vmul.f32 v50, v41;
	v50 =	vld [tilespmem:$0x1FAE0];
	[tilespmem:$0x1FCC0] =	vst v55  }
0x36d: {  	v0 =	vmul.f32 v59, v0;
	v59 =	vadd.f32 v28, v40;
	v55 =	vld [tilespmem:s10+$0x5230]  }
0x36e: {  	v2 =	vmul.f32 v21, v2;
	v1 =	vmul.f32 v62, v1;
	v62 =	vsub.f32 v17, v37  }
0x36f: {  	v9 =	vadd.f32 v9, v13;
	v3 =	vmul.f32 v18, v3;
	v13 =	vmul.f32 v59, v51;
	v51 =	vld [tilespmem:$0x1FAF0]  }
0x370: {  	v15 =	vadd.f32 v15, v22;
	v20 =	vmul.f32 v20, v33;
	v33 =	vmul.f32 v62, v58;
	v58 =	vld [tilespmem:$0x1FB00]  }
0x371: {  	v10 =	vsub.f32 v10, v19;
	v5 =	vadd.f32 v5, v6;
	v18 =	vmul.f32 v29, v31  }
0x372: {  	v0 =	vsub.f32 v0, v2;
	v1 =	vsub.f32 v1, v4;
	v15 =	vmul.f32 v15, v50;
	[tilespmem:$0x1FCD0] =	vst v55  }
0x373: {  	v3 =	vsub.f32 v3, v18;
	v59 =	vsub.f32 v26, v13;
	v55 =	vld [tilespmem:s10+$0x52B0]  }
0x374: {  	v6 =	vsub.f32 v33, v15;
	v62 =	vld [tilespmem:$0x1FB10];
	v18 =	vmul.f32 v8, v11;
	v19 =	vmul.f32 v14, v16  }
0x375: {  	v2 =	vadd.f32 $0.0e+00, v59;
	v10 =	vmul.f32 v10, v51;
	v5 =	vmul.f32 v5, v58;
	v13 =	vld [tilespmem:$0x1FB20]  }
0x376: {  	v15 =	vadd.f32 $0.0e+00, v6;
	v26 =	vadd.f32 v18, v19;
	v18 =	vld [tilespmem:$0x1FBE0]  }
0x377: {  	v5 =	vsub.f32 v10, v5;
	v10 =	vld [tilespmem:$0x1FC30]  }
0x378: {  	v0 =	vadd.f32 v0, v2;
	v2 =	vadd.f32 v1, v15;
	v1 =	vld [tilespmem:$0x1FC90];
	[tilespmem:$0x1FCE0] =	vst v55  }
0x379: {  	v53 =	vmul.f32 v53, v27;
	v27 =	vld [tilespmem:s10+$0x19230]  }
0x37a: {  	v28 =	vld [tilespmem:s10+$0x192B0]  }
0x37b: {  	v29 =	vld [tilespmem:s10+$0x5240]  }
0x37c: {  	v31 =	vld [tilespmem:s10+$0x52C0]  }
0x37d: {  	v40 =	vld [tilespmem:s10+$0x19240]  }
0x37e: {  	v41 =	vld [tilespmem:s10+$0x192C0]  }
0x37f: {  	v7 =	vsub.f32 v7, v42;
	v55 =	vadd.f32 v44, v53;
	v37 =	vld [tilespmem:s10+$0x5250]  }
0x380: {  	v42 =	vld [tilespmem:s10+$0x52D0]  }
0x381: {  	v7 =	vmul.f32 v7, v62;
	v50 =	vld [tilespmem:s10+$0x19250];
	v4 =	vmul.f32 v55, v13  }
0x382: {  	v9 =	vmul.f32 v9, v48;
	v51 =	vld [tilespmem:s10+$0x192D0]  }
0x383: {  	v17 =	vmul.f32 v14, v11;
	v8 =	vmul.f32 v8, v16;
	v44 =	vld [tilespmem:s10+$0x5320];
	v4 =	vsub.f32 v7, v4  }
0x384: {  	v9 =	vsub.f32 v20, v9;
	v5 =	vadd.f32 $0.0e+00, v5;
	v48 =	vld [tilespmem:s10+$0x53A0]  }
0x385: {  	v21 =	vmul.f32 v23, v32;
	v20 =	vsub.f32 v17, v8;
	v58 =	vld [tilespmem:s10+$0x19320];
	v4 =	vadd.f32 $0.0e+00, v4  }
0x386: {  	v8 =	vmul.f32 v23, v24;
	v24 =	vmul.f32 v25, v24;
	v59 =	vld [tilespmem:s10+$0x193A0]  }
0x387: {  	v3 =	vadd.f32 v3, v5;
	v33 =	vmul.f32 v25, v32;
	v53 =	vld [tilespmem:s10+$0x5330];
	[tilespmem:$0x1FCF0] =	vst v20;
	v4 =	vadd.f32 v9, v4  }
0x388: {  	v22 =	vadd.f32 v2, v0;
	v23 =	vmul.f32 v34, v35;
	v0 =	vsub.f32 v21, v24;
	v62 =	vld [tilespmem:s10+$0x53B0]  }
0x389: {  	v25 =	vadd.f32 v33, v8;
	v33 =	vmul.f32 v39, v43;
	v55 =	vld [tilespmem:s10+$0x19330];
	[tilespmem:$0x1FD00] =	vst v26;
	v4 =	vadd.f32 v4, v3  }
0x38a: {  	v20 =	vmul.f32 v30, v38;
	v26 =	vmul.f32 v36, v46;
	v12 =	vld [tilespmem:s10+$0x193B0];
	[tilespmem:$0x1FD10] =	vst v0  }
0x38b: {  	v17 =	vld [tilespmem:s10+$0x5340];
	v22 =	vadd.f32 v4, v22  }
0x38c: {  	v32 =	vsub.f32 v20, v23;
	v20 =	vsub.f32 v26, v33;
	v33 =	vld [tilespmem:$0x1FB30]  }
0x38d: {  	v4 =	vmul.f32 v45, v63;
	[tilespmem:$0x1FD80] =	vst v22;
	v22 =	vmul.f32 v47, v63;
	v63 =	vld [tilespmem:$0x1FB80]  }
0x38e: {  	v21 =	vmul.f32 v30, v35;
	v24 =	vmul.f32 v34, v38;
	v38 =	vld [tilespmem:s10+$0x53C0];
	[tilespmem:$0x1FD20] =	vst v25  }
0x38f: {  	v34 =	vmul.f32 v39, v46;
	v30 =	vmul.f32 v36, v43;
	v35 =	vld [tilespmem:s10+$0x19340]  }
0x390: {  	v46 =	vadd.f32 v24, v21;
	v24 =	vmul.f32 v60, v54;
	[tilespmem:$0x1FD30] =	vst v32;
	v32 =	vmul.f32 v60, v57;
	v60 =	vld [tilespmem:$0x1FB40]  }
0x391: {  	v23 =	vadd.f32 v34, v30;
	v30 =	vmul.f32 v52, v57;
	v57 =	vld [tilespmem:$0x1FB70]  }
0x392: {  	v25 =	vmul.f32 v52, v54;
	v36 =	vld [tilespmem:s10+$0x193C0];
	[tilespmem:$0x1FD40] =	vst v46  }
0x393: {  	v21 =	vmul.f32 v47, v49;
	v39 =	vld [tilespmem:s10+$0x5350]  }
0x394: {  	[tilespmem:$0x1FD50] =	vst v20;
	v19 =	vadd.f32 v25, v32;
	v25 =	vld [tilespmem:$0x1FB50]  }
0x395: {  	v26 =	vsub.f32 v4, v21;
	v43 =	vld [tilespmem:s10+$0x53D0];
	[tilespmem:$0x1FD60] =	vst v23  }
0x396: {  	v5 =	vmul.f32 v45, v49;
	v34 =	vmul.f32 v61, v33;
	v45 =	vld [tilespmem:s10+$0x19350]  }
0x397: {  	v15 =	vsub.f32 v24, v30;
	v24 =	vmul.f32 v56, v33;
	[tilespmem:$0x1FD70] =	vst v26;
	v26 =	vld [tilespmem:$0x1FB60];
	v61 =	vmul.f32 v61, v60  }
0x398: {  	v0 =	vld [tilespmem:$0x1FC50]  }
0x399: {  	v33 =	vadd.f32 v24, v61;
	v24 =	vld [tilespmem:$0x1FB90]  }
0x39a: {  	v61 =	vld [tilespmem:$0x1FBB0]  }
0x39b: {  	v13 =	vadd.f32 v22, v5;
	v4 =	vmul.f32 v63, v57;
	v5 =	vmul.f32 v63, v25;
	v63 =	vld [tilespmem:$0x1FBC0]  }
0x39c: {  	v30 =	vmul.f32 v26, v25;
	v25 =	vld [tilespmem:$0x1FBA0]  }
0x39d: {  	v7 =	vld [tilespmem:$0x1FC60]  }
0x39e: {  	v9 =	vld [tilespmem:$0x1FC20];
	v23 =	vmul.f32 v56, v60;
	v60 =	vmul.f32 v26, v57  }
0x39f: {  	v21 =	vld [tilespmem:$0x1FBF0]  }
0x3a0: {  	v22 =	vsub.f32 v34, v23;
	v23 =	vadd.f32 v5, v60;
	v5 =	vld [tilespmem:$0x1FBD0]  }
0x3a1: {  	v32 =	vsub.f32 v30, v4;
	v30 =	vld [tilespmem:$0x1FC00];
	v4 =	vmul.f32 v63, v61;
	v26 =	vmul.f32 v25, v24  }
0x3a2: {  	v46 =	vld [tilespmem:s10+$0x193D0]  }
0x3a3: {  	v16 =	vmul.f32 v63, v24;
	v24 =	vsub.f32 v26, v4;
	v26 =	vld [tilespmem:$0x1FC40]  }
0x3a4: {  	v47 =	vld [tilespmem:s10+$0x5420];
	v20 =	vmul.f32 v25, v61  }
0x3a5: {  	v49 =	vld [tilespmem:s10+$0x54A0];
	v14 =	vmul.f32 v18, v5;
	v18 =	vmul.f32 v18, v21  }
0x3a6: {  	v52 =	vld [tilespmem:s10+$0x19420];
	v34 =	vmul.f32 v30, v21;
	v4 =	vmul.f32 v30, v5  }
0x3a7: {  	v54 =	vld [tilespmem:s10+$0x194A0];
	v25 =	vadd.f32 v16, v20;
	v20 =	vmul.f32 v9, v10  }
0x3a8: {  	v30 =	vsub.f32 v14, v34;
	v34 =	vmul.f32 v26, v10;
	v10 =	vadd.f32 v4, v18;
	v18 =	vld [tilespmem:$0x1FC70]  }
0x3a9: {  	v4 =	vld [tilespmem:$0x1FC80]  }
0x3aa: {  	v5 =	vld [tilespmem:$0x1FC10]  }
0x3ab: {  	v56 =	vld [tilespmem:s10+$0x5430]  }
0x3ac: {  	v3 =	vld [tilespmem:s10+$0x194C0]  }
0x3ad: {  	v6 =	vld [tilespmem:s10+$0x5450]  }
0x3ae: {  	v11 =	vmul.f32 v7, v0;
	v2 =	vld [tilespmem:s10+$0x54D0];
	v8 =	vmul.f32 v4, v18  }
0x3af: {  	v14 =	vmul.f32 v26, v5;
	v26 =	vmul.f32 v7, v18;
	v7 =	vld [tilespmem:$0x1FCA0]  }
0x3b0: {  	v18 =	vsub.f32 v11, v8;
	v11 =	vld [tilespmem:$0x1FCC0]  }
0x3b1: {  	v16 =	vmul.f32 v9, v5;
	v9 =	vld [tilespmem:$0x1FCB0]  }
0x3b2: {  	v57 =	vld [tilespmem:s10+$0x54B0]  }
0x3b3: {  	v60 =	vld [tilespmem:s10+$0x19430]  }
0x3b4: {  	v63 =	vld [tilespmem:s10+$0x5440];
	v34 =	vsub.f32 v16, v34;
	v16 =	vmul.f32 v4, v0  }
0x3b5: {  	v20 =	vadd.f32 v14, v20;
	v14 =	vmul.f32 v7, v1;
	v8 =	vmul.f32 v11, v1;
	v1 =	vld [tilespmem:$0x1FCD0]  }
0x3b6: {  	v0 =	vmul.f32 v7, v9;
	v4 =	vmul.f32 v11, v9;
	v9 =	vld [tilespmem:$0x1FCE0]  }
0x3b7: {  	v61 =	vld [tilespmem:s10+$0x194B0]  }
0x3b8: {  	v21 =	vld [tilespmem:s10+$0x54C0]  }
0x3b9: {  	v5 =	vld [tilespmem:s10+$0x19440];
	v8 =	vadd.f32 v8, v0;
	v0 =	vmul.f32 v40, v29;
	v40 =	vmul.f32 v40, v31  }
0x3ba: {  	v7 =	vld [tilespmem:s10+$0xF1E0];
	v11 =	vadd.f32 v16, v26;
	v31 =	vmul.f32 v41, v31;
	v16 =	vmul.f32 v27, v1  }
0x3bb: {  	v14 =	vsub.f32 v14, v4;
	v26 =	vmul.f32 v27, v9;
	v27 =	vld [tilespmem:s10+$0x19450];
	v4 =	vmul.f32 v28, v9  }
0x3bc: {  	v41 =	vmul.f32 v41, v29;
	v28 =	vmul.f32 v28, v1;
	v1 =	vld [tilespmem:s10+$0x194D0]  }
0x3bd: {  	v29 =	vsub.f32 v0, v31;
	v0 =	vmul.f32 v51, v42;
	v9 =	vsub.f32 v16, v4;
	v4 =	vld [tilespmem:s10+$0xF260]  }
0x3be: {  	v31 =	vmul.f32 v51, v37;
	v16 =	vadd.f32 v28, v26;
	v28 =	vmul.f32 v50, v37;
	v26 =	vld [tilespmem:s10+$0xF1F0]  }
0x3bf: {  	v51 =	vadd.f32 v41, v40;
	v40 =	vmul.f32 v58, v48;
	v50 =	vmul.f32 v50, v42;
	v42 =	vld [tilespmem:s10+$0xF270]  }
0x3c0: {  	v37 =	vmul.f32 v58, v44;
	v58 =	vld [tilespmem:s10+$0xF200];
	v41 =	vsub.f32 v28, v0;
	v0 =	vmul.f32 v59, v48  }
0x3c1: {  	v48 =	vmul.f32 v59, v44;
	v59 =	vld [tilespmem:s10+$0xF280];
	v44 =	vadd.f32 v31, v50;
	v50 =	vmul.f32 v55, v53  }
0x3c2: {  	v55 =	vmul.f32 v55, v62;
	v31 =	vld [tilespmem:s10+$0xF210];
	v28 =	vsub.f32 v37, v0;
	v0 =	vmul.f32 v12, v62  }
0x3c3: {  	v37 =	vmul.f32 v12, v53;
	v53 =	vld [tilespmem:s10+$0xF290];
	v12 =	vadd.f32 v48, v40;
	v40 =	vmul.f32 v35, v17  }
0x3c4: {  	v48 =	vmul.f32 v35, v38;
	v62 =	vld [tilespmem:s10+$0xF2E0];
	v17 =	vmul.f32 v36, v17  }
0x3c5: {  	v35 =	vsub.f32 v50, v0;
	v0 =	vmul.f32 v36, v38;
	v50 =	vld [tilespmem:s10+$0xF360];
	v37 =	vadd.f32 v37, v55  }
0x3c6: {  	v55 =	vmul.f32 v45, v39;
	v45 =	vmul.f32 v45, v43;
	v38 =	vld [tilespmem:s10+$0xF2F0];
	v17 =	vadd.f32 v17, v48  }
0x3c7: {  	v48 =	vmul.f32 v52, v49;
	v36 =	vsub.f32 v40, v0;
	v0 =	vmul.f32 v46, v43;
	v43 =	vld [tilespmem:s10+$0xF370]  }
0x3c8: {  	v40 =	vmul.f32 v46, v39;
	v46 =	vmul.f32 v52, v47;
	v52 =	vld [tilespmem:s10+$0xF300]  }
0x3c9: {  	v47 =	vmul.f32 v54, v47;
	v39 =	vsub.f32 v55, v0;
	v0 =	vmul.f32 v54, v49;
	v49 =	vld [tilespmem:s10+$0xF380]  }
0x3ca: {  	v40 =	vadd.f32 v40, v45;
	v45 =	vmul.f32 v60, v56;
	v54 =	vmul.f32 v60, v57;
	v55 =	vld [tilespmem:s10+$0xF310]  }
0x3cb: {  	v47 =	vadd.f32 v47, v48;
	v48 =	vmul.f32 v5, v63;
	v5 =	vmul.f32 v5, v21;
	v60 =	vld [tilespmem:s10+$0xF3E0]  }
0x3cc: {  	v21 =	vmul.f32 v3, v21;
	v3 =	vmul.f32 v3, v63;
	v63 =	vld [tilespmem:$0x1FCF0]  }
0x3cd: {  	v13 =	vmul.f32 v13, v50;
	v50 =	vld [tilespmem:s10+$0xF220]  }
0x3ce: {  	v56 =	vmul.f32 v61, v56;
	v15 =	vmul.f32 v15, v38;
	v38 =	vld [tilespmem:s10+$0xF2A0]  }
0x3cf: {  	v0 =	vsub.f32 v46, v0;
	v46 =	vmul.f32 v61, v57;
	v57 =	vld [tilespmem:s10+$0xF390]  }
0x3d0: {  	v54 =	vadd.f32 v56, v54;
	v56 =	vmul.f32 v27, v6;
	v27 =	vmul.f32 v27, v2;
	v61 =	vld [tilespmem:s10+$0xF3F0]  }
0x3d1: {  	v2 =	vmul.f32 v1, v2;
	v1 =	vmul.f32 v1, v6;
	v6 =	vld [tilespmem:s10+$0xF470]  }
0x3d2: {  	v21 =	vsub.f32 v48, v21;
	v48 =	vld [tilespmem:$0x1FD00]  }
0x3d3: {  	v22 =	vmul.f32 v22, v52;
	v52 =	vld [tilespmem:s10+$0xF2B0]  }
0x3d4: {  	v45 =	vsub.f32 v45, v46;
	v46 =	vld [tilespmem:s10+$0xF460]  }
0x3d5: {  	v2 =	vsub.f32 v56, v2;
	v56 =	vld [tilespmem:$0x1FD10]  }
0x3d6: {  	v3 =	vadd.f32 v3, v5;
	v5 =	vmul.f32 v63, v7;
	v7 =	vld [tilespmem:s10+$0xF400]  }
0x3d7: {  	v63 =	vld [tilespmem:$0x1FD20]  }
0x3d8: {  	v49 =	vmul.f32 v33, v49;
	v33 =	vld [tilespmem:s10+$0xF230]  }
0x3d9: {  	v24 =	vmul.f32 v24, v60;
	v60 =	vld [tilespmem:s10+$0xF250]  }
0x3da: {  	v14 =	vmul.f32 v14, v50;
	v50 =	vld [tilespmem:s10+$0xF3C0]  }
0x3db: {  	v8 =	vmul.f32 v8, v38;
	v38 =	vld [tilespmem:s10+$0xF450]  }
0x3dc: {  	v4 =	vmul.f32 v48, v4;
	v48 =	vld [tilespmem:s10+$0xF480]  }
0x3dd: {  	v26 =	vmul.f32 v56, v26;
	v56 =	vld [tilespmem:$0x1FD30]  }
0x3de: {  	v19 =	vmul.f32 v19, v43;
	v42 =	vmul.f32 v63, v42;
	v63 =	vld [tilespmem:$0x1FD40]  }
0x3df: {  	v22 =	vsub.f32 v22, v49;
	v30 =	vmul.f32 v30, v61;
	v6 =	vmul.f32 v10, v6;
	v49 =	vld [tilespmem:s10+$0xF340]  }
0x3e0: {  	v15 =	vsub.f32 v15, v19;
	v23 =	vmul.f32 v23, v57;
	v57 =	vld [tilespmem:s10+$0xF420]  }
0x3e1: {  	v1 =	vadd.f32 v1, v27;
	v32 =	vmul.f32 v32, v55;
	v6 =	vsub.f32 v30, v6;
	v30 =	vld [tilespmem:s10+$0xF330]  }
0x3e2: {  	v15 =	vadd.f32 $0.0e+00, v15;
	v16 =	vmul.f32 v16, v52;
	v20 =	vmul.f32 v20, v48;
	v48 =	vld [tilespmem:s10+$0xF3B0]  }
0x3e3: {  	v4 =	vsub.f32 v5, v4;
	v27 =	vmul.f32 v56, v58;
	v56 =	vmul.f32 v63, v59;
	v63 =	vld [tilespmem:$0x1FD50]  }
0x3e4: {  	v8 =	vsub.f32 v14, v8;
	v25 =	vmul.f32 v25, v46;
	v23 =	vsub.f32 v32, v23;
	v58 =	vld [tilespmem:s10+$0xF410]  }
0x3e5: {  	v22 =	vadd.f32 $0.0e+00, v22;
	v7 =	vmul.f32 v34, v7;
	v4 =	vadd.f32 $0.0e+00, v4;
	v59 =	vld [tilespmem:$0x1FD60]  }
0x3e6: {  	v24 =	vsub.f32 v24, v25;
	v23 =	vadd.f32 $0.0e+00, v23;
	v30 =	vmul.f32 v35, v30;
	v35 =	vld [tilespmem:s10+$0xF4C0]  }
0x3e7: {  	v9 =	vmul.f32 v9, v33;
	v6 =	vadd.f32 $0.0e+00, v6;
	v27 =	vsub.f32 v27, v56;
	v56 =	vld [tilespmem:s10+$0xF240]  }
0x3e8: {  	v17 =	vmul.f32 v17, v50;
	v26 =	vsub.f32 v26, v42;
	v5 =	vmul.f32 v63, v31;
	v63 =	vld [tilespmem:$0x1FD70]  }
0x3e9: {  	v9 =	vsub.f32 v9, v16;
	v18 =	vmul.f32 v18, v58;
	v58 =	vmul.f32 v41, v60;
	v41 =	vld [tilespmem:s10+$0xF4D0]  }
0x3ea: {  	v24 =	vadd.f32 $0.0e+00, v24;
	v26 =	vadd.f32 $0.0e+00, v26;
	v31 =	vmul.f32 v59, v53;
	v53 =	vld [tilespmem:s10+$0xF490]  }
0x3eb: {  	v4 =	vadd.f32 v8, v4;
	v7 =	vsub.f32 v7, v20;
	v20 =	vmul.f32 v37, v48;
	v59 =	vld [tilespmem:s10+$0xF2C0]  }
0x3ec: {  	v2 =	vmul.f32 v2, v38;
	v61 =	vadd.f32 v9, v26;
	v5 =	vsub.f32 v5, v31;
	v31 =	vld [tilespmem:s10+$0xF440]  }
0x3ed: {  	v7 =	vadd.f32 $0.0e+00, v7;
	v8 =	vsub.f32 v30, v20;
	v42 =	vmul.f32 v63, v62;
	v62 =	vld [tilespmem:s10+$0xF2D0]  }
0x3ee: {  	v37 =	vmul.f32 v36, v49;
	v4 =	vadd.f32 v61, v4;
	v27 =	vadd.f32 $0.0e+00, v27;
	v63 =	vld [tilespmem:s10+$0xF320]  }
0x3ef: {  	v52 =	vld [tilespmem:s10+$0xF350];
	v8 =	vadd.f32 v8, v15;
	v1 =	vmul.f32 v1, v41;
	v11 =	vmul.f32 v11, v53  }
0x3f0: {  	v25 =	vld [tilespmem:s10+$0xF3A0];
	v5 =	vadd.f32 $0.0e+00, v5;
	v53 =	vmul.f32 v29, v56;
	v55 =	vmul.f32 v51, v59  }
0x3f1: {  	v60 =	vld [tilespmem:s10+$0xF4A0];
	v3 =	vmul.f32 v3, v35;
	v1 =	vsub.f32 v2, v1;
	v13 =	vsub.f32 v42, v13  }
0x3f2: {  	v56 =	vld [tilespmem:s10+$0xF3D0];
	v11 =	vsub.f32 v18, v11;
	v14 =	vsub.f32 v53, v55;
	v46 =	vmul.f32 v21, v31  }
0x3f3: {  	v42 =	vsub.f32 v37, v17;
	v59 =	vmul.f32 v44, v62;
	v62 =	vmul.f32 v28, v63;
	v63 =	vld [tilespmem:s10+$0xF430]  }
0x3f4: {  	v0 =	vmul.f32 v0, v57;
	v13 =	vadd.f32 $0.0e+00, v13;
	v3 =	vsub.f32 v46, v3;
	v28 =	vld [tilespmem:s10+$0xF4B0]  }
0x3f5: {  	v12 =	vmul.f32 v12, v25;
	v11 =	vadd.f32 $0.0e+00, v11;
	v14 =	vadd.f32 v14, v27  }
0x3f6: {  	v15 =	vadd.f32 v42, v22;
	v44 =	vmul.f32 v47, v60;
	v3 =	vadd.f32 v3, v7  }
0x3f7: {  	v39 =	vmul.f32 v39, v52;
	v1 =	vadd.f32 v1, v11;
	v19 =	vsub.f32 v58, v59  }
0x3f8: {  	v43 =	vmul.f32 v40, v56;
	v9 =	vsub.f32 v62, v12;
	v0 =	vsub.f32 v0, v44  }
0x3f9: {  	v1 =	vadd.f32 v1, v3;
	v10 =	vmul.f32 v45, v63;
	v45 =	vmul.f32 v54, v28  }
0x3fa: {  	v9 =	vadd.f32 v9, v13;
	v13 =	vsub.f32 v39, v43  }
0x3fb: {  	v52 =	vld [tilespmem:$0x1FD80];
	v5 =	vadd.f32 v19, v5;
	v48 =	vsub.f32 v10, v45  }
0x3fc: {  	v0 =	vadd.f32 v0, v24;
	v47 =	vadd.f32 v13, v23  }
0x3fd: {  	v5 =	vadd.f32 v5, v14;
	v49 =	vadd.f32 v48, v6  }
0x3fe: {  	v50 =	vadd.f32 v8, v9;
	v51 =	vadd.f32 v47, v15  }
0x3ff: {  	v4 =	vadd.f32 v5, v4;
	v0 =	vadd.f32 v49, v0  }
0x400: {  	(xrf2) =	vadd.scan.msk.f32 $0xffff, v52;
	v53 =	vadd.f32 v51, v50  }
0x401: {  	(xrf2) =	vadd.scan.msk.f32 $0xffff, v4;
	v0 =	vadd.f32 v1, v0  }
0x402: {  	(xrf2) =	vadd.scan.msk.f32 $0xffff, v53  }
0x403: {  	(xrf2) =	vadd.scan.msk.f32 $0xffff, v0;
	_ =	sdelay $0x2  }
0x404: {  	s25 =	sadd.s32 $0x1, s14;
	s28 =	sadd.s32 $0x2, s14;
	v54 =	vmov s14  }
0x405: {  	s26 =	sadd.s32 $0x3, s14;
	v57 =	vmov s28;
	v56 =	vmov s25;
	v0 =	vand.u32 $0xFFFFFFFC, v54  }
0x406: {  	v55 =	vmov s26;
	v2 =	vand.u32 $0xFFFFFFFD, v56;
	v0 =	vbroadcast v0, $0x0  }
0x407: {  	v2 =	vbroadcast v2, $0x0;
	v3 =	vand.u32 $0xFFFFFFFE, v57  }
0x408: {  	v58, _, _ =	vpop (xrf2);
	v3 =	vbroadcast v3, $0x0  }
0x409: {  	s17 =	sadd.s32 $0x1, s17;
	v4 =	vbroadcast v58, $0xF;
	v59, _, _ =	vpop (xrf2)  }
0x40a: {  	p0 =	sne.s32 s17, $0x3E;
	v5 =	vbroadcast v59, $0xF;
	v60, _, _ =	vpop (xrf2)  }
.Ltmp2:
0x40b: {  	[tilespmem:v55+s9+$0x0] =	vst.idx.msk $0x1, v4;
	v61 =	vbroadcast v60, $0xF;
	v62, _, _ =	vpop (xrf2);
	(pc) =	sbr.rel @p0 .LBB2_2-.Ltmp2, $4  }
0x40c: {  	s29 =	sadd.s32 s13, s8;
	[tilespmem:v0+s9+$0x0] =	vst.idx.msk $0x1, v5;
	v63 =	vbroadcast v62, $0xF  }
0x40d: {  	s10 =	sshrl.u32 s29, $0x3;
	[tilespmem:v2+s9+$0x0] =	vst.idx.msk $0x1, v61  }
0x40e: {  	s10 =	sadd.s32 s2, s10;
	[tilespmem:v3+s9+$0x0] =	vst.idx.msk $0x1, v63  }
0x40f: {  	[hbm4b:s10+s3] =	stream.linear.scatter [tilespmem:s9], [sflag:$0x6], $0x50, $0x38;
	[tilespmem:$0x1E280] =	vst v63  }
0x410: {  	_ =	swait.ge [sflag:s23], $0x5000  }
0x411: {  	[sflag:s23] =	ssyncset.done $0x0  }
0x412: {  	[sflag:s23] =	ssyncadd.s32 $0xFFFFB000  }
0x413: {  	_ =	swait.ge [sflag:s23], $0x5000  }
0x414: {  	[sflag:s23] =	ssyncset.done $0x0  }
0x415: {  	[sflag:s23] =	ssyncadd.s32 $0xFFFFB000  }
0x416: {  	_ =	swait.ge [sflag:s23], $0x5000  }
0x417: {  	[sflag:s23] =	ssyncset.done $0x0  }
0x418: {  	s28 =	simm.s32 $0x5;
	[sflag:s23] =	ssyncadd.s32 $0xFFFFB000  }
0x419: {  	_ =	swait.ge [sflag:s28], $0x50  }
0x41a: {  	[sflag:s28] =	ssyncset.done $0x0  }
0x41b: {  	s10 =	simm.s32 $0xA3E0;
	[sflag:s28] =	ssyncadd.s32 $0xFFFFFFB0  }
0x41c: {  	v0 =	vld [tilespmem:s10+$0x140]  }
0x41d: {  	v2 =	vld [tilespmem:s10+$0x1C0]  }
0x41e: {  	v1 =	vld [tilespmem:s10+$0x150]  }
0x41f: {  	v3 =	vld [tilespmem:s10+$0x1D0]  }
0x420: {  	s17 =	simm.s32 $0x3E0;
	v4 =	vld [tilespmem:s10+$0x160]  }
0x421: {  	v5 =	vld [tilespmem:s17+$0x140]  }
0x422: {  	s14 =	simm.s32 $0x143E0;
	v6 =	vld [tilespmem:s17+$0x1C0]  }
0x423: {  	v7 =	vld [tilespmem:s14+$0x140]  }
0x424: {  	v8 =	vld [tilespmem:s14+$0x1C0]  }
0x425: {  	v9 =	vld [tilespmem:s17+$0x150]  }
0x426: {  	v10 =	vld [tilespmem:s17+$0x1D0]  }
0x427: {  	v11 =	vld [tilespmem:s14+$0x150]  }
0x428: {  	v12 =	vld [tilespmem:s14+$0x1D0]  }
0x429: {  	v13 =	vld [tilespmem:s17+$0x160]  }
0x42a: {  	v14 =	vld [tilespmem:s17+$0x1E0]  }
0x42b: {  	v15 =	vld [tilespmem:s14+$0x160]  }
0x42c: {  	v16 =	vld [tilespmem:s14+$0x1E0]  }
0x42d: {  	v17 =	vld [tilespmem:s17+$0x170]  }
0x42e: {  	v18 =	vld [tilespmem:s17+$0x1F0]  }
0x42f: {  	v19 =	vld [tilespmem:s14+$0x170]  }
0x430: {  	v20 =	vld [tilespmem:s14+$0x1F0]  }
0x431: {  	v21 =	vld [tilespmem:s17+$0x100]  }
0x432: {  	v22 =	vld [tilespmem:s17+$0x180]  }
0x433: {  	v23 =	vld [tilespmem:s14+$0x100]  }
0x434: {  	v24 =	vld [tilespmem:s14+$0x180]  }
0x435: {  	v26 =	vld [tilespmem:s17+$0x110]  }
0x436: {  	v27 =	vld [tilespmem:s17+$0x190]  }
0x437: {  	v31 =	vld [tilespmem:s14+$0x110];
	v28 =	vmul.f32 v7, v5;
	v30 =	vmul.f32 v8, v6  }
0x438: {  	v33 =	vld [tilespmem:s14+$0x1A0];
	v5 =	vmul.f32 v8, v5;
	v6 =	vmul.f32 v7, v6  }
0x439: {  	v47 =	vld [tilespmem:s17+$0x130];
	v35 =	vmul.f32 v11, v9;
	v36 =	vmul.f32 v12, v10  }
0x43a: {  	v51 =	vld [tilespmem:s17+$0x1B0];
	v37 =	vmul.f32 v12, v9;
	v40 =	vmul.f32 v11, v10  }
0x43b: {  	v38 =	vld [tilespmem:s10+$0x1F0];
	v41 =	vmul.f32 v15, v13;
	v42 =	vmul.f32 v16, v14  }
0x43c: {  	v7 =	vld [tilespmem:s14+$0x190];
	v43 =	vmul.f32 v16, v13;
	v44 =	vmul.f32 v15, v14  }
0x43d: {  	v8 =	vld [tilespmem:s17+$0x120];
	v45 =	vmul.f32 v19, v17;
	v46 =	vmul.f32 v20, v18  }
0x43e: {  	v9 =	vld [tilespmem:s17+$0x1A0];
	v17 =	vmul.f32 v20, v17;
	v18 =	vmul.f32 v19, v18  }
0x43f: {  	v10 =	vld [tilespmem:s14+$0x120];
	v19 =	vmul.f32 v23, v21;
	v49 =	vmul.f32 v24, v22  }
0x440: {  	v25 =	vmul.f32 v24, v21;
	v32 =	vmul.f32 v23, v22;
	v22 =	vld [tilespmem:s14+$0x130]  }
0x441: {  	v16 =	vmul.f32 v31, v26;
	v23 =	vld [tilespmem:s14+$0x1B0];
	v56 =	vadd.f32 v5, v6;
	v48 =	vsub.f32 v35, v36  }
0x442: {  	v34 =	vld [tilespmem:s10+$0x100];
	v20 =	vmul.f32 v31, v27;
	v57 =	vadd.f32 v37, v40;
	v50 =	vsub.f32 v41, v42  }
0x443: {  	v39 =	vld [tilespmem:s10+$0x180];
	v61 =	vadd.f32 v43, v44;
	v29 =	vmul.f32 v7, v27;
	v14 =	vmul.f32 v7, v26  }
0x444: {  	v12 =	vld [tilespmem:s10+$0x1E0];
	v55 =	vsub.f32 v45, v46;
	v11 =	vmul.f32 v10, v8;
	v15 =	vmul.f32 v33, v9  }
0x445: {  	v13 =	vld [tilespmem:s10+$0x170];
	v63 =	vadd.f32 v17, v18;
	v8 =	vmul.f32 v33, v8;
	v9 =	vmul.f32 v10, v9  }
0x446: {  	v41 =	vld [tilespmem:s10+$0x110];
	v33 =	vsub.f32 v28, v30;
	v10 =	vmul.f32 v22, v47;
	v21 =	vmul.f32 v23, v51  }
0x447: {  	s13 =	simm.s32 $0x0;
	s25 =	simm.s32 $0x4;
	v45 =	vld [tilespmem:s10+$0x190];
	v35 =	vmul.f32 v23, v47;
	v47 =	vsub.f32 v19, v49;
	v42 =	vmul.f32 v22, v51  }
.LBB2_8:
0x448: {  	p0 =	slt.u32 s25, $0x4C;
	v5 =	vadd.f32 v25, v32;
	v6 =	vld [tilespmem:s10+$0x120];
	v0 =	vmul.f32 v33, v0;
	v2 =	vmul.f32 v56, v2  }
0x449: {  	v7 =	vsub.f32 v16, v29;
	v1 =	vmul.f32 v48, v1;
	v3 =	vmul.f32 v57, v3;
	v16 =	vld [tilespmem:s10+$0x1A0]  }
0x44a: {  	v14 =	vadd.f32 v14, v20;
	v4 =	vmul.f32 v50, v4;
	v12 =	vmul.f32 v61, v12;
	v17 =	vld [tilespmem:s10+$0x130]  }
0x44b: {  	v11 =	vsub.f32 v11, v15;
	v13 =	vmul.f32 v55, v13;
	v18 =	vmul.f32 v63, v38;
	v15 =	vld [tilespmem:s10+$0x1B0]  }
0x44c: {  	v8 =	vadd.f32 v8, v9;
	v22 =	vmul.f32 v47, v34;
	v5 =	vmul.f32 v5, v39;
	v19 =	vld [tilespmem:s17+$0xFFFFFE80]  }
0x44d: {  	v10 =	vsub.f32 v10, v21;
	v7 =	vmul.f32 v7, v41;
	v9 =	vmul.f32 v14, v45;
	v20 =	vld [tilespmem:s14+$0xFFFFFE00]  }
0x44e: {  	v6 =	vmul.f32 v11, v6;
	v11 =	vadd.f32 v35, v42;
	v21 =	vld [tilespmem:s14+$0xFFFFFE80];
	v8 =	vmul.f32 v8, v16  }
0x44f: {  	v0 =	vsub.f32 v0, v2;
	v1 =	vsub.f32 v1, v3;
	v14 =	vld [tilespmem:s17+$0xFFFFFE10];
	v10 =	vmul.f32 v10, v17  }
0x450: {  	v4 =	vsub.f32 v4, v12;
	v2 =	vld [tilespmem:s17+$0xFFFFFE90];
	v3 =	vmul.f32 v11, v15;
	v11 =	vsub.f32 v13, v18  }
0x451: {  	v5 =	vsub.f32 v22, v5;
	v7 =	vsub.f32 v7, v9;
	v12 =	vld [tilespmem:s14+$0xFFFFFE10]  }
0x452: {  	v6 =	vsub.f32 v6, v8;
	v22 =	vmul.f32 v20, v19;
	v9 =	vld [tilespmem:s14+$0xFFFFFE90];
	v3 =	vsub.f32 v10, v3  }
0x453: {  	v5 =	vadd.f32 $0.0e+00, v5;
	v7 =	vadd.f32 $0.0e+00, v7;
	v23 =	vmul.f32 v21, v19;
	v8 =	vld [tilespmem:s17+$0xFFFFFE20]  }
0x454: {  	v6 =	vadd.f32 $0.0e+00, v6;
	v10 =	vld [tilespmem:s17+$0xFFFFFEA0];
	v3 =	vadd.f32 $0.0e+00, v3  }
0x455: {  	v0 =	vadd.f32 v0, v5;
	v1 =	vadd.f32 v1, v7;
	v13 =	vld [tilespmem:s14+$0xFFFFFE20]  }
0x456: {  	v4 =	vadd.f32 v4, v6;
	v5 =	vmul.f32 v12, v14;
	v7 =	vld [tilespmem:s14+$0xFFFFFEA0];
	v3 =	vadd.f32 v11, v3  }
0x457: {  	v6 =	vmul.f32 v9, v2;
	v9 =	vmul.f32 v9, v14;
	v11 =	vld [tilespmem:s17+$0xFFFFFE30]  }
0x458: {  	v1 =	vadd.f32 v1, v0;
	v2 =	vmul.f32 v12, v2;
	v12 =	vld [tilespmem:s17+$0xFFFFFEB0];
	v3 =	vadd.f32 v3, v4  }
0x459: {  	v0 =	vsub.f32 v5, v6;
	v4 =	vld [tilespmem:s14+$0xFFFFFE30]  }
0x45a: {  	v5 =	vmul.f32 v13, v8;
	v6 =	vmul.f32 v13, v10;
	v13 =	vld [tilespmem:s14+$0xFFFFFEB0];
	v3 =	vadd.f32 v3, v1  }
0x45b: {  	v1 =	vadd.f32 v9, v2;
	v2 =	vmul.f32 v7, v10;
	v7 =	vmul.f32 v7, v8;
	v8 =	vld [tilespmem:s17+$0xFFFFFF00]  }
0x45c: {  	v9 =	vld [tilespmem:s17+$0xFFFFFF80];
	(xrf2) =	vadd.scan.msk.f32 $0xffff, v3  }
0x45d: {  	v3 =	vsub.f32 v5, v2;
	v2 =	vadd.f32 v7, v6;
	v6 =	vld [tilespmem:s14+$0xFFFFFF00]  }
0x45e: {  	v5 =	vmul.f32 v4, v11;
	v4 =	vmul.f32 v4, v12;
	v7 =	vld [tilespmem:s14+$0xFFFFFF80]  }
0x45f: {  	v10 =	vmul.f32 v13, v12;
	v11 =	vmul.f32 v13, v11;
	v12 =	vld [tilespmem:s17+$0xFFFFFF10]  }
0x460: {  	v13 =	vld [tilespmem:s17+$0xFFFFFF90]  }
0x461: {  	v5 =	vsub.f32 v5, v10;
	v4 =	vadd.f32 v11, v4;
	v10 =	vld [tilespmem:s14+$0xFFFFFF10]  }
0x462: {  	v11 =	vmul.f32 v6, v8;
	v6 =	vmul.f32 v6, v9;
	v14 =	vld [tilespmem:s14+$0xFFFFFF90]  }
0x463: {  	s26 =	sadd.s32 $0x3, s13;
	v19 =	vmul.f32 v7, v9;
	v8 =	vmul.f32 v7, v8;
	v15 =	vld [tilespmem:s17+$0xFFFFFF20]  }
0x464: {  	v17 =	vmov s26;
	v16 =	vld [tilespmem:s17+$0xFFFFFFA0]  }
0x465: {  	v7 =	vsub.f32 v11, v19;
	v6 =	vadd.f32 v8, v6;
	v11 =	vld [tilespmem:s14+$0xFFFFFF20]  }
0x466: {  	v8 =	vmul.f32 v10, v12;
	v10 =	vmul.f32 v10, v13;
	v18 =	vld [tilespmem:s14+$0xFFFFFFA0];
	v9, _, _ =	vpop (xrf2)  }
0x467: {  	v13 =	vmul.f32 v14, v13;
	v19 =	vld [tilespmem:s17+$0xFFFFFF30];
	v24 =	vbroadcast v9, $0xF  }
0x468: {  	v12 =	vmul.f32 v14, v12;
	v14 =	vld [tilespmem:s17+$0xFFFFFFB0]  }
0x469: {  	v9 =	vsub.f32 v8, v13;
	v13 =	vld [tilespmem:s14+$0xFFFFFF30];
	[tilespmem:v17+s31+$0x0] =	vst.idx.msk $0x1, v24  }
0x46a: {  	v8 =	vadd.f32 v12, v10;
	v10 =	vmul.f32 v11, v15;
	v12 =	vmul.f32 v11, v16;
	v17 =	vld [tilespmem:s14+$0xFFFFFFB0]  }
0x46b: {  	v11 =	vmul.f32 v18, v16;
	v15 =	vmul.f32 v18, v15;
	v16 =	vld [tilespmem:s17+$0x0]  }
0x46c: {  	v18 =	vld [tilespmem:s17+$0x80]  }
0x46d: {  	v11 =	vsub.f32 v10, v11;
	v10 =	vadd.f32 v15, v12;
	v15 =	vld [tilespmem:s14+$0x0]  }
0x46e: {  	v12 =	vmul.f32 v13, v19;
	v24 =	vmul.f32 v13, v14;
	v25 =	vld [tilespmem:s14+$0x80]  }
0x46f: {  	v13 =	vmul.f32 v17, v14;
	v14 =	vmul.f32 v17, v19;
	v17 =	vld [tilespmem:s17+$0x10]  }
0x470: {  	v19 =	vld [tilespmem:s17+$0x90]  }
0x471: {  	v13 =	vsub.f32 v12, v13;
	v12 =	vadd.f32 v14, v24;
	v24 =	vld [tilespmem:s14+$0x10]  }
0x472: {  	v14 =	vmul.f32 v15, v16;
	v26 =	vmul.f32 v15, v18;
	v27 =	vld [tilespmem:s14+$0x90]  }
0x473: {  	v15 =	vmul.f32 v25, v18;
	v16 =	vmul.f32 v25, v16;
	v18 =	vld [tilespmem:s17+$0x20]  }
0x474: {  	v25 =	vld [tilespmem:s17+$0xA0]  }
0x475: {  	v15 =	vsub.f32 v14, v15;
	v14 =	vadd.f32 v16, v26;
	v26 =	vld [tilespmem:s14+$0x20]  }
0x476: {  	v16 =	vmul.f32 v24, v17;
	v24 =	vmul.f32 v24, v19;
	v28 =	vld [tilespmem:s14+$0xA0]  }
0x477: {  	v19 =	vmul.f32 v27, v19;
	v27 =	vmul.f32 v27, v17;
	v29 =	vld [tilespmem:s17+$0x30]  }
0x478: {  	v30 =	vld [tilespmem:s17+$0xB0]  }
0x479: {  	v17 =	vsub.f32 v16, v19;
	v16 =	vadd.f32 v27, v24;
	v24 =	vld [tilespmem:s14+$0x30]  }
0x47a: {  	v19 =	vmul.f32 v26, v18;
	v26 =	vmul.f32 v26, v25;
	v27 =	vld [tilespmem:s14+$0xB0]  }
0x47b: {  	v31 =	vld [tilespmem:s17+$0xFFFFFE00];
	v25 =	vmul.f32 v28, v25;
	v18 =	vmul.f32 v28, v18  }
0x47c: {  	v28 =	vld [tilespmem:s17+$0xFFFFFE40]  }
0x47d: {  	v32 =	vld [tilespmem:s17+$0xFFFFFEC0];
	v19 =	vsub.f32 v19, v25;
	v18 =	vadd.f32 v18, v26  }
0x47e: {  	v25 =	vld [tilespmem:s14+$0xFFFFFE40];
	v26 =	vmul.f32 v24, v29;
	v24 =	vmul.f32 v24, v30  }
0x47f: {  	v33 =	vld [tilespmem:s14+$0xFFFFFEC0];
	v30 =	vmul.f32 v27, v30;
	v27 =	vmul.f32 v27, v29  }
0x480: {  	v29 =	vmul.f32 v20, v31;
	v31 =	vmul.f32 v21, v31;
	v34 =	vld [tilespmem:s17+$0xFFFFFE50]  }
0x481: {  	v35 =	vld [tilespmem:s17+$0xFFFFFED0];
	v21 =	vsub.f32 v26, v30;
	v20 =	vadd.f32 v27, v24  }
0x482: {  	v45 =	vsub.f32 v29, v23;
	v44 =	vadd.f32 v31, v22;
	v24 =	vld [tilespmem:s14+$0xFFFFFE50]  }
0x483: {  	v22 =	vmul.f32 v25, v28;
	v25 =	vmul.f32 v25, v32;
	v26 =	vld [tilespmem:s14+$0xFFFFFED0]  }
0x484: {  	v23 =	vmul.f32 v33, v32;
	v27 =	vmul.f32 v33, v28;
	v28 =	vld [tilespmem:s17+$0xFFFFFE60]  }
0x485: {  	v29 =	vld [tilespmem:s17+$0xFFFFFEE0]  }
0x486: {  	v23 =	vsub.f32 v22, v23;
	v22 =	vadd.f32 v27, v25;
	v27 =	vld [tilespmem:s14+$0xFFFFFE60]  }
0x487: {  	v25 =	vmul.f32 v24, v34;
	v24 =	vmul.f32 v24, v35;
	v30 =	vld [tilespmem:s14+$0xFFFFFEE0]  }
0x488: {  	v31 =	vmul.f32 v26, v35;
	v26 =	vmul.f32 v26, v34;
	v32 =	vld [tilespmem:s17+$0xFFFFFE70]  }
0x489: {  	v33 =	vld [tilespmem:s17+$0xFFFFFEF0]  }
0x48a: {  	v25 =	vsub.f32 v25, v31;
	v24 =	vadd.f32 v26, v24;
	v31 =	vld [tilespmem:s14+$0xFFFFFE70]  }
0x48b: {  	v26 =	vmul.f32 v27, v28;
	v34 =	vmul.f32 v27, v29;
	v35 =	vld [tilespmem:s14+$0xFFFFFEF0]  }
0x48c: {  	v27 =	vmul.f32 v30, v29;
	v28 =	vmul.f32 v30, v28;
	v30 =	vld [tilespmem:s17+$0xFFFFFF40]  }
0x48d: {  	v36 =	vld [tilespmem:s17+$0xFFFFFFC0]  }
0x48e: {  	v27 =	vsub.f32 v26, v27;
	v26 =	vadd.f32 v28, v34;
	v34 =	vld [tilespmem:s14+$0xFFFFFF40]  }
0x48f: {  	v28 =	vmul.f32 v31, v32;
	v31 =	vmul.f32 v31, v33;
	v37 =	vld [tilespmem:s14+$0xFFFFFFC0]  }
0x490: {  	v29 =	vmul.f32 v35, v33;
	v32 =	vmul.f32 v35, v32;
	v33 =	vld [tilespmem:s17+$0xFFFFFF50]  }
0x491: {  	v35 =	vld [tilespmem:s17+$0xFFFFFFD0]  }
0x492: {  	v29 =	vsub.f32 v28, v29;
	v28 =	vadd.f32 v32, v31;
	v32 =	vld [tilespmem:s14+$0xFFFFFF50]  }
0x493: {  	v31 =	vmul.f32 v34, v30;
	v34 =	vmul.f32 v34, v36;
	v38 =	vld [tilespmem:s14+$0xFFFFFFD0]  }
0x494: {  	v36 =	vmul.f32 v37, v36;
	v30 =	vmul.f32 v37, v30;
	v37 =	vld [tilespmem:s17+$0xFFFFFF60]  }
0x495: {  	v39 =	vld [tilespmem:s17+$0xFFFFFFE0]  }
0x496: {  	v31 =	vsub.f32 v31, v36;
	v30 =	vadd.f32 v30, v34;
	v34 =	vld [tilespmem:s14+$0xFFFFFF60]  }
0x497: {  	v36 =	vmul.f32 v32, v33;
	v32 =	vmul.f32 v32, v35;
	v40 =	vld [tilespmem:s14+$0xFFFFFFE0]  }
0x498: {  	v35 =	vmul.f32 v38, v35;
	v38 =	vmul.f32 v38, v33;
	v41 =	vld [tilespmem:s17+$0xFFFFFF70]  }
0x499: {  	v42 =	vld [tilespmem:s17+$0xFFFFFFF0]  }
0x49a: {  	v33 =	vsub.f32 v36, v35;
	v32 =	vadd.f32 v38, v32;
	v36 =	vld [tilespmem:s14+$0xFFFFFF70]  }
0x49b: {  	v35 =	vmul.f32 v34, v37;
	v34 =	vmul.f32 v34, v39;
	v38 =	vld [tilespmem:s14+$0xFFFFFFF0]  }
0x49c: {  	v39 =	vmul.f32 v40, v39;
	v37 =	vmul.f32 v40, v37;
	v40 =	vld [tilespmem:s17+$0x40]  }
0x49d: {  	v43 =	vld [tilespmem:s17+$0xC0]  }
0x49e: {  	v35 =	vsub.f32 v35, v39;
	v34 =	vadd.f32 v37, v34;
	v39 =	vld [tilespmem:s14+$0x40]  }
0x49f: {  	v37 =	vmul.f32 v36, v41;
	v36 =	vmul.f32 v36, v42;
	v46 =	vld [tilespmem:s14+$0xC0]  }
0x4a0: {  	v42 =	vmul.f32 v38, v42;
	v38 =	vmul.f32 v38, v41;
	v41 =	vld [tilespmem:s17+$0x50]  }
0x4a1: {  	v47 =	vld [tilespmem:s17+$0xD0]  }
0x4a2: {  	v37 =	vsub.f32 v37, v42;
	v36 =	vadd.f32 v38, v36;
	v42 =	vld [tilespmem:s14+$0x50]  }
0x4a3: {  	v38 =	vmul.f32 v39, v40;
	v39 =	vmul.f32 v39, v43;
	v48 =	vld [tilespmem:s14+$0xD0]  }
0x4a4: {  	v43 =	vmul.f32 v46, v43;
	v46 =	vmul.f32 v46, v40;
	v49 =	vld [tilespmem:s17+$0x60]  }
0x4a5: {  	v50 =	vld [tilespmem:s17+$0xE0]  }
0x4a6: {  	v40 =	vsub.f32 v38, v43;
	v38 =	vadd.f32 v46, v39;
	v43 =	vld [tilespmem:s14+$0x60]  }
0x4a7: {  	v39 =	vmul.f32 v42, v41;
	v42 =	vmul.f32 v42, v47;
	v46 =	vld [tilespmem:s14+$0xE0]  }
0x4a8: {  	v47 =	vmul.f32 v48, v47;
	v48 =	vmul.f32 v48, v41;
	v51 =	vld [tilespmem:s17+$0x70]  }
0x4a9: {  	v52 =	vld [tilespmem:s17+$0xF0]  }
0x4aa: {  	v41 =	vsub.f32 v39, v47;
	v39 =	vadd.f32 v48, v42;
	v47 =	vld [tilespmem:s14+$0x70]  }
0x4ab: {  	v42 =	vmul.f32 v43, v49;
	v48 =	vmul.f32 v43, v50;
	v53 =	vld [tilespmem:s14+$0xF0]  }
0x4ac: {  	v54 =	vld [tilespmem:s10+$0xFFFFFE00];
	v43 =	vmul.f32 v46, v50;
	v46 =	vmul.f32 v46, v49  }
0x4ad: {  	v49 =	vld [tilespmem:s10+$0xFFFFFE80]  }
0x4ae: {  	v50 =	vld [tilespmem:s10+$0xFFFFFE10];
	v43 =	vsub.f32 v42, v43;
	v42 =	vadd.f32 v46, v48  }
0x4af: {  	v46 =	vld [tilespmem:s10+$0xFFFFFE90];
	v48 =	vmul.f32 v47, v51;
	v47 =	vmul.f32 v47, v52  }
0x4b0: {  	v55 =	vld [tilespmem:s10+$0xFFFFFE20];
	v52 =	vmul.f32 v53, v52;
	v51 =	vmul.f32 v53, v51  }
0x4b1: {  	v53 =	vmul.f32 v45, v54;
	v54 =	vld [tilespmem:s10+$0xFFFFFEA0]  }
0x4b2: {  	v49 =	vmul.f32 v44, v49;
	v56 =	vld [tilespmem:s10+$0xFFFFFE30];
	v45 =	vsub.f32 v48, v52;
	v44 =	vadd.f32 v51, v47  }
0x4b3: {  	v0 =	vmul.f32 v0, v50;
	v47 =	vld [tilespmem:s10+$0xFFFFFEB0]  }
0x4b4: {  	v48 =	vsub.f32 v53, v49;
	v1 =	vmul.f32 v1, v46;
	v46 =	vld [tilespmem:s10+$0xFFFFFF00]  }
0x4b5: {  	v3 =	vmul.f32 v3, v55;
	v49 =	vld [tilespmem:s10+$0xFFFFFF80]  }
0x4b6: {  	v48 =	vadd.f32 $0.0e+00, v48;
	v0 =	vsub.f32 v0, v1;
	v1 =	vmul.f32 v2, v54;
	v2 =	vld [tilespmem:s10+$0xFFFFFF10]  }
0x4b7: {  	v5 =	vmul.f32 v5, v56;
	v50 =	vld [tilespmem:s10+$0xFFFFFF90]  }
0x4b8: {  	v0 =	vadd.f32 $0.0e+00, v0;
	v1 =	vsub.f32 v3, v1;
	v3 =	vmul.f32 v4, v47;
	v4 =	vld [tilespmem:s10+$0xFFFFFF20]  }
0x4b9: {  	v7 =	vmul.f32 v7, v46;
	v46 =	vld [tilespmem:s10+$0xFFFFFFA0]  }
0x4ba: {  	v1 =	vadd.f32 $0.0e+00, v1;
	v3 =	vsub.f32 v5, v3;
	v5 =	vmul.f32 v6, v49;
	v6 =	vld [tilespmem:s10+$0xFFFFFF30]  }
0x4bb: {  	v2 =	vmul.f32 v9, v2;
	v9 =	vld [tilespmem:s10+$0xFFFFFFB0]  }
0x4bc: {  	v3 =	vadd.f32 $0.0e+00, v3;
	v5 =	vsub.f32 v7, v5;
	v7 =	vmul.f32 v8, v50;
	v8 =	vld [tilespmem:s10+$0x0]  }
0x4bd: {  	v4 =	vmul.f32 v11, v4;
	v11 =	vld [tilespmem:s10+$0x80]  }
0x4be: {  	v5 =	vadd.f32 $0.0e+00, v5;
	v2 =	vsub.f32 v2, v7;
	v7 =	vmul.f32 v10, v46;
	v10 =	vld [tilespmem:s10+$0x10]  }
0x4bf: {  	v6 =	vmul.f32 v13, v6;
	v13 =	vld [tilespmem:s10+$0x90]  }
0x4c0: {  	v2 =	vadd.f32 $0.0e+00, v2;
	v4 =	vsub.f32 v4, v7;
	v7 =	vmul.f32 v12, v9;
	v9 =	vld [tilespmem:s10+$0x20]  }
0x4c1: {  	v8 =	vmul.f32 v15, v8;
	v12 =	vld [tilespmem:s10+$0xA0]  }
0x4c2: {  	v4 =	vadd.f32 $0.0e+00, v4;
	v6 =	vsub.f32 v6, v7;
	v7 =	vmul.f32 v14, v11;
	v11 =	vld [tilespmem:s10+$0x30]  }
0x4c3: {  	v10 =	vmul.f32 v17, v10;
	v14 =	vld [tilespmem:s10+$0xB0]  }
0x4c4: {  	v15 =	vld [tilespmem:s10+$0xFFFFFE40];
	v6 =	vadd.f32 $0.0e+00, v6;
	v7 =	vsub.f32 v8, v7;
	v8 =	vmul.f32 v16, v13  }
0x4c5: {  	v13 =	vld [tilespmem:s10+$0xFFFFFEC0];
	v9 =	vmul.f32 v19, v9  }
0x4c6: {  	v16 =	vld [tilespmem:s10+$0xFFFFFE50];
	v7 =	vadd.f32 $0.0e+00, v7;
	v8 =	vsub.f32 v10, v8;
	v10 =	vmul.f32 v18, v12  }
0x4c7: {  	v12 =	vld [tilespmem:s10+$0xFFFFFED0];
	v11 =	vmul.f32 v21, v11  }
0x4c8: {  	v17 =	vld [tilespmem:s10+$0xFFFFFE60];
	v8 =	vadd.f32 $0.0e+00, v8;
	v9 =	vsub.f32 v9, v10;
	v10 =	vmul.f32 v20, v14  }
0x4c9: {  	v14 =	vmul.f32 v23, v15;
	v15 =	vld [tilespmem:s10+$0xFFFFFEE0]  }
0x4ca: {  	v13 =	vmul.f32 v22, v13;
	v18 =	vld [tilespmem:s10+$0xFFFFFE70];
	v9 =	vadd.f32 $0.0e+00, v9;
	v10 =	vsub.f32 v11, v10  }
0x4cb: {  	v11 =	vmul.f32 v25, v16;
	v16 =	vld [tilespmem:s10+$0xFFFFFEF0]  }
0x4cc: {  	v13 =	vsub.f32 v14, v13;
	v12 =	vmul.f32 v24, v12;
	v14 =	vld [tilespmem:s10+$0xFFFFFF40];
	v10 =	vadd.f32 $0.0e+00, v10  }
0x4cd: {  	v17 =	vmul.f32 v27, v17;
	v19 =	vld [tilespmem:s10+$0xFFFFFFC0]  }
0x4ce: {  	v13 =	vadd.f32 v13, v48;
	v11 =	vsub.f32 v11, v12;
	v12 =	vmul.f32 v26, v15;
	v15 =	vld [tilespmem:s10+$0xFFFFFF50]  }
0x4cf: {  	v18 =	vmul.f32 v29, v18;
	v20 =	vld [tilespmem:s10+$0xFFFFFFD0]  }
0x4d0: {  	v0 =	vadd.f32 v11, v0;
	v11 =	vsub.f32 v17, v12;
	v12 =	vmul.f32 v28, v16;
	v16 =	vld [tilespmem:s10+$0xFFFFFF60]  }
0x4d1: {  	v14 =	vmul.f32 v31, v14;
	v17 =	vld [tilespmem:s10+$0xFFFFFFE0]  }
0x4d2: {  	v1 =	vadd.f32 v11, v1;
	v11 =	vsub.f32 v18, v12;
	v12 =	vmul.f32 v30, v19;
	v18 =	vld [tilespmem:s10+$0xFFFFFF70]  }
0x4d3: {  	v0 =	vadd.f32 v0, v13;
	v13 =	vmul.f32 v33, v15;
	v15 =	vld [tilespmem:s10+$0xFFFFFFF0]  }
0x4d4: {  	v3 =	vadd.f32 v11, v3;
	v11 =	vsub.f32 v14, v12;
	v12 =	vmul.f32 v32, v20;
	v14 =	vld [tilespmem:s10+$0x40]  }
0x4d5: {  	v16 =	vmul.f32 v35, v16;
	v19 =	vld [tilespmem:s10+$0xC0]  }
0x4d6: {  	v5 =	vadd.f32 v11, v5;
	v11 =	vsub.f32 v13, v12;
	v12 =	vmul.f32 v34, v17;
	v13 =	vld [tilespmem:s10+$0x50]  }
0x4d7: {  	v1 =	vadd.f32 v3, v1;
	v3 =	vmul.f32 v37, v18;
	v17 =	vld [tilespmem:s10+$0xD0]  }
0x4d8: {  	v2 =	vadd.f32 v11, v2;
	v11 =	vsub.f32 v16, v12;
	v12 =	vmul.f32 v36, v15;
	v15 =	vld [tilespmem:s10+$0x60]  }
0x4d9: {  	v0 =	vadd.f32 v1, v0;
	v1 =	vmul.f32 v40, v14;
	v14 =	vld [tilespmem:s10+$0xE0]  }
0x4da: {  	v4 =	vadd.f32 v11, v4;
	v3 =	vsub.f32 v3, v12;
	v11 =	vmul.f32 v38, v19;
	v12 =	vld [tilespmem:s10+$0x70]  }
0x4db: {  	v5 =	vadd.f32 v2, v5;
	v13 =	vmul.f32 v41, v13;
	v16 =	vld [tilespmem:s10+$0xF0];
	s10 =	sadd.s32 $0x400, s10;
	(xrf2) =	vadd.scan.msk.f32 $0xffff, v0  }
0x4dc: {  	v0 =	vld [tilespmem:s10+$0x140];
	v6 =	vadd.f32 v3, v6;
	v3 =	vsub.f32 v1, v11;
	v11 =	vmul.f32 v39, v17  }
0x4dd: {  	v2 =	vld [tilespmem:s10+$0x1C0];
	v15 =	vmul.f32 v43, v15  }
0x4de: {  	v1 =	vld [tilespmem:s10+$0x150];
	v7 =	vadd.f32 v3, v7;
	v11 =	vsub.f32 v13, v11;
	v13 =	vmul.f32 v42, v14  }
0x4df: {  	v14 =	vmov s13;
	v6 =	vadd.f32 v6, v4;
	v3 =	vld [tilespmem:s10+$0x1D0];
	v12 =	vmul.f32 v45, v12  }
0x4e0: {  	s17 =	sadd.s32 $0x400, s17;
	v4 =	vld [tilespmem:s10+$0x160];
	v8 =	vadd.f32 v11, v8;
	v11 =	vsub.f32 v15, v13;
	v13 =	vmul.f32 v44, v16  }
0x4e1: {  	v14 =	vand.u32 $0xFFFFFFFC, v14;
	v5 =	vadd.f32 v6, v5;
	v15 =	vld [tilespmem:s17+$0x140]  }
0x4e2: {  	s14 =	sadd.s32 $0x400, s14;
	v14 =	vbroadcast v14, $0x0;
	v6 =	vld [tilespmem:s17+$0x1C0];
	v9 =	vadd.f32 v11, v9;
	v13 =	vsub.f32 v12, v13  }
0x4e3: {  	v7 =	vadd.f32 v8, v7;
	v12 =	vld [tilespmem:s14+$0x140];
	(xrf2) =	vadd.scan.msk.f32 $0xffff, v5  }
0x4e4: {  	v5 =	vld [tilespmem:s14+$0x1C0];
	v8 =	vadd.f32 v13, v10  }
0x4e5: {  	v10 =	vld [tilespmem:s17+$0x150];
	v11, _, _ =	vpop (xrf2)  }
0x4e6: {  	v13 =	vld [tilespmem:s17+$0x1D0];
	v11 =	vbroadcast v11, $0xF;
	v8 =	vadd.f32 v8, v9  }
0x4e7: {  	s26 =	sadd.s32 $0x1, s13;
	v9 =	vld [tilespmem:s14+$0x150]  }
0x4e8: {  	v16 =	vld [tilespmem:s14+$0x1D0];
	[tilespmem:v14+s31+$0x0] =	vst.idx.msk $0x1, v11;
	v11 =	vmov s26;
	v7 =	vadd.f32 v8, v7  }
0x4e9: {  	v8 =	vld [tilespmem:s17+$0x160];
	v11 =	vand.u32 $0xFFFFFFFD, v11  }
0x4ea: {  	v14 =	vld [tilespmem:s17+$0x1E0];
	v11 =	vbroadcast v11, $0x0;
	(xrf2) =	vadd.scan.msk.f32 $0xffff, v7  }
0x4eb: {  	v7 =	vld [tilespmem:s14+$0x160]  }
0x4ec: {  	v17 =	vld [tilespmem:s14+$0x1E0]  }
0x4ed: {  	v18 =	vld [tilespmem:s17+$0x170];
	v19, _, _ =	vpop (xrf2)  }
0x4ee: {  	s26 =	sadd.s32 $0x2, s13;
	s13 =	smov.u32 s25;
	v20 =	vld [tilespmem:s17+$0x1F0];
	v19 =	vbroadcast v19, $0xF  }
0x4ef: {  	v22 =	vmov s26;
	v21 =	vld [tilespmem:s14+$0x170]  }
0x4f0: {  	v23 =	vld [tilespmem:s14+$0x1F0];
	[tilespmem:v11+s31+$0x0] =	vst.idx.msk $0x1, v19;
	v11 =	vand.u32 $0xFFFFFFFE, v22  }
0x4f1: {  	v19 =	vld [tilespmem:s17+$0x100];
	v11 =	vbroadcast v11, $0x0  }
0x4f2: {  	v22 =	vld [tilespmem:s17+$0x180]  }
0x4f3: {  	v24 =	vld [tilespmem:s14+$0x100]  }
0x4f4: {  	v25 =	vld [tilespmem:s14+$0x180];
	v26, _, _ =	vpop (xrf2)  }
0x4f5: {  	v27 =	vld [tilespmem:s17+$0x110];
	v26 =	vbroadcast v26, $0xF  }
0x4f6: {  	v30 =	vmul.f32 v12, v15;
	v31 =	vmul.f32 v5, v6;
	v28 =	vld [tilespmem:s17+$0x190]  }
0x4f7: {  	v5 =	vmul.f32 v5, v15;
	v6 =	vmul.f32 v12, v6;
	v33 =	vld [tilespmem:s14+$0x110];
	[tilespmem:v11+s31+$0x0] =	vst.idx.msk $0x1, v26  }
0x4f8: {  	v35 =	vmul.f32 v16, v13;
	v26 =	vmul.f32 v9, v10;
	v11 =	vld [tilespmem:s14+$0x190]  }
0x4f9: {  	v37 =	vmul.f32 v9, v13;
	v36 =	vmul.f32 v16, v10;
	v34 =	vld [tilespmem:s17+$0x120]  }
0x4fa: {  	v40 =	vmul.f32 v7, v8;
	v41 =	vmul.f32 v17, v14;
	v9 =	vld [tilespmem:s17+$0x1A0]  }
0x4fb: {  	v7 =	vmul.f32 v7, v14;
	v17 =	vmul.f32 v17, v8;
	v10 =	vld [tilespmem:s14+$0x120]  }
0x4fc: {  	v42 =	vmul.f32 v21, v18;
	v43 =	vmul.f32 v23, v20;
	v8 =	vld [tilespmem:s14+$0x1A0]  }
0x4fd: {  	v18 =	vmul.f32 v23, v18;
	v23 =	vmul.f32 v21, v20;
	v44 =	vld [tilespmem:s17+$0x130]  }
0x4fe: {  	v45 =	vmul.f32 v24, v19;
	v46 =	vmul.f32 v25, v22;
	v49 =	vld [tilespmem:s17+$0x1B0]  }
0x4ff: {  	v32 =	vmul.f32 v24, v22;
	v25 =	vmul.f32 v25, v19;
	v19 =	vld [tilespmem:s14+$0x130]  }
0x500: {  	v16 =	vmul.f32 v33, v27;
	v29 =	vmul.f32 v11, v28;
	v22 =	vld [tilespmem:s14+$0x1B0]  }
0x501: {  	v20 =	vmul.f32 v33, v28;
	v14 =	vmul.f32 v11, v27;
	v12 =	vld [tilespmem:s10+$0x1E0]  }
0x502: {  	v11 =	vmul.f32 v10, v34;
	v15 =	vmul.f32 v8, v9;
	v13 =	vld [tilespmem:s10+$0x170]  }
.Ltmp3:
0x503: {  	v33 =	vsub.f32 v30, v31;
	v8 =	vmul.f32 v8, v34;
	v9 =	vmul.f32 v10, v9;
	v38 =	vld [tilespmem:s10+$0x1F0];
	(pc) =	sbr.rel @p0 .LBB2_8-.Ltmp3, $4  }
0x504: {  	v56 =	vadd.f32 v5, v6;
	v48 =	vsub.f32 v26, v35;
	v34 =	vld [tilespmem:s10+$0x100];
	v10 =	vmul.f32 v19, v44  }
0x505: {  	v57 =	vadd.f32 v36, v37;
	v50 =	vsub.f32 v40, v41;
	v39 =	vld [tilespmem:s10+$0x180];
	v21 =	vmul.f32 v22, v49  }
0x506: {  	v61 =	vadd.f32 v17, v7;
	v55 =	vsub.f32 v42, v43;
	v35 =	vmul.f32 v22, v44;
	v41 =	vld [tilespmem:s10+$0x110]  }
0x507: {  	s25 =	sadd.s32 $0x4, s25;
	v63 =	vadd.f32 v18, v23;
	v47 =	vsub.f32 v45, v46;
	v42 =	vmul.f32 v19, v49;
	v45 =	vld [tilespmem:s10+$0x190]  }
0x508: {  	v5 =	vld [tilespmem:s10+$0x120];
	_ =	sdelay $0x4  }
0x509: {  	[tilespmem:$0x1F870] =	vst v5  }
0x50a: {  	v5 =	vld [tilespmem:s10+$0x1A0];
	_ =	sdelay $0x4  }
0x50b: {  	[tilespmem:$0x1F880] =	vst v5  }
0x50c: {  	v5 =	vld [tilespmem:s10+$0x130];
	_ =	sdelay $0x4  }
0x50d: {  	[tilespmem:$0x1F890] =	vst v5  }
0x50e: {  	v5 =	vld [tilespmem:s10+$0x1B0];
	_ =	sdelay $0x4  }
0x50f: {  	[tilespmem:$0x1F8A0] =	vst v5  }
0x510: {  	v5 =	vld [tilespmem:s17+$0xFFFFFE80];
	_ =	sdelay $0x4  }
0x511: {  	[tilespmem:$0x1F9C0] =	vst v5  }
0x512: {  	v5 =	vld [tilespmem:s14+$0xFFFFFE00];
	_ =	sdelay $0x4  }
0x513: {  	[tilespmem:$0x1F9B0] =	vst v5  }
0x514: {  	v5 =	vld [tilespmem:s14+$0xFFFFFE80];
	_ =	sdelay $0x4  }
0x515: {  	[tilespmem:$0x1F9D0] =	vst v5  }
0x516: {  	v7 =	vld [tilespmem:s17+$0xFFFFFE10]  }
0x517: {  	v18 =	vld [tilespmem:s17+$0xFFFFFE90]  }
0x518: {  	v17 =	vld [tilespmem:s14+$0xFFFFFE10]  }
0x519: {  	v6 =	vld [tilespmem:s14+$0xFFFFFE90]  }
0x51a: {  	v26 =	vld [tilespmem:s17+$0xFFFFFE20]  }
0x51b: {  	v24 =	vld [tilespmem:s17+$0xFFFFFEA0]  }
0x51c: {  	v19 =	vld [tilespmem:s14+$0xFFFFFE20]  }
0x51d: {  	v22 =	vld [tilespmem:s14+$0xFFFFFEA0]  }
0x51e: {  	v31 =	vld [tilespmem:s17+$0xFFFFFE30]  }
0x51f: {  	v30 =	vld [tilespmem:s17+$0xFFFFFEB0]  }
0x520: {  	v23 =	vld [tilespmem:s14+$0xFFFFFE30]  }
0x521: {  	v27 =	vld [tilespmem:s14+$0xFFFFFEB0]  }
0x522: {  	v43 =	vld [tilespmem:s17+$0xFFFFFF00]  }
0x523: {  	v40 =	vld [tilespmem:s17+$0xFFFFFF80]  }
0x524: {  	v28 =	vld [tilespmem:s14+$0xFFFFFF00]  }
0x525: {  	v36 =	vld [tilespmem:s14+$0xFFFFFF80]  }
0x526: {  	v51 =	vld [tilespmem:s17+$0xFFFFFF10]  }
0x527: {  	v49 =	vld [tilespmem:s17+$0xFFFFFF90]  }
0x528: {  	v37 =	vld [tilespmem:s14+$0xFFFFFF10]  }
0x529: {  	v5 =	vld [tilespmem:s17+$0xFFFFFF30]  }
0x52a: {  	v44 =	vld [tilespmem:s14+$0xFFFFFF90]  }
0x52b: {  	v62 =	vld [tilespmem:s17+$0xFFFFFF20]  }
0x52c: {  	v54 =	vld [tilespmem:s17+$0xFFFFFFA0]  }
0x52d: {  	v46 =	vld [tilespmem:s14+$0xFFFFFF20]  }
0x52e: {  	v52 =	vld [tilespmem:s14+$0xFFFFFFA0];
	[tilespmem:$0x1F8B0] =	vst v5  }
0x52f: {  	v5 =	vld [tilespmem:s17+$0x0];
	_ =	sdelay $0x2  }
0x530: {  	v58 =	vld [tilespmem:s17+$0xFFFFFFB0]  }
0x531: {  	v53 =	vld [tilespmem:s14+$0xFFFFFF30]  }
0x532: {  	v60 =	vld [tilespmem:s14+$0xFFFFFFB0];
	[tilespmem:$0x1F8C0] =	vst v5  }
0x533: {  	v5 =	vld [tilespmem:s17+$0x80];
	_ =	sdelay $0x4  }
0x534: {  	[tilespmem:$0x1F8D0] =	vst v5  }
0x535: {  	v5 =	vld [tilespmem:s14+$0x80];
	_ =	sdelay $0x4  }
0x536: {  	v59 =	vld [tilespmem:s14+$0x0];
	[tilespmem:$0x1F8E0] =	vst v5  }
0x537: {  	v5 =	vld [tilespmem:s17+$0x10];
	_ =	sdelay $0x4  }
0x538: {  	[tilespmem:$0x1F8F0] =	vst v5  }
0x539: {  	v5 =	vld [tilespmem:s17+$0x90];
	_ =	sdelay $0x4  }
0x53a: {  	[tilespmem:$0x1F910] =	vst v5  }
0x53b: {  	v5 =	vld [tilespmem:s14+$0x10];
	_ =	sdelay $0x4  }
0x53c: {  	[tilespmem:$0x1F900] =	vst v5  }
0x53d: {  	v5 =	vld [tilespmem:s14+$0x90];
	_ =	sdelay $0x4  }
0x53e: {  	[tilespmem:$0x1F920] =	vst v5  }
0x53f: {  	v5 =	vld [tilespmem:s17+$0x20];
	_ =	sdelay $0x4  }
0x540: {  	[tilespmem:$0x1F930] =	vst v5  }
0x541: {  	v5 =	vld [tilespmem:s17+$0xA0];
	_ =	sdelay $0x4  }
0x542: {  	[tilespmem:$0x1F950] =	vst v5  }
0x543: {  	v5 =	vld [tilespmem:s14+$0x20];
	_ =	sdelay $0x4  }
0x544: {  	[tilespmem:$0x1F940] =	vst v5  }
0x545: {  	v5 =	vld [tilespmem:s14+$0xA0];
	_ =	sdelay $0x4  }
0x546: {  	[tilespmem:$0x1F960] =	vst v5  }
0x547: {  	v5 =	vld [tilespmem:s17+$0x30];
	_ =	sdelay $0x4  }
0x548: {  	[tilespmem:$0x1F970] =	vst v5  }
0x549: {  	v5 =	vld [tilespmem:s17+$0xB0];
	_ =	sdelay $0x4  }
0x54a: {  	[tilespmem:$0x1F990] =	vst v5  }
0x54b: {  	v5 =	vld [tilespmem:s14+$0x30];
	_ =	sdelay $0x4  }
0x54c: {  	[tilespmem:$0x1F980] =	vst v5  }
0x54d: {  	v5 =	vld [tilespmem:s14+$0xB0];
	_ =	sdelay $0x4  }
0x54e: {  	[tilespmem:$0x1F9A0] =	vst v5  }
0x54f: {  	v5 =	vld [tilespmem:s17+$0xFFFFFE00];
	_ =	sdelay $0x4  }
0x550: {  	[tilespmem:$0x1F9E0] =	vst v5  }
0x551: {  	v5 =	vld [tilespmem:s17+$0xFFFFFE40];
	_ =	sdelay $0x1  }
0x552: {  	v13 =	vmul.f32 v55, v13;
	v55 =	vld [tilespmem:$0x1F870]  }
0x553: {  	v2 =	vmul.f32 v56, v2;
	v56 =	vld [tilespmem:$0x1F880]  }
0x554: {  	v12 =	vmul.f32 v61, v12;
	v61 =	vld [tilespmem:$0x1F890]  }
0x555: {  	v11 =	vsub.f32 v11, v15;
	v15 =	vmul.f32 v63, v38;
	v63 =	vld [tilespmem:$0x1F8A0];
	[tilespmem:$0x1F9F0] =	vst v5  }
0x556: {  	v5 =	vld [tilespmem:s17+$0xFFFFFEC0]  }
0x557: {  	v0 =	vmul.f32 v33, v0;
	v8 =	vadd.f32 v8, v9  }
0x558: {  	v3 =	vmul.f32 v57, v3;
	v10 =	vsub.f32 v10, v21;
	v57 =	vadd.f32 v35, v42  }
0x559: {  	v11 =	vmul.f32 v11, v55;
	v8 =	vmul.f32 v8, v56  }
0x55a: {  	v0 =	vsub.f32 v0, v2;
	v10 =	vmul.f32 v10, v61;
	v2 =	vmul.f32 v57, v63  }
0x55b: {  	v16 =	vsub.f32 v16, v29;
	v14 =	vadd.f32 v14, v20;
	v4 =	vmul.f32 v50, v4;
	[tilespmem:$0x1FA10] =	vst v5  }
0x55c: {  	v8 =	vsub.f32 v11, v8;
	v2 =	vsub.f32 v10, v2;
	v5 =	vld [tilespmem:s14+$0xFFFFFE40]  }
0x55d: {  	v1 =	vmul.f32 v48, v1;
	v12 =	vsub.f32 v4, v12;
	v13 =	vsub.f32 v13, v15  }
0x55e: {  	v8 =	vadd.f32 $0.0e+00, v8;
	v2 =	vadd.f32 $0.0e+00, v2  }
0x55f: {  	v1 =	vsub.f32 v1, v3;
	v50 =	vmul.f32 v16, v41;
	v14 =	vmul.f32 v14, v45  }
0x560: {  	v3 =	vadd.f32 v12, v8;
	v2 =	vadd.f32 v13, v2;
	v15 =	vmul.f32 v17, v7  }
0x561: {  	v16 =	vmul.f32 v6, v7;
	v6 =	vmul.f32 v6, v18;
	[tilespmem:$0x1FA00] =	vst v5  }
0x562: {  	v2 =	vadd.f32 v2, v3;
	v17 =	vmul.f32 v17, v18;
	v3 =	vmul.f32 v19, v26;
	v5 =	vld [tilespmem:s14+$0xFFFFFEC0]  }
0x563: {  	v9 =	vsub.f32 v50, v14;
	v12 =	vmul.f32 v19, v24;
	v13 =	vmul.f32 v22, v24  }
0x564: {  	v19 =	vmul.f32 v27, v30;
	v21 =	vmul.f32 v27, v31  }
0x565: {  	v9 =	vadd.f32 $0.0e+00, v9;
	v24 =	vmul.f32 v28, v40;
	v27 =	vmul.f32 v36, v40  }
0x566: {  	v11 =	vsub.f32 v15, v6;
	v15 =	vadd.f32 v16, v17;
	v17 =	vmul.f32 v23, v30  }
0x567: {  	v1 =	vadd.f32 v1, v9;
	v16 =	vmul.f32 v23, v31;
	v23 =	vmul.f32 v28, v43;
	[tilespmem:$0x1FA20] =	vst v5  }
0x568: {  	v40 =	vmul.f32 v37, v49;
	v30 =	vadd.f32 v21, v17;
	v21 =	vmul.f32 v44, v51;
	v5 =	vld [tilespmem:s17+$0xFFFFFE50]  }
0x569: {  	v9 =	vsub.f32 v23, v27;
	v23 =	vmul.f32 v46, v62;
	v27 =	vmul.f32 v52, v54;
	_ =	sdelay $0x1  }
0x56a: {  	v28 =	vmul.f32 v36, v43;
	v43 =	vadd.f32 v21, v40;
	v40 =	vsub.f32 v23, v27;
	v27 =	vld [tilespmem:$0x1F8D0]  }
0x56b: {  	v4 =	vld [tilespmem:$0x1F950]  }
0x56c: {  	v8 =	vld [tilespmem:$0x1F960];
	[tilespmem:$0x1FA30] =	vst v5  }
0x56d: {  	v5 =	vadd.f32 v25, v32;
	v25 =	vld [tilespmem:s17+$0xFFFFFED0]  }
0x56e: {  	v32 =	vld [tilespmem:s14+$0xFFFFFE50]  }
0x56f: {  	v33 =	vld [tilespmem:s14+$0xFFFFFED0]  }
0x570: {  	v29 =	vld [tilespmem:s17+$0xFFFFFE60]  }
0x571: {  	v48 =	vmul.f32 v47, v34;
	v34 =	vld [tilespmem:s17+$0xFFFFFEE0]  }
0x572: {  	v38 =	vld [tilespmem:s14+$0xFFFFFE60]  }
0x573: {  	v35 =	vld [tilespmem:s17+$0xFFFFFE70];
	v5 =	vmul.f32 v5, v39  }
0x574: {  	v41 =	vld [tilespmem:s17+$0xFFFFFEF0]  }
0x575: {  	v50 =	vld [tilespmem:s14+$0xFFFFFE70];
	v5 =	vsub.f32 v48, v5  }
0x576: {  	v47 =	vld [tilespmem:s14+$0xFFFFFEF0]  }
0x577: {  	v42 =	vld [tilespmem:s17+$0xFFFFFF40];
	v5 =	vadd.f32 $0.0e+00, v5  }
0x578: {  	v45 =	vld [tilespmem:s17+$0xFFFFFFC0]  }
0x579: {  	v55 =	vld [tilespmem:s14+$0xFFFFFF40];
	v0 =	vadd.f32 v0, v5  }
0x57a: {  	v56 =	vld [tilespmem:s14+$0xFFFFFFC0]  }
0x57b: {  	v57 =	vld [tilespmem:s17+$0xFFFFFFD0];
	v0 =	vadd.f32 v1, v0  }
0x57c: {  	v39 =	vld [tilespmem:s14+$0xFFFFFEE0]  }
0x57d: {  	v48 =	vld [tilespmem:s17+$0xFFFFFF50];
	[tilespmem:$0x1FA40] =	vst v11;
	v0 =	vadd.f32 v2, v0  }
0x57e: {  	v14 =	vmul.f32 v22, v26;
	v63 =	vld [tilespmem:s14+$0xFFFFFF50]  }
0x57f: {  	v18 =	vsub.f32 v3, v13;
	v2 =	vld [tilespmem:$0x1F9F0];
	[tilespmem:$0x1FAD0] =	vst v0  }
0x580: {  	v22 =	vadd.f32 v14, v12;
	v20 =	vld [tilespmem:s14+$0xFFFFFFD0];
	[tilespmem:$0x1FA50] =	vst v15  }
0x581: {  	v26 =	vsub.f32 v16, v19;
	v61 =	vld [tilespmem:s17+$0xFFFFFF60];
	[tilespmem:$0x1FA60] =	vst v18  }
0x582: {  	v10 =	vld [tilespmem:s17+$0xFFFFFFE0];
	[tilespmem:$0x1FA70] =	vst v22  }
0x583: {  	v13 =	vld [tilespmem:s14+$0xFFFFFF60];
	[tilespmem:$0x1FA80] =	vst v26  }
0x584: {  	v22 =	vadd.f32 v28, v24;
	v24 =	vmul.f32 v46, v54;
	v28 =	vmul.f32 v52, v62;
	v36 =	vld [tilespmem:s14+$0xFFFFFFE0]  }
0x585: {  	[tilespmem:$0x1FA90] =	vst v30;
	v30 =	vld [tilespmem:$0x1F8B0]  }
0x586: {  	v31 =	vmul.f32 v37, v51;
	v11 =	vmul.f32 v44, v49;
	v21 =	vadd.f32 v28, v24;
	v24 =	vld [tilespmem:$0x1F8C0]  }
0x587: {  	v28 =	vld [tilespmem:$0x1F8E0]  }
0x588: {  	v26 =	vsub.f32 v31, v11;
	v37 =	vld [tilespmem:s17+$0xFFFFFF70];
	[tilespmem:$0x1FAA0] =	vst v9  }
0x589: {  	v44 =	vld [tilespmem:s17+$0xFFFFFFF0];
	[tilespmem:$0x1FAB0] =	vst v22  }
0x58a: {  	v46 =	vld [tilespmem:s14+$0xFFFFFF70];
	[tilespmem:$0x1FAC0] =	vst v26  }
0x58b: {  	v62 =	vmul.f32 v53, v58;
	v49 =	vld [tilespmem:s14+$0xFFFFFFF0];
	v11 =	vmul.f32 v60, v30  }
0x58c: {  	v9 =	vmul.f32 v60, v58;
	v60 =	vld [tilespmem:$0x1F8F0]  }
0x58d: {  	v31 =	vmul.f32 v53, v30;
	v15 =	vadd.f32 v11, v62;
	v62 =	vld [tilespmem:$0x1F900]  }
0x58e: {  	v26 =	vmul.f32 v59, v24;
	v11 =	vld [tilespmem:$0x1F910]  }
0x58f: {  	v30 =	vmul.f32 v28, v27;
	v14 =	vsub.f32 v31, v9;
	v31 =	vmul.f32 v28, v24;
	v24 =	vld [tilespmem:$0x1F920]  }
0x590: {  	v28 =	vld [tilespmem:$0x1F930]  }
0x591: {  	v16 =	vsub.f32 v26, v30;
	v30 =	vld [tilespmem:$0x1F940]  }
0x592: {  	v51 =	vld [tilespmem:s17+$0x40]  }
0x593: {  	v18 =	vmul.f32 v59, v27;
	v52 =	vld [tilespmem:s17+$0xC0]  }
0x594: {  	v54 =	vld [tilespmem:s14+$0xC0];
	v9 =	vmul.f32 v62, v60;
	v12 =	vmul.f32 v62, v11  }
0x595: {  	v58 =	vld [tilespmem:s17+$0x50];
	v26 =	vmul.f32 v24, v11;
	v27 =	vmul.f32 v24, v60  }
0x596: {  	v17 =	vadd.f32 v31, v18;
	v31 =	vmul.f32 v30, v28;
	v11 =	vmul.f32 v8, v28;
	v28 =	vld [tilespmem:$0x1F980]  }
0x597: {  	v23 =	vmul.f32 v30, v4;
	v30 =	vld [tilespmem:$0x1F990];
	v19 =	vsub.f32 v9, v26;
	v9 =	vmul.f32 v8, v4  }
0x598: {  	v22 =	vadd.f32 v27, v12;
	v12 =	vld [tilespmem:$0x1F970]  }
0x599: {  	v24 =	vsub.f32 v31, v9;
	v31 =	vld [tilespmem:$0x1F9A0]  }
0x59a: {  	v3 =	vld [tilespmem:s14+$0xE0]  }
0x59b: {  	v8 =	vld [tilespmem:$0x1F9B0]  }
0x59c: {  	v9 =	vld [tilespmem:$0x1F9C0]  }
0x59d: {  	v26 =	vmul.f32 v28, v30;
	v7 =	vmul.f32 v28, v12;
	v28 =	vadd.f32 v11, v23;
	v11 =	vld [tilespmem:$0x1F9D0]  }
0x59e: {  	v18 =	vmul.f32 v31, v12;
	v12 =	vld [tilespmem:$0x1F9E0]  }
0x59f: {  	v6 =	vld [tilespmem:s10+$0xFFFFFE00]  }
0x5a0: {  	v53 =	vld [tilespmem:s14+$0x40]  }
0x5a1: {  	v59 =	vld [tilespmem:s17+$0xD0]  }
0x5a2: {  	v60 =	vld [tilespmem:s14+$0x50];
	v5 =	vmul.f32 v31, v30;
	v31 =	vmul.f32 v11, v9  }
0x5a3: {  	v0 =	vmul.f32 v8, v12;
	v1 =	vmul.f32 v11, v12;
	v12 =	vadd.f32 v18, v26;
	v18 =	vld [tilespmem:$0x1FA00]  }
0x5a4: {  	v23 =	vmul.f32 v8, v9;
	v26 =	vld [tilespmem:$0x1FA10]  }
0x5a5: {  	v9 =	vsub.f32 v0, v31;
	v31 =	vld [tilespmem:$0x1FA20]  }
0x5a6: {  	v8 =	vadd.f32 v1, v23;
	v1 =	vld [tilespmem:$0x1FA30]  }
0x5a7: {  	v62 =	vld [tilespmem:s14+$0xD0]  }
0x5a8: {  	v27 =	vld [tilespmem:s17+$0x60]  }
0x5a9: {  	v4 =	vld [tilespmem:s14+$0x60];
	v11 =	vsub.f32 v7, v5;
	v7 =	vmul.f32 v18, v2;
	v18 =	vmul.f32 v18, v26  }
0x5aa: {  	v30 =	vld [tilespmem:s17+$0xE0];
	v26 =	vmul.f32 v31, v26;
	v31 =	vmul.f32 v31, v2  }
0x5ab: {  	v5 =	vld [tilespmem:s17+$0x70];
	v23 =	vmul.f32 v32, v1;
	v32 =	vmul.f32 v32, v25  }
0x5ac: {  	v0 =	vld [tilespmem:s14+$0x70];
	v25 =	vmul.f32 v33, v25;
	v1 =	vmul.f32 v33, v1;
	v7 =	vsub.f32 v7, v26  }
0x5ad: {  	v2 =	vld [tilespmem:s17+$0xF0];
	v18 =	vadd.f32 v31, v18;
	v31 =	vmul.f32 v38, v29;
	v38 =	vmul.f32 v38, v34  }
0x5ae: {  	v33 =	vld [tilespmem:s14+$0xF0];
	v23 =	vsub.f32 v23, v25;
	v34 =	vmul.f32 v39, v34;
	v29 =	vmul.f32 v39, v29  }
0x5af: {  	v39 =	vld [tilespmem:s10+$0xFFFFFE80];
	v25 =	vadd.f32 v1, v32;
	v32 =	vmul.f32 v50, v35;
	v50 =	vmul.f32 v50, v41  }
0x5b0: {  	v1 =	vld [tilespmem:s10+$0xFFFFFE10];
	v41 =	vmul.f32 v47, v41;
	v26 =	vsub.f32 v31, v34;
	v34 =	vmul.f32 v47, v35  }
0x5b1: {  	v47 =	vld [tilespmem:s10+$0xFFFFFE90];
	v29 =	vadd.f32 v29, v38;
	v35 =	vmul.f32 v55, v42;
	v38 =	vmul.f32 v55, v45  }
0x5b2: {  	v55 =	vld [tilespmem:s10+$0xFFFFFE20];
	v41 =	vsub.f32 v32, v41;
	v31 =	vmul.f32 v56, v45;
	v32 =	vmul.f32 v56, v42  }
0x5b3: {  	v45 =	vld [tilespmem:s10+$0xFFFFFEA0];
	v42 =	vadd.f32 v34, v50;
	v34 =	vmul.f32 v63, v48;
	v50 =	vmul.f32 v63, v57  }
0x5b4: {  	v56 =	vld [tilespmem:s10+$0xFFFFFE30];
	v31 =	vsub.f32 v35, v31;
	v35 =	vmul.f32 v20, v57;
	v20 =	vmul.f32 v20, v48  }
0x5b5: {  	v48 =	vld [tilespmem:s10+$0xFFFFFEB0];
	v32 =	vadd.f32 v32, v38;
	v38 =	vmul.f32 v13, v61;
	v57 =	vmul.f32 v13, v10  }
0x5b6: {  	v63 =	vld [tilespmem:s10+$0xFFFFFF00];
	v10 =	vmul.f32 v36, v10;
	v36 =	vmul.f32 v36, v61;
	v13 =	vsub.f32 v34, v35  }
0x5b7: {  	v61 =	vld [tilespmem:s10+$0xFFFFFF80];
	v35 =	vadd.f32 v20, v50;
	v20 =	vmul.f32 v46, v37;
	v46 =	vmul.f32 v46, v44  }
0x5b8: {  	v50 =	vld [tilespmem:s10+$0xFFFFFF10];
	v34 =	vsub.f32 v38, v10;
	v10 =	vmul.f32 v49, v44;
	v38 =	vmul.f32 v49, v37  }
0x5b9: {  	v44 =	vld [tilespmem:s10+$0xFFFFFF90];
	v36 =	vadd.f32 v36, v57;
	v49 =	vmul.f32 v53, v51;
	v53 =	vmul.f32 v53, v52  }
0x5ba: {  	v57 =	vld [tilespmem:s10+$0xFFFFFF20];
	v37 =	vsub.f32 v20, v10;
	v10 =	vmul.f32 v54, v52;
	v20 =	vmul.f32 v54, v51  }
0x5bb: {  	v51 =	vld [tilespmem:s10+$0xFFFFFFA0];
	v38 =	vadd.f32 v38, v46;
	v46 =	vmul.f32 v60, v58;
	v52 =	vmul.f32 v60, v59  }
0x5bc: {  	v54 =	vld [tilespmem:s10+$0xFFFFFF30];
	v58 =	vmul.f32 v62, v58;
	v10 =	vsub.f32 v49, v10;
	v49 =	vmul.f32 v62, v59  }
0x5bd: {  	v60 =	vld [tilespmem:s10+$0x0];
	v20 =	vadd.f32 v20, v53;
	v53 =	vmul.f32 v4, v27;
	v4 =	vmul.f32 v4, v30  }
0x5be: {  	v59 =	vld [tilespmem:s10+$0xFFFFFFB0];
	v30 =	vmul.f32 v3, v30;
	v3 =	vmul.f32 v3, v27  }
0x5bf: {  	v27 =	vld [tilespmem:s10+$0x80];
	v62 =	vmul.f32 v0, v5;
	v0 =	vmul.f32 v0, v2  }
0x5c0: {  	v2 =	vmul.f32 v33, v2;
	v5 =	vmul.f32 v33, v5;
	v33 =	vld [tilespmem:s10+$0x90]  }
0x5c1: {  	v43 =	vmul.f32 v43, v44;
	v44 =	vld [tilespmem:s10+$0xFFFFFEC0]  }
0x5c2: {  	v40 =	vmul.f32 v40, v57;
	v57 =	vld [tilespmem:s10+$0xFFFFFEF0]  }
0x5c3: {  	v46 =	vsub.f32 v46, v49;
	v49 =	vadd.f32 v58, v52;
	v58 =	vld [tilespmem:s10+$0x10]  }
0x5c4: {  	v3 =	vadd.f32 v3, v4;
	v4 =	vmul.f32 v9, v6;
	v6 =	vmul.f32 v8, v39;
	v8 =	vld [tilespmem:s10+$0x20]  }
0x5c5: {  	v2 =	vsub.f32 v62, v2;
	v62 =	vld [tilespmem:$0x1FA40]  }
0x5c6: {  	v39 =	vld [tilespmem:$0x1FA50]  }
0x5c7: {  	v52 =	vld [tilespmem:$0x1FA60]  }
0x5c8: {  	v30 =	vsub.f32 v53, v30;
	v53 =	vld [tilespmem:$0x1FA70]  }
0x5c9: {  	v21 =	vmul.f32 v21, v51;
	v14 =	vmul.f32 v14, v54;
	v54 =	vld [tilespmem:s10+$0xFFFFFEE0]  }
0x5ca: {  	v16 =	vmul.f32 v16, v60;
	v60 =	vld [tilespmem:s10+$0xFFFFFF40]  }
0x5cb: {  	v21 =	vsub.f32 v40, v21;
	v40 =	vld [tilespmem:s10+$0xFFFFFE60]  }
0x5cc: {  	v15 =	vmul.f32 v15, v59;
	v59 =	vmul.f32 v22, v33;
	v33 =	vld [tilespmem:s10+$0xFFFFFFE0]  }
0x5cd: {  	v9 =	vmul.f32 v39, v47;
	v39 =	vld [tilespmem:s10+$0xA0]  }
0x5ce: {  	v47 =	vld [tilespmem:s10+$0x30]  }
0x5cf: {  	v0 =	vadd.f32 v5, v0;
	v5 =	vmul.f32 v52, v55;
	v55 =	vld [tilespmem:$0x1FA80]  }
0x5d0: {  	v17 =	vmul.f32 v17, v27;
	v1 =	vmul.f32 v62, v1;
	v62 =	vld [tilespmem:$0x1FA90]  }
0x5d1: {  	v52 =	vld [tilespmem:s10+$0xB0];
	v58 =	vmul.f32 v19, v58  }
0x5d2: {  	v4 =	vsub.f32 v4, v6;
	v16 =	vsub.f32 v16, v17;
	v17 =	vld [tilespmem:s10+$0xFFFFFFD0]  }
0x5d3: {  	v14 =	vsub.f32 v14, v15;
	v15 =	vsub.f32 v58, v59;
	v58 =	vmul.f32 v31, v60;
	v31 =	vld [tilespmem:s10+$0x60]  }
0x5d4: {  	v18 =	vmul.f32 v18, v44;
	v6 =	vmul.f32 v55, v56;
	v56 =	vld [tilespmem:$0x1FAA0]  }
0x5d5: {  	v4 =	vadd.f32 $0.0e+00, v4;
	v45 =	vmul.f32 v53, v45;
	v48 =	vmul.f32 v62, v48;
	v62 =	vld [tilespmem:$0x1FAB0]  }
0x5d6: {  	v21 =	vadd.f32 $0.0e+00, v21;
	v8 =	vmul.f32 v24, v8;
	v1 =	vsub.f32 v1, v9;
	v55 =	vld [tilespmem:s10+$0xFFFFFE40]  }
0x5d7: {  	v5 =	vsub.f32 v5, v45;
	v14 =	vadd.f32 $0.0e+00, v14;
	v11 =	vmul.f32 v11, v47;
	v47 =	vld [tilespmem:s10+$0xFFFFFF70]  }
0x5d8: {  	v16 =	vadd.f32 $0.0e+00, v16;
	v12 =	vmul.f32 v12, v52;
	v6 =	vsub.f32 v6, v48;
	v48 =	vld [tilespmem:s10+$0xFFFFFE50]  }
0x5d9: {  	v1 =	vadd.f32 $0.0e+00, v1;
	v5 =	vadd.f32 $0.0e+00, v5;
	v9 =	vmul.f32 v56, v63;
	v63 =	vld [tilespmem:$0x1FAC0]  }
0x5da: {  	v15 =	vadd.f32 $0.0e+00, v15;
	v11 =	vsub.f32 v11, v12;
	v53 =	vmul.f32 v62, v61;
	v62 =	vld [tilespmem:s10+$0xFFFFFFC0]  }
0x5db: {  	v52 =	vmul.f32 v29, v54;
	v6 =	vadd.f32 $0.0e+00, v6;
	v56 =	vld [tilespmem:s10+$0xFFFFFE70];
	v61 =	vmul.f32 v28, v39  }
0x5dc: {  	v11 =	vadd.f32 $0.0e+00, v11;
	v28 =	vld [tilespmem:s10+$0xFFFFFF60];
	v7 =	vmul.f32 v7, v55;
	v39 =	vmul.f32 v36, v33  }
0x5dd: {  	v9 =	vsub.f32 v9, v53;
	v44 =	vmul.f32 v23, v48;
	v48 =	vmul.f32 v26, v40;
	v40 =	vld [tilespmem:s10+$0x70]  }
0x5de: {  	v8 =	vsub.f32 v8, v61;
	v7 =	vsub.f32 v7, v18;
	v45 =	vmul.f32 v63, v50;
	v63 =	vld [tilespmem:s10+$0xFFFFFF50]  }
0x5df: {  	v26 =	vmul.f32 v35, v17;
	v9 =	vadd.f32 $0.0e+00, v9;
	v61 =	vmul.f32 v32, v62;
	v32 =	vld [tilespmem:s10+$0xE0]  }
0x5e0: {  	v55 =	vmul.f32 v41, v56;
	v56 =	vmul.f32 v42, v57;
	v43 =	vsub.f32 v45, v43;
	v45 =	vld [tilespmem:s10+$0xFFFFFED0]  }
0x5e1: {  	v17 =	vmul.f32 v30, v31;
	v8 =	vadd.f32 $0.0e+00, v8;
	v18 =	vsub.f32 v48, v52;
	v42 =	vld [tilespmem:s10+$0xF0]  }
0x5e2: {  	v4 =	vadd.f32 v7, v4;
	v57 =	vld [tilespmem:s10+$0xC0];
	v35 =	vmul.f32 v34, v28;
	v60 =	vsub.f32 v55, v56  }
0x5e3: {  	v62 =	vld [tilespmem:s10+$0xD0];
	v41 =	vmul.f32 v37, v47;
	v5 =	vadd.f32 v18, v5;
	v7 =	vsub.f32 v58, v61  }
0x5e4: {  	v53 =	vld [tilespmem:s10+$0xFFFFFFF0];
	v2 =	vmul.f32 v2, v40;
	v43 =	vadd.f32 $0.0e+00, v43;
	v6 =	vadd.f32 v60, v6  }
0x5e5: {  	v59 =	vld [tilespmem:s10+$0x50];
	v7 =	vadd.f32 v7, v9;
	v63 =	vmul.f32 v13, v63;
	v45 =	vmul.f32 v25, v45  }
0x5e6: {  	v54 =	vld [tilespmem:s10+$0x40];
	v13 =	vsub.f32 v35, v39;
	v3 =	vmul.f32 v3, v32;
	v0 =	vmul.f32 v0, v42  }
0x5e7: {  	v47 =	vmul.f32 v20, v57;
	v5 =	vadd.f32 v6, v5;
	v12 =	vsub.f32 v44, v45  }
0x5e8: {  	v48 =	vmul.f32 v49, v62;
	v3 =	vsub.f32 v17, v3;
	v0 =	vsub.f32 v2, v0  }
0x5e9: {  	v13 =	vadd.f32 v13, v21;
	v44 =	vmul.f32 v38, v53;
	v1 =	vadd.f32 v12, v1  }
0x5ea: {  	v3 =	vadd.f32 v3, v8;
	v0 =	vadd.f32 v0, v11;
	v12 =	vmul.f32 v46, v59  }
0x5eb: {  	v45 =	vmul.f32 v10, v54;
	v6 =	vsub.f32 v41, v44;
	v1 =	vadd.f32 v1, v4  }
0x5ec: {  	v4 =	vsub.f32 v63, v26;
	v49 =	vsub.f32 v12, v48  }
0x5ed: {  	v52 =	vld [tilespmem:$0x1FAD0];
	v1 =	vadd.f32 v5, v1;
	v5 =	vsub.f32 v45, v47  }
0x5ee: {  	v6 =	vadd.f32 v6, v14;
	v4 =	vadd.f32 v4, v43  }
0x5ef: {  	v51 =	vadd.f32 v49, v15;
	v50 =	vadd.f32 v5, v16  }
0x5f0: {  	v6 =	vadd.f32 v6, v13;
	v4 =	vadd.f32 v4, v7  }
0x5f1: {  	v0 =	vadd.f32 v0, v3;
	v2 =	vadd.f32 v51, v50  }
0x5f2: {  	(xrf2) =	vadd.scan.msk.f32 $0xffff, v52;
	v53 =	vadd.f32 v6, v4  }
0x5f3: {  	(xrf2) =	vadd.scan.msk.f32 $0xffff, v1;
	v0 =	vadd.f32 v0, v2  }
0x5f4: {  	(xrf2) =	vadd.scan.msk.f32 $0xffff, v53  }
0x5f5: {  	(xrf2) =	vadd.scan.msk.f32 $0xffff, v0;
	_ =	sdelay $0x2  }
0x5f6: {  	s26 =	sadd.s32 $0x3, s13;
	s29 =	sadd.s32 $0x1, s13;
	v54 =	vmov s13  }
0x5f7: {  	s17 =	sadd.s32 $0x2, s13;
	v55 =	vmov s26;
	v56 =	vmov s29;
	v0 =	vand.u32 $0xFFFFFFFC, v54  }
0x5f8: {  	v57 =	vmov s17;
	v2 =	vand.u32 $0xFFFFFFFD, v56;
	v0 =	vbroadcast v0, $0x0  }
0x5f9: {  	v3 =	vand.u32 $0xFFFFFFFE, v57;
	v2 =	vbroadcast v2, $0x0  }
0x5fa: {  	v3 =	vbroadcast v3, $0x0;
	v58, _, _ =	vpop (xrf2)  }
0x5fb: {  	v4 =	vbroadcast v58, $0xF;
	v59, _, _ =	vpop (xrf2)  }
0x5fc: {  	v5 =	vbroadcast v59, $0xF;
	v60, _, _ =	vpop (xrf2)  }
0x5fd: {  	[tilespmem:v55+s31+$0x0] =	vst.idx.msk $0x1, v4;
	v61 =	vbroadcast v60, $0xF;
	v62, _, _ =	vpop (xrf2)  }
0x5fe: {  	[tilespmem:v0+s31+$0x0] =	vst.idx.msk $0x1, v5;
	v63 =	vbroadcast v62, $0xF  }
0x5ff: {  	[tilespmem:v2+s31+$0x0] =	vst.idx.msk $0x1, v61  }
0x600: {  	[tilespmem:v3+s31+$0x0] =	vst.idx.msk $0x1, v63  }
0x601: {  	s25 =	rddreg [dreg:$0x5]  }
0x602: {  	[hbm4b:s25+s3] =	stream.linear.scatter [tilespmem:s31], [sflag:$0x5], $0x50, $0x38;
	[tilespmem:$0x1E280] =	vst v63  }
0x603: {  	_ =	swait.ge [sflag:s28], $0x50  }
0x604: {  	[sflag:s28] =	ssyncset.done $0x0  }
0x605: {  	s26 =	simm.s32 $0x6;
	[sflag:s28] =	ssyncadd.s32 $0xFFFFFFB0  }
0x606: {  	_ =	swait.ge [sflag:s26], $0x50  }
0x607: {  	s28 =	rddreg [dreg:$0x7]  }
0x608: {  	s29 =	rddreg [dreg:$0x6];
	s14 =	sadd.s32 $0x1, s28  }
0x609: {  	p0 =	sne.s32 s14, s29  }
.Ltmp4:
0x60a: {  	_ = 	snop;
	(pc) =	sbr.rel @p0 .LBB2_1-.Ltmp4, $3  }
0x60b: {  	_ =	sdelay $0x1  }
0x60c: {  	[sflag:s26] =	ssyncset.done $0x0  }
0x60d: {  	[sflag:s26] =	ssyncadd.s32 $0xFFFFFFB0  }
0x60e: {  	_ =	sfence.sel $0x180000  }
0x60f: {  	[bflag:$0x0] =	sbarrier.arrive $0xFFFF  }
0x610: {  	_ =	strace $0x90000047  }
0x611: {  	s0 =	stileid.u32;
	[bflag:$0x2] =	sbarrier.arrive $0xFFFF  }
0x612: {  	p0 =	sne.s32 s0, $0x0;
	s0 =	rddreg [dreg:$0x2]  }
0x613: {  	s0 =	sadd.s32 @!p0 $0x100000, s0  }
0x614: {  	[sflag:s0] =	ssyncadd.tile.s32 @!p0 $0x1;
	_ =	shalt  }
.Lfunc_end2:
_tile_overlayer_lowered:
.L_overlay_start_2:
0x615: {  	(tag) =	ssettag $0x2  }
0x616: {  	s0 =	rddreg [dreg:$0x0];
	s2 =	stileid.u32  }
0x617: {  	s1 =	rddreg [dreg:$0x1];
	p0 =	sne.s32 s2, $0x0  }
0x618: {  	s3 =	rddreg [dreg:$0x2];
	[bflag:$0x3] =	sbarrier.arrive $0xFFFF;
	s2 =	simm.s32 @!p0 $0x1C07  }
0x619: {  	[timem:s3], [sflag:s2] =	dma.local @!p0 [hbm:s0], s1  }
0x61a: {  	s0 =	simm.s32 @!p0 $0x7  }
0x61b: {  	_ =	swait.ge @!p0 [sflag:s0], s1  }
0x61c: {  	s1 =	ssub.s32 @!p0 $0x0, s1;
	[sflag:s0] =	ssyncset.done @!p0 $0x0  }
0x61d: {  	[sflag:s0] =	ssyncadd.s32 @!p0 s1  }
0x61e: {  	[bflag:$0x3] =	sbarrier.arrive $0xFFFF  }
0x61f: {  	_ =	shalt  }

</sc_bundles>
